<compile_context>
chip_gen: v7x
topology: tpu7x:2x2x1
jax: 0.10.2.dev20260603
libtpu: 0.0.44.dev20260713+nightly
codegen_flags: <defaults>
</compile_context>

<pallas_src>
import math

import jax
import jax.numpy as jnp
from jax.experimental import pallas as pl
from jax.experimental.pallas import tpu as pltpu
from jax.experimental.pallas import tpu_sc as plsc

TK = 8
SC_LANES = 16
SC_SUBCORES = 16
SC_CORES = 2


def _sc_xstd_body(a_hbm, x_hbm, eps_hbm, o_hbm, a_loc, x_loc, eps_loc,
                  o_loc, idx_loc, sem):
    n = a_loc.shape[1]
    d = x_loc.shape[1]
    rows = a_loc.shape[0]
    nc = d // SC_LANES
    njc = n // SC_LANES
    core = jax.lax.axis_index("core")
    sub = jax.lax.axis_index("subcore")
    wid = core * SC_SUBCORES + sub
    r0 = wid * rows
    b = r0 // n
    i0 = r0 - b * n
    pltpu.async_copy(eps_hbm, eps_loc, sem).wait()
    pltpu.async_copy(a_hbm.at[pl.ds(r0, rows), :], a_loc, sem).wait()
    pltpu.async_copy(x_hbm.at[pl.ds(b * n, n), :], x_loc.at[pl.ds(0, n), :],
                     sem).wait()
    zero = jnp.zeros((SC_LANES,), jnp.float32)
    for c in range(nc):
        x_loc[n, pl.ds(c * SC_LANES, SC_LANES)] = zero
    s_vec = eps_loc[pl.ds(0, SC_LANES)] + 1.0
    sent = jnp.full((SC_LANES,), n, jnp.int32)

    @pl.loop(0, rows)
    def _row(li):
        for jc in range(njc + 1):
            idx_loc[pl.ds(jc * SC_LANES, SC_LANES)] = sent

        def compact(jc, off):
            av = a_loc[li, pl.ds(jc * SC_LANES, SC_LANES)]
            m = av != 0.0
            iv = jax.lax.iota(jnp.int32, SC_LANES) + jc * SC_LANES
            plsc.store_compressed(idx_loc.at[pl.ds(off, SC_LANES)], iv, mask=m)
            return off + plsc.all_reduce_population_count(m)[0]

        cnt = jax.lax.fori_loop(0, njc, compact, 0)

        acc0 = tuple(s_vec * x_loc[i0 + li, pl.ds(c * SC_LANES, SC_LANES)]
                     for c in range(nc))

        def edge_chunk(ec, acc):
            jv = idx_loc[pl.ds(ec * SC_LANES, SC_LANES)]
            for ll in range(SC_LANES):
                j = jv[ll]
                acc = tuple(acc[c] + x_loc[j, pl.ds(c * SC_LANES, SC_LANES)]
                            for c in range(nc))
            return acc

        nec = (cnt + SC_LANES - 1) // SC_LANES
        acc = jax.lax.fori_loop(0, nec, edge_chunk, acc0)
        for c in range(nc):
            o_loc[li, pl.ds(c * SC_LANES, SC_LANES)] = acc[c]

    pltpu.async_copy(o_loc, o_hbm.at[pl.ds(r0, rows), :], sem).wait()


def _sc_xstd(a2, x2, eps16):
    bn, n = x2.shape[0], x2.shape[1]
    rows = bn // (SC_CORES * SC_SUBCORES)
    mesh = plsc.VectorSubcoreMesh(core_axis_name="core",
                                  subcore_axis_name="subcore")
    kern = pl.kernel(
        _sc_xstd_body,
        out_type=jax.ShapeDtypeStruct((bn, n), jnp.float32),
        mesh=mesh,
        scratch_types=[
            pltpu.VMEM((rows, n), jnp.float32),
            pltpu.VMEM((n + 1, n), jnp.float32),
            pltpu.VMEM((SC_LANES,), jnp.float32),
            pltpu.VMEM((rows, n), jnp.float32),
            pltpu.VMEM((n + SC_LANES,), jnp.int32),
            pltpu.SemaphoreType.DMA,
        ],
        compiler_params=pltpu.CompilerParams(needs_layout_passes=False),
    )
    return kern(a2, x2, eps16)


def _pairs_body(a_ref, x_ref, v1_ref, c1_ref, v2_ref, c2_ref,
                out_ref, q_ref, g_ref):
    n = a_ref.shape[1]
    d = x_ref.shape[2]
    nt = n // TK
    f32 = jnp.float32
    a = a_ref[0]
    x = x_ref[0]
    g_ref[:, :] = jnp.dot(x, v1_ref[:, :], preferred_element_type=f32) \
        + 0.5 * c1_ref[:, :]
    G = g_ref[:, :]
    c2 = c2_ref[:, :]
    v2 = v2_ref[:, :]
    rowi = jax.lax.broadcasted_iota(jnp.int32, (n, n), 0)
    coli = jax.lax.broadcasted_iota(jnp.int32, (n, n), 1)
    at = jnp.where(rowi < coli, a, 0.0)
    for t in range(nt):
        rmax = (t + 1) * TK
        gk = G[t * TK:(t + 1) * TK, :]
        h = gk[:, None, :] + G[:rmax][None, :, :]
        h = jnp.maximum(h, 0.0).reshape(TK * rmax, -1)
        p = jnp.dot(h, v2, preferred_element_type=f32) + c2
        p = jnp.maximum(p, 0.0)
        for kk in range(TK):
            k = t * TK + kk
            q_ref[:rmax, k * d:(k + 1) * d] = (
                at[:rmax, k:k + 1] * p[kk * rmax:(kk + 1) * rmax, :])
    acc = jnp.zeros((n, d), dtype=f32)
    for t in range(nt):
        rmax = (t + 1) * TK
        y = jnp.dot(a[:, :rmax], q_ref[:rmax, t * TK * d:(t + 1) * TK * d],
                    preferred_element_type=f32)
        for kk in range(TK):
            k = t * TK + kk
            acc = acc + a[:, k:k + 1] * y[:, kk * d:(kk + 1) * d]
    out_ref[0] = acc


def _mlp_body(xstd_ref, xpair_ref, w1_ref, b1_ref, g1_ref, be1_ref,
              w2_ref, b2_ref, g2_ref, be2_ref, out_ref):
    f32 = jnp.float32
    inv = 1.0 / math.sqrt(1.0 + 1e-5)
    xc = xstd_ref[:, :] + xpair_ref[:, :]
    h1 = jnp.maximum(
        jnp.dot(xc, w1_ref[:, :], preferred_element_type=f32) + b1_ref[:, :], 0.0)
    h1 = h1 * (inv * g1_ref[:, :]) + be1_ref[:, :]
    h2 = jnp.maximum(
        jnp.dot(h1, w2_ref[:, :], preferred_element_type=f32) + b2_ref[:, :], 0.0)
    out_ref[:, :] = h2 * (inv * g2_ref[:, :]) + be2_ref[:, :]


def kernel(A, X, eps, W1, b1, g1, be1, W2, b2, g2, be2, V1, c1, V2, c2):
    b, n = A.shape[0], A.shape[1]
    d_in, d_h = W1.shape
    fixed = lambda *zeros: (lambda i: zeros)
    xstd2 = _sc_xstd(A.reshape(b * n, n), X.reshape(b * n, d_in),
                     jnp.broadcast_to(eps, (SC_LANES,)))
    xpair = pl.pallas_call(
        _pairs_body,
        grid=(b,),
        in_specs=[
            pl.BlockSpec((1, n, n), lambda i: (i, 0, 0)),
            pl.BlockSpec((1, n, d_in), lambda i: (i, 0, 0)),
            pl.BlockSpec((d_in, d_h), fixed(0, 0)),
            pl.BlockSpec((1, d_h), fixed(0, 0)),
            pl.BlockSpec((d_h, d_in), fixed(0, 0)),
            pl.BlockSpec((1, d_in), fixed(0, 0)),
        ],
        out_specs=pl.BlockSpec((1, n, d_in), lambda i: (i, 0, 0)),
        out_shape=jax.ShapeDtypeStruct((b, n, d_in), jnp.float32),
        scratch_shapes=[
            pltpu.VMEM((n, n * d_in), jnp.float32),
            pltpu.VMEM((n, d_h), jnp.float32),
        ],
        compiler_params=pltpu.CompilerParams(
            dimension_semantics=("parallel",),
        ),
    )(A, X, V1, c1.reshape(1, d_h), V2, c2.reshape(1, d_in))
    out2 = pl.pallas_call(
        _mlp_body,
        out_shape=jax.ShapeDtypeStruct((b * n, d_h), jnp.float32),
    )(
        xstd2, xpair.reshape(b * n, d_in), W1, b1.reshape(1, d_h),
        jnp.tile(g1, b).reshape(b * n, 1), jnp.tile(be1, b).reshape(b * n, 1),
        W2, b2.reshape(1, d_h),
        jnp.tile(g2, b).reshape(b * n, 1), jnp.tile(be2, b).reshape(b * n, 1),
    )
    return out2.reshape(b, n, d_h)

# --- scband reference (transcript-rebuilt; emitter-appended) ---
"""Pipeline reference for scband-ncgnn-75402445848807 (READ-ONLY COPY).

The authoritative reference and input builder live on the scoring server;
editing this copy changes nothing except your own understanding.
"""

import jax, jax.numpy as jnp
import numpy as np

B, N, D_IN, D_H = 4, 128, 128, 256

def setup_inputs(seed: int = 0) -> dict:
    key = jax.random.key(seed)
    ks = jax.random.split(key, 8)
    u = jax.random.uniform(ks[0], (B, N, N))
    adj = (u < (16.0 / N)).astype(jnp.float32)
    adj = jnp.maximum(adj, jnp.swapaxes(adj, 1, 2))
    adj = adj * (1.0 - jnp.eye(N, dtype=jnp.float32))
    X = jax.random.normal(ks[1], (B, N, D_IN), dtype=jnp.float32)
    s = 0.05
    return {
        "A": adj,
        "X": X,
        "eps": jnp.full((1,), 0.1, dtype=jnp.float32),
        "W1": jax.random.normal(ks[2], (D_IN, D_H), dtype=jnp.float32) * s,
        "b1": jnp.zeros((D_H,), dtype=jnp.float32),
        "g1": jnp.ones((N,), dtype=jnp.float32),
        "be1": jnp.zeros((N,), dtype=jnp.float32),
        "W2": jax.random.normal(ks[3], (D_H, D_H), dtype=jnp.float32) * s,
        "b2": jnp.zeros((D_H,), dtype=jnp.float32),
        "g2": jnp.ones((N,), dtype=jnp.float32),
        "be2": jnp.zeros((N,), dtype=jnp.float32),
        "V1": jax.random.normal(ks[4], (D_IN, D_H), dtype=jnp.float32) * s,
        "c1": jnp.zeros((D_H,), dtype=jnp.float32),
        "V2": jax.random.normal(ks[5], (D_H, D_IN), dtype=jnp.float32) * s,
        "c2": jnp.zeros((D_IN,), dtype=jnp.float32),
    }

def _bn_eval(x, gamma, beta):
    # BatchNorm1d(batchnorm_dim=N) in eval mode on [B, N, H]: channel dim is 1,
    # running_mean=0, running_var=1 (fresh module stats), eps=1e-5
    return x / jnp.sqrt(1.0 + 1e-5) * gamma[None, :, None] + beta[None, :, None]

def reference(A, X, eps, W1, b1, g1, be1, W2, b2, g2, be2, V1, c1, V2, c2):
    batch, n = A.shape[0], A.shape[1]
    I = jnp.eye(n, dtype=A.dtype)[None, :, :]
    A_std = (1.0 + eps[0]) * I + A
    X_std = jnp.matmul(A_std, X)
    # Vectorized triangle enumeration: for each node i, sum over neighbor pairs
    # (j<k) with A[b,i,j]!=0, A[b,i,k]!=0, A[b,j,k]!=0 of mlp2(X[b,j]+X[b,k]).
    Ab = (A != 0).astype(X.dtype)
    triu = jnp.triu(jnp.ones((n, n), dtype=X.dtype), k=1)
    M = Ab * triu[None, :, :]  # valid ordered pairs (j<k) that are edges
    Wmask = jnp.einsum('bij,bik->bijk', Ab, Ab) * M[:, None, :, :]  # [B,N,N,N]
    P0 = X[:, :, None, :] + X[:, None, :, :]  # pair sums [B,N,N,D_IN]
    H = jax.nn.relu(jnp.matmul(P0, V1) + c1)  # mlp2 (dropout=identity in eval)
    P = jax.nn.relu(jnp.matmul(H, V2) + c2)   # [B,N,N,D_IN]
    X_pair = jnp.einsum('bijk,bjkd->bid', Wmask, P)
    Xc = X_std + X_pair
    # mlp1: Linear -> Dropout(eval=id) -> ReLU -> BN -> Linear -> Dropout -> ReLU -> BN
    h = jax.nn.relu(jnp.matmul(Xc, W1) + b1)
    h = _bn_eval(h, g1, be1)
    h = jax.nn.relu(jnp.matmul(h, W2) + b2)
    h = _bn_eval(h, g2, be2)
    return h

if __name__ == "__main__":
    import jax
    _d = setup_inputs()
    print(jax.jit(kernel)(*tuple(_d.values())))

</pallas_src>

<mosaic_0001>
#map = affine_map<(d0, d1) -> (0, 0)>
#map1 = affine_map<(d0, d1) -> (0)>
module attributes {stable_mosaic.version = 14 : i64} {
  func.func @_sc_xstd_body(%arg0: i32, %arg1: i32, %arg2: memref<512x128xf32, #tpu.memory_space<hbm>>, %arg3: memref<512x128xf32, #tpu.memory_space<hbm>>, %arg4: memref<16xf32, #tpu.memory_space<hbm>>, %arg5: memref<512x128xf32, #tpu.memory_space<hbm>>, %arg6: memref<16x128xf32, #tpu.memory_space<vmem>>, %arg7: memref<129x128xf32, #tpu.memory_space<vmem>>, %arg8: memref<16xf32, #tpu.memory_space<vmem>>, %arg9: memref<16x128xf32, #tpu.memory_space<vmem>>, %arg10: memref<144xi32, #tpu.memory_space<vmem>>, %arg11: memref<!tpu.dma_semaphore, #tpu.memory_space<semaphore_mem>>) attributes {dimension_semantics = [#tpu.dimension_semantics<core_parallel>, #tpu.dimension_semantics<subcore_parallel>], iteration_bounds = array<i64: 2, 16>, scalar_prefetch = 0 : i64, scratch_operands = 6 : i64, tpu.core_type = #tpu.core_type<sc_vector_subcore>, window_params = [{transform_indices = #map}, {transform_indices = #map}, {transform_indices = #map1}, {transform_indices = #map}]} {
    %mul3A = arith.constant 16 : i32
    %mul3A_0 = arith.muli %arg0, %mul3A : i32
    %add3A = arith.addi %mul3A_0, %arg1 : i32
    %mul3A_1 = arith.constant 16 : i32
    %mul3A_2 = arith.muli %add3A, %mul3A_1 : i32
    %jit3A = arith.constant 128 : i32
    %div3A = arith.divsi %mul3A_2, %jit3A : i32
    %sign3A = arith.constant 0 : i32
    %sign3A_3 = arith.cmpi sgt, %mul3A_2, %sign3A : i32
    %sign3A_4 = arith.extui %sign3A_3 : i1 to i32
    %sign3A_5 = arith.constant 0 : i32
    %sign3A_6 = arith.cmpi slt, %mul3A_2, %sign3A_5 : i32
    %sign3A_7 = arith.extui %sign3A_6 : i1 to i32
    %sign3A_8 = arith.subi %sign3A_4, %sign3A_7 : i32
    %sign3A_9 = arith.constant 0 : i32
    %sign3A_10 = arith.cmpi sgt, %jit3A, %sign3A_9 : i32
    %sign3A_11 = arith.extui %sign3A_10 : i1 to i32
    %sign3A_12 = arith.constant 0 : i32
    %sign3A_13 = arith.cmpi slt, %jit3A, %sign3A_12 : i32
    %sign3A_14 = arith.extui %sign3A_13 : i1 to i32
    %sign3A_15 = arith.subi %sign3A_11, %sign3A_14 : i32
    %ne3A = arith.cmpi ne, %sign3A_8, %sign3A_15 : i32
    %rem3A = arith.remsi %mul3A_2, %jit3A : i32
    %ne3A_16 = arith.constant 0 : i32
    %ne3A_17 = arith.cmpi ne, %rem3A, %ne3A_16 : i32
    %and3A = arith.andi %ne3A, %ne3A_17 : i1
    %sub3A = arith.constant 1 : i32
    %sub3A_18 = arith.subi %div3A, %sub3A : i32
    %select_n3A = arith.select %and3A, %sub3A_18, %div3A : i32
    %mul3A_19 = arith.constant 128 : i32
    %mul3A_20 = arith.muli %select_n3A, %mul3A_19 : i32
    %sub3A_21 = arith.subi %mul3A_2, %mul3A_20 : i32
    tpu.enqueue_dma source(%arg4 : memref<16xf32, #tpu.memory_space<hbm>>) target(%arg8 : memref<16xf32, #tpu.memory_space<vmem>>) target_semaphore(%arg11 : memref<!tpu.dma_semaphore, #tpu.memory_space<semaphore_mem>>)
    tpu.wait_dma2 semaphore(%arg11 : memref<!tpu.dma_semaphore, #tpu.memory_space<semaphore_mem>>) src(%arg4 : memref<16xf32, #tpu.memory_space<hbm>>) dst(%arg8 : memref<16xf32, #tpu.memory_space<vmem>>)
    %dma_start3A = arith.constant 0 : i32
    %dma_start3A_22 = tpu.memref_slice %arg2[%mul3A_2, %dma_start3A] : memref<512x128xf32, #tpu.memory_space<hbm>> -> memref<16x128xf32, #tpu.memory_space<hbm>>
    %dma_start3A_23 = arith.constant 0 : i32
    %dma_start3A_24 = tpu.memref_slice %arg2[%mul3A_2, %dma_start3A_23] : memref<512x128xf32, #tpu.memory_space<hbm>> -> memref<16x128xf32, #tpu.memory_space<hbm>>
    tpu.enqueue_dma source(%dma_start3A_24 : memref<16x128xf32, #tpu.memory_space<hbm>>) target(%arg6 : memref<16x128xf32, #tpu.memory_space<vmem>>) target_semaphore(%arg11 : memref<!tpu.dma_semaphore, #tpu.memory_space<semaphore_mem>>)
    %dma_wait3A = arith.constant 0 : i32
    %dma_wait3A_25 = tpu.memref_slice %arg2[%mul3A_2, %dma_wait3A] : memref<512x128xf32, #tpu.memory_space<hbm>> -> memref<16x128xf32, #tpu.memory_space<hbm>>
    %dma_wait3A_26 = arith.constant 0 : i32
    %dma_wait3A_27 = tpu.memref_slice %arg2[%mul3A_2, %dma_wait3A_26] : memref<512x128xf32, #tpu.memory_space<hbm>> -> memref<16x128xf32, #tpu.memory_space<hbm>>
    tpu.wait_dma2 semaphore(%arg11 : memref<!tpu.dma_semaphore, #tpu.memory_space<semaphore_mem>>) src(%dma_wait3A_27 : memref<16x128xf32, #tpu.memory_space<hbm>>) dst(%arg6 : memref<16x128xf32, #tpu.memory_space<vmem>>)
    %mul3A_28 = arith.constant 128 : i32
    %mul3A_29 = arith.muli %select_n3A, %mul3A_28 : i32
    %dma_start3A_30 = arith.constant 0 : i32
    %dma_start3A_31 = arith.constant 0 : i32
    %dma_start3A_32 = tpu.memref_slice %arg7[%dma_start3A_30, %dma_start3A_31] : memref<129x128xf32, #tpu.memory_space<vmem>> -> memref<128x128xf32, #tpu.memory_space<vmem>>
    %dma_start3A_33 = arith.constant 0 : i32
    %dma_start3A_34 = tpu.memref_slice %arg3[%mul3A_29, %dma_start3A_33] : memref<512x128xf32, #tpu.memory_space<hbm>> -> memref<128x128xf32, #tpu.memory_space<hbm>>
    %dma_start3A_35 = arith.constant 0 : i32
    %dma_start3A_36 = arith.constant 0 : i32
    %dma_start3A_37 = tpu.memref_slice %arg7[%dma_start3A_35, %dma_start3A_36] : memref<129x128xf32, #tpu.memory_space<vmem>> -> memref<128x128xf32, #tpu.memory_space<vmem>>
    %dma_start3A_38 = arith.constant 0 : i32
    %dma_start3A_39 = tpu.memref_slice %arg3[%mul3A_29, %dma_start3A_38] : memref<512x128xf32, #tpu.memory_space<hbm>> -> memref<128x128xf32, #tpu.memory_space<hbm>>
    tpu.enqueue_dma source(%dma_start3A_39 : memref<128x128xf32, #tpu.memory_space<hbm>>) target(%dma_start3A_37 : memref<128x128xf32, #tpu.memory_space<vmem>>) target_semaphore(%arg11 : memref<!tpu.dma_semaphore, #tpu.memory_space<semaphore_mem>>)
    %dma_wait3A_40 = arith.constant 0 : i32
    %dma_wait3A_41 = arith.constant 0 : i32
    %dma_wait3A_42 = tpu.memref_slice %arg7[%dma_wait3A_40, %dma_wait3A_41] : memref<129x128xf32, #tpu.memory_space<vmem>> -> memref<128x128xf32, #tpu.memory_space<vmem>>
    %dma_wait3A_43 = arith.constant 0 : i32
    %dma_wait3A_44 = tpu.memref_slice %arg3[%mul3A_29, %dma_wait3A_43] : memref<512x128xf32, #tpu.memory_space<hbm>> -> memref<128x128xf32, #tpu.memory_space<hbm>>
    %dma_wait3A_45 = arith.constant 0 : i32
    %dma_wait3A_46 = arith.constant 0 : i32
    %dma_wait3A_47 = tpu.memref_slice %arg7[%dma_wait3A_45, %dma_wait3A_46] : memref<129x128xf32, #tpu.memory_space<vmem>> -> memref<128x128xf32, #tpu.memory_space<vmem>>
    %dma_wait3A_48 = arith.constant 0 : i32
    %dma_wait3A_49 = tpu.memref_slice %arg3[%mul3A_29, %dma_wait3A_48] : memref<512x128xf32, #tpu.memory_space<hbm>> -> memref<128x128xf32, #tpu.memory_space<hbm>>
    tpu.wait_dma2 semaphore(%arg11 : memref<!tpu.dma_semaphore, #tpu.memory_space<semaphore_mem>>) src(%dma_wait3A_49 : memref<128x128xf32, #tpu.memory_space<hbm>>) dst(%dma_wait3A_47 : memref<128x128xf32, #tpu.memory_space<vmem>>)
    %broadcast_in_dim3A = arith.constant 0.000000e+00 : f32
    %broadcast_in_dim3A_50 = vector.broadcast %broadcast_in_dim3A : f32 to vector<16xf32>
    %swap3A = arith.constant 128 : i32
    %swap3A_51 = arith.index_cast %swap3A : i32 to index
    %swap3A_52 = arith.constant 0 : index
    %swap3A_53 = tpu.vector_load %arg7[%swap3A_51, %swap3A_52] {strides = array<i32>} : memref<129x128xf32, #tpu.memory_space<vmem>>, vector<16xf32>,
    tpu.vector_store %arg7[%swap3A_51, %swap3A_52], %broadcast_in_dim3A_50 {strides = array<i32>} : memref<129x128xf32, #tpu.memory_space<vmem>>, vector<16xf32>,
    %swap3A_54 = arith.constant 128 : i32
    %swap3A_55 = arith.index_cast %swap3A_54 : i32 to index
    %swap3A_56 = arith.constant 16 : index
    %swap3A_57 = tpu.vector_load %arg7[%swap3A_55, %swap3A_56] {strides = array<i32>} : memref<129x128xf32, #tpu.memory_space<vmem>>, vector<16xf32>,
    tpu.vector_store %arg7[%swap3A_55, %swap3A_56], %broadcast_in_dim3A_50 {strides = array<i32>} : memref<129x128xf32, #tpu.memory_space<vmem>>, vector<16xf32>,
    %swap3A_58 = arith.constant 128 : i32
    %swap3A_59 = arith.index_cast %swap3A_58 : i32 to index
    %swap3A_60 = arith.constant 32 : index
    %swap3A_61 = tpu.vector_load %arg7[%swap3A_59, %swap3A_60] {strides = array<i32>} : memref<129x128xf32, #tpu.memory_space<vmem>>, vector<16xf32>,
    tpu.vector_store %arg7[%swap3A_59, %swap3A_60], %broadcast_in_dim3A_50 {strides = array<i32>} : memref<129x128xf32, #tpu.memory_space<vmem>>, vector<16xf32>,
    %swap3A_62 = arith.constant 128 : i32
    %swap3A_63 = arith.index_cast %swap3A_62 : i32 to index
    %swap3A_64 = arith.constant 48 : index
    %swap3A_65 = tpu.vector_load %arg7[%swap3A_63, %swap3A_64] {strides = array<i32>} : memref<129x128xf32, #tpu.memory_space<vmem>>, vector<16xf32>,
    tpu.vector_store %arg7[%swap3A_63, %swap3A_64], %broadcast_in_dim3A_50 {strides = array<i32>} : memref<129x128xf32, #tpu.memory_space<vmem>>, vector<16xf32>,
    %swap3A_66 = arith.constant 128 : i32
    %swap3A_67 = arith.index_cast %swap3A_66 : i32 to index
    %swap3A_68 = arith.constant 64 : index
    %swap3A_69 = tpu.vector_load %arg7[%swap3A_67, %swap3A_68] {strides = array<i32>} : memref<129x128xf32, #tpu.memory_space<vmem>>, vector<16xf32>,
    tpu.vector_store %arg7[%swap3A_67, %swap3A_68], %broadcast_in_dim3A_50 {strides = array<i32>} : memref<129x128xf32, #tpu.memory_space<vmem>>, vector<16xf32>,
    %swap3A_70 = arith.constant 128 : i32
    %swap3A_71 = arith.index_cast %swap3A_70 : i32 to index
    %swap3A_72 = arith.constant 80 : index
    %swap3A_73 = tpu.vector_load %arg7[%swap3A_71, %swap3A_72] {strides = array<i32>} : memref<129x128xf32, #tpu.memory_space<vmem>>, vector<16xf32>,
    tpu.vector_store %arg7[%swap3A_71, %swap3A_72], %broadcast_in_dim3A_50 {strides = array<i32>} : memref<129x128xf32, #tpu.memory_space<vmem>>, vector<16xf32>,
    %swap3A_74 = arith.constant 128 : i32
    %swap3A_75 = arith.index_cast %swap3A_74 : i32 to index
    %swap3A_76 = arith.constant 96 : index
    %swap3A_77 = tpu.vector_load %arg7[%swap3A_75, %swap3A_76] {strides = array<i32>} : memref<129x128xf32, #tpu.memory_space<vmem>>, vector<16xf32>,
    tpu.vector_store %arg7[%swap3A_75, %swap3A_76], %broadcast_in_dim3A_50 {strides = array<i32>} : memref<129x128xf32, #tpu.memory_space<vmem>>, vector<16xf32>,
    %swap3A_78 = arith.constant 128 : i32
    %swap3A_79 = arith.index_cast %swap3A_78 : i32 to index
    %swap3A_80 = arith.constant 112 : index
    %swap3A_81 = tpu.vector_load %arg7[%swap3A_79, %swap3A_80] {strides = array<i32>} : memref<129x128xf32, #tpu.memory_space<vmem>>, vector<16xf32>,
    tpu.vector_store %arg7[%swap3A_79, %swap3A_80], %broadcast_in_dim3A_50 {strides = array<i32>} : memref<129x128xf32, #tpu.memory_space<vmem>>, vector<16xf32>,
    %get3A = arith.constant 0 : index
    %get3A_82 = tpu.vector_load %arg8[%get3A] {strides = array<i32>} : memref<16xf32, #tpu.memory_space<vmem>>, vector<16xf32>,
    %add3A_83 = arith.constant 1.000000e+00 : f32
    %add3A_84 = vector.broadcast %add3A_83 : f32 to vector<16xf32>
    %add3A_85 = arith.addf %get3A_82, %add3A_84 : vector<16xf32>
    %broadcast_in_dim3A_86 = arith.constant 128 : i32
    %broadcast_in_dim3A_87 = vector.broadcast %broadcast_in_dim3A_86 : i32 to vector<16xi32>
    %scan3A = arith.constant 0 : i32
    %scan3A_88 = arith.constant 16 : i32
    %scan3A_89 = arith.addi %scan3A, %scan3A_88 : i32
    %scan3A_90 = arith.constant 1 : i32
    scf.for %scan3A_100 = %scan3A to %scan3A_89 step %scan3A_90  : i32 {
      %mul3A_101 = arith.constant 1 : i32
      %mul3A_102 = arith.muli %scan3A_100, %mul3A_101 : i32
      %add3A_103 = arith.constant 0 : i32
      %add3A_104 = arith.addi %add3A_103, %mul3A_102 : i32
      %swap3A_105 = arith.constant 0 : index
      %swap3A_106 = tpu.vector_load %arg10[%swap3A_105] {strides = array<i32>} : memref<144xi32, #tpu.memory_space<vmem>>, vector<16xi32>,
      tpu.vector_store %arg10[%swap3A_105], %broadcast_in_dim3A_87 {strides = array<i32>} : memref<144xi32, #tpu.memory_space<vmem>>, vector<16xi32>,
      %swap3A_107 = arith.constant 16 : index
      %swap3A_108 = tpu.vector_load %arg10[%swap3A_107] {strides = array<i32>} : memref<144xi32, #tpu.memory_space<vmem>>, vector<16xi32>,
      tpu.vector_store %arg10[%swap3A_107], %broadcast_in_dim3A_87 {strides = array<i32>} : memref<144xi32, #tpu.memory_space<vmem>>, vector<16xi32>,
      %swap3A_109 = arith.constant 32 : index
      %swap3A_110 = tpu.vector_load %arg10[%swap3A_109] {strides = array<i32>} : memref<144xi32, #tpu.memory_space<vmem>>, vector<16xi32>,
      tpu.vector_store %arg10[%swap3A_109], %broadcast_in_dim3A_87 {strides = array<i32>} : memref<144xi32, #tpu.memory_space<vmem>>, vector<16xi32>,
      %swap3A_111 = arith.constant 48 : index
      %swap3A_112 = tpu.vector_load %arg10[%swap3A_111] {strides = array<i32>} : memref<144xi32, #tpu.memory_space<vmem>>, vector<16xi32>,
      tpu.vector_store %arg10[%swap3A_111], %broadcast_in_dim3A_87 {strides = array<i32>} : memref<144xi32, #tpu.memory_space<vmem>>, vector<16xi32>,
      %swap3A_113 = arith.constant 64 : index
      %swap3A_114 = tpu.vector_load %arg10[%swap3A_113] {strides = array<i32>} : memref<144xi32, #tpu.memory_space<vmem>>, vector<16xi32>,
      tpu.vector_store %arg10[%swap3A_113], %broadcast_in_dim3A_87 {strides = array<i32>} : memref<144xi32, #tpu.memory_space<vmem>>, vector<16xi32>,
      %swap3A_115 = arith.constant 80 : index
      %swap3A_116 = tpu.vector_load %arg10[%swap3A_115] {strides = array<i32>} : memref<144xi32, #tpu.memory_space<vmem>>, vector<16xi32>,
      tpu.vector_store %arg10[%swap3A_115], %broadcast_in_dim3A_87 {strides = array<i32>} : memref<144xi32, #tpu.memory_space<vmem>>, vector<16xi32>,
      %swap3A_117 = arith.constant 96 : index
      %swap3A_118 = tpu.vector_load %arg10[%swap3A_117] {strides = array<i32>} : memref<144xi32, #tpu.memory_space<vmem>>, vector<16xi32>,
      tpu.vector_store %arg10[%swap3A_117], %broadcast_in_dim3A_87 {strides = array<i32>} : memref<144xi32, #tpu.memory_space<vmem>>, vector<16xi32>,
      %swap3A_119 = arith.constant 112 : index
      %swap3A_120 = tpu.vector_load %arg10[%swap3A_119] {strides = array<i32>} : memref<144xi32, #tpu.memory_space<vmem>>, vector<16xi32>,
      tpu.vector_store %arg10[%swap3A_119], %broadcast_in_dim3A_87 {strides = array<i32>} : memref<144xi32, #tpu.memory_space<vmem>>, vector<16xi32>,
      %swap3A_121 = arith.constant 128 : index
      %swap3A_122 = tpu.vector_load %arg10[%swap3A_121] {strides = array<i32>} : memref<144xi32, #tpu.memory_space<vmem>>, vector<16xi32>,
      tpu.vector_store %arg10[%swap3A_121], %broadcast_in_dim3A_87 {strides = array<i32>} : memref<144xi32, #tpu.memory_space<vmem>>, vector<16xi32>,
      %scan3A_123 = arith.constant 0 : i32
      %scan3A_124 = arith.constant 0 : i32
      %scan3A_125 = arith.constant 8 : i32
      %scan3A_126 = arith.addi %scan3A_124, %scan3A_125 : i32
      %scan3A_127 = arith.constant 1 : i32
      %scan3A_128 = scf.for %scan3A_232 = %scan3A_124 to %scan3A_126 step %scan3A_127 iter_args(%scan3A_233 = %scan3A_123) -> (i32)  : i32 {
        %mul3A_234 = arith.constant 16 : i32
        %mul3A_235 = arith.muli %scan3A_232, %mul3A_234 : i32
        %get3A_236 = arith.index_cast %add3A_104 : i32 to index
        %get3A_237 = arith.index_cast %mul3A_235 : i32 to index
        %get3A_238 = tpu.vector_load %arg6[%get3A_236, %get3A_237] {strides = array<i32>} : memref<16x128xf32, #tpu.memory_space<vmem>>, vector<16xf32>,
        %ne3A_239 = arith.constant 0.000000e+00 : f32
        %ne3A_240 = vector.broadcast %ne3A_239 : f32 to vector<16xf32>
        %ne3A_241 = arith.cmpf one, %get3A_238, %ne3A_240 : vector<16xf32>
        %iota3A = tpu.iota {dimensions = array<i32: 0>} : vector<16xi32>
        %mul3A_242 = arith.constant 16 : i32
        %mul3A_243 = arith.muli %scan3A_232, %mul3A_242 : i32
        %add3A_244 = vector.broadcast %mul3A_243 : i32 to vector<16xi32>
        %add3A_245 = arith.addi %iota3A, %add3A_244 : vector<16xi32>
        %swap3A_246 = arith.index_cast %scan3A_233 : i32 to index
        %swap3A_247 = tpu.vector_load %arg10[%swap3A_246] masked %ne3A_241 {strides = array<i32>} : memref<144xi32, #tpu.memory_space<vmem>>, vector<16xi32>, vector<16xi1>
        tpu.vector_store %arg10[%swap3A_246], %add3A_245 masked %ne3A_241 {strides = array<i32>} : memref<144xi32, #tpu.memory_space<vmem>>, vector<16xi32>, vector<16xi1>
        %all_reduce_population_count3A = tpu.all_reduce %ne3A_241 {dim = 0 : i64, kind = #tpu.reduction_kind<sum>} : vector<16xi1> -> vector<16xi32>
        %slice3A = vector.extract_strided_slice %all_reduce_population_count3A {offsets = [0], sizes = [1], strides = [1]} : vector<16xi32> to vector<1xi32>
        %squeeze3A = vector.extract %slice3A[0] : i32 from vector<1xi32>
        %add3A_248 = arith.addi %scan3A_233, %squeeze3A : i32
        scf.yield %add3A_248 : i32
      }
      %scan3A_129 = arith.constant 8 : i32
      %add3A_130 = arith.addi %sub3A_21, %add3A_104 : i32
      %get3A_131 = arith.index_cast %add3A_130 : i32 to index
      %get3A_132 = arith.constant 0 : index
      %get3A_133 = tpu.vector_load %arg7[%get3A_131, %get3A_132] {strides = array<i32>} : memref<129x128xf32, #tpu.memory_space<vmem>>, vector<16xf32>,
      %mul3A_134 = arith.mulf %add3A_85, %get3A_133 : vector<16xf32>
      %add3A_135 = arith.addi %sub3A_21, %add3A_104 : i32
      %get3A_136 = arith.index_cast %add3A_135 : i32 to index
      %get3A_137 = arith.constant 16 : index
      %get3A_138 = tpu.vector_load %arg7[%get3A_136, %get3A_137] {strides = array<i32>} : memref<129x128xf32, #tpu.memory_space<vmem>>, vector<16xf32>,
      %mul3A_139 = arith.mulf %add3A_85, %get3A_138 : vector<16xf32>
      %add3A_140 = arith.addi %sub3A_21, %add3A_104 : i32
      %get3A_141 = arith.index_cast %add3A_140 : i32 to index
      %get3A_142 = arith.constant 32 : index
      %get3A_143 = tpu.vector_load %arg7[%get3A_141, %get3A_142] {strides = array<i32>} : memref<129x128xf32, #tpu.memory_space<vmem>>, vector<16xf32>,
      %mul3A_144 = arith.mulf %add3A_85, %get3A_143 : vector<16xf32>
      %add3A_145 = arith.addi %sub3A_21, %add3A_104 : i32
      %get3A_146 = arith.index_cast %add3A_145 : i32 to index
      %get3A_147 = arith.constant 48 : index
      %get3A_148 = tpu.vector_load %arg7[%get3A_146, %get3A_147] {strides = array<i32>} : memref<129x128xf32, #tpu.memory_space<vmem>>, vector<16xf32>,
      %mul3A_149 = arith.mulf %add3A_85, %get3A_148 : vector<16xf32>
      %add3A_150 = arith.addi %sub3A_21, %add3A_104 : i32
      %get3A_151 = arith.index_cast %add3A_150 : i32 to index
      %get3A_152 = arith.constant 64 : index
      %get3A_153 = tpu.vector_load %arg7[%get3A_151, %get3A_152] {strides = array<i32>} : memref<129x128xf32, #tpu.memory_space<vmem>>, vector<16xf32>,
      %mul3A_154 = arith.mulf %add3A_85, %get3A_153 : vector<16xf32>
      %add3A_155 = arith.addi %sub3A_21, %add3A_104 : i32
      %get3A_156 = arith.index_cast %add3A_155 : i32 to index
      %get3A_157 = arith.constant 80 : index
      %get3A_158 = tpu.vector_load %arg7[%get3A_156, %get3A_157] {strides = array<i32>} : memref<129x128xf32, #tpu.memory_space<vmem>>, vector<16xf32>,
      %mul3A_159 = arith.mulf %add3A_85, %get3A_158 : vector<16xf32>
      %add3A_160 = arith.addi %sub3A_21, %add3A_104 : i32
      %get3A_161 = arith.index_cast %add3A_160 : i32 to index
      %get3A_162 = arith.constant 96 : index
      %get3A_163 = tpu.vector_load %arg7[%get3A_161, %get3A_162] {strides = array<i32>} : memref<129x128xf32, #tpu.memory_space<vmem>>, vector<16xf32>,
      %mul3A_164 = arith.mulf %add3A_85, %get3A_163 : vector<16xf32>
      %add3A_165 = arith.addi %sub3A_21, %add3A_104 : i32
      %get3A_166 = arith.index_cast %add3A_165 : i32 to index
      %get3A_167 = arith.constant 112 : index
      %get3A_168 = tpu.vector_load %arg7[%get3A_166, %get3A_167] {strides = array<i32>} : memref<129x128xf32, #tpu.memory_space<vmem>>, vector<16xf32>,
      %mul3A_169 = arith.mulf %add3A_85, %get3A_168 : vector<16xf32>
      %add3A_170 = arith.constant 16 : i32
      %add3A_171 = arith.addi %scan3A_128, %add3A_170 : i32
      %sub3A_172 = arith.constant 1 : i32
      %sub3A_173 = arith.subi %add3A_171, %sub3A_172 : i32
      %jit3A_174 = arith.constant 16 : i32
      %div3A_175 = arith.divsi %sub3A_173, %jit3A_174 : i32
      %sign3A_176 = arith.constant 0 : i32
      %sign3A_177 = arith.cmpi sgt, %sub3A_173, %sign3A_176 : i32
      %sign3A_178 = arith.extui %sign3A_177 : i1 to i32
      %sign3A_179 = arith.constant 0 : i32
      %sign3A_180 = arith.cmpi slt, %sub3A_173, %sign3A_179 : i32
      %sign3A_181 = arith.extui %sign3A_180 : i1 to i32
      %sign3A_182 = arith.subi %sign3A_178, %sign3A_181 : i32
      %sign3A_183 = arith.constant 0 : i32
      %sign3A_184 = arith.cmpi sgt, %jit3A_174, %sign3A_183 : i32
      %sign3A_185 = arith.extui %sign3A_184 : i1 to i32
      %sign3A_186 = arith.constant 0 : i32
      %sign3A_187 = arith.cmpi slt, %jit3A_174, %sign3A_186 : i32
      %sign3A_188 = arith.extui %sign3A_187 : i1 to i32
      %sign3A_189 = arith.subi %sign3A_185, %sign3A_188 : i32
      %ne3A_190 = arith.cmpi ne, %sign3A_182, %sign3A_189 : i32
      %rem3A_191 = arith.remsi %sub3A_173, %jit3A_174 : i32
      %ne3A_192 = arith.constant 0 : i32
      %ne3A_193 = arith.cmpi ne, %rem3A_191, %ne3A_192 : i32
      %and3A_194 = arith.andi %ne3A_190, %ne3A_193 : i1
      %sub3A_195 = arith.constant 1 : i32
      %sub3A_196 = arith.subi %div3A_175, %sub3A_195 : i32
      %select_n3A_197 = arith.select %and3A_194, %sub3A_196, %div3A_175 : i32
      %while3A = arith.constant 0 : i32
      %while3A_198 = arith.subi %select_n3A_197, %while3A : i32
      %while3A_199 = arith.addi %while3A, %while3A_198 : i32
      %while3A_200 = arith.constant 1 : i32
      %while3A_201 = arith.divsi %while3A_198, %while3A_200 : i32
      %while3A_202 = arith.muli %while3A_201, %while3A_200 : i32
      %while3A_203 = arith.addi %while3A, %while3A_202 : i32
      %while3A_204 = arith.constant 1 : i32
      %while3A_205:8 = scf.for %while3A_232 = %while3A to %while3A_203 step %while3A_204 iter_args(%while3A_233 = %mul3A_134, %while3A_234 = %mul3A_139, %while3A_235 = %mul3A_144, %while3A_236 = %mul3A_149, %while3A_237 = %mul3A_154, %while3A_238 = %mul3A_159, %while3A_239 = %mul3A_164, %while3A_240 = %mul3A_169) -> (vector<16xf32>, vector<16xf32>, vector<16xf32>, vector<16xf32>, vector<16xf32>, vector<16xf32>, vector<16xf32>, vector<16xf32>)  : i32 {
        %mul3A_241 = arith.constant 16 : i32
        %mul3A_242 = arith.muli %while3A_232, %mul3A_241 : i32
        %get3A_243 = arith.index_cast %mul3A_242 : i32 to index
        %get3A_244 = tpu.vector_load %arg10[%get3A_243] {strides = array<i32>} : memref<144xi32, #tpu.memory_space<vmem>>, vector<16xi32>,
        %slice3A = vector.extract_strided_slice %get3A_244 {offsets = [0], sizes = [1], strides = [1]} : vector<16xi32> to vector<1xi32>
        %squeeze3A = vector.extract %slice3A[0] : i32 from vector<1xi32>
        %get3A_245 = arith.index_cast %squeeze3A : i32 to index
        %get3A_246 = arith.constant 0 : index
        %get3A_247 = tpu.vector_load %arg7[%get3A_245, %get3A_246] {strides = array<i32>} : memref<129x128xf32, #tpu.memory_space<vmem>>, vector<16xf32>,
        %add3A_248 = arith.addf %while3A_233, %get3A_247 : vector<16xf32>
        %get3A_249 = arith.index_cast %squeeze3A : i32 to index
        %get3A_250 = arith.constant 16 : index
        %get3A_251 = tpu.vector_load %arg7[%get3A_249, %get3A_250] {strides = array<i32>} : memref<129x128xf32, #tpu.memory_space<vmem>>, vector<16xf32>,
        %add3A_252 = arith.addf %while3A_234, %get3A_251 : vector<16xf32>
        %get3A_253 = arith.index_cast %squeeze3A : i32 to index
        %get3A_254 = arith.constant 32 : index
        %get3A_255 = tpu.vector_load %arg7[%get3A_253, %get3A_254] {strides = array<i32>} : memref<129x128xf32, #tpu.memory_space<vmem>>, vector<16xf32>,
        %add3A_256 = arith.addf %while3A_235, %get3A_255 : vector<16xf32>
        %get3A_257 = arith.index_cast %squeeze3A : i32 to index
        %get3A_258 = arith.constant 48 : index
        %get3A_259 = tpu.vector_load %arg7[%get3A_257, %get3A_258] {strides = array<i32>} : memref<129x128xf32, #tpu.memory_space<vmem>>, vector<16xf32>,
        %add3A_260 = arith.addf %while3A_236, %get3A_259 : vector<16xf32>
        %get3A_261 = arith.index_cast %squeeze3A : i32 to index
        %get3A_262 = arith.constant 64 : index
        %get3A_263 = tpu.vector_load %arg7[%get3A_261, %get3A_262] {strides = array<i32>} : memref<129x128xf32, #tpu.memory_space<vmem>>, vector<16xf32>,
        %add3A_264 = arith.addf %while3A_237, %get3A_263 : vector<16xf32>
        %get3A_265 = arith.index_cast %squeeze3A : i32 to index
        %get3A_266 = arith.constant 80 : index
        %get3A_267 = tpu.vector_load %arg7[%get3A_265, %get3A_266] {strides = array<i32>} : memref<129x128xf32, #tpu.memory_space<vmem>>, vector<16xf32>,
        %add3A_268 = arith.addf %while3A_238, %get3A_267 : vector<16xf32>
        %get3A_269 = arith.index_cast %squeeze3A : i32 to index
        %get3A_270 = arith.constant 96 : index
        %get3A_271 = tpu.vector_load %arg7[%get3A_269, %get3A_270] {strides = array<i32>} : memref<129x128xf32, #tpu.memory_space<vmem>>, vector<16xf32>,
        %add3A_272 = arith.addf %while3A_239, %get3A_271 : vector<16xf32>
        %get3A_273 = arith.index_cast %squeeze3A : i32 to index
        %get3A_274 = arith.constant 112 : index
        %get3A_275 = tpu.vector_load %arg7[%get3A_273, %get3A_274] {strides = array<i32>} : memref<129x128xf32, #tpu.memory_space<vmem>>, vector<16xf32>,
        %add3A_276 = arith.addf %while3A_240, %get3A_275 : vector<16xf32>
        %slice3A_277 = vector.extract_strided_slice %get3A_244 {offsets = [1], sizes = [1], strides = [1]} : vector<16xi32> to vector<1xi32>
        %squeeze3A_278 = vector.extract %slice3A_277[0] : i32 from vector<1xi32>
        %get3A_279 = arith.index_cast %squeeze3A_278 : i32 to index
        %get3A_280 = arith.constant 0 : index
        %get3A_281 = tpu.vector_load %arg7[%get3A_279, %get3A_280] {strides = array<i32>} : memref<129x128xf32, #tpu.memory_space<vmem>>, vector<16xf32>,
        %add3A_282 = arith.addf %add3A_248, %get3A_281 : vector<16xf32>
        %get3A_283 = arith.index_cast %squeeze3A_278 : i32 to index
        %get3A_284 = arith.constant 16 : index
        %get3A_285 = tpu.vector_load %arg7[%get3A_283, %get3A_284] {strides = array<i32>} : memref<129x128xf32, #tpu.memory_space<vmem>>, vector<16xf32>,
        %add3A_286 = arith.addf %add3A_252, %get3A_285 : vector<16xf32>
        %get3A_287 = arith.index_cast %squeeze3A_278 : i32 to index
        %get3A_288 = arith.constant 32 : index
        %get3A_289 = tpu.vector_load %arg7[%get3A_287, %get3A_288] {strides = array<i32>} : memref<129x128xf32, #tpu.memory_space<vmem>>, vector<16xf32>,
        %add3A_290 = arith.addf %add3A_256, %get3A_289 : vector<16xf32>
        %get3A_291 = arith.index_cast %squeeze3A_278 : i32 to index
        %get3A_292 = arith.constant 48 : index
        %get3A_293 = tpu.vector_load %arg7[%get3A_291, %get3A_292] {strides = array<i32>} : memref<129x128xf32, #tpu.memory_space<vmem>>, vector<16xf32>,
        %add3A_294 = arith.addf %add3A_260, %get3A_293 : vector<16xf32>
        %get3A_295 = arith.index_cast %squeeze3A_278 : i32 to index
        %get3A_296 = arith.constant 64 : index
        %get3A_297 = tpu.vector_load %arg7[%get3A_295, %get3A_296] {strides = array<i32>} : memref<129x128xf32, #tpu.memory_space<vmem>>, vector<16xf32>,
        %add3A_298 = arith.addf %add3A_264, %get3A_297 : vector<16xf32>
        %get3A_299 = arith.index_cast %squeeze3A_278 : i32 to index
        %get3A_300 = arith.constant 80 : index
        %get3A_301 = tpu.vector_load %arg7[%get3A_299, %get3A_300] {strides = array<i32>} : memref<129x128xf32, #tpu.memory_space<vmem>>, vector<16xf32>,
        %add3A_302 = arith.addf %add3A_268, %get3A_301 : vector<16xf32>
        %get3A_303 = arith.index_cast %squeeze3A_278 : i32 to index
        %get3A_304 = arith.constant 96 : index
        %get3A_305 = tpu.vector_load %arg7[%get3A_303, %get3A_304] {strides = array<i32>} : memref<129x128xf32, #tpu.memory_space<vmem>>, vector<16xf32>,
        %add3A_306 = arith.addf %add3A_272, %get3A_305 : vector<16xf32>
        %get3A_307 = arith.index_cast %squeeze3A_278 : i32 to index
        %get3A_308 = arith.constant 112 : index
        %get3A_309 = tpu.vector_load %arg7[%get3A_307, %get3A_308] {strides = array<i32>} : memref<129x128xf32, #tpu.memory_space<vmem>>, vector<16xf32>,
        %add3A_310 = arith.addf %add3A_276, %get3A_309 : vector<16xf32>
        %slice3A_311 = vector.extract_strided_slice %get3A_244 {offsets = [2], sizes = [1], strides = [1]} : vector<16xi32> to vector<1xi32>
        %squeeze3A_312 = vector.extract %slice3A_311[0] : i32 from vector<1xi32>
        %get3A_313 = arith.index_cast %squeeze3A_312 : i32 to index
        %get3A_314 = arith.constant 0 : index
        %get3A_315 = tpu.vector_load %arg7[%get3A_313, %get3A_314] {strides = array<i32>} : memref<129x128xf32, #tpu.memory_space<vmem>>, vector<16xf32>,
        %add3A_316 = arith.addf %add3A_282, %get3A_315 : vector<16xf32>
        %get3A_317 = arith.index_cast %squeeze3A_312 : i32 to index
        %get3A_318 = arith.constant 16 : index
        %get3A_319 = tpu.vector_load %arg7[%get3A_317, %get3A_318] {strides = array<i32>} : memref<129x128xf32, #tpu.memory_space<vmem>>, vector<16xf32>,
        %add3A_320 = arith.addf %add3A_286, %get3A_319 : vector<16xf32>
        %get3A_321 = arith.index_cast %squeeze3A_312 : i32 to index
        %get3A_322 = arith.constant 32 : index
        %get3A_323 = tpu.vector_load %arg7[%get3A_321, %get3A_322] {strides = array<i32>} : memref<129x128xf32, #tpu.memory_space<vmem>>, vector<16xf32>,
        %add3A_324 = arith.addf %add3A_290, %get3A_323 : vector<16xf32>
        %get3A_325 = arith.index_cast %squeeze3A_312 : i32 to index
        %get3A_326 = arith.constant 48 : index
        %get3A_327 = tpu.vector_load %arg7[%get3A_325, %get3A_326] {strides = array<i32>} : memref<129x128xf32, #tpu.memory_space<vmem>>, vector<16xf32>,
        %add3A_328 = arith.addf %add3A_294, %get3A_327 : vector<16xf32>
        %get3A_329 = arith.index_cast %squeeze3A_312 : i32 to index
        %get3A_330 = arith.constant 64 : index
        %get3A_331 = tpu.vector_load %arg7[%get3A_329, %get3A_330] {strides = array<i32>} : memref<129x128xf32, #tpu.memory_space<vmem>>, vector<16xf32>,
        %add3A_332 = arith.addf %add3A_298, %get3A_331 : vector<16xf32>
        %get3A_333 = arith.index_cast %squeeze3A_312 : i32 to index
        %get3A_334 = arith.constant 80 : index
        %get3A_335 = tpu.vector_load %arg7[%get3A_333, %get3A_334] {strides = array<i32>} : memref<129x128xf32, #tpu.memory_space<vmem>>, vector<16xf32>,
        %add3A_336 = arith.addf %add3A_302, %get3A_335 : vector<16xf32>
        %get3A_337 = arith.index_cast %squeeze3A_312 : i32 to index
        %get3A_338 = arith.constant 96 : index
        %get3A_339 = tpu.vector_load %arg7[%get3A_337, %get3A_338] {strides = array<i32>} : memref<129x128xf32, #tpu.memory_space<vmem>>, vector<16xf32>,
        %add3A_340 = arith.addf %add3A_306, %get3A_339 : vector<16xf32>
        %get3A_341 = arith.index_cast %squeeze3A_312 : i32 to index
        %get3A_342 = arith.constant 112 : index
        %get3A_343 = tpu.vector_load %arg7[%get3A_341, %get3A_342] {strides = array<i32>} : memref<129x128xf32, #tpu.memory_space<vmem>>, vector<16xf32>,
        %add3A_344 = arith.addf %add3A_310, %get3A_343 : vector<16xf32>
        %slice3A_345 = vector.extract_strided_slice %get3A_244 {offsets = [3], sizes = [1], strides = [1]} : vector<16xi32> to vector<1xi32>
        %squeeze3A_346 = vector.extract %slice3A_345[0] : i32 from vector<1xi32>
        %get3A_347 = arith.index_cast %squeeze3A_346 : i32 to index
        %get3A_348 = arith.constant 0 : index
        %get3A_349 = tpu.vector_load %arg7[%get3A_347, %get3A_348] {strides = array<i32>} : memref<129x128xf32, #tpu.memory_space<vmem>>, vector<16xf32>,
        %add3A_350 = arith.addf %add3A_316, %get3A_349 : vector<16xf32>
        %get3A_351 = arith.index_cast %squeeze3A_346 : i32 to index
        %get3A_352 = arith.constant 16 : index
        %get3A_353 = tpu.vector_load %arg7[%get3A_351, %get3A_352] {strides = array<i32>} : memref<129x128xf32, #tpu.memory_space<vmem>>, vector<16xf32>,
        %add3A_354 = arith.addf %add3A_320, %get3A_353 : vector<16xf32>
        %get3A_355 = arith.index_cast %squeeze3A_346 : i32 to index
        %get3A_356 = arith.constant 32 : index
        %get3A_357 = tpu.vector_load %arg7[%get3A_355, %get3A_356] {strides = array<i32>} : memref<129x128xf32, #tpu.memory_space<vmem>>, vector<16xf32>,
        %add3A_358 = arith.addf %add3A_324, %get3A_357 : vector<16xf32>
        %get3A_359 = arith.index_cast %squeeze3A_346 : i32 to index
        %get3A_360 = arith.constant 48 : index
        %get3A_361 = tpu.vector_load %arg7[%get3A_359, %get3A_360] {strides = array<i32>} : memref<129x128xf32, #tpu.memory_space<vmem>>, vector<16xf32>,
        %add3A_362 = arith.addf %add3A_328, %get3A_361 : vector<16xf32>
        %get3A_363 = arith.index_cast %squeeze3A_346 : i32 to index
        %get3A_364 = arith.constant 64 : index
        %get3A_365 = tpu.vector_load %arg7[%get3A_363, %get3A_364] {strides = array<i32>} : memref<129x128xf32, #tpu.memory_space<vmem>>, vector<16xf32>,
        %add3A_366 = arith.addf %add3A_332, %get3A_365 : vector<16xf32>
        %get3A_367 = arith.index_cast %squeeze3A_346 : i32 to index
        %get3A_368 = arith.constant 80 : index
        %get3A_369 = tpu.vector_load %arg7[%get3A_367, %get3A_368] {strides = array<i32>} : memref<129x128xf32, #tpu.memory_space<vmem>>, vector<16xf32>,
        %add3A_370 = arith.addf %add3A_336, %get3A_369 : vector<16xf32>
        %get3A_371 = arith.index_cast %squeeze3A_346 : i32 to index
        %get3A_372 = arith.constant 96 : index
        %get3A_373 = tpu.vector_load %arg7[%get3A_371, %get3A_372] {strides = array<i32>} : memref<129x128xf32, #tpu.memory_space<vmem>>, vector<16xf32>,
        %add3A_374 = arith.addf %add3A_340, %get3A_373 : vector<16xf32>
        %get3A_375 = arith.index_cast %squeeze3A_346 : i32 to index
        %get3A_376 = arith.constant 112 : index
        %get3A_377 = tpu.vector_load %arg7[%get3A_375, %get3A_376] {strides = array<i32>} : memref<129x128xf32, #tpu.memory_space<vmem>>, vector<16xf32>,
        %add3A_378 = arith.addf %add3A_344, %get3A_377 : vector<16xf32>
        %slice3A_379 = vector.extract_strided_slice %get3A_244 {offsets = [4], sizes = [1], strides = [1]} : vector<16xi32> to vector<1xi32>
        %squeeze3A_380 = vector.extract %slice3A_379[0] : i32 from vector<1xi32>
        %get3A_381 = arith.index_cast %squeeze3A_380 : i32 to index
        %get3A_382 = arith.constant 0 : index
        %get3A_383 = tpu.vector_load %arg7[%get3A_381, %get3A_382] {strides = array<i32>} : memref<129x128xf32, #tpu.memory_space<vmem>>, vector<16xf32>,
        %add3A_384 = arith.addf %add3A_350, %get3A_383 : vector<16xf32>
        %get3A_385 = arith.index_cast %squeeze3A_380 : i32 to index
        %get3A_386 = arith.constant 16 : index
        %get3A_387 = tpu.vector_load %arg7[%get3A_385, %get3A_386] {strides = array<i32>} : memref<129x128xf32, #tpu.memory_space<vmem>>, vector<16xf32>,
        %add3A_388 = arith.addf %add3A_354, %get3A_387 : vector<16xf32>
        %get3A_389 = arith.index_cast %squeeze3A_380 : i32 to index
        %get3A_390 = arith.constant 32 : index
        %get3A_391 = tpu.vector_load %arg7[%get3A_389, %get3A_390] {strides = array<i32>} : memref<129x128xf32, #tpu.memory_space<vmem>>, vector<16xf32>,
        %add3A_392 = arith.addf %add3A_358, %get3A_391 : vector<16xf32>
        %get3A_393 = arith.index_cast %squeeze3A_380 : i32 to index
        %get3A_394 = arith.constant 48 : index
        %get3A_395 = tpu.vector_load %arg7[%get3A_393, %get3A_394] {strides = array<i32>} : memref<129x128xf32, #tpu.memory_space<vmem>>, vector<16xf32>,
        %add3A_396 = arith.addf %add3A_362, %get3A_395 : vector<16xf32>
        %get3A_397 = arith.index_cast %squeeze3A_380 : i32 to index
        %get3A_398 = arith.constant 64 : index
        %get3A_399 = tpu.vector_load %arg7[%get3A_397, %get3A_398] {strides = array<i32>} : memref<129x128xf32, #tpu.memory_space<vmem>>, vector<16xf32>,
        %add3A_400 = arith.addf %add3A_366, %get3A_399 : vector<16xf32>
        %get3A_401 = arith.index_cast %squeeze3A_380 : i32 to index
        %get3A_402 = arith.constant 80 : index
        %get3A_403 = tpu.vector_load %arg7[%get3A_401, %get3A_402] {strides = array<i32>} : memref<129x128xf32, #tpu.memory_space<vmem>>, vector<16xf32>,
        %add3A_404 = arith.addf %add3A_370, %get3A_403 : vector<16xf32>
        %get3A_405 = arith.index_cast %squeeze3A_380 : i32 to index
        %get3A_406 = arith.constant 96 : index
        %get3A_407 = tpu.vector_load %arg7[%get3A_405, %get3A_406] {strides = array<i32>} : memref<129x128xf32, #tpu.memory_space<vmem>>, vector<16xf32>,
        %add3A_408 = arith.addf %add3A_374, %get3A_407 : vector<16xf32>
        %get3A_409 = arith.index_cast %squeeze3A_380 : i32 to index
        %get3A_410 = arith.constant 112 : index
        %get3A_411 = tpu.vector_load %arg7[%get3A_409, %get3A_410] {strides = array<i32>} : memref<129x128xf32, #tpu.memory_space<vmem>>, vector<16xf32>,
        %add3A_412 = arith.addf %add3A_378, %get3A_411 : vector<16xf32>
        %slice3A_413 = vector.extract_strided_slice %get3A_244 {offsets = [5], sizes = [1], strides = [1]} : vector<16xi32> to vector<1xi32>
        %squeeze3A_414 = vector.extract %slice3A_413[0] : i32 from vector<1xi32>
        %get3A_415 = arith.index_cast %squeeze3A_414 : i32 to index
        %get3A_416 = arith.constant 0 : index
        %get3A_417 = tpu.vector_load %arg7[%get3A_415, %get3A_416] {strides = array<i32>} : memref<129x128xf32, #tpu.memory_space<vmem>>, vector<16xf32>,
        %add3A_418 = arith.addf %add3A_384, %get3A_417 : vector<16xf32>
        %get3A_419 = arith.index_cast %squeeze3A_414 : i32 to index
        %get3A_420 = arith.constant 16 : index
        %get3A_421 = tpu.vector_load %arg7[%get3A_419, %get3A_420] {strides = array<i32>} : memref<129x128xf32, #tpu.memory_space<vmem>>, vector<16xf32>,
        %add3A_422 = arith.addf %add3A_388, %get3A_421 : vector<16xf32>
        %get3A_423 = arith.index_cast %squeeze3A_414 : i32 to index
        %get3A_424 = arith.constant 32 : index
        %get3A_425 = tpu.vector_load %arg7[%get3A_423, %get3A_424] {strides = array<i32>} : memref<129x128xf32, #tpu.memory_space<vmem>>, vector<16xf32>,
        %add3A_426 = arith.addf %add3A_392, %get3A_425 : vector<16xf32>
        %get3A_427 = arith.index_cast %squeeze3A_414 : i32 to index
        %get3A_428 = arith.constant 48 : index
        %get3A_429 = tpu.vector_load %arg7[%get3A_427, %get3A_428] {strides = array<i32>} : memref<129x128xf32, #tpu.memory_space<vmem>>, vector<16xf32>,
        %add3A_430 = arith.addf %add3A_396, %get3A_429 : vector<16xf32>
        %get3A_431 = arith.index_cast %squeeze3A_414 : i32 to index
        %get3A_432 = arith.constant 64 : index
        %get3A_433 = tpu.vector_load %arg7[%get3A_431, %get3A_432] {strides = array<i32>} : memref<129x128xf32, #tpu.memory_space<vmem>>, vector<16xf32>,
        %add3A_434 = arith.addf %add3A_400, %get3A_433 : vector<16xf32>
        %get3A_435 = arith.index_cast %squeeze3A_414 : i32 to index
        %get3A_436 = arith.constant 80 : index
        %get3A_437 = tpu.vector_load %arg7[%get3A_435, %get3A_436] {strides = array<i32>} : memref<129x128xf32, #tpu.memory_space<vmem>>, vector<16xf32>,
        %add3A_438 = arith.addf %add3A_404, %get3A_437 : vector<16xf32>
        %get3A_439 = arith.index_cast %squeeze3A_414 : i32 to index
        %get3A_440 = arith.constant 96 : index
        %get3A_441 = tpu.vector_load %arg7[%get3A_439, %get3A_440] {strides = array<i32>} : memref<129x128xf32, #tpu.memory_space<vmem>>, vector<16xf32>,
        %add3A_442 = arith.addf %add3A_408, %get3A_441 : vector<16xf32>
        %get3A_443 = arith.index_cast %squeeze3A_414 : i32 to index
        %get3A_444 = arith.constant 112 : index
        %get3A_445 = tpu.vector_load %arg7[%get3A_443, %get3A_444] {strides = array<i32>} : memref<129x128xf32, #tpu.memory_space<vmem>>, vector<16xf32>,
        %add3A_446 = arith.addf %add3A_412, %get3A_445 : vector<16xf32>
        %slice3A_447 = vector.extract_strided_slice %get3A_244 {offsets = [6], sizes = [1], strides = [1]} : vector<16xi32> to vector<1xi32>
        %squeeze3A_448 = vector.extract %slice3A_447[0] : i32 from vector<1xi32>
        %get3A_449 = arith.index_cast %squeeze3A_448 : i32 to index
        %get3A_450 = arith.constant 0 : index
        %get3A_451 = tpu.vector_load %arg7[%get3A_449, %get3A_450] {strides = array<i32>} : memref<129x128xf32, #tpu.memory_space<vmem>>, vector<16xf32>,
        %add3A_452 = arith.addf %add3A_418, %get3A_451 : vector<16xf32>
        %get3A_453 = arith.index_cast %squeeze3A_448 : i32 to index
        %get3A_454 = arith.constant 16 : index
        %get3A_455 = tpu.vector_load %arg7[%get3A_453, %get3A_454] {strides = array<i32>} : memref<129x128xf32, #tpu.memory_space<vmem>>, vector<16xf32>,
        %add3A_456 = arith.addf %add3A_422, %get3A_455 : vector<16xf32>
        %get3A_457 = arith.index_cast %squeeze3A_448 : i32 to index
        %get3A_458 = arith.constant 32 : index
        %get3A_459 = tpu.vector_load %arg7[%get3A_457, %get3A_458] {strides = array<i32>} : memref<129x128xf32, #tpu.memory_space<vmem>>, vector<16xf32>,
        %add3A_460 = arith.addf %add3A_426, %get3A_459 : vector<16xf32>
        %get3A_461 = arith.index_cast %squeeze3A_448 : i32 to index
        %get3A_462 = arith.constant 48 : index
        %get3A_463 = tpu.vector_load %arg7[%get3A_461, %get3A_462] {strides = array<i32>} : memref<129x128xf32, #tpu.memory_space<vmem>>, vector<16xf32>,
        %add3A_464 = arith.addf %add3A_430, %get3A_463 : vector<16xf32>
        %get3A_465 = arith.index_cast %squeeze3A_448 : i32 to index
        %get3A_466 = arith.constant 64 : index
        %get3A_467 = tpu.vector_load %arg7[%get3A_465, %get3A_466] {strides = array<i32>} : memref<129x128xf32, #tpu.memory_space<vmem>>, vector<16xf32>,
        %add3A_468 = arith.addf %add3A_434, %get3A_467 : vector<16xf32>
        %get3A_469 = arith.index_cast %squeeze3A_448 : i32 to index
        %get3A_470 = arith.constant 80 : index
        %get3A_471 = tpu.vector_load %arg7[%get3A_469, %get3A_470] {strides = array<i32>} : memref<129x128xf32, #tpu.memory_space<vmem>>, vector<16xf32>,
        %add3A_472 = arith.addf %add3A_438, %get3A_471 : vector<16xf32>
        %get3A_473 = arith.index_cast %squeeze3A_448 : i32 to index
        %get3A_474 = arith.constant 96 : index
        %get3A_475 = tpu.vector_load %arg7[%get3A_473, %get3A_474] {strides = array<i32>} : memref<129x128xf32, #tpu.memory_space<vmem>>, vector<16xf32>,
        %add3A_476 = arith.addf %add3A_442, %get3A_475 : vector<16xf32>
        %get3A_477 = arith.index_cast %squeeze3A_448 : i32 to index
        %get3A_478 = arith.constant 112 : index
        %get3A_479 = tpu.vector_load %arg7[%get3A_477, %get3A_478] {strides = array<i32>} : memref<129x128xf32, #tpu.memory_space<vmem>>, vector<16xf32>,
        %add3A_480 = arith.addf %add3A_446, %get3A_479 : vector<16xf32>
        %slice3A_481 = vector.extract_strided_slice %get3A_244 {offsets = [7], sizes = [1], strides = [1]} : vector<16xi32> to vector<1xi32>
        %squeeze3A_482 = vector.extract %slice3A_481[0] : i32 from vector<1xi32>
        %get3A_483 = arith.index_cast %squeeze3A_482 : i32 to index
        %get3A_484 = arith.constant 0 : index
        %get3A_485 = tpu.vector_load %arg7[%get3A_483, %get3A_484] {strides = array<i32>} : memref<129x128xf32, #tpu.memory_space<vmem>>, vector<16xf32>,
        %add3A_486 = arith.addf %add3A_452, %get3A_485 : vector<16xf32>
        %get3A_487 = arith.index_cast %squeeze3A_482 : i32 to index
        %get3A_488 = arith.constant 16 : index
        %get3A_489 = tpu.vector_load %arg7[%get3A_487, %get3A_488] {strides = array<i32>} : memref<129x128xf32, #tpu.memory_space<vmem>>, vector<16xf32>,
        %add3A_490 = arith.addf %add3A_456, %get3A_489 : vector<16xf32>
        %get3A_491 = arith.index_cast %squeeze3A_482 : i32 to index
        %get3A_492 = arith.constant 32 : index
        %get3A_493 = tpu.vector_load %arg7[%get3A_491, %get3A_492] {strides = array<i32>} : memref<129x128xf32, #tpu.memory_space<vmem>>, vector<16xf32>,
        %add3A_494 = arith.addf %add3A_460, %get3A_493 : vector<16xf32>
        %get3A_495 = arith.index_cast %squeeze3A_482 : i32 to index
        %get3A_496 = arith.constant 48 : index
        %get3A_497 = tpu.vector_load %arg7[%get3A_495, %get3A_496] {strides = array<i32>} : memref<129x128xf32, #tpu.memory_space<vmem>>, vector<16xf32>,
        %add3A_498 = arith.addf %add3A_464, %get3A_497 : vector<16xf32>
        %get3A_499 = arith.index_cast %squeeze3A_482 : i32 to index
        %get3A_500 = arith.constant 64 : index
        %get3A_501 = tpu.vector_load %arg7[%get3A_499, %get3A_500] {strides = array<i32>} : memref<129x128xf32, #tpu.memory_space<vmem>>, vector<16xf32>,
        %add3A_502 = arith.addf %add3A_468, %get3A_501 : vector<16xf32>
        %get3A_503 = arith.index_cast %squeeze3A_482 : i32 to index
        %get3A_504 = arith.constant 80 : index
        %get3A_505 = tpu.vector_load %arg7[%get3A_503, %get3A_504] {strides = array<i32>} : memref<129x128xf32, #tpu.memory_space<vmem>>, vector<16xf32>,
        %add3A_506 = arith.addf %add3A_472, %get3A_505 : vector<16xf32>
        %get3A_507 = arith.index_cast %squeeze3A_482 : i32 to index
        %get3A_508 = arith.constant 96 : index
        %get3A_509 = tpu.vector_load %arg7[%get3A_507, %get3A_508] {strides = array<i32>} : memref<129x128xf32, #tpu.memory_space<vmem>>, vector<16xf32>,
        %add3A_510 = arith.addf %add3A_476, %get3A_509 : vector<16xf32>
        %get3A_511 = arith.index_cast %squeeze3A_482 : i32 to index
        %get3A_512 = arith.constant 112 : index
        %get3A_513 = tpu.vector_load %arg7[%get3A_511, %get3A_512] {strides = array<i32>} : memref<129x128xf32, #tpu.memory_space<vmem>>, vector<16xf32>,
        %add3A_514 = arith.addf %add3A_480, %get3A_513 : vector<16xf32>
        %slice3A_515 = vector.extract_strided_slice %get3A_244 {offsets = [8], sizes = [1], strides = [1]} : vector<16xi32> to vector<1xi32>
        %squeeze3A_516 = vector.extract %slice3A_515[0] : i32 from vector<1xi32>
        %get3A_517 = arith.index_cast %squeeze3A_516 : i32 to index
        %get3A_518 = arith.constant 0 : index
        %get3A_519 = tpu.vector_load %arg7[%get3A_517, %get3A_518] {strides = array<i32>} : memref<129x128xf32, #tpu.memory_space<vmem>>, vector<16xf32>,
        %add3A_520 = arith.addf %add3A_486, %get3A_519 : vector<16xf32>
        %get3A_521 = arith.index_cast %squeeze3A_516 : i32 to index
        %get3A_522 = arith.constant 16 : index
        %get3A_523 = tpu.vector_load %arg7[%get3A_521, %get3A_522] {strides = array<i32>} : memref<129x128xf32, #tpu.memory_space<vmem>>, vector<16xf32>,
        %add3A_524 = arith.addf %add3A_490, %get3A_523 : vector<16xf32>
        %get3A_525 = arith.index_cast %squeeze3A_516 : i32 to index
        %get3A_526 = arith.constant 32 : index
        %get3A_527 = tpu.vector_load %arg7[%get3A_525, %get3A_526] {strides = array<i32>} : memref<129x128xf32, #tpu.memory_space<vmem>>, vector<16xf32>,
        %add3A_528 = arith.addf %add3A_494, %get3A_527 : vector<16xf32>
        %get3A_529 = arith.index_cast %squeeze3A_516 : i32 to index
        %get3A_530 = arith.constant 48 : index
        %get3A_531 = tpu.vector_load %arg7[%get3A_529, %get3A_530] {strides = array<i32>} : memref<129x128xf32, #tpu.memory_space<vmem>>, vector<16xf32>,
        %add3A_532 = arith.addf %add3A_498, %get3A_531 : vector<16xf32>
        %get3A_533 = arith.index_cast %squeeze3A_516 : i32 to index
        %get3A_534 = arith.constant 64 : index
        %get3A_535 = tpu.vector_load %arg7[%get3A_533, %get3A_534] {strides = array<i32>} : memref<129x128xf32, #tpu.memory_space<vmem>>, vector<16xf32>,
        %add3A_536 = arith.addf %add3A_502, %get3A_535 : vector<16xf32>
        %get3A_537 = arith.index_cast %squeeze3A_516 : i32 to index
        %get3A_538 = arith.constant 80 : index
        %get3A_539 = tpu.vector_load %arg7[%get3A_537, %get3A_538] {strides = array<i32>} : memref<129x128xf32, #tpu.memory_space<vmem>>, vector<16xf32>,
        %add3A_540 = arith.addf %add3A_506, %get3A_539 : vector<16xf32>
        %get3A_541 = arith.index_cast %squeeze3A_516 : i32 to index
        %get3A_542 = arith.constant 96 : index
        %get3A_543 = tpu.vector_load %arg7[%get3A_541, %get3A_542] {strides = array<i32>} : memref<129x128xf32, #tpu.memory_space<vmem>>, vector<16xf32>,
        %add3A_544 = arith.addf %add3A_510, %get3A_543 : vector<16xf32>
        %get3A_545 = arith.index_cast %squeeze3A_516 : i32 to index
        %get3A_546 = arith.constant 112 : index
        %get3A_547 = tpu.vector_load %arg7[%get3A_545, %get3A_546] {strides = array<i32>} : memref<129x128xf32, #tpu.memory_space<vmem>>, vector<16xf32>,
        %add3A_548 = arith.addf %add3A_514, %get3A_547 : vector<16xf32>
        %slice3A_549 = vector.extract_strided_slice %get3A_244 {offsets = [9], sizes = [1], strides = [1]} : vector<16xi32> to vector<1xi32>
        %squeeze3A_550 = vector.extract %slice3A_549[0] : i32 from vector<1xi32>
        %get3A_551 = arith.index_cast %squeeze3A_550 : i32 to index
        %get3A_552 = arith.constant 0 : index
        %get3A_553 = tpu.vector_load %arg7[%get3A_551, %get3A_552] {strides = array<i32>} : memref<129x128xf32, #tpu.memory_space<vmem>>, vector<16xf32>,
        %add3A_554 = arith.addf %add3A_520, %get3A_553 : vector<16xf32>
        %get3A_555 = arith.index_cast %squeeze3A_550 : i32 to index
        %get3A_556 = arith.constant 16 : index
        %get3A_557 = tpu.vector_load %arg7[%get3A_555, %get3A_556] {strides = array<i32>} : memref<129x128xf32, #tpu.memory_space<vmem>>, vector<16xf32>,
        %add3A_558 = arith.addf %add3A_524, %get3A_557 : vector<16xf32>
        %get3A_559 = arith.index_cast %squeeze3A_550 : i32 to index
        %get3A_560 = arith.constant 32 : index
        %get3A_561 = tpu.vector_load %arg7[%get3A_559, %get3A_560] {strides = array<i32>} : memref<129x128xf32, #tpu.memory_space<vmem>>, vector<16xf32>,
        %add3A_562 = arith.addf %add3A_528, %get3A_561 : vector<16xf32>
        %get3A_563 = arith.index_cast %squeeze3A_550 : i32 to index
        %get3A_564 = arith.constant 48 : index
        %get3A_565 = tpu.vector_load %arg7[%get3A_563, %get3A_564] {strides = array<i32>} : memref<129x128xf32, #tpu.memory_space<vmem>>, vector<16xf32>,
        %add3A_566 = arith.addf %add3A_532, %get3A_565 : vector<16xf32>
        %get3A_567 = arith.index_cast %squeeze3A_550 : i32 to index
        %get3A_568 = arith.constant 64 : index
        %get3A_569 = tpu.vector_load %arg7[%get3A_567, %get3A_568] {strides = array<i32>} : memref<129x128xf32, #tpu.memory_space<vmem>>, vector<16xf32>,
        %add3A_570 = arith.addf %add3A_536, %get3A_569 : vector<16xf32>
        %get3A_571 = arith.index_cast %squeeze3A_550 : i32 to index
        %get3A_572 = arith.constant 80 : index
        %get3A_573 = tpu.vector_load %arg7[%get3A_571, %get3A_572] {strides = array<i32>} : memref<129x128xf32, #tpu.memory_space<vmem>>, vector<16xf32>,
        %add3A_574 = arith.addf %add3A_540, %get3A_573 : vector<16xf32>
        %get3A_575 = arith.index_cast %squeeze3A_550 : i32 to index
        %get3A_576 = arith.constant 96 : index
        %get3A_577 = tpu.vector_load %arg7[%get3A_575, %get3A_576] {strides = array<i32>} : memref<129x128xf32, #tpu.memory_space<vmem>>, vector<16xf32>,
        %add3A_578 = arith.addf %add3A_544, %get3A_577 : vector<16xf32>
        %get3A_579 = arith.index_cast %squeeze3A_550 : i32 to index
        %get3A_580 = arith.constant 112 : index
        %get3A_581 = tpu.vector_load %arg7[%get3A_579, %get3A_580] {strides = array<i32>} : memref<129x128xf32, #tpu.memory_space<vmem>>, vector<16xf32>,
        %add3A_582 = arith.addf %add3A_548, %get3A_581 : vector<16xf32>
        %slice3A_583 = vector.extract_strided_slice %get3A_244 {offsets = [10], sizes = [1], strides = [1]} : vector<16xi32> to vector<1xi32>
        %squeeze3A_584 = vector.extract %slice3A_583[0] : i32 from vector<1xi32>
        %get3A_585 = arith.index_cast %squeeze3A_584 : i32 to index
        %get3A_586 = arith.constant 0 : index
        %get3A_587 = tpu.vector_load %arg7[%get3A_585, %get3A_586] {strides = array<i32>} : memref<129x128xf32, #tpu.memory_space<vmem>>, vector<16xf32>,
        %add3A_588 = arith.addf %add3A_554, %get3A_587 : vector<16xf32>
        %get3A_589 = arith.index_cast %squeeze3A_584 : i32 to index
        %get3A_590 = arith.constant 16 : index
        %get3A_591 = tpu.vector_load %arg7[%get3A_589, %get3A_590] {strides = array<i32>} : memref<129x128xf32, #tpu.memory_space<vmem>>, vector<16xf32>,
        %add3A_592 = arith.addf %add3A_558, %get3A_591 : vector<16xf32>
        %get3A_593 = arith.index_cast %squeeze3A_584 : i32 to index
        %get3A_594 = arith.constant 32 : index
        %get3A_595 = tpu.vector_load %arg7[%get3A_593, %get3A_594] {strides = array<i32>} : memref<129x128xf32, #tpu.memory_space<vmem>>, vector<16xf32>,
        %add3A_596 = arith.addf %add3A_562, %get3A_595 : vector<16xf32>
        %get3A_597 = arith.index_cast %squeeze3A_584 : i32 to index
        %get3A_598 = arith.constant 48 : index
        %get3A_599 = tpu.vector_load %arg7[%get3A_597, %get3A_598] {strides = array<i32>} : memref<129x128xf32, #tpu.memory_space<vmem>>, vector<16xf32>,
        %add3A_600 = arith.addf %add3A_566, %get3A_599 : vector<16xf32>
        %get3A_601 = arith.index_cast %squeeze3A_584 : i32 to index
        %get3A_602 = arith.constant 64 : index
        %get3A_603 = tpu.vector_load %arg7[%get3A_601, %get3A_602] {strides = array<i32>} : memref<129x128xf32, #tpu.memory_space<vmem>>, vector<16xf32>,
        %add3A_604 = arith.addf %add3A_570, %get3A_603 : vector<16xf32>
        %get3A_605 = arith.index_cast %squeeze3A_584 : i32 to index
        %get3A_606 = arith.constant 80 : index
        %get3A_607 = tpu.vector_load %arg7[%get3A_605, %get3A_606] {strides = array<i32>} : memref<129x128xf32, #tpu.memory_space<vmem>>, vector<16xf32>,
        %add3A_608 = arith.addf %add3A_574, %get3A_607 : vector<16xf32>
        %get3A_609 = arith.index_cast %squeeze3A_584 : i32 to index
        %get3A_610 = arith.constant 96 : index
        %get3A_611 = tpu.vector_load %arg7[%get3A_609, %get3A_610] {strides = array<i32>} : memref<129x128xf32, #tpu.memory_space<vmem>>, vector<16xf32>,
        %add3A_612 = arith.addf %add3A_578, %get3A_611 : vector<16xf32>
        %get3A_613 = arith.index_cast %squeeze3A_584 : i32 to index
        %get3A_614 = arith.constant 112 : index
        %get3A_615 = tpu.vector_load %arg7[%get3A_613, %get3A_614] {strides = array<i32>} : memref<129x128xf32, #tpu.memory_space<vmem>>, vector<16xf32>,
        %add3A_616 = arith.addf %add3A_582, %get3A_615 : vector<16xf32>
        %slice3A_617 = vector.extract_strided_slice %get3A_244 {offsets = [11], sizes = [1], strides = [1]} : vector<16xi32> to vector<1xi32>
        %squeeze3A_618 = vector.extract %slice3A_617[0] : i32 from vector<1xi32>
        %get3A_619 = arith.index_cast %squeeze3A_618 : i32 to index
        %get3A_620 = arith.constant 0 : index
        %get3A_621 = tpu.vector_load %arg7[%get3A_619, %get3A_620] {strides = array<i32>} : memref<129x128xf32, #tpu.memory_space<vmem>>, vector<16xf32>,
        %add3A_622 = arith.addf %add3A_588, %get3A_621 : vector<16xf32>
        %get3A_623 = arith.index_cast %squeeze3A_618 : i32 to index
        %get3A_624 = arith.constant 16 : index
        %get3A_625 = tpu.vector_load %arg7[%get3A_623, %get3A_624] {strides = array<i32>} : memref<129x128xf32, #tpu.memory_space<vmem>>, vector<16xf32>,
        %add3A_626 = arith.addf %add3A_592, %get3A_625 : vector<16xf32>
        %get3A_627 = arith.index_cast %squeeze3A_618 : i32 to index
        %get3A_628 = arith.constant 32 : index
        %get3A_629 = tpu.vector_load %arg7[%get3A_627, %get3A_628] {strides = array<i32>} : memref<129x128xf32, #tpu.memory_space<vmem>>, vector<16xf32>,
        %add3A_630 = arith.addf %add3A_596, %get3A_629 : vector<16xf32>
        %get3A_631 = arith.index_cast %squeeze3A_618 : i32 to index
        %get3A_632 = arith.constant 48 : index
        %get3A_633 = tpu.vector_load %arg7[%get3A_631, %get3A_632] {strides = array<i32>} : memref<129x128xf32, #tpu.memory_space<vmem>>, vector<16xf32>,
        %add3A_634 = arith.addf %add3A_600, %get3A_633 : vector<16xf32>
        %get3A_635 = arith.index_cast %squeeze3A_618 : i32 to index
        %get3A_636 = arith.constant 64 : index
        %get3A_637 = tpu.vector_load %arg7[%get3A_635, %get3A_636] {strides = array<i32>} : memref<129x128xf32, #tpu.memory_space<vmem>>, vector<16xf32>,
        %add3A_638 = arith.addf %add3A_604, %get3A_637 : vector<16xf32>
        %get3A_639 = arith.index_cast %squeeze3A_618 : i32 to index
        %get3A_640 = arith.constant 80 : index
        %get3A_641 = tpu.vector_load %arg7[%get3A_639, %get3A_640] {strides = array<i32>} : memref<129x128xf32, #tpu.memory_space<vmem>>, vector<16xf32>,
        %add3A_642 = arith.addf %add3A_608, %get3A_641 : vector<16xf32>
        %get3A_643 = arith.index_cast %squeeze3A_618 : i32 to index
        %get3A_644 = arith.constant 96 : index
        %get3A_645 = tpu.vector_load %arg7[%get3A_643, %get3A_644] {strides = array<i32>} : memref<129x128xf32, #tpu.memory_space<vmem>>, vector<16xf32>,
        %add3A_646 = arith.addf %add3A_612, %get3A_645 : vector<16xf32>
        %get3A_647 = arith.index_cast %squeeze3A_618 : i32 to index
        %get3A_648 = arith.constant 112 : index
        %get3A_649 = tpu.vector_load %arg7[%get3A_647, %get3A_648] {strides = array<i32>} : memref<129x128xf32, #tpu.memory_space<vmem>>, vector<16xf32>,
        %add3A_650 = arith.addf %add3A_616, %get3A_649 : vector<16xf32>
        %slice3A_651 = vector.extract_strided_slice %get3A_244 {offsets = [12], sizes = [1], strides = [1]} : vector<16xi32> to vector<1xi32>
        %squeeze3A_652 = vector.extract %slice3A_651[0] : i32 from vector<1xi32>
        %get3A_653 = arith.index_cast %squeeze3A_652 : i32 to index
        %get3A_654 = arith.constant 0 : index
        %get3A_655 = tpu.vector_load %arg7[%get3A_653, %get3A_654] {strides = array<i32>} : memref<129x128xf32, #tpu.memory_space<vmem>>, vector<16xf32>,
        %add3A_656 = arith.addf %add3A_622, %get3A_655 : vector<16xf32>
        %get3A_657 = arith.index_cast %squeeze3A_652 : i32 to index
        %get3A_658 = arith.constant 16 : index
        %get3A_659 = tpu.vector_load %arg7[%get3A_657, %get3A_658] {strides = array<i32>} : memref<129x128xf32, #tpu.memory_space<vmem>>, vector<16xf32>,
        %add3A_660 = arith.addf %add3A_626, %get3A_659 : vector<16xf32>
        %get3A_661 = arith.index_cast %squeeze3A_652 : i32 to index
        %get3A_662 = arith.constant 32 : index
        %get3A_663 = tpu.vector_load %arg7[%get3A_661, %get3A_662] {strides = array<i32>} : memref<129x128xf32, #tpu.memory_space<vmem>>, vector<16xf32>,
        %add3A_664 = arith.addf %add3A_630, %get3A_663 : vector<16xf32>
        %get3A_665 = arith.index_cast %squeeze3A_652 : i32 to index
        %get3A_666 = arith.constant 48 : index
        %get3A_667 = tpu.vector_load %arg7[%get3A_665, %get3A_666] {strides = array<i32>} : memref<129x128xf32, #tpu.memory_space<vmem>>, vector<16xf32>,
        %add3A_668 = arith.addf %add3A_634, %get3A_667 : vector<16xf32>
        %get3A_669 = arith.index_cast %squeeze3A_652 : i32 to index
        %get3A_670 = arith.constant 64 : index
        %get3A_671 = tpu.vector_load %arg7[%get3A_669, %get3A_670] {strides = array<i32>} : memref<129x128xf32, #tpu.memory_space<vmem>>, vector<16xf32>,
        %add3A_672 = arith.addf %add3A_638, %get3A_671 : vector<16xf32>
        %get3A_673 = arith.index_cast %squeeze3A_652 : i32 to index
        %get3A_674 = arith.constant 80 : index
        %get3A_675 = tpu.vector_load %arg7[%get3A_673, %get3A_674] {strides = array<i32>} : memref<129x128xf32, #tpu.memory_space<vmem>>, vector<16xf32>,
        %add3A_676 = arith.addf %add3A_642, %get3A_675 : vector<16xf32>
        %get3A_677 = arith.index_cast %squeeze3A_652 : i32 to index
        %get3A_678 = arith.constant 96 : index
        %get3A_679 = tpu.vector_load %arg7[%get3A_677, %get3A_678] {strides = array<i32>} : memref<129x128xf32, #tpu.memory_space<vmem>>, vector<16xf32>,
        %add3A_680 = arith.addf %add3A_646, %get3A_679 : vector<16xf32>
        %get3A_681 = arith.index_cast %squeeze3A_652 : i32 to index
        %get3A_682 = arith.constant 112 : index
        %get3A_683 = tpu.vector_load %arg7[%get3A_681, %get3A_682] {strides = array<i32>} : memref<129x128xf32, #tpu.memory_space<vmem>>, vector<16xf32>,
        %add3A_684 = arith.addf %add3A_650, %get3A_683 : vector<16xf32>
        %slice3A_685 = vector.extract_strided_slice %get3A_244 {offsets = [13], sizes = [1], strides = [1]} : vector<16xi32> to vector<1xi32>
        %squeeze3A_686 = vector.extract %slice3A_685[0] : i32 from vector<1xi32>
        %get3A_687 = arith.index_cast %squeeze3A_686 : i32 to index
        %get3A_688 = arith.constant 0 : index
        %get3A_689 = tpu.vector_load %arg7[%get3A_687, %get3A_688] {strides = array<i32>} : memref<129x128xf32, #tpu.memory_space<vmem>>, vector<16xf32>,
        %add3A_690 = arith.addf %add3A_656, %get3A_689 : vector<16xf32>
        %get3A_691 = arith.index_cast %squeeze3A_686 : i32 to index
        %get3A_692 = arith.constant 16 : index
        %get3A_693 = tpu.vector_load %arg7[%get3A_691, %get3A_692] {strides = array<i32>} : memref<129x128xf32, #tpu.memory_space<vmem>>, vector<16xf32>,
        %add3A_694 = arith.addf %add3A_660, %get3A_693 : vector<16xf32>
        %get3A_695 = arith.index_cast %squeeze3A_686 : i32 to index
        %get3A_696 = arith.constant 32 : index
        %get3A_697 = tpu.vector_load %arg7[%get3A_695, %get3A_696] {strides = array<i32>} : memref<129x128xf32, #tpu.memory_space<vmem>>, vector<16xf32>,
        %add3A_698 = arith.addf %add3A_664, %get3A_697 : vector<16xf32>
        %get3A_699 = arith.index_cast %squeeze3A_686 : i32 to index
        %get3A_700 = arith.constant 48 : index
        %get3A_701 = tpu.vector_load %arg7[%get3A_699, %get3A_700] {strides = array<i32>} : memref<129x128xf32, #tpu.memory_space<vmem>>, vector<16xf32>,
        %add3A_702 = arith.addf %add3A_668, %get3A_701 : vector<16xf32>
        %get3A_703 = arith.index_cast %squeeze3A_686 : i32 to index
        %get3A_704 = arith.constant 64 : index
        %get3A_705 = tpu.vector_load %arg7[%get3A_703, %get3A_704] {strides = array<i32>} : memref<129x128xf32, #tpu.memory_space<vmem>>, vector<16xf32>,
        %add3A_706 = arith.addf %add3A_672, %get3A_705 : vector<16xf32>
        %get3A_707 = arith.index_cast %squeeze3A_686 : i32 to index
        %get3A_708 = arith.constant 80 : index
        %get3A_709 = tpu.vector_load %arg7[%get3A_707, %get3A_708] {strides = array<i32>} : memref<129x128xf32, #tpu.memory_space<vmem>>, vector<16xf32>,
        %add3A_710 = arith.addf %add3A_676, %get3A_709 : vector<16xf32>
        %get3A_711 = arith.index_cast %squeeze3A_686 : i32 to index
        %get3A_712 = arith.constant 96 : index
        %get3A_713 = tpu.vector_load %arg7[%get3A_711, %get3A_712] {strides = array<i32>} : memref<129x128xf32, #tpu.memory_space<vmem>>, vector<16xf32>,
        %add3A_714 = arith.addf %add3A_680, %get3A_713 : vector<16xf32>
        %get3A_715 = arith.index_cast %squeeze3A_686 : i32 to index
        %get3A_716 = arith.constant 112 : index
        %get3A_717 = tpu.vector_load %arg7[%get3A_715, %get3A_716] {strides = array<i32>} : memref<129x128xf32, #tpu.memory_space<vmem>>, vector<16xf32>,
        %add3A_718 = arith.addf %add3A_684, %get3A_717 : vector<16xf32>
        %slice3A_719 = vector.extract_strided_slice %get3A_244 {offsets = [14], sizes = [1], strides = [1]} : vector<16xi32> to vector<1xi32>
        %squeeze3A_720 = vector.extract %slice3A_719[0] : i32 from vector<1xi32>
        %get3A_721 = arith.index_cast %squeeze3A_720 : i32 to index
        %get3A_722 = arith.constant 0 : index
        %get3A_723 = tpu.vector_load %arg7[%get3A_721, %get3A_722] {strides = array<i32>} : memref<129x128xf32, #tpu.memory_space<vmem>>, vector<16xf32>,
        %add3A_724 = arith.addf %add3A_690, %get3A_723 : vector<16xf32>
        %get3A_725 = arith.index_cast %squeeze3A_720 : i32 to index
        %get3A_726 = arith.constant 16 : index
        %get3A_727 = tpu.vector_load %arg7[%get3A_725, %get3A_726] {strides = array<i32>} : memref<129x128xf32, #tpu.memory_space<vmem>>, vector<16xf32>,
        %add3A_728 = arith.addf %add3A_694, %get3A_727 : vector<16xf32>
        %get3A_729 = arith.index_cast %squeeze3A_720 : i32 to index
        %get3A_730 = arith.constant 32 : index
        %get3A_731 = tpu.vector_load %arg7[%get3A_729, %get3A_730] {strides = array<i32>} : memref<129x128xf32, #tpu.memory_space<vmem>>, vector<16xf32>,
        %add3A_732 = arith.addf %add3A_698, %get3A_731 : vector<16xf32>
        %get3A_733 = arith.index_cast %squeeze3A_720 : i32 to index
        %get3A_734 = arith.constant 48 : index
        %get3A_735 = tpu.vector_load %arg7[%get3A_733, %get3A_734] {strides = array<i32>} : memref<129x128xf32, #tpu.memory_space<vmem>>, vector<16xf32>,
        %add3A_736 = arith.addf %add3A_702, %get3A_735 : vector<16xf32>
        %get3A_737 = arith.index_cast %squeeze3A_720 : i32 to index
        %get3A_738 = arith.constant 64 : index
        %get3A_739 = tpu.vector_load %arg7[%get3A_737, %get3A_738] {strides = array<i32>} : memref<129x128xf32, #tpu.memory_space<vmem>>, vector<16xf32>,
        %add3A_740 = arith.addf %add3A_706, %get3A_739 : vector<16xf32>
        %get3A_741 = arith.index_cast %squeeze3A_720 : i32 to index
        %get3A_742 = arith.constant 80 : index
        %get3A_743 = tpu.vector_load %arg7[%get3A_741, %get3A_742] {strides = array<i32>} : memref<129x128xf32, #tpu.memory_space<vmem>>, vector<16xf32>,
        %add3A_744 = arith.addf %add3A_710, %get3A_743 : vector<16xf32>
        %get3A_745 = arith.index_cast %squeeze3A_720 : i32 to index
        %get3A_746 = arith.constant 96 : index
        %get3A_747 = tpu.vector_load %arg7[%get3A_745, %get3A_746] {strides = array<i32>} : memref<129x128xf32, #tpu.memory_space<vmem>>, vector<16xf32>,
        %add3A_748 = arith.addf %add3A_714, %get3A_747 : vector<16xf32>
        %get3A_749 = arith.index_cast %squeeze3A_720 : i32 to index
        %get3A_750 = arith.constant 112 : index
        %get3A_751 = tpu.vector_load %arg7[%get3A_749, %get3A_750] {strides = array<i32>} : memref<129x128xf32, #tpu.memory_space<vmem>>, vector<16xf32>,
        %add3A_752 = arith.addf %add3A_718, %get3A_751 : vector<16xf32>
        %slice3A_753 = vector.extract_strided_slice %get3A_244 {offsets = [15], sizes = [1], strides = [1]} : vector<16xi32> to vector<1xi32>
        %squeeze3A_754 = vector.extract %slice3A_753[0] : i32 from vector<1xi32>
        %get3A_755 = arith.index_cast %squeeze3A_754 : i32 to index
        %get3A_756 = arith.constant 0 : index
        %get3A_757 = tpu.vector_load %arg7[%get3A_755, %get3A_756] {strides = array<i32>} : memref<129x128xf32, #tpu.memory_space<vmem>>, vector<16xf32>,
        %add3A_758 = arith.addf %add3A_724, %get3A_757 : vector<16xf32>
        %get3A_759 = arith.index_cast %squeeze3A_754 : i32 to index
        %get3A_760 = arith.constant 16 : index
        %get3A_761 = tpu.vector_load %arg7[%get3A_759, %get3A_760] {strides = array<i32>} : memref<129x128xf32, #tpu.memory_space<vmem>>, vector<16xf32>,
        %add3A_762 = arith.addf %add3A_728, %get3A_761 : vector<16xf32>
        %get3A_763 = arith.index_cast %squeeze3A_754 : i32 to index
        %get3A_764 = arith.constant 32 : index
        %get3A_765 = tpu.vector_load %arg7[%get3A_763, %get3A_764] {strides = array<i32>} : memref<129x128xf32, #tpu.memory_space<vmem>>, vector<16xf32>,
        %add3A_766 = arith.addf %add3A_732, %get3A_765 : vector<16xf32>
        %get3A_767 = arith.index_cast %squeeze3A_754 : i32 to index
        %get3A_768 = arith.constant 48 : index
        %get3A_769 = tpu.vector_load %arg7[%get3A_767, %get3A_768] {strides = array<i32>} : memref<129x128xf32, #tpu.memory_space<vmem>>, vector<16xf32>,
        %add3A_770 = arith.addf %add3A_736, %get3A_769 : vector<16xf32>
        %get3A_771 = arith.index_cast %squeeze3A_754 : i32 to index
        %get3A_772 = arith.constant 64 : index
        %get3A_773 = tpu.vector_load %arg7[%get3A_771, %get3A_772] {strides = array<i32>} : memref<129x128xf32, #tpu.memory_space<vmem>>, vector<16xf32>,
        %add3A_774 = arith.addf %add3A_740, %get3A_773 : vector<16xf32>
        %get3A_775 = arith.index_cast %squeeze3A_754 : i32 to index
        %get3A_776 = arith.constant 80 : index
        %get3A_777 = tpu.vector_load %arg7[%get3A_775, %get3A_776] {strides = array<i32>} : memref<129x128xf32, #tpu.memory_space<vmem>>, vector<16xf32>,
        %add3A_778 = arith.addf %add3A_744, %get3A_777 : vector<16xf32>
        %get3A_779 = arith.index_cast %squeeze3A_754 : i32 to index
        %get3A_780 = arith.constant 96 : index
        %get3A_781 = tpu.vector_load %arg7[%get3A_779, %get3A_780] {strides = array<i32>} : memref<129x128xf32, #tpu.memory_space<vmem>>, vector<16xf32>,
        %add3A_782 = arith.addf %add3A_748, %get3A_781 : vector<16xf32>
        %get3A_783 = arith.index_cast %squeeze3A_754 : i32 to index
        %get3A_784 = arith.constant 112 : index
        %get3A_785 = tpu.vector_load %arg7[%get3A_783, %get3A_784] {strides = array<i32>} : memref<129x128xf32, #tpu.memory_space<vmem>>, vector<16xf32>,
        %add3A_786 = arith.addf %add3A_752, %get3A_785 : vector<16xf32>
        scf.yield %add3A_758, %add3A_762, %add3A_766, %add3A_770, %add3A_774, %add3A_778, %add3A_782, %add3A_786 : vector<16xf32>, vector<16xf32>, vector<16xf32>, vector<16xf32>, vector<16xf32>, vector<16xf32>, vector<16xf32>, vector<16xf32>
      }
      %while3A_206 = arith.constant 1 : i32
      %while3A_207:8 = scf.for %while3A_232 = %while3A_203 to %while3A_199 step %while3A_206 iter_args(%while3A_233 = %while3A_205#0, %while3A_234 = %while3A_205#1, %while3A_235 = %while3A_205#2, %while3A_236 = %while3A_205#3, %while3A_237 = %while3A_205#4, %while3A_238 = %while3A_205#5, %while3A_239 = %while3A_205#6, %while3A_240 = %while3A_205#7) -> (vector<16xf32>, vector<16xf32>, vector<16xf32>, vector<16xf32>, vector<16xf32>, vector<16xf32>, vector<16xf32>, vector<16xf32>)  : i32 {
        %mul3A_241 = arith.constant 16 : i32
        %mul3A_242 = arith.muli %while3A_232, %mul3A_241 : i32
        %get3A_243 = arith.index_cast %mul3A_242 : i32 to index
        %get3A_244 = tpu.vector_load %arg10[%get3A_243] {strides = array<i32>} : memref<144xi32, #tpu.memory_space<vmem>>, vector<16xi32>,
        %slice3A = vector.extract_strided_slice %get3A_244 {offsets = [0], sizes = [1], strides = [1]} : vector<16xi32> to vector<1xi32>
        %squeeze3A = vector.extract %slice3A[0] : i32 from vector<1xi32>
        %get3A_245 = arith.index_cast %squeeze3A : i32 to index
        %get3A_246 = arith.constant 0 : index
        %get3A_247 = tpu.vector_load %arg7[%get3A_245, %get3A_246] {strides = array<i32>} : memref<129x128xf32, #tpu.memory_space<vmem>>, vector<16xf32>,
        %add3A_248 = arith.addf %while3A_233, %get3A_247 : vector<16xf32>
        %get3A_249 = arith.index_cast %squeeze3A : i32 to index
        %get3A_250 = arith.constant 16 : index
        %get3A_251 = tpu.vector_load %arg7[%get3A_249, %get3A_250] {strides = array<i32>} : memref<129x128xf32, #tpu.memory_space<vmem>>, vector<16xf32>,
        %add3A_252 = arith.addf %while3A_234, %get3A_251 : vector<16xf32>
        %get3A_253 = arith.index_cast %squeeze3A : i32 to index
        %get3A_254 = arith.constant 32 : index
        %get3A_255 = tpu.vector_load %arg7[%get3A_253, %get3A_254] {strides = array<i32>} : memref<129x128xf32, #tpu.memory_space<vmem>>, vector<16xf32>,
        %add3A_256 = arith.addf %while3A_235, %get3A_255 : vector<16xf32>
        %get3A_257 = arith.index_cast %squeeze3A : i32 to index
        %get3A_258 = arith.constant 48 : index
        %get3A_259 = tpu.vector_load %arg7[%get3A_257, %get3A_258] {strides = array<i32>} : memref<129x128xf32, #tpu.memory_space<vmem>>, vector<16xf32>,
        %add3A_260 = arith.addf %while3A_236, %get3A_259 : vector<16xf32>
        %get3A_261 = arith.index_cast %squeeze3A : i32 to index
        %get3A_262 = arith.constant 64 : index
        %get3A_263 = tpu.vector_load %arg7[%get3A_261, %get3A_262] {strides = array<i32>} : memref<129x128xf32, #tpu.memory_space<vmem>>, vector<16xf32>,
        %add3A_264 = arith.addf %while3A_237, %get3A_263 : vector<16xf32>
        %get3A_265 = arith.index_cast %squeeze3A : i32 to index
        %get3A_266 = arith.constant 80 : index
        %get3A_267 = tpu.vector_load %arg7[%get3A_265, %get3A_266] {strides = array<i32>} : memref<129x128xf32, #tpu.memory_space<vmem>>, vector<16xf32>,
        %add3A_268 = arith.addf %while3A_238, %get3A_267 : vector<16xf32>
        %get3A_269 = arith.index_cast %squeeze3A : i32 to index
        %get3A_270 = arith.constant 96 : index
        %get3A_271 = tpu.vector_load %arg7[%get3A_269, %get3A_270] {strides = array<i32>} : memref<129x128xf32, #tpu.memory_space<vmem>>, vector<16xf32>,
        %add3A_272 = arith.addf %while3A_239, %get3A_271 : vector<16xf32>
        %get3A_273 = arith.index_cast %squeeze3A : i32 to index
        %get3A_274 = arith.constant 112 : index
        %get3A_275 = tpu.vector_load %arg7[%get3A_273, %get3A_274] {strides = array<i32>} : memref<129x128xf32, #tpu.memory_space<vmem>>, vector<16xf32>,
        %add3A_276 = arith.addf %while3A_240, %get3A_275 : vector<16xf32>
        %slice3A_277 = vector.extract_strided_slice %get3A_244 {offsets = [1], sizes = [1], strides = [1]} : vector<16xi32> to vector<1xi32>
        %squeeze3A_278 = vector.extract %slice3A_277[0] : i32 from vector<1xi32>
        %get3A_279 = arith.index_cast %squeeze3A_278 : i32 to index
        %get3A_280 = arith.constant 0 : index
        %get3A_281 = tpu.vector_load %arg7[%get3A_279, %get3A_280] {strides = array<i32>} : memref<129x128xf32, #tpu.memory_space<vmem>>, vector<16xf32>,
        %add3A_282 = arith.addf %add3A_248, %get3A_281 : vector<16xf32>
        %get3A_283 = arith.index_cast %squeeze3A_278 : i32 to index
        %get3A_284 = arith.constant 16 : index
        %get3A_285 = tpu.vector_load %arg7[%get3A_283, %get3A_284] {strides = array<i32>} : memref<129x128xf32, #tpu.memory_space<vmem>>, vector<16xf32>,
        %add3A_286 = arith.addf %add3A_252, %get3A_285 : vector<16xf32>
        %get3A_287 = arith.index_cast %squeeze3A_278 : i32 to index
        %get3A_288 = arith.constant 32 : index
        %get3A_289 = tpu.vector_load %arg7[%get3A_287, %get3A_288] {strides = array<i32>} : memref<129x128xf32, #tpu.memory_space<vmem>>, vector<16xf32>,
        %add3A_290 = arith.addf %add3A_256, %get3A_289 : vector<16xf32>
        %get3A_291 = arith.index_cast %squeeze3A_278 : i32 to index
        %get3A_292 = arith.constant 48 : index
        %get3A_293 = tpu.vector_load %arg7[%get3A_291, %get3A_292] {strides = array<i32>} : memref<129x128xf32, #tpu.memory_space<vmem>>, vector<16xf32>,
        %add3A_294 = arith.addf %add3A_260, %get3A_293 : vector<16xf32>
        %get3A_295 = arith.index_cast %squeeze3A_278 : i32 to index
        %get3A_296 = arith.constant 64 : index
        %get3A_297 = tpu.vector_load %arg7[%get3A_295, %get3A_296] {strides = array<i32>} : memref<129x128xf32, #tpu.memory_space<vmem>>, vector<16xf32>,
        %add3A_298 = arith.addf %add3A_264, %get3A_297 : vector<16xf32>
        %get3A_299 = arith.index_cast %squeeze3A_278 : i32 to index
        %get3A_300 = arith.constant 80 : index
        %get3A_301 = tpu.vector_load %arg7[%get3A_299, %get3A_300] {strides = array<i32>} : memref<129x128xf32, #tpu.memory_space<vmem>>, vector<16xf32>,
        %add3A_302 = arith.addf %add3A_268, %get3A_301 : vector<16xf32>
        %get3A_303 = arith.index_cast %squeeze3A_278 : i32 to index
        %get3A_304 = arith.constant 96 : index
        %get3A_305 = tpu.vector_load %arg7[%get3A_303, %get3A_304] {strides = array<i32>} : memref<129x128xf32, #tpu.memory_space<vmem>>, vector<16xf32>,
        %add3A_306 = arith.addf %add3A_272, %get3A_305 : vector<16xf32>
        %get3A_307 = arith.index_cast %squeeze3A_278 : i32 to index
        %get3A_308 = arith.constant 112 : index
        %get3A_309 = tpu.vector_load %arg7[%get3A_307, %get3A_308] {strides = array<i32>} : memref<129x128xf32, #tpu.memory_space<vmem>>, vector<16xf32>,
        %add3A_310 = arith.addf %add3A_276, %get3A_309 : vector<16xf32>
        %slice3A_311 = vector.extract_strided_slice %get3A_244 {offsets = [2], sizes = [1], strides = [1]} : vector<16xi32> to vector<1xi32>
        %squeeze3A_312 = vector.extract %slice3A_311[0] : i32 from vector<1xi32>
        %get3A_313 = arith.index_cast %squeeze3A_312 : i32 to index
        %get3A_314 = arith.constant 0 : index
        %get3A_315 = tpu.vector_load %arg7[%get3A_313, %get3A_314] {strides = array<i32>} : memref<129x128xf32, #tpu.memory_space<vmem>>, vector<16xf32>,
        %add3A_316 = arith.addf %add3A_282, %get3A_315 : vector<16xf32>
        %get3A_317 = arith.index_cast %squeeze3A_312 : i32 to index
        %get3A_318 = arith.constant 16 : index
        %get3A_319 = tpu.vector_load %arg7[%get3A_317, %get3A_318] {strides = array<i32>} : memref<129x128xf32, #tpu.memory_space<vmem>>, vector<16xf32>,
        %add3A_320 = arith.addf %add3A_286, %get3A_319 : vector<16xf32>
        %get3A_321 = arith.index_cast %squeeze3A_312 : i32 to index
        %get3A_322 = arith.constant 32 : index
        %get3A_323 = tpu.vector_load %arg7[%get3A_321, %get3A_322] {strides = array<i32>} : memref<129x128xf32, #tpu.memory_space<vmem>>, vector<16xf32>,
        %add3A_324 = arith.addf %add3A_290, %get3A_323 : vector<16xf32>
        %get3A_325 = arith.index_cast %squeeze3A_312 : i32 to index
        %get3A_326 = arith.constant 48 : index
        %get3A_327 = tpu.vector_load %arg7[%get3A_325, %get3A_326] {strides = array<i32>} : memref<129x128xf32, #tpu.memory_space<vmem>>, vector<16xf32>,
        %add3A_328 = arith.addf %add3A_294, %get3A_327 : vector<16xf32>
        %get3A_329 = arith.index_cast %squeeze3A_312 : i32 to index
        %get3A_330 = arith.constant 64 : index
        %get3A_331 = tpu.vector_load %arg7[%get3A_329, %get3A_330] {strides = array<i32>} : memref<129x128xf32, #tpu.memory_space<vmem>>, vector<16xf32>,
        %add3A_332 = arith.addf %add3A_298, %get3A_331 : vector<16xf32>
        %get3A_333 = arith.index_cast %squeeze3A_312 : i32 to index
        %get3A_334 = arith.constant 80 : index
        %get3A_335 = tpu.vector_load %arg7[%get3A_333, %get3A_334] {strides = array<i32>} : memref<129x128xf32, #tpu.memory_space<vmem>>, vector<16xf32>,
        %add3A_336 = arith.addf %add3A_302, %get3A_335 : vector<16xf32>
        %get3A_337 = arith.index_cast %squeeze3A_312 : i32 to index
        %get3A_338 = arith.constant 96 : index
        %get3A_339 = tpu.vector_load %arg7[%get3A_337, %get3A_338] {strides = array<i32>} : memref<129x128xf32, #tpu.memory_space<vmem>>, vector<16xf32>,
        %add3A_340 = arith.addf %add3A_306, %get3A_339 : vector<16xf32>
        %get3A_341 = arith.index_cast %squeeze3A_312 : i32 to index
        %get3A_342 = arith.constant 112 : index
        %get3A_343 = tpu.vector_load %arg7[%get3A_341, %get3A_342] {strides = array<i32>} : memref<129x128xf32, #tpu.memory_space<vmem>>, vector<16xf32>,
        %add3A_344 = arith.addf %add3A_310, %get3A_343 : vector<16xf32>
        %slice3A_345 = vector.extract_strided_slice %get3A_244 {offsets = [3], sizes = [1], strides = [1]} : vector<16xi32> to vector<1xi32>
        %squeeze3A_346 = vector.extract %slice3A_345[0] : i32 from vector<1xi32>
        %get3A_347 = arith.index_cast %squeeze3A_346 : i32 to index
        %get3A_348 = arith.constant 0 : index
        %get3A_349 = tpu.vector_load %arg7[%get3A_347, %get3A_348] {strides = array<i32>} : memref<129x128xf32, #tpu.memory_space<vmem>>, vector<16xf32>,
        %add3A_350 = arith.addf %add3A_316, %get3A_349 : vector<16xf32>
        %get3A_351 = arith.index_cast %squeeze3A_346 : i32 to index
        %get3A_352 = arith.constant 16 : index
        %get3A_353 = tpu.vector_load %arg7[%get3A_351, %get3A_352] {strides = array<i32>} : memref<129x128xf32, #tpu.memory_space<vmem>>, vector<16xf32>,
        %add3A_354 = arith.addf %add3A_320, %get3A_353 : vector<16xf32>
        %get3A_355 = arith.index_cast %squeeze3A_346 : i32 to index
        %get3A_356 = arith.constant 32 : index
        %get3A_357 = tpu.vector_load %arg7[%get3A_355, %get3A_356] {strides = array<i32>} : memref<129x128xf32, #tpu.memory_space<vmem>>, vector<16xf32>,
        %add3A_358 = arith.addf %add3A_324, %get3A_357 : vector<16xf32>
        %get3A_359 = arith.index_cast %squeeze3A_346 : i32 to index
        %get3A_360 = arith.constant 48 : index
        %get3A_361 = tpu.vector_load %arg7[%get3A_359, %get3A_360] {strides = array<i32>} : memref<129x128xf32, #tpu.memory_space<vmem>>, vector<16xf32>,
        %add3A_362 = arith.addf %add3A_328, %get3A_361 : vector<16xf32>
        %get3A_363 = arith.index_cast %squeeze3A_346 : i32 to index
        %get3A_364 = arith.constant 64 : index
        %get3A_365 = tpu.vector_load %arg7[%get3A_363, %get3A_364] {strides = array<i32>} : memref<129x128xf32, #tpu.memory_space<vmem>>, vector<16xf32>,
        %add3A_366 = arith.addf %add3A_332, %get3A_365 : vector<16xf32>
        %get3A_367 = arith.index_cast %squeeze3A_346 : i32 to index
        %get3A_368 = arith.constant 80 : index
        %get3A_369 = tpu.vector_load %arg7[%get3A_367, %get3A_368] {strides = array<i32>} : memref<129x128xf32, #tpu.memory_space<vmem>>, vector<16xf32>,
        %add3A_370 = arith.addf %add3A_336, %get3A_369 : vector<16xf32>
        %get3A_371 = arith.index_cast %squeeze3A_346 : i32 to index
        %get3A_372 = arith.constant 96 : index
        %get3A_373 = tpu.vector_load %arg7[%get3A_371, %get3A_372] {strides = array<i32>} : memref<129x128xf32, #tpu.memory_space<vmem>>, vector<16xf32>,
        %add3A_374 = arith.addf %add3A_340, %get3A_373 : vector<16xf32>
        %get3A_375 = arith.index_cast %squeeze3A_346 : i32 to index
        %get3A_376 = arith.constant 112 : index
        %get3A_377 = tpu.vector_load %arg7[%get3A_375, %get3A_376] {strides = array<i32>} : memref<129x128xf32, #tpu.memory_space<vmem>>, vector<16xf32>,
        %add3A_378 = arith.addf %add3A_344, %get3A_377 : vector<16xf32>
        %slice3A_379 = vector.extract_strided_slice %get3A_244 {offsets = [4], sizes = [1], strides = [1]} : vector<16xi32> to vector<1xi32>
        %squeeze3A_380 = vector.extract %slice3A_379[0] : i32 from vector<1xi32>
        %get3A_381 = arith.index_cast %squeeze3A_380 : i32 to index
        %get3A_382 = arith.constant 0 : index
        %get3A_383 = tpu.vector_load %arg7[%get3A_381, %get3A_382] {strides = array<i32>} : memref<129x128xf32, #tpu.memory_space<vmem>>, vector<16xf32>,
        %add3A_384 = arith.addf %add3A_350, %get3A_383 : vector<16xf32>
        %get3A_385 = arith.index_cast %squeeze3A_380 : i32 to index
        %get3A_386 = arith.constant 16 : index
        %get3A_387 = tpu.vector_load %arg7[%get3A_385, %get3A_386] {strides = array<i32>} : memref<129x128xf32, #tpu.memory_space<vmem>>, vector<16xf32>,
        %add3A_388 = arith.addf %add3A_354, %get3A_387 : vector<16xf32>
        %get3A_389 = arith.index_cast %squeeze3A_380 : i32 to index
        %get3A_390 = arith.constant 32 : index
        %get3A_391 = tpu.vector_load %arg7[%get3A_389, %get3A_390] {strides = array<i32>} : memref<129x128xf32, #tpu.memory_space<vmem>>, vector<16xf32>,
        %add3A_392 = arith.addf %add3A_358, %get3A_391 : vector<16xf32>
        %get3A_393 = arith.index_cast %squeeze3A_380 : i32 to index
        %get3A_394 = arith.constant 48 : index
        %get3A_395 = tpu.vector_load %arg7[%get3A_393, %get3A_394] {strides = array<i32>} : memref<129x128xf32, #tpu.memory_space<vmem>>, vector<16xf32>,
        %add3A_396 = arith.addf %add3A_362, %get3A_395 : vector<16xf32>
        %get3A_397 = arith.index_cast %squeeze3A_380 : i32 to index
        %get3A_398 = arith.constant 64 : index
        %get3A_399 = tpu.vector_load %arg7[%get3A_397, %get3A_398] {strides = array<i32>} : memref<129x128xf32, #tpu.memory_space<vmem>>, vector<16xf32>,
        %add3A_400 = arith.addf %add3A_366, %get3A_399 : vector<16xf32>
        %get3A_401 = arith.index_cast %squeeze3A_380 : i32 to index
        %get3A_402 = arith.constant 80 : index
        %get3A_403 = tpu.vector_load %arg7[%get3A_401, %get3A_402] {strides = array<i32>} : memref<129x128xf32, #tpu.memory_space<vmem>>, vector<16xf32>,
        %add3A_404 = arith.addf %add3A_370, %get3A_403 : vector<16xf32>
        %get3A_405 = arith.index_cast %squeeze3A_380 : i32 to index
        %get3A_406 = arith.constant 96 : index
        %get3A_407 = tpu.vector_load %arg7[%get3A_405, %get3A_406] {strides = array<i32>} : memref<129x128xf32, #tpu.memory_space<vmem>>, vector<16xf32>,
        %add3A_408 = arith.addf %add3A_374, %get3A_407 : vector<16xf32>
        %get3A_409 = arith.index_cast %squeeze3A_380 : i32 to index
        %get3A_410 = arith.constant 112 : index
        %get3A_411 = tpu.vector_load %arg7[%get3A_409, %get3A_410] {strides = array<i32>} : memref<129x128xf32, #tpu.memory_space<vmem>>, vector<16xf32>,
        %add3A_412 = arith.addf %add3A_378, %get3A_411 : vector<16xf32>
        %slice3A_413 = vector.extract_strided_slice %get3A_244 {offsets = [5], sizes = [1], strides = [1]} : vector<16xi32> to vector<1xi32>
        %squeeze3A_414 = vector.extract %slice3A_413[0] : i32 from vector<1xi32>
        %get3A_415 = arith.index_cast %squeeze3A_414 : i32 to index
        %get3A_416 = arith.constant 0 : index
        %get3A_417 = tpu.vector_load %arg7[%get3A_415, %get3A_416] {strides = array<i32>} : memref<129x128xf32, #tpu.memory_space<vmem>>, vector<16xf32>,
        %add3A_418 = arith.addf %add3A_384, %get3A_417 : vector<16xf32>
        %get3A_419 = arith.index_cast %squeeze3A_414 : i32 to index
        %get3A_420 = arith.constant 16 : index
        %get3A_421 = tpu.vector_load %arg7[%get3A_419, %get3A_420] {strides = array<i32>} : memref<129x128xf32, #tpu.memory_space<vmem>>, vector<16xf32>,
        %add3A_422 = arith.addf %add3A_388, %get3A_421 : vector<16xf32>
        %get3A_423 = arith.index_cast %squeeze3A_414 : i32 to index
        %get3A_424 = arith.constant 32 : index
        %get3A_425 = tpu.vector_load %arg7[%get3A_423, %get3A_424] {strides = array<i32>} : memref<129x128xf32, #tpu.memory_space<vmem>>, vector<16xf32>,
        %add3A_426 = arith.addf %add3A_392, %get3A_425 : vector<16xf32>
        %get3A_427 = arith.index_cast %squeeze3A_414 : i32 to index
        %get3A_428 = arith.constant 48 : index
        %get3A_429 = tpu.vector_load %arg7[%get3A_427, %get3A_428] {strides = array<i32>} : memref<129x128xf32, #tpu.memory_space<vmem>>, vector<16xf32>,
        %add3A_430 = arith.addf %add3A_396, %get3A_429 : vector<16xf32>
        %get3A_431 = arith.index_cast %squeeze3A_414 : i32 to index
        %get3A_432 = arith.constant 64 : index
        %get3A_433 = tpu.vector_load %arg7[%get3A_431, %get3A_432] {strides = array<i32>} : memref<129x128xf32, #tpu.memory_space<vmem>>, vector<16xf32>,
        %add3A_434 = arith.addf %add3A_400, %get3A_433 : vector<16xf32>
        %get3A_435 = arith.index_cast %squeeze3A_414 : i32 to index
        %get3A_436 = arith.constant 80 : index
        %get3A_437 = tpu.vector_load %arg7[%get3A_435, %get3A_436] {strides = array<i32>} : memref<129x128xf32, #tpu.memory_space<vmem>>, vector<16xf32>,
        %add3A_438 = arith.addf %add3A_404, %get3A_437 : vector<16xf32>
        %get3A_439 = arith.index_cast %squeeze3A_414 : i32 to index
        %get3A_440 = arith.constant 96 : index
        %get3A_441 = tpu.vector_load %arg7[%get3A_439, %get3A_440] {strides = array<i32>} : memref<129x128xf32, #tpu.memory_space<vmem>>, vector<16xf32>,
        %add3A_442 = arith.addf %add3A_408, %get3A_441 : vector<16xf32>
        %get3A_443 = arith.index_cast %squeeze3A_414 : i32 to index
        %get3A_444 = arith.constant 112 : index
        %get3A_445 = tpu.vector_load %arg7[%get3A_443, %get3A_444] {strides = array<i32>} : memref<129x128xf32, #tpu.memory_space<vmem>>, vector<16xf32>,
        %add3A_446 = arith.addf %add3A_412, %get3A_445 : vector<16xf32>
        %slice3A_447 = vector.extract_strided_slice %get3A_244 {offsets = [6], sizes = [1], strides = [1]} : vector<16xi32> to vector<1xi32>
        %squeeze3A_448 = vector.extract %slice3A_447[0] : i32 from vector<1xi32>
        %get3A_449 = arith.index_cast %squeeze3A_448 : i32 to index
        %get3A_450 = arith.constant 0 : index
        %get3A_451 = tpu.vector_load %arg7[%get3A_449, %get3A_450] {strides = array<i32>} : memref<129x128xf32, #tpu.memory_space<vmem>>, vector<16xf32>,
        %add3A_452 = arith.addf %add3A_418, %get3A_451 : vector<16xf32>
        %get3A_453 = arith.index_cast %squeeze3A_448 : i32 to index
        %get3A_454 = arith.constant 16 : index
        %get3A_455 = tpu.vector_load %arg7[%get3A_453, %get3A_454] {strides = array<i32>} : memref<129x128xf32, #tpu.memory_space<vmem>>, vector<16xf32>,
        %add3A_456 = arith.addf %add3A_422, %get3A_455 : vector<16xf32>
        %get3A_457 = arith.index_cast %squeeze3A_448 : i32 to index
        %get3A_458 = arith.constant 32 : index
        %get3A_459 = tpu.vector_load %arg7[%get3A_457, %get3A_458] {strides = array<i32>} : memref<129x128xf32, #tpu.memory_space<vmem>>, vector<16xf32>,
        %add3A_460 = arith.addf %add3A_426, %get3A_459 : vector<16xf32>
        %get3A_461 = arith.index_cast %squeeze3A_448 : i32 to index
        %get3A_462 = arith.constant 48 : index
        %get3A_463 = tpu.vector_load %arg7[%get3A_461, %get3A_462] {strides = array<i32>} : memref<129x128xf32, #tpu.memory_space<vmem>>, vector<16xf32>,
        %add3A_464 = arith.addf %add3A_430, %get3A_463 : vector<16xf32>
        %get3A_465 = arith.index_cast %squeeze3A_448 : i32 to index
        %get3A_466 = arith.constant 64 : index
        %get3A_467 = tpu.vector_load %arg7[%get3A_465, %get3A_466] {strides = array<i32>} : memref<129x128xf32, #tpu.memory_space<vmem>>, vector<16xf32>,
        %add3A_468 = arith.addf %add3A_434, %get3A_467 : vector<16xf32>
        %get3A_469 = arith.index_cast %squeeze3A_448 : i32 to index
        %get3A_470 = arith.constant 80 : index
        %get3A_471 = tpu.vector_load %arg7[%get3A_469, %get3A_470] {strides = array<i32>} : memref<129x128xf32, #tpu.memory_space<vmem>>, vector<16xf32>,
        %add3A_472 = arith.addf %add3A_438, %get3A_471 : vector<16xf32>
        %get3A_473 = arith.index_cast %squeeze3A_448 : i32 to index
        %get3A_474 = arith.constant 96 : index
        %get3A_475 = tpu.vector_load %arg7[%get3A_473, %get3A_474] {strides = array<i32>} : memref<129x128xf32, #tpu.memory_space<vmem>>, vector<16xf32>,
        %add3A_476 = arith.addf %add3A_442, %get3A_475 : vector<16xf32>
        %get3A_477 = arith.index_cast %squeeze3A_448 : i32 to index
        %get3A_478 = arith.constant 112 : index
        %get3A_479 = tpu.vector_load %arg7[%get3A_477, %get3A_478] {strides = array<i32>} : memref<129x128xf32, #tpu.memory_space<vmem>>, vector<16xf32>,
        %add3A_480 = arith.addf %add3A_446, %get3A_479 : vector<16xf32>
        %slice3A_481 = vector.extract_strided_slice %get3A_244 {offsets = [7], sizes = [1], strides = [1]} : vector<16xi32> to vector<1xi32>
        %squeeze3A_482 = vector.extract %slice3A_481[0] : i32 from vector<1xi32>
        %get3A_483 = arith.index_cast %squeeze3A_482 : i32 to index
        %get3A_484 = arith.constant 0 : index
        %get3A_485 = tpu.vector_load %arg7[%get3A_483, %get3A_484] {strides = array<i32>} : memref<129x128xf32, #tpu.memory_space<vmem>>, vector<16xf32>,
        %add3A_486 = arith.addf %add3A_452, %get3A_485 : vector<16xf32>
        %get3A_487 = arith.index_cast %squeeze3A_482 : i32 to index
        %get3A_488 = arith.constant 16 : index
        %get3A_489 = tpu.vector_load %arg7[%get3A_487, %get3A_488] {strides = array<i32>} : memref<129x128xf32, #tpu.memory_space<vmem>>, vector<16xf32>,
        %add3A_490 = arith.addf %add3A_456, %get3A_489 : vector<16xf32>
        %get3A_491 = arith.index_cast %squeeze3A_482 : i32 to index
        %get3A_492 = arith.constant 32 : index
        %get3A_493 = tpu.vector_load %arg7[%get3A_491, %get3A_492] {strides = array<i32>} : memref<129x128xf32, #tpu.memory_space<vmem>>, vector<16xf32>,
        %add3A_494 = arith.addf %add3A_460, %get3A_493 : vector<16xf32>
        %get3A_495 = arith.index_cast %squeeze3A_482 : i32 to index
        %get3A_496 = arith.constant 48 : index
        %get3A_497 = tpu.vector_load %arg7[%get3A_495, %get3A_496] {strides = array<i32>} : memref<129x128xf32, #tpu.memory_space<vmem>>, vector<16xf32>,
        %add3A_498 = arith.addf %add3A_464, %get3A_497 : vector<16xf32>
        %get3A_499 = arith.index_cast %squeeze3A_482 : i32 to index
        %get3A_500 = arith.constant 64 : index
        %get3A_501 = tpu.vector_load %arg7[%get3A_499, %get3A_500] {strides = array<i32>} : memref<129x128xf32, #tpu.memory_space<vmem>>, vector<16xf32>,
        %add3A_502 = arith.addf %add3A_468, %get3A_501 : vector<16xf32>
        %get3A_503 = arith.index_cast %squeeze3A_482 : i32 to index
        %get3A_504 = arith.constant 80 : index
        %get3A_505 = tpu.vector_load %arg7[%get3A_503, %get3A_504] {strides = array<i32>} : memref<129x128xf32, #tpu.memory_space<vmem>>, vector<16xf32>,
        %add3A_506 = arith.addf %add3A_472, %get3A_505 : vector<16xf32>
        %get3A_507 = arith.index_cast %squeeze3A_482 : i32 to index
        %get3A_508 = arith.constant 96 : index
        %get3A_509 = tpu.vector_load %arg7[%get3A_507, %get3A_508] {strides = array<i32>} : memref<129x128xf32, #tpu.memory_space<vmem>>, vector<16xf32>,
        %add3A_510 = arith.addf %add3A_476, %get3A_509 : vector<16xf32>
        %get3A_511 = arith.index_cast %squeeze3A_482 : i32 to index
        %get3A_512 = arith.constant 112 : index
        %get3A_513 = tpu.vector_load %arg7[%get3A_511, %get3A_512] {strides = array<i32>} : memref<129x128xf32, #tpu.memory_space<vmem>>, vector<16xf32>,
        %add3A_514 = arith.addf %add3A_480, %get3A_513 : vector<16xf32>
        %slice3A_515 = vector.extract_strided_slice %get3A_244 {offsets = [8], sizes = [1], strides = [1]} : vector<16xi32> to vector<1xi32>
        %squeeze3A_516 = vector.extract %slice3A_515[0] : i32 from vector<1xi32>
        %get3A_517 = arith.index_cast %squeeze3A_516 : i32 to index
        %get3A_518 = arith.constant 0 : index
        %get3A_519 = tpu.vector_load %arg7[%get3A_517, %get3A_518] {strides = array<i32>} : memref<129x128xf32, #tpu.memory_space<vmem>>, vector<16xf32>,
        %add3A_520 = arith.addf %add3A_486, %get3A_519 : vector<16xf32>
        %get3A_521 = arith.index_cast %squeeze3A_516 : i32 to index
        %get3A_522 = arith.constant 16 : index
        %get3A_523 = tpu.vector_load %arg7[%get3A_521, %get3A_522] {strides = array<i32>} : memref<129x128xf32, #tpu.memory_space<vmem>>, vector<16xf32>,
        %add3A_524 = arith.addf %add3A_490, %get3A_523 : vector<16xf32>
        %get3A_525 = arith.index_cast %squeeze3A_516 : i32 to index
        %get3A_526 = arith.constant 32 : index
        %get3A_527 = tpu.vector_load %arg7[%get3A_525, %get3A_526] {strides = array<i32>} : memref<129x128xf32, #tpu.memory_space<vmem>>, vector<16xf32>,
        %add3A_528 = arith.addf %add3A_494, %get3A_527 : vector<16xf32>
        %get3A_529 = arith.index_cast %squeeze3A_516 : i32 to index
        %get3A_530 = arith.constant 48 : index
        %get3A_531 = tpu.vector_load %arg7[%get3A_529, %get3A_530] {strides = array<i32>} : memref<129x128xf32, #tpu.memory_space<vmem>>, vector<16xf32>,
        %add3A_532 = arith.addf %add3A_498, %get3A_531 : vector<16xf32>
        %get3A_533 = arith.index_cast %squeeze3A_516 : i32 to index
        %get3A_534 = arith.constant 64 : index
        %get3A_535 = tpu.vector_load %arg7[%get3A_533, %get3A_534] {strides = array<i32>} : memref<129x128xf32, #tpu.memory_space<vmem>>, vector<16xf32>,
        %add3A_536 = arith.addf %add3A_502, %get3A_535 : vector<16xf32>
        %get3A_537 = arith.index_cast %squeeze3A_516 : i32 to index
        %get3A_538 = arith.constant 80 : index
        %get3A_539 = tpu.vector_load %arg7[%get3A_537, %get3A_538] {strides = array<i32>} : memref<129x128xf32, #tpu.memory_space<vmem>>, vector<16xf32>,
        %add3A_540 = arith.addf %add3A_506, %get3A_539 : vector<16xf32>
        %get3A_541 = arith.index_cast %squeeze3A_516 : i32 to index
        %get3A_542 = arith.constant 96 : index
        %get3A_543 = tpu.vector_load %arg7[%get3A_541, %get3A_542] {strides = array<i32>} : memref<129x128xf32, #tpu.memory_space<vmem>>, vector<16xf32>,
        %add3A_544 = arith.addf %add3A_510, %get3A_543 : vector<16xf32>
        %get3A_545 = arith.index_cast %squeeze3A_516 : i32 to index
        %get3A_546 = arith.constant 112 : index
        %get3A_547 = tpu.vector_load %arg7[%get3A_545, %get3A_546] {strides = array<i32>} : memref<129x128xf32, #tpu.memory_space<vmem>>, vector<16xf32>,
        %add3A_548 = arith.addf %add3A_514, %get3A_547 : vector<16xf32>
        %slice3A_549 = vector.extract_strided_slice %get3A_244 {offsets = [9], sizes = [1], strides = [1]} : vector<16xi32> to vector<1xi32>
        %squeeze3A_550 = vector.extract %slice3A_549[0] : i32 from vector<1xi32>
        %get3A_551 = arith.index_cast %squeeze3A_550 : i32 to index
        %get3A_552 = arith.constant 0 : index
        %get3A_553 = tpu.vector_load %arg7[%get3A_551, %get3A_552] {strides = array<i32>} : memref<129x128xf32, #tpu.memory_space<vmem>>, vector<16xf32>,
        %add3A_554 = arith.addf %add3A_520, %get3A_553 : vector<16xf32>
        %get3A_555 = arith.index_cast %squeeze3A_550 : i32 to index
        %get3A_556 = arith.constant 16 : index
        %get3A_557 = tpu.vector_load %arg7[%get3A_555, %get3A_556] {strides = array<i32>} : memref<129x128xf32, #tpu.memory_space<vmem>>, vector<16xf32>,
        %add3A_558 = arith.addf %add3A_524, %get3A_557 : vector<16xf32>
        %get3A_559 = arith.index_cast %squeeze3A_550 : i32 to index
        %get3A_560 = arith.constant 32 : index
        %get3A_561 = tpu.vector_load %arg7[%get3A_559, %get3A_560] {strides = array<i32>} : memref<129x128xf32, #tpu.memory_space<vmem>>, vector<16xf32>,
        %add3A_562 = arith.addf %add3A_528, %get3A_561 : vector<16xf32>
        %get3A_563 = arith.index_cast %squeeze3A_550 : i32 to index
        %get3A_564 = arith.constant 48 : index
        %get3A_565 = tpu.vector_load %arg7[%get3A_563, %get3A_564] {strides = array<i32>} : memref<129x128xf32, #tpu.memory_space<vmem>>, vector<16xf32>,
        %add3A_566 = arith.addf %add3A_532, %get3A_565 : vector<16xf32>
        %get3A_567 = arith.index_cast %squeeze3A_550 : i32 to index
        %get3A_568 = arith.constant 64 : index
        %get3A_569 = tpu.vector_load %arg7[%get3A_567, %get3A_568] {strides = array<i32>} : memref<129x128xf32, #tpu.memory_space<vmem>>, vector<16xf32>,
        %add3A_570 = arith.addf %add3A_536, %get3A_569 : vector<16xf32>
        %get3A_571 = arith.index_cast %squeeze3A_550 : i32 to index
        %get3A_572 = arith.constant 80 : index
        %get3A_573 = tpu.vector_load %arg7[%get3A_571, %get3A_572] {strides = array<i32>} : memref<129x128xf32, #tpu.memory_space<vmem>>, vector<16xf32>,
        %add3A_574 = arith.addf %add3A_540, %get3A_573 : vector<16xf32>
        %get3A_575 = arith.index_cast %squeeze3A_550 : i32 to index
        %get3A_576 = arith.constant 96 : index
        %get3A_577 = tpu.vector_load %arg7[%get3A_575, %get3A_576] {strides = array<i32>} : memref<129x128xf32, #tpu.memory_space<vmem>>, vector<16xf32>,
        %add3A_578 = arith.addf %add3A_544, %get3A_577 : vector<16xf32>
        %get3A_579 = arith.index_cast %squeeze3A_550 : i32 to index
        %get3A_580 = arith.constant 112 : index
        %get3A_581 = tpu.vector_load %arg7[%get3A_579, %get3A_580] {strides = array<i32>} : memref<129x128xf32, #tpu.memory_space<vmem>>, vector<16xf32>,
        %add3A_582 = arith.addf %add3A_548, %get3A_581 : vector<16xf32>
        %slice3A_583 = vector.extract_strided_slice %get3A_244 {offsets = [10], sizes = [1], strides = [1]} : vector<16xi32> to vector<1xi32>
        %squeeze3A_584 = vector.extract %slice3A_583[0] : i32 from vector<1xi32>
        %get3A_585 = arith.index_cast %squeeze3A_584 : i32 to index
        %get3A_586 = arith.constant 0 : index
        %get3A_587 = tpu.vector_load %arg7[%get3A_585, %get3A_586] {strides = array<i32>} : memref<129x128xf32, #tpu.memory_space<vmem>>, vector<16xf32>,
        %add3A_588 = arith.addf %add3A_554, %get3A_587 : vector<16xf32>
        %get3A_589 = arith.index_cast %squeeze3A_584 : i32 to index
        %get3A_590 = arith.constant 16 : index
        %get3A_591 = tpu.vector_load %arg7[%get3A_589, %get3A_590] {strides = array<i32>} : memref<129x128xf32, #tpu.memory_space<vmem>>, vector<16xf32>,
        %add3A_592 = arith.addf %add3A_558, %get3A_591 : vector<16xf32>
        %get3A_593 = arith.index_cast %squeeze3A_584 : i32 to index
        %get3A_594 = arith.constant 32 : index
        %get3A_595 = tpu.vector_load %arg7[%get3A_593, %get3A_594] {strides = array<i32>} : memref<129x128xf32, #tpu.memory_space<vmem>>, vector<16xf32>,
        %add3A_596 = arith.addf %add3A_562, %get3A_595 : vector<16xf32>
        %get3A_597 = arith.index_cast %squeeze3A_584 : i32 to index
        %get3A_598 = arith.constant 48 : index
        %get3A_599 = tpu.vector_load %arg7[%get3A_597, %get3A_598] {strides = array<i32>} : memref<129x128xf32, #tpu.memory_space<vmem>>, vector<16xf32>,
        %add3A_600 = arith.addf %add3A_566, %get3A_599 : vector<16xf32>
        %get3A_601 = arith.index_cast %squeeze3A_584 : i32 to index
        %get3A_602 = arith.constant 64 : index
        %get3A_603 = tpu.vector_load %arg7[%get3A_601, %get3A_602] {strides = array<i32>} : memref<129x128xf32, #tpu.memory_space<vmem>>, vector<16xf32>,
        %add3A_604 = arith.addf %add3A_570, %get3A_603 : vector<16xf32>
        %get3A_605 = arith.index_cast %squeeze3A_584 : i32 to index
        %get3A_606 = arith.constant 80 : index
        %get3A_607 = tpu.vector_load %arg7[%get3A_605, %get3A_606] {strides = array<i32>} : memref<129x128xf32, #tpu.memory_space<vmem>>, vector<16xf32>,
        %add3A_608 = arith.addf %add3A_574, %get3A_607 : vector<16xf32>
        %get3A_609 = arith.index_cast %squeeze3A_584 : i32 to index
        %get3A_610 = arith.constant 96 : index
        %get3A_611 = tpu.vector_load %arg7[%get3A_609, %get3A_610] {strides = array<i32>} : memref<129x128xf32, #tpu.memory_space<vmem>>, vector<16xf32>,
        %add3A_612 = arith.addf %add3A_578, %get3A_611 : vector<16xf32>
        %get3A_613 = arith.index_cast %squeeze3A_584 : i32 to index
        %get3A_614 = arith.constant 112 : index
        %get3A_615 = tpu.vector_load %arg7[%get3A_613, %get3A_614] {strides = array<i32>} : memref<129x128xf32, #tpu.memory_space<vmem>>, vector<16xf32>,
        %add3A_616 = arith.addf %add3A_582, %get3A_615 : vector<16xf32>
        %slice3A_617 = vector.extract_strided_slice %get3A_244 {offsets = [11], sizes = [1], strides = [1]} : vector<16xi32> to vector<1xi32>
        %squeeze3A_618 = vector.extract %slice3A_617[0] : i32 from vector<1xi32>
        %get3A_619 = arith.index_cast %squeeze3A_618 : i32 to index
        %get3A_620 = arith.constant 0 : index
        %get3A_621 = tpu.vector_load %arg7[%get3A_619, %get3A_620] {strides = array<i32>} : memref<129x128xf32, #tpu.memory_space<vmem>>, vector<16xf32>,
        %add3A_622 = arith.addf %add3A_588, %get3A_621 : vector<16xf32>
        %get3A_623 = arith.index_cast %squeeze3A_618 : i32 to index
        %get3A_624 = arith.constant 16 : index
        %get3A_625 = tpu.vector_load %arg7[%get3A_623, %get3A_624] {strides = array<i32>} : memref<129x128xf32, #tpu.memory_space<vmem>>, vector<16xf32>,
        %add3A_626 = arith.addf %add3A_592, %get3A_625 : vector<16xf32>
        %get3A_627 = arith.index_cast %squeeze3A_618 : i32 to index
        %get3A_628 = arith.constant 32 : index
        %get3A_629 = tpu.vector_load %arg7[%get3A_627, %get3A_628] {strides = array<i32>} : memref<129x128xf32, #tpu.memory_space<vmem>>, vector<16xf32>,
        %add3A_630 = arith.addf %add3A_596, %get3A_629 : vector<16xf32>
        %get3A_631 = arith.index_cast %squeeze3A_618 : i32 to index
        %get3A_632 = arith.constant 48 : index
        %get3A_633 = tpu.vector_load %arg7[%get3A_631, %get3A_632] {strides = array<i32>} : memref<129x128xf32, #tpu.memory_space<vmem>>, vector<16xf32>,
        %add3A_634 = arith.addf %add3A_600, %get3A_633 : vector<16xf32>
        %get3A_635 = arith.index_cast %squeeze3A_618 : i32 to index
        %get3A_636 = arith.constant 64 : index
        %get3A_637 = tpu.vector_load %arg7[%get3A_635, %get3A_636] {strides = array<i32>} : memref<129x128xf32, #tpu.memory_space<vmem>>, vector<16xf32>,
        %add3A_638 = arith.addf %add3A_604, %get3A_637 : vector<16xf32>
        %get3A_639 = arith.index_cast %squeeze3A_618 : i32 to index
        %get3A_640 = arith.constant 80 : index
        %get3A_641 = tpu.vector_load %arg7[%get3A_639, %get3A_640] {strides = array<i32>} : memref<129x128xf32, #tpu.memory_space<vmem>>, vector<16xf32>,
        %add3A_642 = arith.addf %add3A_608, %get3A_641 : vector<16xf32>
        %get3A_643 = arith.index_cast %squeeze3A_618 : i32 to index
        %get3A_644 = arith.constant 96 : index
        %get3A_645 = tpu.vector_load %arg7[%get3A_643, %get3A_644] {strides = array<i32>} : memref<129x128xf32, #tpu.memory_space<vmem>>, vector<16xf32>,
        %add3A_646 = arith.addf %add3A_612, %get3A_645 : vector<16xf32>
        %get3A_647 = arith.index_cast %squeeze3A_618 : i32 to index
        %get3A_648 = arith.constant 112 : index
        %get3A_649 = tpu.vector_load %arg7[%get3A_647, %get3A_648] {strides = array<i32>} : memref<129x128xf32, #tpu.memory_space<vmem>>, vector<16xf32>,
        %add3A_650 = arith.addf %add3A_616, %get3A_649 : vector<16xf32>
        %slice3A_651 = vector.extract_strided_slice %get3A_244 {offsets = [12], sizes = [1], strides = [1]} : vector<16xi32> to vector<1xi32>
        %squeeze3A_652 = vector.extract %slice3A_651[0] : i32 from vector<1xi32>
        %get3A_653 = arith.index_cast %squeeze3A_652 : i32 to index
        %get3A_654 = arith.constant 0 : index
        %get3A_655 = tpu.vector_load %arg7[%get3A_653, %get3A_654] {strides = array<i32>} : memref<129x128xf32, #tpu.memory_space<vmem>>, vector<16xf32>,
        %add3A_656 = arith.addf %add3A_622, %get3A_655 : vector<16xf32>
        %get3A_657 = arith.index_cast %squeeze3A_652 : i32 to index
        %get3A_658 = arith.constant 16 : index
        %get3A_659 = tpu.vector_load %arg7[%get3A_657, %get3A_658] {strides = array<i32>} : memref<129x128xf32, #tpu.memory_space<vmem>>, vector<16xf32>,
        %add3A_660 = arith.addf %add3A_626, %get3A_659 : vector<16xf32>
        %get3A_661 = arith.index_cast %squeeze3A_652 : i32 to index
        %get3A_662 = arith.constant 32 : index
        %get3A_663 = tpu.vector_load %arg7[%get3A_661, %get3A_662] {strides = array<i32>} : memref<129x128xf32, #tpu.memory_space<vmem>>, vector<16xf32>,
        %add3A_664 = arith.addf %add3A_630, %get3A_663 : vector<16xf32>
        %get3A_665 = arith.index_cast %squeeze3A_652 : i32 to index
        %get3A_666 = arith.constant 48 : index
        %get3A_667 = tpu.vector_load %arg7[%get3A_665, %get3A_666] {strides = array<i32>} : memref<129x128xf32, #tpu.memory_space<vmem>>, vector<16xf32>,
        %add3A_668 = arith.addf %add3A_634, %get3A_667 : vector<16xf32>
        %get3A_669 = arith.index_cast %squeeze3A_652 : i32 to index
        %get3A_670 = arith.constant 64 : index
        %get3A_671 = tpu.vector_load %arg7[%get3A_669, %get3A_670] {strides = array<i32>} : memref<129x128xf32, #tpu.memory_space<vmem>>, vector<16xf32>,
        %add3A_672 = arith.addf %add3A_638, %get3A_671 : vector<16xf32>
        %get3A_673 = arith.index_cast %squeeze3A_652 : i32 to index
        %get3A_674 = arith.constant 80 : index
        %get3A_675 = tpu.vector_load %arg7[%get3A_673, %get3A_674] {strides = array<i32>} : memref<129x128xf32, #tpu.memory_space<vmem>>, vector<16xf32>,
        %add3A_676 = arith.addf %add3A_642, %get3A_675 : vector<16xf32>
        %get3A_677 = arith.index_cast %squeeze3A_652 : i32 to index
        %get3A_678 = arith.constant 96 : index
        %get3A_679 = tpu.vector_load %arg7[%get3A_677, %get3A_678] {strides = array<i32>} : memref<129x128xf32, #tpu.memory_space<vmem>>, vector<16xf32>,
        %add3A_680 = arith.addf %add3A_646, %get3A_679 : vector<16xf32>
        %get3A_681 = arith.index_cast %squeeze3A_652 : i32 to index
        %get3A_682 = arith.constant 112 : index
        %get3A_683 = tpu.vector_load %arg7[%get3A_681, %get3A_682] {strides = array<i32>} : memref<129x128xf32, #tpu.memory_space<vmem>>, vector<16xf32>,
        %add3A_684 = arith.addf %add3A_650, %get3A_683 : vector<16xf32>
        %slice3A_685 = vector.extract_strided_slice %get3A_244 {offsets = [13], sizes = [1], strides = [1]} : vector<16xi32> to vector<1xi32>
        %squeeze3A_686 = vector.extract %slice3A_685[0] : i32 from vector<1xi32>
        %get3A_687 = arith.index_cast %squeeze3A_686 : i32 to index
        %get3A_688 = arith.constant 0 : index
        %get3A_689 = tpu.vector_load %arg7[%get3A_687, %get3A_688] {strides = array<i32>} : memref<129x128xf32, #tpu.memory_space<vmem>>, vector<16xf32>,
        %add3A_690 = arith.addf %add3A_656, %get3A_689 : vector<16xf32>
        %get3A_691 = arith.index_cast %squeeze3A_686 : i32 to index
        %get3A_692 = arith.constant 16 : index
        %get3A_693 = tpu.vector_load %arg7[%get3A_691, %get3A_692] {strides = array<i32>} : memref<129x128xf32, #tpu.memory_space<vmem>>, vector<16xf32>,
        %add3A_694 = arith.addf %add3A_660, %get3A_693 : vector<16xf32>
        %get3A_695 = arith.index_cast %squeeze3A_686 : i32 to index
        %get3A_696 = arith.constant 32 : index
        %get3A_697 = tpu.vector_load %arg7[%get3A_695, %get3A_696] {strides = array<i32>} : memref<129x128xf32, #tpu.memory_space<vmem>>, vector<16xf32>,
        %add3A_698 = arith.addf %add3A_664, %get3A_697 : vector<16xf32>
        %get3A_699 = arith.index_cast %squeeze3A_686 : i32 to index
        %get3A_700 = arith.constant 48 : index
        %get3A_701 = tpu.vector_load %arg7[%get3A_699, %get3A_700] {strides = array<i32>} : memref<129x128xf32, #tpu.memory_space<vmem>>, vector<16xf32>,
        %add3A_702 = arith.addf %add3A_668, %get3A_701 : vector<16xf32>
        %get3A_703 = arith.index_cast %squeeze3A_686 : i32 to index
        %get3A_704 = arith.constant 64 : index
        %get3A_705 = tpu.vector_load %arg7[%get3A_703, %get3A_704] {strides = array<i32>} : memref<129x128xf32, #tpu.memory_space<vmem>>, vector<16xf32>,
        %add3A_706 = arith.addf %add3A_672, %get3A_705 : vector<16xf32>
        %get3A_707 = arith.index_cast %squeeze3A_686 : i32 to index
        %get3A_708 = arith.constant 80 : index
        %get3A_709 = tpu.vector_load %arg7[%get3A_707, %get3A_708] {strides = array<i32>} : memref<129x128xf32, #tpu.memory_space<vmem>>, vector<16xf32>,
        %add3A_710 = arith.addf %add3A_676, %get3A_709 : vector<16xf32>
        %get3A_711 = arith.index_cast %squeeze3A_686 : i32 to index
        %get3A_712 = arith.constant 96 : index
        %get3A_713 = tpu.vector_load %arg7[%get3A_711, %get3A_712] {strides = array<i32>} : memref<129x128xf32, #tpu.memory_space<vmem>>, vector<16xf32>,
        %add3A_714 = arith.addf %add3A_680, %get3A_713 : vector<16xf32>
        %get3A_715 = arith.index_cast %squeeze3A_686 : i32 to index
        %get3A_716 = arith.constant 112 : index
        %get3A_717 = tpu.vector_load %arg7[%get3A_715, %get3A_716] {strides = array<i32>} : memref<129x128xf32, #tpu.memory_space<vmem>>, vector<16xf32>,
        %add3A_718 = arith.addf %add3A_684, %get3A_717 : vector<16xf32>
        %slice3A_719 = vector.extract_strided_slice %get3A_244 {offsets = [14], sizes = [1], strides = [1]} : vector<16xi32> to vector<1xi32>
        %squeeze3A_720 = vector.extract %slice3A_719[0] : i32 from vector<1xi32>
        %get3A_721 = arith.index_cast %squeeze3A_720 : i32 to index
        %get3A_722 = arith.constant 0 : index
        %get3A_723 = tpu.vector_load %arg7[%get3A_721, %get3A_722] {strides = array<i32>} : memref<129x128xf32, #tpu.memory_space<vmem>>, vector<16xf32>,
        %add3A_724 = arith.addf %add3A_690, %get3A_723 : vector<16xf32>
        %get3A_725 = arith.index_cast %squeeze3A_720 : i32 to index
        %get3A_726 = arith.constant 16 : index
        %get3A_727 = tpu.vector_load %arg7[%get3A_725, %get3A_726] {strides = array<i32>} : memref<129x128xf32, #tpu.memory_space<vmem>>, vector<16xf32>,
        %add3A_728 = arith.addf %add3A_694, %get3A_727 : vector<16xf32>
        %get3A_729 = arith.index_cast %squeeze3A_720 : i32 to index
        %get3A_730 = arith.constant 32 : index
        %get3A_731 = tpu.vector_load %arg7[%get3A_729, %get3A_730] {strides = array<i32>} : memref<129x128xf32, #tpu.memory_space<vmem>>, vector<16xf32>,
        %add3A_732 = arith.addf %add3A_698, %get3A_731 : vector<16xf32>
        %get3A_733 = arith.index_cast %squeeze3A_720 : i32 to index
        %get3A_734 = arith.constant 48 : index
        %get3A_735 = tpu.vector_load %arg7[%get3A_733, %get3A_734] {strides = array<i32>} : memref<129x128xf32, #tpu.memory_space<vmem>>, vector<16xf32>,
        %add3A_736 = arith.addf %add3A_702, %get3A_735 : vector<16xf32>
        %get3A_737 = arith.index_cast %squeeze3A_720 : i32 to index
        %get3A_738 = arith.constant 64 : index
        %get3A_739 = tpu.vector_load %arg7[%get3A_737, %get3A_738] {strides = array<i32>} : memref<129x128xf32, #tpu.memory_space<vmem>>, vector<16xf32>,
        %add3A_740 = arith.addf %add3A_706, %get3A_739 : vector<16xf32>
        %get3A_741 = arith.index_cast %squeeze3A_720 : i32 to index
        %get3A_742 = arith.constant 80 : index
        %get3A_743 = tpu.vector_load %arg7[%get3A_741, %get3A_742] {strides = array<i32>} : memref<129x128xf32, #tpu.memory_space<vmem>>, vector<16xf32>,
        %add3A_744 = arith.addf %add3A_710, %get3A_743 : vector<16xf32>
        %get3A_745 = arith.index_cast %squeeze3A_720 : i32 to index
        %get3A_746 = arith.constant 96 : index
        %get3A_747 = tpu.vector_load %arg7[%get3A_745, %get3A_746] {strides = array<i32>} : memref<129x128xf32, #tpu.memory_space<vmem>>, vector<16xf32>,
        %add3A_748 = arith.addf %add3A_714, %get3A_747 : vector<16xf32>
        %get3A_749 = arith.index_cast %squeeze3A_720 : i32 to index
        %get3A_750 = arith.constant 112 : index
        %get3A_751 = tpu.vector_load %arg7[%get3A_749, %get3A_750] {strides = array<i32>} : memref<129x128xf32, #tpu.memory_space<vmem>>, vector<16xf32>,
        %add3A_752 = arith.addf %add3A_718, %get3A_751 : vector<16xf32>
        %slice3A_753 = vector.extract_strided_slice %get3A_244 {offsets = [15], sizes = [1], strides = [1]} : vector<16xi32> to vector<1xi32>
        %squeeze3A_754 = vector.extract %slice3A_753[0] : i32 from vector<1xi32>
        %get3A_755 = arith.index_cast %squeeze3A_754 : i32 to index
        %get3A_756 = arith.constant 0 : index
        %get3A_757 = tpu.vector_load %arg7[%get3A_755, %get3A_756] {strides = array<i32>} : memref<129x128xf32, #tpu.memory_space<vmem>>, vector<16xf32>,
        %add3A_758 = arith.addf %add3A_724, %get3A_757 : vector<16xf32>
        %get3A_759 = arith.index_cast %squeeze3A_754 : i32 to index
        %get3A_760 = arith.constant 16 : index
        %get3A_761 = tpu.vector_load %arg7[%get3A_759, %get3A_760] {strides = array<i32>} : memref<129x128xf32, #tpu.memory_space<vmem>>, vector<16xf32>,
        %add3A_762 = arith.addf %add3A_728, %get3A_761 : vector<16xf32>
        %get3A_763 = arith.index_cast %squeeze3A_754 : i32 to index
        %get3A_764 = arith.constant 32 : index
        %get3A_765 = tpu.vector_load %arg7[%get3A_763, %get3A_764] {strides = array<i32>} : memref<129x128xf32, #tpu.memory_space<vmem>>, vector<16xf32>,
        %add3A_766 = arith.addf %add3A_732, %get3A_765 : vector<16xf32>
        %get3A_767 = arith.index_cast %squeeze3A_754 : i32 to index
        %get3A_768 = arith.constant 48 : index
        %get3A_769 = tpu.vector_load %arg7[%get3A_767, %get3A_768] {strides = array<i32>} : memref<129x128xf32, #tpu.memory_space<vmem>>, vector<16xf32>,
        %add3A_770 = arith.addf %add3A_736, %get3A_769 : vector<16xf32>
        %get3A_771 = arith.index_cast %squeeze3A_754 : i32 to index
        %get3A_772 = arith.constant 64 : index
        %get3A_773 = tpu.vector_load %arg7[%get3A_771, %get3A_772] {strides = array<i32>} : memref<129x128xf32, #tpu.memory_space<vmem>>, vector<16xf32>,
        %add3A_774 = arith.addf %add3A_740, %get3A_773 : vector<16xf32>
        %get3A_775 = arith.index_cast %squeeze3A_754 : i32 to index
        %get3A_776 = arith.constant 80 : index
        %get3A_777 = tpu.vector_load %arg7[%get3A_775, %get3A_776] {strides = array<i32>} : memref<129x128xf32, #tpu.memory_space<vmem>>, vector<16xf32>,
        %add3A_778 = arith.addf %add3A_744, %get3A_777 : vector<16xf32>
        %get3A_779 = arith.index_cast %squeeze3A_754 : i32 to index
        %get3A_780 = arith.constant 96 : index
        %get3A_781 = tpu.vector_load %arg7[%get3A_779, %get3A_780] {strides = array<i32>} : memref<129x128xf32, #tpu.memory_space<vmem>>, vector<16xf32>,
        %add3A_782 = arith.addf %add3A_748, %get3A_781 : vector<16xf32>
        %get3A_783 = arith.index_cast %squeeze3A_754 : i32 to index
        %get3A_784 = arith.constant 112 : index
        %get3A_785 = tpu.vector_load %arg7[%get3A_783, %get3A_784] {strides = array<i32>} : memref<129x128xf32, #tpu.memory_space<vmem>>, vector<16xf32>,
        %add3A_786 = arith.addf %add3A_752, %get3A_785 : vector<16xf32>
        scf.yield %add3A_758, %add3A_762, %add3A_766, %add3A_770, %add3A_774, %add3A_778, %add3A_782, %add3A_786 : vector<16xf32>, vector<16xf32>, vector<16xf32>, vector<16xf32>, vector<16xf32>, vector<16xf32>, vector<16xf32>, vector<16xf32>
      }
      %swap3A_208 = arith.index_cast %add3A_104 : i32 to index
      %swap3A_209 = arith.constant 0 : index
      %swap3A_210 = tpu.vector_load %arg9[%swap3A_208, %swap3A_209] {strides = array<i32>} : memref<16x128xf32, #tpu.memory_space<vmem>>, vector<16xf32>,
      tpu.vector_store %arg9[%swap3A_208, %swap3A_209], %while3A_207#0 {strides = array<i32>} : memref<16x128xf32, #tpu.memory_space<vmem>>, vector<16xf32>,
      %swap3A_211 = arith.index_cast %add3A_104 : i32 to index
      %swap3A_212 = arith.constant 16 : index
      %swap3A_213 = tpu.vector_load %arg9[%swap3A_211, %swap3A_212] {strides = array<i32>} : memref<16x128xf32, #tpu.memory_space<vmem>>, vector<16xf32>,
      tpu.vector_store %arg9[%swap3A_211, %swap3A_212], %while3A_207#1 {strides = array<i32>} : memref<16x128xf32, #tpu.memory_space<vmem>>, vector<16xf32>,
      %swap3A_214 = arith.index_cast %add3A_104 : i32 to index
      %swap3A_215 = arith.constant 32 : index
      %swap3A_216 = tpu.vector_load %arg9[%swap3A_214, %swap3A_215] {strides = array<i32>} : memref<16x128xf32, #tpu.memory_space<vmem>>, vector<16xf32>,
      tpu.vector_store %arg9[%swap3A_214, %swap3A_215], %while3A_207#2 {strides = array<i32>} : memref<16x128xf32, #tpu.memory_space<vmem>>, vector<16xf32>,
      %swap3A_217 = arith.index_cast %add3A_104 : i32 to index
      %swap3A_218 = arith.constant 48 : index
      %swap3A_219 = tpu.vector_load %arg9[%swap3A_217, %swap3A_218] {strides = array<i32>} : memref<16x128xf32, #tpu.memory_space<vmem>>, vector<16xf32>,
      tpu.vector_store %arg9[%swap3A_217, %swap3A_218], %while3A_207#3 {strides = array<i32>} : memref<16x128xf32, #tpu.memory_space<vmem>>, vector<16xf32>,
      %swap3A_220 = arith.index_cast %add3A_104 : i32 to index
      %swap3A_221 = arith.constant 64 : index
      %swap3A_222 = tpu.vector_load %arg9[%swap3A_220, %swap3A_221] {strides = array<i32>} : memref<16x128xf32, #tpu.memory_space<vmem>>, vector<16xf32>,
      tpu.vector_store %arg9[%swap3A_220, %swap3A_221], %while3A_207#4 {strides = array<i32>} : memref<16x128xf32, #tpu.memory_space<vmem>>, vector<16xf32>,
      %swap3A_223 = arith.index_cast %add3A_104 : i32 to index
      %swap3A_224 = arith.constant 80 : index
      %swap3A_225 = tpu.vector_load %arg9[%swap3A_223, %swap3A_224] {strides = array<i32>} : memref<16x128xf32, #tpu.memory_space<vmem>>, vector<16xf32>,
      tpu.vector_store %arg9[%swap3A_223, %swap3A_224], %while3A_207#5 {strides = array<i32>} : memref<16x128xf32, #tpu.memory_space<vmem>>, vector<16xf32>,
      %swap3A_226 = arith.index_cast %add3A_104 : i32 to index
      %swap3A_227 = arith.constant 96 : index
      %swap3A_228 = tpu.vector_load %arg9[%swap3A_226, %swap3A_227] {strides = array<i32>} : memref<16x128xf32, #tpu.memory_space<vmem>>, vector<16xf32>,
      tpu.vector_store %arg9[%swap3A_226, %swap3A_227], %while3A_207#6 {strides = array<i32>} : memref<16x128xf32, #tpu.memory_space<vmem>>, vector<16xf32>,
      %swap3A_229 = arith.index_cast %add3A_104 : i32 to index
      %swap3A_230 = arith.constant 112 : index
      %swap3A_231 = tpu.vector_load %arg9[%swap3A_229, %swap3A_230] {strides = array<i32>} : memref<16x128xf32, #tpu.memory_space<vmem>>, vector<16xf32>,
      tpu.vector_store %arg9[%swap3A_229, %swap3A_230], %while3A_207#7 {strides = array<i32>} : memref<16x128xf32, #tpu.memory_space<vmem>>, vector<16xf32>,
    }
    %scan3A_91 = arith.constant 16 : i32
    %dma_start3A_92 = arith.constant 0 : i32
    %dma_start3A_93 = tpu.memref_slice %arg5[%mul3A_2, %dma_start3A_92] : memref<512x128xf32, #tpu.memory_space<hbm>> -> memref<16x128xf32, #tpu.memory_space<hbm>>
    %dma_start3A_94 = arith.constant 0 : i32
    %dma_start3A_95 = tpu.memref_slice %arg5[%mul3A_2, %dma_start3A_94] : memref<512x128xf32, #tpu.memory_space<hbm>> -> memref<16x128xf32, #tpu.memory_space<hbm>>
    tpu.enqueue_dma source(%arg9 : memref<16x128xf32, #tpu.memory_space<vmem>>) target(%dma_start3A_95 : memref<16x128xf32, #tpu.memory_space<hbm>>) target_semaphore(%arg11 : memref<!tpu.dma_semaphore, #tpu.memory_space<semaphore_mem>>)
    %dma_wait3A_96 = arith.constant 0 : i32
    %dma_wait3A_97 = tpu.memref_slice %arg5[%mul3A_2, %dma_wait3A_96] : memref<512x128xf32, #tpu.memory_space<hbm>> -> memref<16x128xf32, #tpu.memory_space<hbm>>
    %dma_wait3A_98 = arith.constant 0 : i32
    %dma_wait3A_99 = tpu.memref_slice %arg5[%mul3A_2, %dma_wait3A_98] : memref<512x128xf32, #tpu.memory_space<hbm>> -> memref<16x128xf32, #tpu.memory_space<hbm>>
    tpu.wait_dma2 semaphore(%arg11 : memref<!tpu.dma_semaphore, #tpu.memory_space<semaphore_mem>>) src(%arg9 : memref<16x128xf32, #tpu.memory_space<vmem>>) dst(%dma_wait3A_99 : memref<16x128xf32, #tpu.memory_space<hbm>>)
    return
  }
}

module attributes {stable_mosaic.version = 14 : i64} {
  func.func @_mlp_body(%arg0: memref<512x128xf32, #tpu.memory_space<vmem>>, %arg1: memref<512x128xf32, #tpu.memory_space<vmem>>, %arg2: memref<128x256xf32, #tpu.memory_space<vmem>>, %arg3: memref<1x256xf32, #tpu.memory_space<vmem>>, %arg4: memref<512x1xf32, #tpu.memory_space<vmem>>, %arg5: memref<512x1xf32, #tpu.memory_space<vmem>>, %arg6: memref<256x256xf32, #tpu.memory_space<vmem>>, %arg7: memref<1x256xf32, #tpu.memory_space<vmem>>, %arg8: memref<512x1xf32, #tpu.memory_space<vmem>>, %arg9: memref<512x1xf32, #tpu.memory_space<vmem>>, %arg10: memref<512x256xf32, #tpu.memory_space<vmem>>) attributes {dimension_semantics = [], scalar_prefetch = 0 : i64, scratch_operands = 0 : i64, tpu.core_type = #tpu.core_type<tc>} {
    %get3A = arith.constant 0 : index
    %get3A_0 = arith.constant 0 : index
    %get3A_1 = vector.load %arg0[%get3A, %get3A_0] : memref<512x128xf32, #tpu.memory_space<vmem>>, vector<512x128xf32>
    %get3A_2 = arith.constant 0 : index
    %get3A_3 = arith.constant 0 : index
    %get3A_4 = vector.load %arg1[%get3A_2, %get3A_3] : memref<512x128xf32, #tpu.memory_space<vmem>>, vector<512x128xf32>
    %add3A = arith.addf %get3A_1, %get3A_4 : vector<512x128xf32>
    %get3A_5 = arith.constant 0 : index
    %get3A_6 = arith.constant 0 : index
    %get3A_7 = vector.load %arg2[%get3A_5, %get3A_6] : memref<128x256xf32, #tpu.memory_space<vmem>>, vector<128x256xf32>
    %dot_general3A = arith.constant dense<0.000000e+00> : vector<512x256xf32>
    %dot_general3A_8 = tpu.matmul %add3A, %get3A_7, %dot_general3A {dimension_numbers = #tpu.dot_dimension_numbers<[1], [0], [0], [1], [0, 0, 1, 1], [], []>, transpose_lhs_hint = false} : vector<512x128xf32>, vector<128x256xf32>, vector<512x256xf32> -> vector<512x256xf32>
    %get3A_9 = arith.constant 0 : index
    %get3A_10 = arith.constant 0 : index
    %get3A_11 = vector.load %arg3[%get3A_9, %get3A_10] : memref<1x256xf32, #tpu.memory_space<vmem>>, vector<1x256xf32>
    %add3A_12 = vector.broadcast %get3A_11 : vector<1x256xf32> to vector<512x256xf32>
    %add3A_13 = arith.addf %dot_general3A_8, %add3A_12 : vector<512x256xf32>
    %max3A = arith.constant 0.000000e+00 : f32
    %max3A_14 = vector.broadcast %max3A : f32 to vector<512x256xf32>
    %max3A_15 = arith.maximumf %add3A_13, %max3A_14 : vector<512x256xf32>
    %get3A_16 = arith.constant 0 : index
    %get3A_17 = arith.constant 0 : index
    %get3A_18 = vector.load %arg4[%get3A_16, %get3A_17] : memref<512x1xf32, #tpu.memory_space<vmem>>, vector<512x1xf32>
    %mul3A = arith.constant 0.999994993 : f32
    %mul3A_19 = vector.broadcast %mul3A : f32 to vector<512x1xf32>
    %mul3A_20 = arith.mulf %mul3A_19, %get3A_18 : vector<512x1xf32>
    %mul3A_21 = vector.broadcast %mul3A_20 : vector<512x1xf32> to vector<512x256xf32>
    %mul3A_22 = arith.mulf %max3A_15, %mul3A_21 : vector<512x256xf32>
    %get3A_23 = arith.constant 0 : index
    %get3A_24 = arith.constant 0 : index
    %get3A_25 = vector.load %arg5[%get3A_23, %get3A_24] : memref<512x1xf32, #tpu.memory_space<vmem>>, vector<512x1xf32>
    %add3A_26 = vector.broadcast %get3A_25 : vector<512x1xf32> to vector<512x256xf32>
    %add3A_27 = arith.addf %mul3A_22, %add3A_26 : vector<512x256xf32>
    %get3A_28 = arith.constant 0 : index
    %get3A_29 = arith.constant 0 : index
    %get3A_30 = vector.load %arg6[%get3A_28, %get3A_29] : memref<256x256xf32, #tpu.memory_space<vmem>>, vector<256x256xf32>
    %dot_general3A_31 = arith.constant dense<0.000000e+00> : vector<512x256xf32>
    %dot_general3A_32 = tpu.matmul %add3A_27, %get3A_30, %dot_general3A_31 {dimension_numbers = #tpu.dot_dimension_numbers<[1], [0], [0], [1], [0, 0, 1, 1], [], []>, transpose_lhs_hint = false} : vector<512x256xf32>, vector<256x256xf32>, vector<512x256xf32> -> vector<512x256xf32>
    %get3A_33 = arith.constant 0 : index
    %get3A_34 = arith.constant 0 : index
    %get3A_35 = vector.load %arg7[%get3A_33, %get3A_34] : memref<1x256xf32, #tpu.memory_space<vmem>>, vector<1x256xf32>
    %add3A_36 = vector.broadcast %get3A_35 : vector<1x256xf32> to vector<512x256xf32>
    %add3A_37 = arith.addf %dot_general3A_32, %add3A_36 : vector<512x256xf32>
    %max3A_38 = arith.constant 0.000000e+00 : f32
    %max3A_39 = vector.broadcast %max3A_38 : f32 to vector<512x256xf32>
    %max3A_40 = arith.maximumf %add3A_37, %max3A_39 : vector<512x256xf32>
    %get3A_41 = arith.constant 0 : index
    %get3A_42 = arith.constant 0 : index
    %get3A_43 = vector.load %arg8[%get3A_41, %get3A_42] : memref<512x1xf32, #tpu.memory_space<vmem>>, vector<512x1xf32>
    %mul3A_44 = arith.constant 0.999994993 : f32
    %mul3A_45 = vector.broadcast %mul3A_44 : f32 to vector<512x1xf32>
    %mul3A_46 = arith.mulf %mul3A_45, %get3A_43 : vector<512x1xf32>
    %mul3A_47 = vector.broadcast %mul3A_46 : vector<512x1xf32> to vector<512x256xf32>
    %mul3A_48 = arith.mulf %max3A_40, %mul3A_47 : vector<512x256xf32>
    %get3A_49 = arith.constant 0 : index
    %get3A_50 = arith.constant 0 : index
    %get3A_51 = vector.load %arg9[%get3A_49, %get3A_50] : memref<512x1xf32, #tpu.memory_space<vmem>>, vector<512x1xf32>
    %add3A_52 = vector.broadcast %get3A_51 : vector<512x1xf32> to vector<512x256xf32>
    %add3A_53 = arith.addf %mul3A_48, %add3A_52 : vector<512x256xf32>
    %swap3A = arith.constant 0 : index
    %swap3A_54 = arith.constant 0 : index
    %swap3A_55 = vector.load %arg10[%swap3A, %swap3A_54] : memref<512x256xf32, #tpu.memory_space<vmem>>, vector<512x256xf32>
    tpu.vector_store %arg10[%swap3A, %swap3A_54], %add3A_53 {strides = array<i32>} : memref<512x256xf32, #tpu.memory_space<vmem>>, vector<512x256xf32>,
    return
  }
}

module attributes {stable_mosaic.version = 14 : i64} {
  func.func @_pairs_body(%arg0: i32, %arg1: memref<1x128x128xf32, #tpu.memory_space<vmem>>, %arg2: memref<1x128x128xf32, #tpu.memory_space<vmem>>, %arg3: memref<128x256xf32, #tpu.memory_space<vmem>>, %arg4: memref<1x256xf32, #tpu.memory_space<vmem>>, %arg5: memref<256x128xf32, #tpu.memory_space<vmem>>, %arg6: memref<1x128xf32, #tpu.memory_space<vmem>>, %arg7: memref<1x128x128xf32, #tpu.memory_space<vmem>>, %arg8: memref<128x16384xf32, #tpu.memory_space<vmem>>, %arg9: memref<128x256xf32, #tpu.memory_space<vmem>>) attributes {dimension_semantics = [#tpu.dimension_semantics<parallel>], iteration_bounds = array<i64: 4>, scalar_prefetch = 0 : i64, scratch_operands = 2 : i64, tpu.core_type = #tpu.core_type<tc>, window_params = [{transform_indices = @transform_0, window_bounds = array<i64: 1, 128, 128>}, {transform_indices = @transform_1, window_bounds = array<i64: 1, 128, 128>}, {pipeline_mode = #tpu.pipeline_mode<synchronous>, transform_indices = @transform_2, window_bounds = array<i64: 128, 256>}, {pipeline_mode = #tpu.pipeline_mode<synchronous>, transform_indices = @transform_3, window_bounds = array<i64: 1, 256>}, {pipeline_mode = #tpu.pipeline_mode<synchronous>, transform_indices = @transform_4, window_bounds = array<i64: 256, 128>}, {pipeline_mode = #tpu.pipeline_mode<synchronous>, transform_indices = @transform_5, window_bounds = array<i64: 1, 128>}, {transform_indices = @transform_6, window_bounds = array<i64: 1, 128, 128>}]} {
    %get3A = arith.constant 0 : index
    %get3A_0 = arith.constant 0 : index
    %get3A_1 = arith.constant 0 : index
    %get3A_2 = vector.load %arg1[%get3A, %get3A_0, %get3A_1] : memref<1x128x128xf32, #tpu.memory_space<vmem>>, vector<1x128x128xf32>
    %get3A_3 = vector.shape_cast %get3A_2 : vector<1x128x128xf32> to vector<128x128xf32>
    %get3A_4 = arith.constant 0 : index
    %get3A_5 = arith.constant 0 : index
    %get3A_6 = arith.constant 0 : index
    %get3A_7 = vector.load %arg2[%get3A_4, %get3A_5, %get3A_6] : memref<1x128x128xf32, #tpu.memory_space<vmem>>, vector<1x128x128xf32>
    %get3A_8 = vector.shape_cast %get3A_7 : vector<1x128x128xf32> to vector<128x128xf32>
    %get3A_9 = arith.constant 0 : index
    %get3A_10 = arith.constant 0 : index
    %get3A_11 = vector.load %arg3[%get3A_9, %get3A_10] : memref<128x256xf32, #tpu.memory_space<vmem>>, vector<128x256xf32>
    %dot_general3A = arith.constant dense<0.000000e+00> : vector<128x256xf32>
    %dot_general3A_12 = tpu.matmul %get3A_8, %get3A_11, %dot_general3A {dimension_numbers = #tpu.dot_dimension_numbers<[1], [0], [0], [1], [0, 0, 1, 1], [], []>, transpose_lhs_hint = false} : vector<128x128xf32>, vector<128x256xf32>, vector<128x256xf32> -> vector<128x256xf32>
    %get3A_13 = arith.constant 0 : index
    %get3A_14 = arith.constant 0 : index
    %get3A_15 = vector.load %arg4[%get3A_13, %get3A_14] : memref<1x256xf32, #tpu.memory_space<vmem>>, vector<1x256xf32>
    %mul3A = arith.constant 5.000000e-01 : f32
    %mul3A_16 = vector.broadcast %mul3A : f32 to vector<1x256xf32>
    %mul3A_17 = arith.mulf %mul3A_16, %get3A_15 : vector<1x256xf32>
    %add3A = vector.broadcast %mul3A_17 : vector<1x256xf32> to vector<128x256xf32>
    %add3A_18 = arith.addf %dot_general3A_12, %add3A : vector<128x256xf32>
    %swap3A = arith.constant 0 : index
    %swap3A_19 = arith.constant 0 : index
    %swap3A_20 = vector.load %arg9[%swap3A, %swap3A_19] : memref<128x256xf32, #tpu.memory_space<vmem>>, vector<128x256xf32>
    tpu.vector_store %arg9[%swap3A, %swap3A_19], %add3A_18 {strides = array<i32>} : memref<128x256xf32, #tpu.memory_space<vmem>>, vector<128x256xf32>,
    %get3A_21 = arith.constant 0 : index
    %get3A_22 = arith.constant 0 : index
    %get3A_23 = vector.load %arg9[%get3A_21, %get3A_22] : memref<128x256xf32, #tpu.memory_space<vmem>>, vector<128x256xf32>
    %get3A_24 = arith.constant 0 : index
    %get3A_25 = arith.constant 0 : index
    %get3A_26 = vector.load %arg6[%get3A_24, %get3A_25] : memref<1x128xf32, #tpu.memory_space<vmem>>, vector<1x128xf32>
    %get3A_27 = arith.constant 0 : index
    %get3A_28 = arith.constant 0 : index
    %get3A_29 = vector.load %arg5[%get3A_27, %get3A_28] : memref<256x128xf32, #tpu.memory_space<vmem>>, vector<256x128xf32>
    %iota3A = tpu.iota {dimensions = array<i32: 0>} : vector<128x128xi32>
    %iota3A_30 = tpu.iota {dimensions = array<i32: 1>} : vector<128x128xi32>
    %lt3A = arith.cmpi slt, %iota3A, %iota3A_30 : vector<128x128xi32>
    %jit3A = arith.constant 0.000000e+00 : f32
    %broadcast_in_dim3A = vector.broadcast %jit3A : f32 to vector<128x128xf32>
    %select_n3A = arith.select %lt3A, %get3A_3, %broadcast_in_dim3A : vector<128x128xi1>, vector<128x128xf32>
    %slice3A = vector.extract_strided_slice %get3A_23 {offsets = [0, 0], sizes = [8, 256], strides = [1, 1]} : vector<128x256xf32> to vector<8x256xf32>
    %broadcast_in_dim3A_31 = vector.shape_cast %slice3A : vector<8x256xf32> to vector<8x1x256xf32>
    %slice3A_32 = vector.extract_strided_slice %get3A_23 {offsets = [0, 0], sizes = [8, 256], strides = [1, 1]} : vector<128x256xf32> to vector<8x256xf32>
    %broadcast_in_dim3A_33 = vector.shape_cast %slice3A_32 : vector<8x256xf32> to vector<1x8x256xf32>
    %add3A_34 = vector.broadcast %broadcast_in_dim3A_31 : vector<8x1x256xf32> to vector<8x8x256xf32>
    %add3A_35 = vector.broadcast %broadcast_in_dim3A_33 : vector<1x8x256xf32> to vector<8x8x256xf32>
    %add3A_36 = arith.addf %add3A_34, %add3A_35 : vector<8x8x256xf32>
    %max3A = arith.constant 0.000000e+00 : f32
    %max3A_37 = vector.broadcast %max3A : f32 to vector<8x8x256xf32>
    %max3A_38 = arith.maximumf %add3A_36, %max3A_37 : vector<8x8x256xf32>
    %reshape3A = vector.shape_cast %max3A_38 : vector<8x8x256xf32> to vector<64x256xf32>
    %dot_general3A_39 = arith.constant dense<0.000000e+00> : vector<64x128xf32>
    %dot_general3A_40 = tpu.matmul %reshape3A, %get3A_29, %dot_general3A_39 {dimension_numbers = #tpu.dot_dimension_numbers<[1], [0], [0], [1], [0, 0, 1, 1], [], []>, transpose_lhs_hint = false} : vector<64x256xf32>, vector<256x128xf32>, vector<64x128xf32> -> vector<64x128xf32>
    %add3A_41 = vector.broadcast %get3A_26 : vector<1x128xf32> to vector<64x128xf32>
    %add3A_42 = arith.addf %dot_general3A_40, %add3A_41 : vector<64x128xf32>
    %max3A_43 = arith.constant 0.000000e+00 : f32
    %max3A_44 = vector.broadcast %max3A_43 : f32 to vector<64x128xf32>
    %max3A_45 = arith.maximumf %add3A_42, %max3A_44 : vector<64x128xf32>
    %slice3A_46 = vector.extract_strided_slice %select_n3A {offsets = [0, 0], sizes = [8, 1], strides = [1, 1]} : vector<128x128xf32> to vector<8x1xf32>
    %slice3A_47 = vector.extract_strided_slice %max3A_45 {offsets = [0, 0], sizes = [8, 128], strides = [1, 1]} : vector<64x128xf32> to vector<8x128xf32>
    %mul3A_48 = vector.broadcast %slice3A_46 : vector<8x1xf32> to vector<8x128xf32>
    %mul3A_49 = arith.mulf %mul3A_48, %slice3A_47 : vector<8x128xf32>
    %swap3A_50 = arith.constant 0 : index
    %swap3A_51 = arith.constant 0 : index
    %swap3A_52 = vector.load %arg8[%swap3A_50, %swap3A_51] : memref<128x16384xf32, #tpu.memory_space<vmem>>, vector<8x128xf32>
    tpu.vector_store %arg8[%swap3A_50, %swap3A_51], %mul3A_49 {strides = array<i32>} : memref<128x16384xf32, #tpu.memory_space<vmem>>, vector<8x128xf32>,
    %slice3A_53 = vector.extract_strided_slice %select_n3A {offsets = [0, 1], sizes = [8, 1], strides = [1, 1]} : vector<128x128xf32> to vector<8x1xf32>
    %slice3A_54 = vector.extract_strided_slice %max3A_45 {offsets = [8, 0], sizes = [8, 128], strides = [1, 1]} : vector<64x128xf32> to vector<8x128xf32>
    %mul3A_55 = vector.broadcast %slice3A_53 : vector<8x1xf32> to vector<8x128xf32>
    %mul3A_56 = arith.mulf %mul3A_55, %slice3A_54 : vector<8x128xf32>
    %swap3A_57 = arith.constant 0 : index
    %swap3A_58 = arith.constant 128 : index
    %swap3A_59 = vector.load %arg8[%swap3A_57, %swap3A_58] : memref<128x16384xf32, #tpu.memory_space<vmem>>, vector<8x128xf32>
    tpu.vector_store %arg8[%swap3A_57, %swap3A_58], %mul3A_56 {strides = array<i32>} : memref<128x16384xf32, #tpu.memory_space<vmem>>, vector<8x128xf32>,
    %slice3A_60 = vector.extract_strided_slice %select_n3A {offsets = [0, 2], sizes = [8, 1], strides = [1, 1]} : vector<128x128xf32> to vector<8x1xf32>
    %slice3A_61 = vector.extract_strided_slice %max3A_45 {offsets = [16, 0], sizes = [8, 128], strides = [1, 1]} : vector<64x128xf32> to vector<8x128xf32>
    %mul3A_62 = vector.broadcast %slice3A_60 : vector<8x1xf32> to vector<8x128xf32>
    %mul3A_63 = arith.mulf %mul3A_62, %slice3A_61 : vector<8x128xf32>
    %swap3A_64 = arith.constant 0 : index
    %swap3A_65 = arith.constant 256 : index
    %swap3A_66 = vector.load %arg8[%swap3A_64, %swap3A_65] : memref<128x16384xf32, #tpu.memory_space<vmem>>, vector<8x128xf32>
    tpu.vector_store %arg8[%swap3A_64, %swap3A_65], %mul3A_63 {strides = array<i32>} : memref<128x16384xf32, #tpu.memory_space<vmem>>, vector<8x128xf32>,
    %slice3A_67 = vector.extract_strided_slice %select_n3A {offsets = [0, 3], sizes = [8, 1], strides = [1, 1]} : vector<128x128xf32> to vector<8x1xf32>
    %slice3A_68 = vector.extract_strided_slice %max3A_45 {offsets = [24, 0], sizes = [8, 128], strides = [1, 1]} : vector<64x128xf32> to vector<8x128xf32>
    %mul3A_69 = vector.broadcast %slice3A_67 : vector<8x1xf32> to vector<8x128xf32>
    %mul3A_70 = arith.mulf %mul3A_69, %slice3A_68 : vector<8x128xf32>
    %swap3A_71 = arith.constant 0 : index
    %swap3A_72 = arith.constant 384 : index
    %swap3A_73 = vector.load %arg8[%swap3A_71, %swap3A_72] : memref<128x16384xf32, #tpu.memory_space<vmem>>, vector<8x128xf32>
    tpu.vector_store %arg8[%swap3A_71, %swap3A_72], %mul3A_70 {strides = array<i32>} : memref<128x16384xf32, #tpu.memory_space<vmem>>, vector<8x128xf32>,
    %slice3A_74 = vector.extract_strided_slice %select_n3A {offsets = [0, 4], sizes = [8, 1], strides = [1, 1]} : vector<128x128xf32> to vector<8x1xf32>
    %slice3A_75 = vector.extract_strided_slice %max3A_45 {offsets = [32, 0], sizes = [8, 128], strides = [1, 1]} : vector<64x128xf32> to vector<8x128xf32>
    %mul3A_76 = vector.broadcast %slice3A_74 : vector<8x1xf32> to vector<8x128xf32>
    %mul3A_77 = arith.mulf %mul3A_76, %slice3A_75 : vector<8x128xf32>
    %swap3A_78 = arith.constant 0 : index
    %swap3A_79 = arith.constant 512 : index
    %swap3A_80 = vector.load %arg8[%swap3A_78, %swap3A_79] : memref<128x16384xf32, #tpu.memory_space<vmem>>, vector<8x128xf32>
    tpu.vector_store %arg8[%swap3A_78, %swap3A_79], %mul3A_77 {strides = array<i32>} : memref<128x16384xf32, #tpu.memory_space<vmem>>, vector<8x128xf32>,
    %slice3A_81 = vector.extract_strided_slice %select_n3A {offsets = [0, 5], sizes = [8, 1], strides = [1, 1]} : vector<128x128xf32> to vector<8x1xf32>
    %slice3A_82 = vector.extract_strided_slice %max3A_45 {offsets = [40, 0], sizes = [8, 128], strides = [1, 1]} : vector<64x128xf32> to vector<8x128xf32>
    %mul3A_83 = vector.broadcast %slice3A_81 : vector<8x1xf32> to vector<8x128xf32>
    %mul3A_84 = arith.mulf %mul3A_83, %slice3A_82 : vector<8x128xf32>
    %swap3A_85 = arith.constant 0 : index
    %swap3A_86 = arith.constant 640 : index
    %swap3A_87 = vector.load %arg8[%swap3A_85, %swap3A_86] : memref<128x16384xf32, #tpu.memory_space<vmem>>, vector<8x128xf32>
    tpu.vector_store %arg8[%swap3A_85, %swap3A_86], %mul3A_84 {strides = array<i32>} : memref<128x16384xf32, #tpu.memory_space<vmem>>, vector<8x128xf32>,
    %slice3A_88 = vector.extract_strided_slice %select_n3A {offsets = [0, 6], sizes = [8, 1], strides = [1, 1]} : vector<128x128xf32> to vector<8x1xf32>
    %slice3A_89 = vector.extract_strided_slice %max3A_45 {offsets = [48, 0], sizes = [8, 128], strides = [1, 1]} : vector<64x128xf32> to vector<8x128xf32>
    %mul3A_90 = vector.broadcast %slice3A_88 : vector<8x1xf32> to vector<8x128xf32>
    %mul3A_91 = arith.mulf %mul3A_90, %slice3A_89 : vector<8x128xf32>
    %swap3A_92 = arith.constant 0 : index
    %swap3A_93 = arith.constant 768 : index
    %swap3A_94 = vector.load %arg8[%swap3A_92, %swap3A_93] : memref<128x16384xf32, #tpu.memory_space<vmem>>, vector<8x128xf32>
    tpu.vector_store %arg8[%swap3A_92, %swap3A_93], %mul3A_91 {strides = array<i32>} : memref<128x16384xf32, #tpu.memory_space<vmem>>, vector<8x128xf32>,
    %slice3A_95 = vector.extract_strided_slice %select_n3A {offsets = [0, 7], sizes = [8, 1], strides = [1, 1]} : vector<128x128xf32> to vector<8x1xf32>
    %slice3A_96 = vector.extract_strided_slice %max3A_45 {offsets = [56, 0], sizes = [8, 128], strides = [1, 1]} : vector<64x128xf32> to vector<8x128xf32>
    %mul3A_97 = vector.broadcast %slice3A_95 : vector<8x1xf32> to vector<8x128xf32>
    %mul3A_98 = arith.mulf %mul3A_97, %slice3A_96 : vector<8x128xf32>
    %swap3A_99 = arith.constant 0 : index
    %swap3A_100 = arith.constant 896 : index
    %swap3A_101 = vector.load %arg8[%swap3A_99, %swap3A_100] : memref<128x16384xf32, #tpu.memory_space<vmem>>, vector<8x128xf32>
    tpu.vector_store %arg8[%swap3A_99, %swap3A_100], %mul3A_98 {strides = array<i32>} : memref<128x16384xf32, #tpu.memory_space<vmem>>, vector<8x128xf32>,
    %slice3A_102 = vector.extract_strided_slice %get3A_23 {offsets = [8, 0], sizes = [8, 256], strides = [1, 1]} : vector<128x256xf32> to vector<8x256xf32>
    %broadcast_in_dim3A_103 = vector.shape_cast %slice3A_102 : vector<8x256xf32> to vector<8x1x256xf32>
    %slice3A_104 = vector.extract_strided_slice %get3A_23 {offsets = [0, 0], sizes = [16, 256], strides = [1, 1]} : vector<128x256xf32> to vector<16x256xf32>
    %broadcast_in_dim3A_105 = vector.shape_cast %slice3A_104 : vector<16x256xf32> to vector<1x16x256xf32>
    %add3A_106 = vector.broadcast %broadcast_in_dim3A_103 : vector<8x1x256xf32> to vector<8x16x256xf32>
    %add3A_107 = vector.broadcast %broadcast_in_dim3A_105 : vector<1x16x256xf32> to vector<8x16x256xf32>
    %add3A_108 = arith.addf %add3A_106, %add3A_107 : vector<8x16x256xf32>
    %max3A_109 = arith.constant 0.000000e+00 : f32
    %max3A_110 = vector.broadcast %max3A_109 : f32 to vector<8x16x256xf32>
    %max3A_111 = arith.maximumf %add3A_108, %max3A_110 : vector<8x16x256xf32>
    %reshape3A_112 = vector.shape_cast %max3A_111 : vector<8x16x256xf32> to vector<128x256xf32>
    %dot_general3A_113 = arith.constant dense<0.000000e+00> : vector<128x128xf32>
    %dot_general3A_114 = tpu.matmul %reshape3A_112, %get3A_29, %dot_general3A_113 {dimension_numbers = #tpu.dot_dimension_numbers<[1], [0], [0], [1], [0, 0, 1, 1], [], []>, transpose_lhs_hint = false} : vector<128x256xf32>, vector<256x128xf32>, vector<128x128xf32> -> vector<128x128xf32>
    %add3A_115 = vector.broadcast %get3A_26 : vector<1x128xf32> to vector<128x128xf32>
    %add3A_116 = arith.addf %dot_general3A_114, %add3A_115 : vector<128x128xf32>
    %max3A_117 = arith.constant 0.000000e+00 : f32
    %max3A_118 = vector.broadcast %max3A_117 : f32 to vector<128x128xf32>
    %max3A_119 = arith.maximumf %add3A_116, %max3A_118 : vector<128x128xf32>
    %slice3A_120 = vector.extract_strided_slice %select_n3A {offsets = [0, 8], sizes = [16, 1], strides = [1, 1]} : vector<128x128xf32> to vector<16x1xf32>
    %slice3A_121 = vector.extract_strided_slice %max3A_119 {offsets = [0, 0], sizes = [16, 128], strides = [1, 1]} : vector<128x128xf32> to vector<16x128xf32>
    %mul3A_122 = vector.broadcast %slice3A_120 : vector<16x1xf32> to vector<16x128xf32>
    %mul3A_123 = arith.mulf %mul3A_122, %slice3A_121 : vector<16x128xf32>
    %swap3A_124 = arith.constant 0 : index
    %swap3A_125 = arith.constant 1024 : index
    %swap3A_126 = vector.load %arg8[%swap3A_124, %swap3A_125] : memref<128x16384xf32, #tpu.memory_space<vmem>>, vector<16x128xf32>
    tpu.vector_store %arg8[%swap3A_124, %swap3A_125], %mul3A_123 {strides = array<i32>} : memref<128x16384xf32, #tpu.memory_space<vmem>>, vector<16x128xf32>,
    %slice3A_127 = vector.extract_strided_slice %select_n3A {offsets = [0, 9], sizes = [16, 1], strides = [1, 1]} : vector<128x128xf32> to vector<16x1xf32>
    %slice3A_128 = vector.extract_strided_slice %max3A_119 {offsets = [16, 0], sizes = [16, 128], strides = [1, 1]} : vector<128x128xf32> to vector<16x128xf32>
    %mul3A_129 = vector.broadcast %slice3A_127 : vector<16x1xf32> to vector<16x128xf32>
    %mul3A_130 = arith.mulf %mul3A_129, %slice3A_128 : vector<16x128xf32>
    %swap3A_131 = arith.constant 0 : index
    %swap3A_132 = arith.constant 1152 : index
    %swap3A_133 = vector.load %arg8[%swap3A_131, %swap3A_132] : memref<128x16384xf32, #tpu.memory_space<vmem>>, vector<16x128xf32>
    tpu.vector_store %arg8[%swap3A_131, %swap3A_132], %mul3A_130 {strides = array<i32>} : memref<128x16384xf32, #tpu.memory_space<vmem>>, vector<16x128xf32>,
    %slice3A_134 = vector.extract_strided_slice %select_n3A {offsets = [0, 10], sizes = [16, 1], strides = [1, 1]} : vector<128x128xf32> to vector<16x1xf32>
    %slice3A_135 = vector.extract_strided_slice %max3A_119 {offsets = [32, 0], sizes = [16, 128], strides = [1, 1]} : vector<128x128xf32> to vector<16x128xf32>
    %mul3A_136 = vector.broadcast %slice3A_134 : vector<16x1xf32> to vector<16x128xf32>
    %mul3A_137 = arith.mulf %mul3A_136, %slice3A_135 : vector<16x128xf32>
    %swap3A_138 = arith.constant 0 : index
    %swap3A_139 = arith.constant 1280 : index
    %swap3A_140 = vector.load %arg8[%swap3A_138, %swap3A_139] : memref<128x16384xf32, #tpu.memory_space<vmem>>, vector<16x128xf32>
    tpu.vector_store %arg8[%swap3A_138, %swap3A_139], %mul3A_137 {strides = array<i32>} : memref<128x16384xf32, #tpu.memory_space<vmem>>, vector<16x128xf32>,
    %slice3A_141 = vector.extract_strided_slice %select_n3A {offsets = [0, 11], sizes = [16, 1], strides = [1, 1]} : vector<128x128xf32> to vector<16x1xf32>
    %slice3A_142 = vector.extract_strided_slice %max3A_119 {offsets = [48, 0], sizes = [16, 128], strides = [1, 1]} : vector<128x128xf32> to vector<16x128xf32>
    %mul3A_143 = vector.broadcast %slice3A_141 : vector<16x1xf32> to vector<16x128xf32>
    %mul3A_144 = arith.mulf %mul3A_143, %slice3A_142 : vector<16x128xf32>
    %swap3A_145 = arith.constant 0 : index
    %swap3A_146 = arith.constant 1408 : index
    %swap3A_147 = vector.load %arg8[%swap3A_145, %swap3A_146] : memref<128x16384xf32, #tpu.memory_space<vmem>>, vector<16x128xf32>
    tpu.vector_store %arg8[%swap3A_145, %swap3A_146], %mul3A_144 {strides = array<i32>} : memref<128x16384xf32, #tpu.memory_space<vmem>>, vector<16x128xf32>,
    %slice3A_148 = vector.extract_strided_slice %select_n3A {offsets = [0, 12], sizes = [16, 1], strides = [1, 1]} : vector<128x128xf32> to vector<16x1xf32>
    %slice3A_149 = vector.extract_strided_slice %max3A_119 {offsets = [64, 0], sizes = [16, 128], strides = [1, 1]} : vector<128x128xf32> to vector<16x128xf32>
    %mul3A_150 = vector.broadcast %slice3A_148 : vector<16x1xf32> to vector<16x128xf32>
    %mul3A_151 = arith.mulf %mul3A_150, %slice3A_149 : vector<16x128xf32>
    %swap3A_152 = arith.constant 0 : index
    %swap3A_153 = arith.constant 1536 : index
    %swap3A_154 = vector.load %arg8[%swap3A_152, %swap3A_153] : memref<128x16384xf32, #tpu.memory_space<vmem>>, vector<16x128xf32>
    tpu.vector_store %arg8[%swap3A_152, %swap3A_153], %mul3A_151 {strides = array<i32>} : memref<128x16384xf32, #tpu.memory_space<vmem>>, vector<16x128xf32>,
    %slice3A_155 = vector.extract_strided_slice %select_n3A {offsets = [0, 13], sizes = [16, 1], strides = [1, 1]} : vector<128x128xf32> to vector<16x1xf32>
    %slice3A_156 = vector.extract_strided_slice %max3A_119 {offsets = [80, 0], sizes = [16, 128], strides = [1, 1]} : vector<128x128xf32> to vector<16x128xf32>
    %mul3A_157 = vector.broadcast %slice3A_155 : vector<16x1xf32> to vector<16x128xf32>
    %mul3A_158 = arith.mulf %mul3A_157, %slice3A_156 : vector<16x128xf32>
    %swap3A_159 = arith.constant 0 : index
    %swap3A_160 = arith.constant 1664 : index
    %swap3A_161 = vector.load %arg8[%swap3A_159, %swap3A_160] : memref<128x16384xf32, #tpu.memory_space<vmem>>, vector<16x128xf32>
    tpu.vector_store %arg8[%swap3A_159, %swap3A_160], %mul3A_158 {strides = array<i32>} : memref<128x16384xf32, #tpu.memory_space<vmem>>, vector<16x128xf32>,
    %slice3A_162 = vector.extract_strided_slice %select_n3A {offsets = [0, 14], sizes = [16, 1], strides = [1, 1]} : vector<128x128xf32> to vector<16x1xf32>
    %slice3A_163 = vector.extract_strided_slice %max3A_119 {offsets = [96, 0], sizes = [16, 128], strides = [1, 1]} : vector<128x128xf32> to vector<16x128xf32>
    %mul3A_164 = vector.broadcast %slice3A_162 : vector<16x1xf32> to vector<16x128xf32>
    %mul3A_165 = arith.mulf %mul3A_164, %slice3A_163 : vector<16x128xf32>
    %swap3A_166 = arith.constant 0 : index
    %swap3A_167 = arith.constant 1792 : index
    %swap3A_168 = vector.load %arg8[%swap3A_166, %swap3A_167] : memref<128x16384xf32, #tpu.memory_space<vmem>>, vector<16x128xf32>
    tpu.vector_store %arg8[%swap3A_166, %swap3A_167], %mul3A_165 {strides = array<i32>} : memref<128x16384xf32, #tpu.memory_space<vmem>>, vector<16x128xf32>,
    %slice3A_169 = vector.extract_strided_slice %select_n3A {offsets = [0, 15], sizes = [16, 1], strides = [1, 1]} : vector<128x128xf32> to vector<16x1xf32>
    %slice3A_170 = vector.extract_strided_slice %max3A_119 {offsets = [112, 0], sizes = [16, 128], strides = [1, 1]} : vector<128x128xf32> to vector<16x128xf32>
    %mul3A_171 = vector.broadcast %slice3A_169 : vector<16x1xf32> to vector<16x128xf32>
    %mul3A_172 = arith.mulf %mul3A_171, %slice3A_170 : vector<16x128xf32>
    %swap3A_173 = arith.constant 0 : index
    %swap3A_174 = arith.constant 1920 : index
    %swap3A_175 = vector.load %arg8[%swap3A_173, %swap3A_174] : memref<128x16384xf32, #tpu.memory_space<vmem>>, vector<16x128xf32>
    tpu.vector_store %arg8[%swap3A_173, %swap3A_174], %mul3A_172 {strides = array<i32>} : memref<128x16384xf32, #tpu.memory_space<vmem>>, vector<16x128xf32>,
    %slice3A_176 = vector.extract_strided_slice %get3A_23 {offsets = [16, 0], sizes = [8, 256], strides = [1, 1]} : vector<128x256xf32> to vector<8x256xf32>
    %broadcast_in_dim3A_177 = vector.shape_cast %slice3A_176 : vector<8x256xf32> to vector<8x1x256xf32>
    %slice3A_178 = vector.extract_strided_slice %get3A_23 {offsets = [0, 0], sizes = [24, 256], strides = [1, 1]} : vector<128x256xf32> to vector<24x256xf32>
    %broadcast_in_dim3A_179 = vector.shape_cast %slice3A_178 : vector<24x256xf32> to vector<1x24x256xf32>
    %add3A_180 = vector.broadcast %broadcast_in_dim3A_177 : vector<8x1x256xf32> to vector<8x24x256xf32>
    %add3A_181 = vector.broadcast %broadcast_in_dim3A_179 : vector<1x24x256xf32> to vector<8x24x256xf32>
    %add3A_182 = arith.addf %add3A_180, %add3A_181 : vector<8x24x256xf32>
    %max3A_183 = arith.constant 0.000000e+00 : f32
    %max3A_184 = vector.broadcast %max3A_183 : f32 to vector<8x24x256xf32>
    %max3A_185 = arith.maximumf %add3A_182, %max3A_184 : vector<8x24x256xf32>
    %reshape3A_186 = vector.shape_cast %max3A_185 : vector<8x24x256xf32> to vector<192x256xf32>
    %dot_general3A_187 = arith.constant dense<0.000000e+00> : vector<192x128xf32>
    %dot_general3A_188 = tpu.matmul %reshape3A_186, %get3A_29, %dot_general3A_187 {dimension_numbers = #tpu.dot_dimension_numbers<[1], [0], [0], [1], [0, 0, 1, 1], [], []>, transpose_lhs_hint = false} : vector<192x256xf32>, vector<256x128xf32>, vector<192x128xf32> -> vector<192x128xf32>
    %add3A_189 = vector.broadcast %get3A_26 : vector<1x128xf32> to vector<192x128xf32>
    %add3A_190 = arith.addf %dot_general3A_188, %add3A_189 : vector<192x128xf32>
    %max3A_191 = arith.constant 0.000000e+00 : f32
    %max3A_192 = vector.broadcast %max3A_191 : f32 to vector<192x128xf32>
    %max3A_193 = arith.maximumf %add3A_190, %max3A_192 : vector<192x128xf32>
    %slice3A_194 = vector.extract_strided_slice %select_n3A {offsets = [0, 16], sizes = [24, 1], strides = [1, 1]} : vector<128x128xf32> to vector<24x1xf32>
    %slice3A_195 = vector.extract_strided_slice %max3A_193 {offsets = [0, 0], sizes = [24, 128], strides = [1, 1]} : vector<192x128xf32> to vector<24x128xf32>
    %mul3A_196 = vector.broadcast %slice3A_194 : vector<24x1xf32> to vector<24x128xf32>
    %mul3A_197 = arith.mulf %mul3A_196, %slice3A_195 : vector<24x128xf32>
    %swap3A_198 = arith.constant 0 : index
    %swap3A_199 = arith.constant 2048 : index
    %swap3A_200 = vector.load %arg8[%swap3A_198, %swap3A_199] : memref<128x16384xf32, #tpu.memory_space<vmem>>, vector<24x128xf32>
    tpu.vector_store %arg8[%swap3A_198, %swap3A_199], %mul3A_197 {strides = array<i32>} : memref<128x16384xf32, #tpu.memory_space<vmem>>, vector<24x128xf32>,
    %slice3A_201 = vector.extract_strided_slice %select_n3A {offsets = [0, 17], sizes = [24, 1], strides = [1, 1]} : vector<128x128xf32> to vector<24x1xf32>
    %slice3A_202 = vector.extract_strided_slice %max3A_193 {offsets = [24, 0], sizes = [24, 128], strides = [1, 1]} : vector<192x128xf32> to vector<24x128xf32>
    %mul3A_203 = vector.broadcast %slice3A_201 : vector<24x1xf32> to vector<24x128xf32>
    %mul3A_204 = arith.mulf %mul3A_203, %slice3A_202 : vector<24x128xf32>
    %swap3A_205 = arith.constant 0 : index
    %swap3A_206 = arith.constant 2176 : index
    %swap3A_207 = vector.load %arg8[%swap3A_205, %swap3A_206] : memref<128x16384xf32, #tpu.memory_space<vmem>>, vector<24x128xf32>
    tpu.vector_store %arg8[%swap3A_205, %swap3A_206], %mul3A_204 {strides = array<i32>} : memref<128x16384xf32, #tpu.memory_space<vmem>>, vector<24x128xf32>,
    %slice3A_208 = vector.extract_strided_slice %select_n3A {offsets = [0, 18], sizes = [24, 1], strides = [1, 1]} : vector<128x128xf32> to vector<24x1xf32>
    %slice3A_209 = vector.extract_strided_slice %max3A_193 {offsets = [48, 0], sizes = [24, 128], strides = [1, 1]} : vector<192x128xf32> to vector<24x128xf32>
    %mul3A_210 = vector.broadcast %slice3A_208 : vector<24x1xf32> to vector<24x128xf32>
    %mul3A_211 = arith.mulf %mul3A_210, %slice3A_209 : vector<24x128xf32>
    %swap3A_212 = arith.constant 0 : index
    %swap3A_213 = arith.constant 2304 : index
    %swap3A_214 = vector.load %arg8[%swap3A_212, %swap3A_213] : memref<128x16384xf32, #tpu.memory_space<vmem>>, vector<24x128xf32>
    tpu.vector_store %arg8[%swap3A_212, %swap3A_213], %mul3A_211 {strides = array<i32>} : memref<128x16384xf32, #tpu.memory_space<vmem>>, vector<24x128xf32>,
    %slice3A_215 = vector.extract_strided_slice %select_n3A {offsets = [0, 19], sizes = [24, 1], strides = [1, 1]} : vector<128x128xf32> to vector<24x1xf32>
    %slice3A_216 = vector.extract_strided_slice %max3A_193 {offsets = [72, 0], sizes = [24, 128], strides = [1, 1]} : vector<192x128xf32> to vector<24x128xf32>
    %mul3A_217 = vector.broadcast %slice3A_215 : vector<24x1xf32> to vector<24x128xf32>
    %mul3A_218 = arith.mulf %mul3A_217, %slice3A_216 : vector<24x128xf32>
    %swap3A_219 = arith.constant 0 : index
    %swap3A_220 = arith.constant 2432 : index
    %swap3A_221 = vector.load %arg8[%swap3A_219, %swap3A_220] : memref<128x16384xf32, #tpu.memory_space<vmem>>, vector<24x128xf32>
    tpu.vector_store %arg8[%swap3A_219, %swap3A_220], %mul3A_218 {strides = array<i32>} : memref<128x16384xf32, #tpu.memory_space<vmem>>, vector<24x128xf32>,
    %slice3A_222 = vector.extract_strided_slice %select_n3A {offsets = [0, 20], sizes = [24, 1], strides = [1, 1]} : vector<128x128xf32> to vector<24x1xf32>
    %slice3A_223 = vector.extract_strided_slice %max3A_193 {offsets = [96, 0], sizes = [24, 128], strides = [1, 1]} : vector<192x128xf32> to vector<24x128xf32>
    %mul3A_224 = vector.broadcast %slice3A_222 : vector<24x1xf32> to vector<24x128xf32>
    %mul3A_225 = arith.mulf %mul3A_224, %slice3A_223 : vector<24x128xf32>
    %swap3A_226 = arith.constant 0 : index
    %swap3A_227 = arith.constant 2560 : index
    %swap3A_228 = vector.load %arg8[%swap3A_226, %swap3A_227] : memref<128x16384xf32, #tpu.memory_space<vmem>>, vector<24x128xf32>
    tpu.vector_store %arg8[%swap3A_226, %swap3A_227], %mul3A_225 {strides = array<i32>} : memref<128x16384xf32, #tpu.memory_space<vmem>>, vector<24x128xf32>,
    %slice3A_229 = vector.extract_strided_slice %select_n3A {offsets = [0, 21], sizes = [24, 1], strides = [1, 1]} : vector<128x128xf32> to vector<24x1xf32>
    %slice3A_230 = vector.extract_strided_slice %max3A_193 {offsets = [120, 0], sizes = [24, 128], strides = [1, 1]} : vector<192x128xf32> to vector<24x128xf32>
    %mul3A_231 = vector.broadcast %slice3A_229 : vector<24x1xf32> to vector<24x128xf32>
    %mul3A_232 = arith.mulf %mul3A_231, %slice3A_230 : vector<24x128xf32>
    %swap3A_233 = arith.constant 0 : index
    %swap3A_234 = arith.constant 2688 : index
    %swap3A_235 = vector.load %arg8[%swap3A_233, %swap3A_234] : memref<128x16384xf32, #tpu.memory_space<vmem>>, vector<24x128xf32>
    tpu.vector_store %arg8[%swap3A_233, %swap3A_234], %mul3A_232 {strides = array<i32>} : memref<128x16384xf32, #tpu.memory_space<vmem>>, vector<24x128xf32>,
    %slice3A_236 = vector.extract_strided_slice %select_n3A {offsets = [0, 22], sizes = [24, 1], strides = [1, 1]} : vector<128x128xf32> to vector<24x1xf32>
    %slice3A_237 = vector.extract_strided_slice %max3A_193 {offsets = [144, 0], sizes = [24, 128], strides = [1, 1]} : vector<192x128xf32> to vector<24x128xf32>
    %mul3A_238 = vector.broadcast %slice3A_236 : vector<24x1xf32> to vector<24x128xf32>
    %mul3A_239 = arith.mulf %mul3A_238, %slice3A_237 : vector<24x128xf32>
    %swap3A_240 = arith.constant 0 : index
    %swap3A_241 = arith.constant 2816 : index
    %swap3A_242 = vector.load %arg8[%swap3A_240, %swap3A_241] : memref<128x16384xf32, #tpu.memory_space<vmem>>, vector<24x128xf32>
    tpu.vector_store %arg8[%swap3A_240, %swap3A_241], %mul3A_239 {strides = array<i32>} : memref<128x16384xf32, #tpu.memory_space<vmem>>, vector<24x128xf32>,
    %slice3A_243 = vector.extract_strided_slice %select_n3A {offsets = [0, 23], sizes = [24, 1], strides = [1, 1]} : vector<128x128xf32> to vector<24x1xf32>
    %slice3A_244 = vector.extract_strided_slice %max3A_193 {offsets = [168, 0], sizes = [24, 128], strides = [1, 1]} : vector<192x128xf32> to vector<24x128xf32>
    %mul3A_245 = vector.broadcast %slice3A_243 : vector<24x1xf32> to vector<24x128xf32>
    %mul3A_246 = arith.mulf %mul3A_245, %slice3A_244 : vector<24x128xf32>
    %swap3A_247 = arith.constant 0 : index
    %swap3A_248 = arith.constant 2944 : index
    %swap3A_249 = vector.load %arg8[%swap3A_247, %swap3A_248] : memref<128x16384xf32, #tpu.memory_space<vmem>>, vector<24x128xf32>
    tpu.vector_store %arg8[%swap3A_247, %swap3A_248], %mul3A_246 {strides = array<i32>} : memref<128x16384xf32, #tpu.memory_space<vmem>>, vector<24x128xf32>,
    %slice3A_250 = vector.extract_strided_slice %get3A_23 {offsets = [24, 0], sizes = [8, 256], strides = [1, 1]} : vector<128x256xf32> to vector<8x256xf32>
    %broadcast_in_dim3A_251 = vector.shape_cast %slice3A_250 : vector<8x256xf32> to vector<8x1x256xf32>
    %slice3A_252 = vector.extract_strided_slice %get3A_23 {offsets = [0, 0], sizes = [32, 256], strides = [1, 1]} : vector<128x256xf32> to vector<32x256xf32>
    %broadcast_in_dim3A_253 = vector.shape_cast %slice3A_252 : vector<32x256xf32> to vector<1x32x256xf32>
    %add3A_254 = vector.broadcast %broadcast_in_dim3A_251 : vector<8x1x256xf32> to vector<8x32x256xf32>
    %add3A_255 = vector.broadcast %broadcast_in_dim3A_253 : vector<1x32x256xf32> to vector<8x32x256xf32>
    %add3A_256 = arith.addf %add3A_254, %add3A_255 : vector<8x32x256xf32>
    %max3A_257 = arith.constant 0.000000e+00 : f32
    %max3A_258 = vector.broadcast %max3A_257 : f32 to vector<8x32x256xf32>
    %max3A_259 = arith.maximumf %add3A_256, %max3A_258 : vector<8x32x256xf32>
    %reshape3A_260 = vector.shape_cast %max3A_259 : vector<8x32x256xf32> to vector<256x256xf32>
    %dot_general3A_261 = arith.constant dense<0.000000e+00> : vector<256x128xf32>
    %dot_general3A_262 = tpu.matmul %reshape3A_260, %get3A_29, %dot_general3A_261 {dimension_numbers = #tpu.dot_dimension_numbers<[1], [0], [0], [1], [0, 0, 1, 1], [], []>, transpose_lhs_hint = false} : vector<256x256xf32>, vector<256x128xf32>, vector<256x128xf32> -> vector<256x128xf32>
    %add3A_263 = vector.broadcast %get3A_26 : vector<1x128xf32> to vector<256x128xf32>
    %add3A_264 = arith.addf %dot_general3A_262, %add3A_263 : vector<256x128xf32>
    %max3A_265 = arith.constant 0.000000e+00 : f32
    %max3A_266 = vector.broadcast %max3A_265 : f32 to vector<256x128xf32>
    %max3A_267 = arith.maximumf %add3A_264, %max3A_266 : vector<256x128xf32>
    %slice3A_268 = vector.extract_strided_slice %select_n3A {offsets = [0, 24], sizes = [32, 1], strides = [1, 1]} : vector<128x128xf32> to vector<32x1xf32>
    %slice3A_269 = vector.extract_strided_slice %max3A_267 {offsets = [0, 0], sizes = [32, 128], strides = [1, 1]} : vector<256x128xf32> to vector<32x128xf32>
    %mul3A_270 = vector.broadcast %slice3A_268 : vector<32x1xf32> to vector<32x128xf32>
    %mul3A_271 = arith.mulf %mul3A_270, %slice3A_269 : vector<32x128xf32>
    %swap3A_272 = arith.constant 0 : index
    %swap3A_273 = arith.constant 3072 : index
    %swap3A_274 = vector.load %arg8[%swap3A_272, %swap3A_273] : memref<128x16384xf32, #tpu.memory_space<vmem>>, vector<32x128xf32>
    tpu.vector_store %arg8[%swap3A_272, %swap3A_273], %mul3A_271 {strides = array<i32>} : memref<128x16384xf32, #tpu.memory_space<vmem>>, vector<32x128xf32>,
    %slice3A_275 = vector.extract_strided_slice %select_n3A {offsets = [0, 25], sizes = [32, 1], strides = [1, 1]} : vector<128x128xf32> to vector<32x1xf32>
    %slice3A_276 = vector.extract_strided_slice %max3A_267 {offsets = [32, 0], sizes = [32, 128], strides = [1, 1]} : vector<256x128xf32> to vector<32x128xf32>
    %mul3A_277 = vector.broadcast %slice3A_275 : vector<32x1xf32> to vector<32x128xf32>
    %mul3A_278 = arith.mulf %mul3A_277, %slice3A_276 : vector<32x128xf32>
    %swap3A_279 = arith.constant 0 : index
    %swap3A_280 = arith.constant 3200 : index
    %swap3A_281 = vector.load %arg8[%swap3A_279, %swap3A_280] : memref<128x16384xf32, #tpu.memory_space<vmem>>, vector<32x128xf32>
    tpu.vector_store %arg8[%swap3A_279, %swap3A_280], %mul3A_278 {strides = array<i32>} : memref<128x16384xf32, #tpu.memory_space<vmem>>, vector<32x128xf32>,
    %slice3A_282 = vector.extract_strided_slice %select_n3A {offsets = [0, 26], sizes = [32, 1], strides = [1, 1]} : vector<128x128xf32> to vector<32x1xf32>
    %slice3A_283 = vector.extract_strided_slice %max3A_267 {offsets = [64, 0], sizes = [32, 128], strides = [1, 1]} : vector<256x128xf32> to vector<32x128xf32>
    %mul3A_284 = vector.broadcast %slice3A_282 : vector<32x1xf32> to vector<32x128xf32>
    %mul3A_285 = arith.mulf %mul3A_284, %slice3A_283 : vector<32x128xf32>
    %swap3A_286 = arith.constant 0 : index
    %swap3A_287 = arith.constant 3328 : index
    %swap3A_288 = vector.load %arg8[%swap3A_286, %swap3A_287] : memref<128x16384xf32, #tpu.memory_space<vmem>>, vector<32x128xf32>
    tpu.vector_store %arg8[%swap3A_286, %swap3A_287], %mul3A_285 {strides = array<i32>} : memref<128x16384xf32, #tpu.memory_space<vmem>>, vector<32x128xf32>,
    %slice3A_289 = vector.extract_strided_slice %select_n3A {offsets = [0, 27], sizes = [32, 1], strides = [1, 1]} : vector<128x128xf32> to vector<32x1xf32>
    %slice3A_290 = vector.extract_strided_slice %max3A_267 {offsets = [96, 0], sizes = [32, 128], strides = [1, 1]} : vector<256x128xf32> to vector<32x128xf32>
    %mul3A_291 = vector.broadcast %slice3A_289 : vector<32x1xf32> to vector<32x128xf32>
    %mul3A_292 = arith.mulf %mul3A_291, %slice3A_290 : vector<32x128xf32>
    %swap3A_293 = arith.constant 0 : index
    %swap3A_294 = arith.constant 3456 : index
    %swap3A_295 = vector.load %arg8[%swap3A_293, %swap3A_294] : memref<128x16384xf32, #tpu.memory_space<vmem>>, vector<32x128xf32>
    tpu.vector_store %arg8[%swap3A_293, %swap3A_294], %mul3A_292 {strides = array<i32>} : memref<128x16384xf32, #tpu.memory_space<vmem>>, vector<32x128xf32>,
    %slice3A_296 = vector.extract_strided_slice %select_n3A {offsets = [0, 28], sizes = [32, 1], strides = [1, 1]} : vector<128x128xf32> to vector<32x1xf32>
    %slice3A_297 = vector.extract_strided_slice %max3A_267 {offsets = [128, 0], sizes = [32, 128], strides = [1, 1]} : vector<256x128xf32> to vector<32x128xf32>
    %mul3A_298 = vector.broadcast %slice3A_296 : vector<32x1xf32> to vector<32x128xf32>
    %mul3A_299 = arith.mulf %mul3A_298, %slice3A_297 : vector<32x128xf32>
    %swap3A_300 = arith.constant 0 : index
    %swap3A_301 = arith.constant 3584 : index
    %swap3A_302 = vector.load %arg8[%swap3A_300, %swap3A_301] : memref<128x16384xf32, #tpu.memory_space<vmem>>, vector<32x128xf32>
    tpu.vector_store %arg8[%swap3A_300, %swap3A_301], %mul3A_299 {strides = array<i32>} : memref<128x16384xf32, #tpu.memory_space<vmem>>, vector<32x128xf32>,
    %slice3A_303 = vector.extract_strided_slice %select_n3A {offsets = [0, 29], sizes = [32, 1], strides = [1, 1]} : vector<128x128xf32> to vector<32x1xf32>
    %slice3A_304 = vector.extract_strided_slice %max3A_267 {offsets = [160, 0], sizes = [32, 128], strides = [1, 1]} : vector<256x128xf32> to vector<32x128xf32>
    %mul3A_305 = vector.broadcast %slice3A_303 : vector<32x1xf32> to vector<32x128xf32>
    %mul3A_306 = arith.mulf %mul3A_305, %slice3A_304 : vector<32x128xf32>
    %swap3A_307 = arith.constant 0 : index
    %swap3A_308 = arith.constant 3712 : index
    %swap3A_309 = vector.load %arg8[%swap3A_307, %swap3A_308] : memref<128x16384xf32, #tpu.memory_space<vmem>>, vector<32x128xf32>
    tpu.vector_store %arg8[%swap3A_307, %swap3A_308], %mul3A_306 {strides = array<i32>} : memref<128x16384xf32, #tpu.memory_space<vmem>>, vector<32x128xf32>,
    %slice3A_310 = vector.extract_strided_slice %select_n3A {offsets = [0, 30], sizes = [32, 1], strides = [1, 1]} : vector<128x128xf32> to vector<32x1xf32>
    %slice3A_311 = vector.extract_strided_slice %max3A_267 {offsets = [192, 0], sizes = [32, 128], strides = [1, 1]} : vector<256x128xf32> to vector<32x128xf32>
    %mul3A_312 = vector.broadcast %slice3A_310 : vector<32x1xf32> to vector<32x128xf32>
    %mul3A_313 = arith.mulf %mul3A_312, %slice3A_311 : vector<32x128xf32>
    %swap3A_314 = arith.constant 0 : index
    %swap3A_315 = arith.constant 3840 : index
    %swap3A_316 = vector.load %arg8[%swap3A_314, %swap3A_315] : memref<128x16384xf32, #tpu.memory_space<vmem>>, vector<32x128xf32>
    tpu.vector_store %arg8[%swap3A_314, %swap3A_315], %mul3A_313 {strides = array<i32>} : memref<128x16384xf32, #tpu.memory_space<vmem>>, vector<32x128xf32>,
    %slice3A_317 = vector.extract_strided_slice %select_n3A {offsets = [0, 31], sizes = [32, 1], strides = [1, 1]} : vector<128x128xf32> to vector<32x1xf32>
    %slice3A_318 = vector.extract_strided_slice %max3A_267 {offsets = [224, 0], sizes = [32, 128], strides = [1, 1]} : vector<256x128xf32> to vector<32x128xf32>
    %mul3A_319 = vector.broadcast %slice3A_317 : vector<32x1xf32> to vector<32x128xf32>
    %mul3A_320 = arith.mulf %mul3A_319, %slice3A_318 : vector<32x128xf32>
    %swap3A_321 = arith.constant 0 : index
    %swap3A_322 = arith.constant 3968 : index
    %swap3A_323 = vector.load %arg8[%swap3A_321, %swap3A_322] : memref<128x16384xf32, #tpu.memory_space<vmem>>, vector<32x128xf32>
    tpu.vector_store %arg8[%swap3A_321, %swap3A_322], %mul3A_320 {strides = array<i32>} : memref<128x16384xf32, #tpu.memory_space<vmem>>, vector<32x128xf32>,
    %slice3A_324 = vector.extract_strided_slice %get3A_23 {offsets = [32, 0], sizes = [8, 256], strides = [1, 1]} : vector<128x256xf32> to vector<8x256xf32>
    %broadcast_in_dim3A_325 = vector.shape_cast %slice3A_324 : vector<8x256xf32> to vector<8x1x256xf32>
    %slice3A_326 = vector.extract_strided_slice %get3A_23 {offsets = [0, 0], sizes = [40, 256], strides = [1, 1]} : vector<128x256xf32> to vector<40x256xf32>
    %broadcast_in_dim3A_327 = vector.shape_cast %slice3A_326 : vector<40x256xf32> to vector<1x40x256xf32>
    %add3A_328 = vector.broadcast %broadcast_in_dim3A_325 : vector<8x1x256xf32> to vector<8x40x256xf32>
    %add3A_329 = vector.broadcast %broadcast_in_dim3A_327 : vector<1x40x256xf32> to vector<8x40x256xf32>
    %add3A_330 = arith.addf %add3A_328, %add3A_329 : vector<8x40x256xf32>
    %max3A_331 = arith.constant 0.000000e+00 : f32
    %max3A_332 = vector.broadcast %max3A_331 : f32 to vector<8x40x256xf32>
    %max3A_333 = arith.maximumf %add3A_330, %max3A_332 : vector<8x40x256xf32>
    %reshape3A_334 = vector.shape_cast %max3A_333 : vector<8x40x256xf32> to vector<320x256xf32>
    %dot_general3A_335 = arith.constant dense<0.000000e+00> : vector<320x128xf32>
    %dot_general3A_336 = tpu.matmul %reshape3A_334, %get3A_29, %dot_general3A_335 {dimension_numbers = #tpu.dot_dimension_numbers<[1], [0], [0], [1], [0, 0, 1, 1], [], []>, transpose_lhs_hint = false} : vector<320x256xf32>, vector<256x128xf32>, vector<320x128xf32> -> vector<320x128xf32>
    %add3A_337 = vector.broadcast %get3A_26 : vector<1x128xf32> to vector<320x128xf32>
    %add3A_338 = arith.addf %dot_general3A_336, %add3A_337 : vector<320x128xf32>
    %max3A_339 = arith.constant 0.000000e+00 : f32
    %max3A_340 = vector.broadcast %max3A_339 : f32 to vector<320x128xf32>
    %max3A_341 = arith.maximumf %add3A_338, %max3A_340 : vector<320x128xf32>
    %slice3A_342 = vector.extract_strided_slice %select_n3A {offsets = [0, 32], sizes = [40, 1], strides = [1, 1]} : vector<128x128xf32> to vector<40x1xf32>
    %slice3A_343 = vector.extract_strided_slice %max3A_341 {offsets = [0, 0], sizes = [40, 128], strides = [1, 1]} : vector<320x128xf32> to vector<40x128xf32>
    %mul3A_344 = vector.broadcast %slice3A_342 : vector<40x1xf32> to vector<40x128xf32>
    %mul3A_345 = arith.mulf %mul3A_344, %slice3A_343 : vector<40x128xf32>
    %swap3A_346 = arith.constant 0 : index
    %swap3A_347 = arith.constant 4096 : index
    %swap3A_348 = vector.load %arg8[%swap3A_346, %swap3A_347] : memref<128x16384xf32, #tpu.memory_space<vmem>>, vector<40x128xf32>
    tpu.vector_store %arg8[%swap3A_346, %swap3A_347], %mul3A_345 {strides = array<i32>} : memref<128x16384xf32, #tpu.memory_space<vmem>>, vector<40x128xf32>,
    %slice3A_349 = vector.extract_strided_slice %select_n3A {offsets = [0, 33], sizes = [40, 1], strides = [1, 1]} : vector<128x128xf32> to vector<40x1xf32>
    %slice3A_350 = vector.extract_strided_slice %max3A_341 {offsets = [40, 0], sizes = [40, 128], strides = [1, 1]} : vector<320x128xf32> to vector<40x128xf32>
    %mul3A_351 = vector.broadcast %slice3A_349 : vector<40x1xf32> to vector<40x128xf32>
    %mul3A_352 = arith.mulf %mul3A_351, %slice3A_350 : vector<40x128xf32>
    %swap3A_353 = arith.constant 0 : index
    %swap3A_354 = arith.constant 4224 : index
    %swap3A_355 = vector.load %arg8[%swap3A_353, %swap3A_354] : memref<128x16384xf32, #tpu.memory_space<vmem>>, vector<40x128xf32>
    tpu.vector_store %arg8[%swap3A_353, %swap3A_354], %mul3A_352 {strides = array<i32>} : memref<128x16384xf32, #tpu.memory_space<vmem>>, vector<40x128xf32>,
    %slice3A_356 = vector.extract_strided_slice %select_n3A {offsets = [0, 34], sizes = [40, 1], strides = [1, 1]} : vector<128x128xf32> to vector<40x1xf32>
    %slice3A_357 = vector.extract_strided_slice %max3A_341 {offsets = [80, 0], sizes = [40, 128], strides = [1, 1]} : vector<320x128xf32> to vector<40x128xf32>
    %mul3A_358 = vector.broadcast %slice3A_356 : vector<40x1xf32> to vector<40x128xf32>
    %mul3A_359 = arith.mulf %mul3A_358, %slice3A_357 : vector<40x128xf32>
    %swap3A_360 = arith.constant 0 : index
    %swap3A_361 = arith.constant 4352 : index
    %swap3A_362 = vector.load %arg8[%swap3A_360, %swap3A_361] : memref<128x16384xf32, #tpu.memory_space<vmem>>, vector<40x128xf32>
    tpu.vector_store %arg8[%swap3A_360, %swap3A_361], %mul3A_359 {strides = array<i32>} : memref<128x16384xf32, #tpu.memory_space<vmem>>, vector<40x128xf32>,
    %slice3A_363 = vector.extract_strided_slice %select_n3A {offsets = [0, 35], sizes = [40, 1], strides = [1, 1]} : vector<128x128xf32> to vector<40x1xf32>
    %slice3A_364 = vector.extract_strided_slice %max3A_341 {offsets = [120, 0], sizes = [40, 128], strides = [1, 1]} : vector<320x128xf32> to vector<40x128xf32>
    %mul3A_365 = vector.broadcast %slice3A_363 : vector<40x1xf32> to vector<40x128xf32>
    %mul3A_366 = arith.mulf %mul3A_365, %slice3A_364 : vector<40x128xf32>
    %swap3A_367 = arith.constant 0 : index
    %swap3A_368 = arith.constant 4480 : index
    %swap3A_369 = vector.load %arg8[%swap3A_367, %swap3A_368] : memref<128x16384xf32, #tpu.memory_space<vmem>>, vector<40x128xf32>
    tpu.vector_store %arg8[%swap3A_367, %swap3A_368], %mul3A_366 {strides = array<i32>} : memref<128x16384xf32, #tpu.memory_space<vmem>>, vector<40x128xf32>,
    %slice3A_370 = vector.extract_strided_slice %select_n3A {offsets = [0, 36], sizes = [40, 1], strides = [1, 1]} : vector<128x128xf32> to vector<40x1xf32>
    %slice3A_371 = vector.extract_strided_slice %max3A_341 {offsets = [160, 0], sizes = [40, 128], strides = [1, 1]} : vector<320x128xf32> to vector<40x128xf32>
    %mul3A_372 = vector.broadcast %slice3A_370 : vector<40x1xf32> to vector<40x128xf32>
    %mul3A_373 = arith.mulf %mul3A_372, %slice3A_371 : vector<40x128xf32>
    %swap3A_374 = arith.constant 0 : index
    %swap3A_375 = arith.constant 4608 : index
    %swap3A_376 = vector.load %arg8[%swap3A_374, %swap3A_375] : memref<128x16384xf32, #tpu.memory_space<vmem>>, vector<40x128xf32>
    tpu.vector_store %arg8[%swap3A_374, %swap3A_375], %mul3A_373 {strides = array<i32>} : memref<128x16384xf32, #tpu.memory_space<vmem>>, vector<40x128xf32>,
    %slice3A_377 = vector.extract_strided_slice %select_n3A {offsets = [0, 37], sizes = [40, 1], strides = [1, 1]} : vector<128x128xf32> to vector<40x1xf32>
    %slice3A_378 = vector.extract_strided_slice %max3A_341 {offsets = [200, 0], sizes = [40, 128], strides = [1, 1]} : vector<320x128xf32> to vector<40x128xf32>
    %mul3A_379 = vector.broadcast %slice3A_377 : vector<40x1xf32> to vector<40x128xf32>
    %mul3A_380 = arith.mulf %mul3A_379, %slice3A_378 : vector<40x128xf32>
    %swap3A_381 = arith.constant 0 : index
    %swap3A_382 = arith.constant 4736 : index
    %swap3A_383 = vector.load %arg8[%swap3A_381, %swap3A_382] : memref<128x16384xf32, #tpu.memory_space<vmem>>, vector<40x128xf32>
    tpu.vector_store %arg8[%swap3A_381, %swap3A_382], %mul3A_380 {strides = array<i32>} : memref<128x16384xf32, #tpu.memory_space<vmem>>, vector<40x128xf32>,
    %slice3A_384 = vector.extract_strided_slice %select_n3A {offsets = [0, 38], sizes = [40, 1], strides = [1, 1]} : vector<128x128xf32> to vector<40x1xf32>
    %slice3A_385 = vector.extract_strided_slice %max3A_341 {offsets = [240, 0], sizes = [40, 128], strides = [1, 1]} : vector<320x128xf32> to vector<40x128xf32>
    %mul3A_386 = vector.broadcast %slice3A_384 : vector<40x1xf32> to vector<40x128xf32>
    %mul3A_387 = arith.mulf %mul3A_386, %slice3A_385 : vector<40x128xf32>
    %swap3A_388 = arith.constant 0 : index
    %swap3A_389 = arith.constant 4864 : index
    %swap3A_390 = vector.load %arg8[%swap3A_388, %swap3A_389] : memref<128x16384xf32, #tpu.memory_space<vmem>>, vector<40x128xf32>
    tpu.vector_store %arg8[%swap3A_388, %swap3A_389], %mul3A_387 {strides = array<i32>} : memref<128x16384xf32, #tpu.memory_space<vmem>>, vector<40x128xf32>,
    %slice3A_391 = vector.extract_strided_slice %select_n3A {offsets = [0, 39], sizes = [40, 1], strides = [1, 1]} : vector<128x128xf32> to vector<40x1xf32>
    %slice3A_392 = vector.extract_strided_slice %max3A_341 {offsets = [280, 0], sizes = [40, 128], strides = [1, 1]} : vector<320x128xf32> to vector<40x128xf32>
    %mul3A_393 = vector.broadcast %slice3A_391 : vector<40x1xf32> to vector<40x128xf32>
    %mul3A_394 = arith.mulf %mul3A_393, %slice3A_392 : vector<40x128xf32>
    %swap3A_395 = arith.constant 0 : index
    %swap3A_396 = arith.constant 4992 : index
    %swap3A_397 = vector.load %arg8[%swap3A_395, %swap3A_396] : memref<128x16384xf32, #tpu.memory_space<vmem>>, vector<40x128xf32>
    tpu.vector_store %arg8[%swap3A_395, %swap3A_396], %mul3A_394 {strides = array<i32>} : memref<128x16384xf32, #tpu.memory_space<vmem>>, vector<40x128xf32>,
    %slice3A_398 = vector.extract_strided_slice %get3A_23 {offsets = [40, 0], sizes = [8, 256], strides = [1, 1]} : vector<128x256xf32> to vector<8x256xf32>
    %broadcast_in_dim3A_399 = vector.shape_cast %slice3A_398 : vector<8x256xf32> to vector<8x1x256xf32>
    %slice3A_400 = vector.extract_strided_slice %get3A_23 {offsets = [0, 0], sizes = [48, 256], strides = [1, 1]} : vector<128x256xf32> to vector<48x256xf32>
    %broadcast_in_dim3A_401 = vector.shape_cast %slice3A_400 : vector<48x256xf32> to vector<1x48x256xf32>
    %add3A_402 = vector.broadcast %broadcast_in_dim3A_399 : vector<8x1x256xf32> to vector<8x48x256xf32>
    %add3A_403 = vector.broadcast %broadcast_in_dim3A_401 : vector<1x48x256xf32> to vector<8x48x256xf32>
    %add3A_404 = arith.addf %add3A_402, %add3A_403 : vector<8x48x256xf32>
    %max3A_405 = arith.constant 0.000000e+00 : f32
    %max3A_406 = vector.broadcast %max3A_405 : f32 to vector<8x48x256xf32>
    %max3A_407 = arith.maximumf %add3A_404, %max3A_406 : vector<8x48x256xf32>
    %reshape3A_408 = vector.shape_cast %max3A_407 : vector<8x48x256xf32> to vector<384x256xf32>
    %dot_general3A_409 = arith.constant dense<0.000000e+00> : vector<384x128xf32>
    %dot_general3A_410 = tpu.matmul %reshape3A_408, %get3A_29, %dot_general3A_409 {dimension_numbers = #tpu.dot_dimension_numbers<[1], [0], [0], [1], [0, 0, 1, 1], [], []>, transpose_lhs_hint = false} : vector<384x256xf32>, vector<256x128xf32>, vector<384x128xf32> -> vector<384x128xf32>
    %add3A_411 = vector.broadcast %get3A_26 : vector<1x128xf32> to vector<384x128xf32>
    %add3A_412 = arith.addf %dot_general3A_410, %add3A_411 : vector<384x128xf32>
    %max3A_413 = arith.constant 0.000000e+00 : f32
    %max3A_414 = vector.broadcast %max3A_413 : f32 to vector<384x128xf32>
    %max3A_415 = arith.maximumf %add3A_412, %max3A_414 : vector<384x128xf32>
    %slice3A_416 = vector.extract_strided_slice %select_n3A {offsets = [0, 40], sizes = [48, 1], strides = [1, 1]} : vector<128x128xf32> to vector<48x1xf32>
    %slice3A_417 = vector.extract_strided_slice %max3A_415 {offsets = [0, 0], sizes = [48, 128], strides = [1, 1]} : vector<384x128xf32> to vector<48x128xf32>
    %mul3A_418 = vector.broadcast %slice3A_416 : vector<48x1xf32> to vector<48x128xf32>
    %mul3A_419 = arith.mulf %mul3A_418, %slice3A_417 : vector<48x128xf32>
    %swap3A_420 = arith.constant 0 : index
    %swap3A_421 = arith.constant 5120 : index
    %swap3A_422 = vector.load %arg8[%swap3A_420, %swap3A_421] : memref<128x16384xf32, #tpu.memory_space<vmem>>, vector<48x128xf32>
    tpu.vector_store %arg8[%swap3A_420, %swap3A_421], %mul3A_419 {strides = array<i32>} : memref<128x16384xf32, #tpu.memory_space<vmem>>, vector<48x128xf32>,
    %slice3A_423 = vector.extract_strided_slice %select_n3A {offsets = [0, 41], sizes = [48, 1], strides = [1, 1]} : vector<128x128xf32> to vector<48x1xf32>
    %slice3A_424 = vector.extract_strided_slice %max3A_415 {offsets = [48, 0], sizes = [48, 128], strides = [1, 1]} : vector<384x128xf32> to vector<48x128xf32>
    %mul3A_425 = vector.broadcast %slice3A_423 : vector<48x1xf32> to vector<48x128xf32>
    %mul3A_426 = arith.mulf %mul3A_425, %slice3A_424 : vector<48x128xf32>
    %swap3A_427 = arith.constant 0 : index
    %swap3A_428 = arith.constant 5248 : index
    %swap3A_429 = vector.load %arg8[%swap3A_427, %swap3A_428] : memref<128x16384xf32, #tpu.memory_space<vmem>>, vector<48x128xf32>
    tpu.vector_store %arg8[%swap3A_427, %swap3A_428], %mul3A_426 {strides = array<i32>} : memref<128x16384xf32, #tpu.memory_space<vmem>>, vector<48x128xf32>,
    %slice3A_430 = vector.extract_strided_slice %select_n3A {offsets = [0, 42], sizes = [48, 1], strides = [1, 1]} : vector<128x128xf32> to vector<48x1xf32>
    %slice3A_431 = vector.extract_strided_slice %max3A_415 {offsets = [96, 0], sizes = [48, 128], strides = [1, 1]} : vector<384x128xf32> to vector<48x128xf32>
    %mul3A_432 = vector.broadcast %slice3A_430 : vector<48x1xf32> to vector<48x128xf32>
    %mul3A_433 = arith.mulf %mul3A_432, %slice3A_431 : vector<48x128xf32>
    %swap3A_434 = arith.constant 0 : index
    %swap3A_435 = arith.constant 5376 : index
    %swap3A_436 = vector.load %arg8[%swap3A_434, %swap3A_435] : memref<128x16384xf32, #tpu.memory_space<vmem>>, vector<48x128xf32>
    tpu.vector_store %arg8[%swap3A_434, %swap3A_435], %mul3A_433 {strides = array<i32>} : memref<128x16384xf32, #tpu.memory_space<vmem>>, vector<48x128xf32>,
    %slice3A_437 = vector.extract_strided_slice %select_n3A {offsets = [0, 43], sizes = [48, 1], strides = [1, 1]} : vector<128x128xf32> to vector<48x1xf32>
    %slice3A_438 = vector.extract_strided_slice %max3A_415 {offsets = [144, 0], sizes = [48, 128], strides = [1, 1]} : vector<384x128xf32> to vector<48x128xf32>
    %mul3A_439 = vector.broadcast %slice3A_437 : vector<48x1xf32> to vector<48x128xf32>
    %mul3A_440 = arith.mulf %mul3A_439, %slice3A_438 : vector<48x128xf32>
    %swap3A_441 = arith.constant 0 : index
    %swap3A_442 = arith.constant 5504 : index
    %swap3A_443 = vector.load %arg8[%swap3A_441, %swap3A_442] : memref<128x16384xf32, #tpu.memory_space<vmem>>, vector<48x128xf32>
    tpu.vector_store %arg8[%swap3A_441, %swap3A_442], %mul3A_440 {strides = array<i32>} : memref<128x16384xf32, #tpu.memory_space<vmem>>, vector<48x128xf32>,
    %slice3A_444 = vector.extract_strided_slice %select_n3A {offsets = [0, 44], sizes = [48, 1], strides = [1, 1]} : vector<128x128xf32> to vector<48x1xf32>
    %slice3A_445 = vector.extract_strided_slice %max3A_415 {offsets = [192, 0], sizes = [48, 128], strides = [1, 1]} : vector<384x128xf32> to vector<48x128xf32>
    %mul3A_446 = vector.broadcast %slice3A_444 : vector<48x1xf32> to vector<48x128xf32>
    %mul3A_447 = arith.mulf %mul3A_446, %slice3A_445 : vector<48x128xf32>
    %swap3A_448 = arith.constant 0 : index
    %swap3A_449 = arith.constant 5632 : index
    %swap3A_450 = vector.load %arg8[%swap3A_448, %swap3A_449] : memref<128x16384xf32, #tpu.memory_space<vmem>>, vector<48x128xf32>
    tpu.vector_store %arg8[%swap3A_448, %swap3A_449], %mul3A_447 {strides = array<i32>} : memref<128x16384xf32, #tpu.memory_space<vmem>>, vector<48x128xf32>,
    %slice3A_451 = vector.extract_strided_slice %select_n3A {offsets = [0, 45], sizes = [48, 1], strides = [1, 1]} : vector<128x128xf32> to vector<48x1xf32>
    %slice3A_452 = vector.extract_strided_slice %max3A_415 {offsets = [240, 0], sizes = [48, 128], strides = [1, 1]} : vector<384x128xf32> to vector<48x128xf32>
    %mul3A_453 = vector.broadcast %slice3A_451 : vector<48x1xf32> to vector<48x128xf32>
    %mul3A_454 = arith.mulf %mul3A_453, %slice3A_452 : vector<48x128xf32>
    %swap3A_455 = arith.constant 0 : index
    %swap3A_456 = arith.constant 5760 : index
    %swap3A_457 = vector.load %arg8[%swap3A_455, %swap3A_456] : memref<128x16384xf32, #tpu.memory_space<vmem>>, vector<48x128xf32>
    tpu.vector_store %arg8[%swap3A_455, %swap3A_456], %mul3A_454 {strides = array<i32>} : memref<128x16384xf32, #tpu.memory_space<vmem>>, vector<48x128xf32>,
    %slice3A_458 = vector.extract_strided_slice %select_n3A {offsets = [0, 46], sizes = [48, 1], strides = [1, 1]} : vector<128x128xf32> to vector<48x1xf32>
    %slice3A_459 = vector.extract_strided_slice %max3A_415 {offsets = [288, 0], sizes = [48, 128], strides = [1, 1]} : vector<384x128xf32> to vector<48x128xf32>
    %mul3A_460 = vector.broadcast %slice3A_458 : vector<48x1xf32> to vector<48x128xf32>
    %mul3A_461 = arith.mulf %mul3A_460, %slice3A_459 : vector<48x128xf32>
    %swap3A_462 = arith.constant 0 : index
    %swap3A_463 = arith.constant 5888 : index
    %swap3A_464 = vector.load %arg8[%swap3A_462, %swap3A_463] : memref<128x16384xf32, #tpu.memory_space<vmem>>, vector<48x128xf32>
    tpu.vector_store %arg8[%swap3A_462, %swap3A_463], %mul3A_461 {strides = array<i32>} : memref<128x16384xf32, #tpu.memory_space<vmem>>, vector<48x128xf32>,
    %slice3A_465 = vector.extract_strided_slice %select_n3A {offsets = [0, 47], sizes = [48, 1], strides = [1, 1]} : vector<128x128xf32> to vector<48x1xf32>
    %slice3A_466 = vector.extract_strided_slice %max3A_415 {offsets = [336, 0], sizes = [48, 128], strides = [1, 1]} : vector<384x128xf32> to vector<48x128xf32>
    %mul3A_467 = vector.broadcast %slice3A_465 : vector<48x1xf32> to vector<48x128xf32>
    %mul3A_468 = arith.mulf %mul3A_467, %slice3A_466 : vector<48x128xf32>
    %swap3A_469 = arith.constant 0 : index
    %swap3A_470 = arith.constant 6016 : index
    %swap3A_471 = vector.load %arg8[%swap3A_469, %swap3A_470] : memref<128x16384xf32, #tpu.memory_space<vmem>>, vector<48x128xf32>
    tpu.vector_store %arg8[%swap3A_469, %swap3A_470], %mul3A_468 {strides = array<i32>} : memref<128x16384xf32, #tpu.memory_space<vmem>>, vector<48x128xf32>,
    %slice3A_472 = vector.extract_strided_slice %get3A_23 {offsets = [48, 0], sizes = [8, 256], strides = [1, 1]} : vector<128x256xf32> to vector<8x256xf32>
    %broadcast_in_dim3A_473 = vector.shape_cast %slice3A_472 : vector<8x256xf32> to vector<8x1x256xf32>
    %slice3A_474 = vector.extract_strided_slice %get3A_23 {offsets = [0, 0], sizes = [56, 256], strides = [1, 1]} : vector<128x256xf32> to vector<56x256xf32>
    %broadcast_in_dim3A_475 = vector.shape_cast %slice3A_474 : vector<56x256xf32> to vector<1x56x256xf32>
    %add3A_476 = vector.broadcast %broadcast_in_dim3A_473 : vector<8x1x256xf32> to vector<8x56x256xf32>
    %add3A_477 = vector.broadcast %broadcast_in_dim3A_475 : vector<1x56x256xf32> to vector<8x56x256xf32>
    %add3A_478 = arith.addf %add3A_476, %add3A_477 : vector<8x56x256xf32>
    %max3A_479 = arith.constant 0.000000e+00 : f32
    %max3A_480 = vector.broadcast %max3A_479 : f32 to vector<8x56x256xf32>
    %max3A_481 = arith.maximumf %add3A_478, %max3A_480 : vector<8x56x256xf32>
    %reshape3A_482 = vector.shape_cast %max3A_481 : vector<8x56x256xf32> to vector<448x256xf32>
    %dot_general3A_483 = arith.constant dense<0.000000e+00> : vector<448x128xf32>
    %dot_general3A_484 = tpu.matmul %reshape3A_482, %get3A_29, %dot_general3A_483 {dimension_numbers = #tpu.dot_dimension_numbers<[1], [0], [0], [1], [0, 0, 1, 1], [], []>, transpose_lhs_hint = false} : vector<448x256xf32>, vector<256x128xf32>, vector<448x128xf32> -> vector<448x128xf32>
    %add3A_485 = vector.broadcast %get3A_26 : vector<1x128xf32> to vector<448x128xf32>
    %add3A_486 = arith.addf %dot_general3A_484, %add3A_485 : vector<448x128xf32>
    %max3A_487 = arith.constant 0.000000e+00 : f32
    %max3A_488 = vector.broadcast %max3A_487 : f32 to vector<448x128xf32>
    %max3A_489 = arith.maximumf %add3A_486, %max3A_488 : vector<448x128xf32>
    %slice3A_490 = vector.extract_strided_slice %select_n3A {offsets = [0, 48], sizes = [56, 1], strides = [1, 1]} : vector<128x128xf32> to vector<56x1xf32>
    %slice3A_491 = vector.extract_strided_slice %max3A_489 {offsets = [0, 0], sizes = [56, 128], strides = [1, 1]} : vector<448x128xf32> to vector<56x128xf32>
    %mul3A_492 = vector.broadcast %slice3A_490 : vector<56x1xf32> to vector<56x128xf32>
    %mul3A_493 = arith.mulf %mul3A_492, %slice3A_491 : vector<56x128xf32>
    %swap3A_494 = arith.constant 0 : index
    %swap3A_495 = arith.constant 6144 : index
    %swap3A_496 = vector.load %arg8[%swap3A_494, %swap3A_495] : memref<128x16384xf32, #tpu.memory_space<vmem>>, vector<56x128xf32>
    tpu.vector_store %arg8[%swap3A_494, %swap3A_495], %mul3A_493 {strides = array<i32>} : memref<128x16384xf32, #tpu.memory_space<vmem>>, vector<56x128xf32>,
    %slice3A_497 = vector.extract_strided_slice %select_n3A {offsets = [0, 49], sizes = [56, 1], strides = [1, 1]} : vector<128x128xf32> to vector<56x1xf32>
    %slice3A_498 = vector.extract_strided_slice %max3A_489 {offsets = [56, 0], sizes = [56, 128], strides = [1, 1]} : vector<448x128xf32> to vector<56x128xf32>
    %mul3A_499 = vector.broadcast %slice3A_497 : vector<56x1xf32> to vector<56x128xf32>
    %mul3A_500 = arith.mulf %mul3A_499, %slice3A_498 : vector<56x128xf32>
    %swap3A_501 = arith.constant 0 : index
    %swap3A_502 = arith.constant 6272 : index
    %swap3A_503 = vector.load %arg8[%swap3A_501, %swap3A_502] : memref<128x16384xf32, #tpu.memory_space<vmem>>, vector<56x128xf32>
    tpu.vector_store %arg8[%swap3A_501, %swap3A_502], %mul3A_500 {strides = array<i32>} : memref<128x16384xf32, #tpu.memory_space<vmem>>, vector<56x128xf32>,
    %slice3A_504 = vector.extract_strided_slice %select_n3A {offsets = [0, 50], sizes = [56, 1], strides = [1, 1]} : vector<128x128xf32> to vector<56x1xf32>
    %slice3A_505 = vector.extract_strided_slice %max3A_489 {offsets = [112, 0], sizes = [56, 128], strides = [1, 1]} : vector<448x128xf32> to vector<56x128xf32>
    %mul3A_506 = vector.broadcast %slice3A_504 : vector<56x1xf32> to vector<56x128xf32>
    %mul3A_507 = arith.mulf %mul3A_506, %slice3A_505 : vector<56x128xf32>
    %swap3A_508 = arith.constant 0 : index
    %swap3A_509 = arith.constant 6400 : index
    %swap3A_510 = vector.load %arg8[%swap3A_508, %swap3A_509] : memref<128x16384xf32, #tpu.memory_space<vmem>>, vector<56x128xf32>
    tpu.vector_store %arg8[%swap3A_508, %swap3A_509], %mul3A_507 {strides = array<i32>} : memref<128x16384xf32, #tpu.memory_space<vmem>>, vector<56x128xf32>,
    %slice3A_511 = vector.extract_strided_slice %select_n3A {offsets = [0, 51], sizes = [56, 1], strides = [1, 1]} : vector<128x128xf32> to vector<56x1xf32>
    %slice3A_512 = vector.extract_strided_slice %max3A_489 {offsets = [168, 0], sizes = [56, 128], strides = [1, 1]} : vector<448x128xf32> to vector<56x128xf32>
    %mul3A_513 = vector.broadcast %slice3A_511 : vector<56x1xf32> to vector<56x128xf32>
    %mul3A_514 = arith.mulf %mul3A_513, %slice3A_512 : vector<56x128xf32>
    %swap3A_515 = arith.constant 0 : index
    %swap3A_516 = arith.constant 6528 : index
    %swap3A_517 = vector.load %arg8[%swap3A_515, %swap3A_516] : memref<128x16384xf32, #tpu.memory_space<vmem>>, vector<56x128xf32>
    tpu.vector_store %arg8[%swap3A_515, %swap3A_516], %mul3A_514 {strides = array<i32>} : memref<128x16384xf32, #tpu.memory_space<vmem>>, vector<56x128xf32>,
    %slice3A_518 = vector.extract_strided_slice %select_n3A {offsets = [0, 52], sizes = [56, 1], strides = [1, 1]} : vector<128x128xf32> to vector<56x1xf32>
    %slice3A_519 = vector.extract_strided_slice %max3A_489 {offsets = [224, 0], sizes = [56, 128], strides = [1, 1]} : vector<448x128xf32> to vector<56x128xf32>
    %mul3A_520 = vector.broadcast %slice3A_518 : vector<56x1xf32> to vector<56x128xf32>
    %mul3A_521 = arith.mulf %mul3A_520, %slice3A_519 : vector<56x128xf32>
    %swap3A_522 = arith.constant 0 : index
    %swap3A_523 = arith.constant 6656 : index
    %swap3A_524 = vector.load %arg8[%swap3A_522, %swap3A_523] : memref<128x16384xf32, #tpu.memory_space<vmem>>, vector<56x128xf32>
    tpu.vector_store %arg8[%swap3A_522, %swap3A_523], %mul3A_521 {strides = array<i32>} : memref<128x16384xf32, #tpu.memory_space<vmem>>, vector<56x128xf32>,
    %slice3A_525 = vector.extract_strided_slice %select_n3A {offsets = [0, 53], sizes = [56, 1], strides = [1, 1]} : vector<128x128xf32> to vector<56x1xf32>
    %slice3A_526 = vector.extract_strided_slice %max3A_489 {offsets = [280, 0], sizes = [56, 128], strides = [1, 1]} : vector<448x128xf32> to vector<56x128xf32>
    %mul3A_527 = vector.broadcast %slice3A_525 : vector<56x1xf32> to vector<56x128xf32>
    %mul3A_528 = arith.mulf %mul3A_527, %slice3A_526 : vector<56x128xf32>
    %swap3A_529 = arith.constant 0 : index
    %swap3A_530 = arith.constant 6784 : index
    %swap3A_531 = vector.load %arg8[%swap3A_529, %swap3A_530] : memref<128x16384xf32, #tpu.memory_space<vmem>>, vector<56x128xf32>
    tpu.vector_store %arg8[%swap3A_529, %swap3A_530], %mul3A_528 {strides = array<i32>} : memref<128x16384xf32, #tpu.memory_space<vmem>>, vector<56x128xf32>,
    %slice3A_532 = vector.extract_strided_slice %select_n3A {offsets = [0, 54], sizes = [56, 1], strides = [1, 1]} : vector<128x128xf32> to vector<56x1xf32>
    %slice3A_533 = vector.extract_strided_slice %max3A_489 {offsets = [336, 0], sizes = [56, 128], strides = [1, 1]} : vector<448x128xf32> to vector<56x128xf32>
    %mul3A_534 = vector.broadcast %slice3A_532 : vector<56x1xf32> to vector<56x128xf32>
    %mul3A_535 = arith.mulf %mul3A_534, %slice3A_533 : vector<56x128xf32>
    %swap3A_536 = arith.constant 0 : index
    %swap3A_537 = arith.constant 6912 : index
    %swap3A_538 = vector.load %arg8[%swap3A_536, %swap3A_537] : memref<128x16384xf32, #tpu.memory_space<vmem>>, vector<56x128xf32>
    tpu.vector_store %arg8[%swap3A_536, %swap3A_537], %mul3A_535 {strides = array<i32>} : memref<128x16384xf32, #tpu.memory_space<vmem>>, vector<56x128xf32>,
    %slice3A_539 = vector.extract_strided_slice %select_n3A {offsets = [0, 55], sizes = [56, 1], strides = [1, 1]} : vector<128x128xf32> to vector<56x1xf32>
    %slice3A_540 = vector.extract_strided_slice %max3A_489 {offsets = [392, 0], sizes = [56, 128], strides = [1, 1]} : vector<448x128xf32> to vector<56x128xf32>
    %mul3A_541 = vector.broadcast %slice3A_539 : vector<56x1xf32> to vector<56x128xf32>
    %mul3A_542 = arith.mulf %mul3A_541, %slice3A_540 : vector<56x128xf32>
    %swap3A_543 = arith.constant 0 : index
    %swap3A_544 = arith.constant 7040 : index
    %swap3A_545 = vector.load %arg8[%swap3A_543, %swap3A_544] : memref<128x16384xf32, #tpu.memory_space<vmem>>, vector<56x128xf32>
    tpu.vector_store %arg8[%swap3A_543, %swap3A_544], %mul3A_542 {strides = array<i32>} : memref<128x16384xf32, #tpu.memory_space<vmem>>, vector<56x128xf32>,
    %slice3A_546 = vector.extract_strided_slice %get3A_23 {offsets = [56, 0], sizes = [8, 256], strides = [1, 1]} : vector<128x256xf32> to vector<8x256xf32>
    %broadcast_in_dim3A_547 = vector.shape_cast %slice3A_546 : vector<8x256xf32> to vector<8x1x256xf32>
    %slice3A_548 = vector.extract_strided_slice %get3A_23 {offsets = [0, 0], sizes = [64, 256], strides = [1, 1]} : vector<128x256xf32> to vector<64x256xf32>
    %broadcast_in_dim3A_549 = vector.shape_cast %slice3A_548 : vector<64x256xf32> to vector<1x64x256xf32>
    %add3A_550 = vector.broadcast %broadcast_in_dim3A_547 : vector<8x1x256xf32> to vector<8x64x256xf32>
    %add3A_551 = vector.broadcast %broadcast_in_dim3A_549 : vector<1x64x256xf32> to vector<8x64x256xf32>
    %add3A_552 = arith.addf %add3A_550, %add3A_551 : vector<8x64x256xf32>
    %max3A_553 = arith.constant 0.000000e+00 : f32
    %max3A_554 = vector.broadcast %max3A_553 : f32 to vector<8x64x256xf32>
    %max3A_555 = arith.maximumf %add3A_552, %max3A_554 : vector<8x64x256xf32>
    %reshape3A_556 = vector.shape_cast %max3A_555 : vector<8x64x256xf32> to vector<512x256xf32>
    %dot_general3A_557 = arith.constant dense<0.000000e+00> : vector<512x128xf32>
    %dot_general3A_558 = tpu.matmul %reshape3A_556, %get3A_29, %dot_general3A_557 {dimension_numbers = #tpu.dot_dimension_numbers<[1], [0], [0], [1], [0, 0, 1, 1], [], []>, transpose_lhs_hint = false} : vector<512x256xf32>, vector<256x128xf32>, vector<512x128xf32> -> vector<512x128xf32>
    %add3A_559 = vector.broadcast %get3A_26 : vector<1x128xf32> to vector<512x128xf32>
    %add3A_560 = arith.addf %dot_general3A_558, %add3A_559 : vector<512x128xf32>
    %max3A_561 = arith.constant 0.000000e+00 : f32
    %max3A_562 = vector.broadcast %max3A_561 : f32 to vector<512x128xf32>
    %max3A_563 = arith.maximumf %add3A_560, %max3A_562 : vector<512x128xf32>
    %slice3A_564 = vector.extract_strided_slice %select_n3A {offsets = [0, 56], sizes = [64, 1], strides = [1, 1]} : vector<128x128xf32> to vector<64x1xf32>
    %slice3A_565 = vector.extract_strided_slice %max3A_563 {offsets = [0, 0], sizes = [64, 128], strides = [1, 1]} : vector<512x128xf32> to vector<64x128xf32>
    %mul3A_566 = vector.broadcast %slice3A_564 : vector<64x1xf32> to vector<64x128xf32>
    %mul3A_567 = arith.mulf %mul3A_566, %slice3A_565 : vector<64x128xf32>
    %swap3A_568 = arith.constant 0 : index
    %swap3A_569 = arith.constant 7168 : index
    %swap3A_570 = vector.load %arg8[%swap3A_568, %swap3A_569] : memref<128x16384xf32, #tpu.memory_space<vmem>>, vector<64x128xf32>
    tpu.vector_store %arg8[%swap3A_568, %swap3A_569], %mul3A_567 {strides = array<i32>} : memref<128x16384xf32, #tpu.memory_space<vmem>>, vector<64x128xf32>,
    %slice3A_571 = vector.extract_strided_slice %select_n3A {offsets = [0, 57], sizes = [64, 1], strides = [1, 1]} : vector<128x128xf32> to vector<64x1xf32>
    %slice3A_572 = vector.extract_strided_slice %max3A_563 {offsets = [64, 0], sizes = [64, 128], strides = [1, 1]} : vector<512x128xf32> to vector<64x128xf32>
    %mul3A_573 = vector.broadcast %slice3A_571 : vector<64x1xf32> to vector<64x128xf32>
    %mul3A_574 = arith.mulf %mul3A_573, %slice3A_572 : vector<64x128xf32>
    %swap3A_575 = arith.constant 0 : index
    %swap3A_576 = arith.constant 7296 : index
    %swap3A_577 = vector.load %arg8[%swap3A_575, %swap3A_576] : memref<128x16384xf32, #tpu.memory_space<vmem>>, vector<64x128xf32>
    tpu.vector_store %arg8[%swap3A_575, %swap3A_576], %mul3A_574 {strides = array<i32>} : memref<128x16384xf32, #tpu.memory_space<vmem>>, vector<64x128xf32>,
    %slice3A_578 = vector.extract_strided_slice %select_n3A {offsets = [0, 58], sizes = [64, 1], strides = [1, 1]} : vector<128x128xf32> to vector<64x1xf32>
    %slice3A_579 = vector.extract_strided_slice %max3A_563 {offsets = [128, 0], sizes = [64, 128], strides = [1, 1]} : vector<512x128xf32> to vector<64x128xf32>
    %mul3A_580 = vector.broadcast %slice3A_578 : vector<64x1xf32> to vector<64x128xf32>
    %mul3A_581 = arith.mulf %mul3A_580, %slice3A_579 : vector<64x128xf32>
    %swap3A_582 = arith.constant 0 : index
    %swap3A_583 = arith.constant 7424 : index
    %swap3A_584 = vector.load %arg8[%swap3A_582, %swap3A_583] : memref<128x16384xf32, #tpu.memory_space<vmem>>, vector<64x128xf32>
    tpu.vector_store %arg8[%swap3A_582, %swap3A_583], %mul3A_581 {strides = array<i32>} : memref<128x16384xf32, #tpu.memory_space<vmem>>, vector<64x128xf32>,
    %slice3A_585 = vector.extract_strided_slice %select_n3A {offsets = [0, 59], sizes = [64, 1], strides = [1, 1]} : vector<128x128xf32> to vector<64x1xf32>
    %slice3A_586 = vector.extract_strided_slice %max3A_563 {offsets = [192, 0], sizes = [64, 128], strides = [1, 1]} : vector<512x128xf32> to vector<64x128xf32>
    %mul3A_587 = vector.broadcast %slice3A_585 : vector<64x1xf32> to vector<64x128xf32>
    %mul3A_588 = arith.mulf %mul3A_587, %slice3A_586 : vector<64x128xf32>
    %swap3A_589 = arith.constant 0 : index
    %swap3A_590 = arith.constant 7552 : index
    %swap3A_591 = vector.load %arg8[%swap3A_589, %swap3A_590] : memref<128x16384xf32, #tpu.memory_space<vmem>>, vector<64x128xf32>
    tpu.vector_store %arg8[%swap3A_589, %swap3A_590], %mul3A_588 {strides = array<i32>} : memref<128x16384xf32, #tpu.memory_space<vmem>>, vector<64x128xf32>,
    %slice3A_592 = vector.extract_strided_slice %select_n3A {offsets = [0, 60], sizes = [64, 1], strides = [1, 1]} : vector<128x128xf32> to vector<64x1xf32>
    %slice3A_593 = vector.extract_strided_slice %max3A_563 {offsets = [256, 0], sizes = [64, 128], strides = [1, 1]} : vector<512x128xf32> to vector<64x128xf32>
    %mul3A_594 = vector.broadcast %slice3A_592 : vector<64x1xf32> to vector<64x128xf32>
    %mul3A_595 = arith.mulf %mul3A_594, %slice3A_593 : vector<64x128xf32>
    %swap3A_596 = arith.constant 0 : index
    %swap3A_597 = arith.constant 7680 : index
    %swap3A_598 = vector.load %arg8[%swap3A_596, %swap3A_597] : memref<128x16384xf32, #tpu.memory_space<vmem>>, vector<64x128xf32>
    tpu.vector_store %arg8[%swap3A_596, %swap3A_597], %mul3A_595 {strides = array<i32>} : memref<128x16384xf32, #tpu.memory_space<vmem>>, vector<64x128xf32>,
    %slice3A_599 = vector.extract_strided_slice %select_n3A {offsets = [0, 61], sizes = [64, 1], strides = [1, 1]} : vector<128x128xf32> to vector<64x1xf32>
    %slice3A_600 = vector.extract_strided_slice %max3A_563 {offsets = [320, 0], sizes = [64, 128], strides = [1, 1]} : vector<512x128xf32> to vector<64x128xf32>
    %mul3A_601 = vector.broadcast %slice3A_599 : vector<64x1xf32> to vector<64x128xf32>
    %mul3A_602 = arith.mulf %mul3A_601, %slice3A_600 : vector<64x128xf32>
    %swap3A_603 = arith.constant 0 : index
    %swap3A_604 = arith.constant 7808 : index
    %swap3A_605 = vector.load %arg8[%swap3A_603, %swap3A_604] : memref<128x16384xf32, #tpu.memory_space<vmem>>, vector<64x128xf32>
    tpu.vector_store %arg8[%swap3A_603, %swap3A_604], %mul3A_602 {strides = array<i32>} : memref<128x16384xf32, #tpu.memory_space<vmem>>, vector<64x128xf32>,
    %slice3A_606 = vector.extract_strided_slice %select_n3A {offsets = [0, 62], sizes = [64, 1], strides = [1, 1]} : vector<128x128xf32> to vector<64x1xf32>
    %slice3A_607 = vector.extract_strided_slice %max3A_563 {offsets = [384, 0], sizes = [64, 128], strides = [1, 1]} : vector<512x128xf32> to vector<64x128xf32>
    %mul3A_608 = vector.broadcast %slice3A_606 : vector<64x1xf32> to vector<64x128xf32>
    %mul3A_609 = arith.mulf %mul3A_608, %slice3A_607 : vector<64x128xf32>
    %swap3A_610 = arith.constant 0 : index
    %swap3A_611 = arith.constant 7936 : index
    %swap3A_612 = vector.load %arg8[%swap3A_610, %swap3A_611] : memref<128x16384xf32, #tpu.memory_space<vmem>>, vector<64x128xf32>
    tpu.vector_store %arg8[%swap3A_610, %swap3A_611], %mul3A_609 {strides = array<i32>} : memref<128x16384xf32, #tpu.memory_space<vmem>>, vector<64x128xf32>,
    %slice3A_613 = vector.extract_strided_slice %select_n3A {offsets = [0, 63], sizes = [64, 1], strides = [1, 1]} : vector<128x128xf32> to vector<64x1xf32>
    %slice3A_614 = vector.extract_strided_slice %max3A_563 {offsets = [448, 0], sizes = [64, 128], strides = [1, 1]} : vector<512x128xf32> to vector<64x128xf32>
    %mul3A_615 = vector.broadcast %slice3A_613 : vector<64x1xf32> to vector<64x128xf32>
    %mul3A_616 = arith.mulf %mul3A_615, %slice3A_614 : vector<64x128xf32>
    %swap3A_617 = arith.constant 0 : index
    %swap3A_618 = arith.constant 8064 : index
    %swap3A_619 = vector.load %arg8[%swap3A_617, %swap3A_618] : memref<128x16384xf32, #tpu.memory_space<vmem>>, vector<64x128xf32>
    tpu.vector_store %arg8[%swap3A_617, %swap3A_618], %mul3A_616 {strides = array<i32>} : memref<128x16384xf32, #tpu.memory_space<vmem>>, vector<64x128xf32>,
    %slice3A_620 = vector.extract_strided_slice %get3A_23 {offsets = [64, 0], sizes = [8, 256], strides = [1, 1]} : vector<128x256xf32> to vector<8x256xf32>
    %broadcast_in_dim3A_621 = vector.shape_cast %slice3A_620 : vector<8x256xf32> to vector<8x1x256xf32>
    %slice3A_622 = vector.extract_strided_slice %get3A_23 {offsets = [0, 0], sizes = [72, 256], strides = [1, 1]} : vector<128x256xf32> to vector<72x256xf32>
    %broadcast_in_dim3A_623 = vector.shape_cast %slice3A_622 : vector<72x256xf32> to vector<1x72x256xf32>
    %add3A_624 = vector.broadcast %broadcast_in_dim3A_621 : vector<8x1x256xf32> to vector<8x72x256xf32>
    %add3A_625 = vector.broadcast %broadcast_in_dim3A_623 : vector<1x72x256xf32> to vector<8x72x256xf32>
    %add3A_626 = arith.addf %add3A_624, %add3A_625 : vector<8x72x256xf32>
    %max3A_627 = arith.constant 0.000000e+00 : f32
    %max3A_628 = vector.broadcast %max3A_627 : f32 to vector<8x72x256xf32>
    %max3A_629 = arith.maximumf %add3A_626, %max3A_628 : vector<8x72x256xf32>
    %reshape3A_630 = vector.shape_cast %max3A_629 : vector<8x72x256xf32> to vector<576x256xf32>
    %dot_general3A_631 = arith.constant dense<0.000000e+00> : vector<576x128xf32>
    %dot_general3A_632 = tpu.matmul %reshape3A_630, %get3A_29, %dot_general3A_631 {dimension_numbers = #tpu.dot_dimension_numbers<[1], [0], [0], [1], [0, 0, 1, 1], [], []>, transpose_lhs_hint = false} : vector<576x256xf32>, vector<256x128xf32>, vector<576x128xf32> -> vector<576x128xf32>
    %add3A_633 = vector.broadcast %get3A_26 : vector<1x128xf32> to vector<576x128xf32>
    %add3A_634 = arith.addf %dot_general3A_632, %add3A_633 : vector<576x128xf32>
    %max3A_635 = arith.constant 0.000000e+00 : f32
    %max3A_636 = vector.broadcast %max3A_635 : f32 to vector<576x128xf32>
    %max3A_637 = arith.maximumf %add3A_634, %max3A_636 : vector<576x128xf32>
    %slice3A_638 = vector.extract_strided_slice %select_n3A {offsets = [0, 64], sizes = [72, 1], strides = [1, 1]} : vector<128x128xf32> to vector<72x1xf32>
    %slice3A_639 = vector.extract_strided_slice %max3A_637 {offsets = [0, 0], sizes = [72, 128], strides = [1, 1]} : vector<576x128xf32> to vector<72x128xf32>
    %mul3A_640 = vector.broadcast %slice3A_638 : vector<72x1xf32> to vector<72x128xf32>
    %mul3A_641 = arith.mulf %mul3A_640, %slice3A_639 : vector<72x128xf32>
    %swap3A_642 = arith.constant 0 : index
    %swap3A_643 = arith.constant 8192 : index
    %swap3A_644 = vector.load %arg8[%swap3A_642, %swap3A_643] : memref<128x16384xf32, #tpu.memory_space<vmem>>, vector<72x128xf32>
    tpu.vector_store %arg8[%swap3A_642, %swap3A_643], %mul3A_641 {strides = array<i32>} : memref<128x16384xf32, #tpu.memory_space<vmem>>, vector<72x128xf32>,
    %slice3A_645 = vector.extract_strided_slice %select_n3A {offsets = [0, 65], sizes = [72, 1], strides = [1, 1]} : vector<128x128xf32> to vector<72x1xf32>
    %slice3A_646 = vector.extract_strided_slice %max3A_637 {offsets = [72, 0], sizes = [72, 128], strides = [1, 1]} : vector<576x128xf32> to vector<72x128xf32>
    %mul3A_647 = vector.broadcast %slice3A_645 : vector<72x1xf32> to vector<72x128xf32>
    %mul3A_648 = arith.mulf %mul3A_647, %slice3A_646 : vector<72x128xf32>
    %swap3A_649 = arith.constant 0 : index
    %swap3A_650 = arith.constant 8320 : index
    %swap3A_651 = vector.load %arg8[%swap3A_649, %swap3A_650] : memref<128x16384xf32, #tpu.memory_space<vmem>>, vector<72x128xf32>
    tpu.vector_store %arg8[%swap3A_649, %swap3A_650], %mul3A_648 {strides = array<i32>} : memref<128x16384xf32, #tpu.memory_space<vmem>>, vector<72x128xf32>,
    %slice3A_652 = vector.extract_strided_slice %select_n3A {offsets = [0, 66], sizes = [72, 1], strides = [1, 1]} : vector<128x128xf32> to vector<72x1xf32>
    %slice3A_653 = vector.extract_strided_slice %max3A_637 {offsets = [144, 0], sizes = [72, 128], strides = [1, 1]} : vector<576x128xf32> to vector<72x128xf32>
    %mul3A_654 = vector.broadcast %slice3A_652 : vector<72x1xf32> to vector<72x128xf32>
    %mul3A_655 = arith.mulf %mul3A_654, %slice3A_653 : vector<72x128xf32>
    %swap3A_656 = arith.constant 0 : index
    %swap3A_657 = arith.constant 8448 : index
    %swap3A_658 = vector.load %arg8[%swap3A_656, %swap3A_657] : memref<128x16384xf32, #tpu.memory_space<vmem>>, vector<72x128xf32>
    tpu.vector_store %arg8[%swap3A_656, %swap3A_657], %mul3A_655 {strides = array<i32>} : memref<128x16384xf32, #tpu.memory_space<vmem>>, vector<72x128xf32>,
    %slice3A_659 = vector.extract_strided_slice %select_n3A {offsets = [0, 67], sizes = [72, 1], strides = [1, 1]} : vector<128x128xf32> to vector<72x1xf32>
    %slice3A_660 = vector.extract_strided_slice %max3A_637 {offsets = [216, 0], sizes = [72, 128], strides = [1, 1]} : vector<576x128xf32> to vector<72x128xf32>
    %mul3A_661 = vector.broadcast %slice3A_659 : vector<72x1xf32> to vector<72x128xf32>
    %mul3A_662 = arith.mulf %mul3A_661, %slice3A_660 : vector<72x128xf32>
    %swap3A_663 = arith.constant 0 : index
    %swap3A_664 = arith.constant 8576 : index
    %swap3A_665 = vector.load %arg8[%swap3A_663, %swap3A_664] : memref<128x16384xf32, #tpu.memory_space<vmem>>, vector<72x128xf32>
    tpu.vector_store %arg8[%swap3A_663, %swap3A_664], %mul3A_662 {strides = array<i32>} : memref<128x16384xf32, #tpu.memory_space<vmem>>, vector<72x128xf32>,
    %slice3A_666 = vector.extract_strided_slice %select_n3A {offsets = [0, 68], sizes = [72, 1], strides = [1, 1]} : vector<128x128xf32> to vector<72x1xf32>
    %slice3A_667 = vector.extract_strided_slice %max3A_637 {offsets = [288, 0], sizes = [72, 128], strides = [1, 1]} : vector<576x128xf32> to vector<72x128xf32>
    %mul3A_668 = vector.broadcast %slice3A_666 : vector<72x1xf32> to vector<72x128xf32>
    %mul3A_669 = arith.mulf %mul3A_668, %slice3A_667 : vector<72x128xf32>
    %swap3A_670 = arith.constant 0 : index
    %swap3A_671 = arith.constant 8704 : index
    %swap3A_672 = vector.load %arg8[%swap3A_670, %swap3A_671] : memref<128x16384xf32, #tpu.memory_space<vmem>>, vector<72x128xf32>
    tpu.vector_store %arg8[%swap3A_670, %swap3A_671], %mul3A_669 {strides = array<i32>} : memref<128x16384xf32, #tpu.memory_space<vmem>>, vector<72x128xf32>,
    %slice3A_673 = vector.extract_strided_slice %select_n3A {offsets = [0, 69], sizes = [72, 1], strides = [1, 1]} : vector<128x128xf32> to vector<72x1xf32>
    %slice3A_674 = vector.extract_strided_slice %max3A_637 {offsets = [360, 0], sizes = [72, 128], strides = [1, 1]} : vector<576x128xf32> to vector<72x128xf32>
    %mul3A_675 = vector.broadcast %slice3A_673 : vector<72x1xf32> to vector<72x128xf32>
    %mul3A_676 = arith.mulf %mul3A_675, %slice3A_674 : vector<72x128xf32>
    %swap3A_677 = arith.constant 0 : index
    %swap3A_678 = arith.constant 8832 : index
    %swap3A_679 = vector.load %arg8[%swap3A_677, %swap3A_678] : memref<128x16384xf32, #tpu.memory_space<vmem>>, vector<72x128xf32>
    tpu.vector_store %arg8[%swap3A_677, %swap3A_678], %mul3A_676 {strides = array<i32>} : memref<128x16384xf32, #tpu.memory_space<vmem>>, vector<72x128xf32>,
    %slice3A_680 = vector.extract_strided_slice %select_n3A {offsets = [0, 70], sizes = [72, 1], strides = [1, 1]} : vector<128x128xf32> to vector<72x1xf32>
    %slice3A_681 = vector.extract_strided_slice %max3A_637 {offsets = [432, 0], sizes = [72, 128], strides = [1, 1]} : vector<576x128xf32> to vector<72x128xf32>
    %mul3A_682 = vector.broadcast %slice3A_680 : vector<72x1xf32> to vector<72x128xf32>
    %mul3A_683 = arith.mulf %mul3A_682, %slice3A_681 : vector<72x128xf32>
    %swap3A_684 = arith.constant 0 : index
    %swap3A_685 = arith.constant 8960 : index
    %swap3A_686 = vector.load %arg8[%swap3A_684, %swap3A_685] : memref<128x16384xf32, #tpu.memory_space<vmem>>, vector<72x128xf32>
    tpu.vector_store %arg8[%swap3A_684, %swap3A_685], %mul3A_683 {strides = array<i32>} : memref<128x16384xf32, #tpu.memory_space<vmem>>, vector<72x128xf32>,
    %slice3A_687 = vector.extract_strided_slice %select_n3A {offsets = [0, 71], sizes = [72, 1], strides = [1, 1]} : vector<128x128xf32> to vector<72x1xf32>
    %slice3A_688 = vector.extract_strided_slice %max3A_637 {offsets = [504, 0], sizes = [72, 128], strides = [1, 1]} : vector<576x128xf32> to vector<72x128xf32>
    %mul3A_689 = vector.broadcast %slice3A_687 : vector<72x1xf32> to vector<72x128xf32>
    %mul3A_690 = arith.mulf %mul3A_689, %slice3A_688 : vector<72x128xf32>
    %swap3A_691 = arith.constant 0 : index
    %swap3A_692 = arith.constant 9088 : index
    %swap3A_693 = vector.load %arg8[%swap3A_691, %swap3A_692] : memref<128x16384xf32, #tpu.memory_space<vmem>>, vector<72x128xf32>
    tpu.vector_store %arg8[%swap3A_691, %swap3A_692], %mul3A_690 {strides = array<i32>} : memref<128x16384xf32, #tpu.memory_space<vmem>>, vector<72x128xf32>,
    %slice3A_694 = vector.extract_strided_slice %get3A_23 {offsets = [72, 0], sizes = [8, 256], strides = [1, 1]} : vector<128x256xf32> to vector<8x256xf32>
    %broadcast_in_dim3A_695 = vector.shape_cast %slice3A_694 : vector<8x256xf32> to vector<8x1x256xf32>
    %slice3A_696 = vector.extract_strided_slice %get3A_23 {offsets = [0, 0], sizes = [80, 256], strides = [1, 1]} : vector<128x256xf32> to vector<80x256xf32>
    %broadcast_in_dim3A_697 = vector.shape_cast %slice3A_696 : vector<80x256xf32> to vector<1x80x256xf32>
    %add3A_698 = vector.broadcast %broadcast_in_dim3A_695 : vector<8x1x256xf32> to vector<8x80x256xf32>
    %add3A_699 = vector.broadcast %broadcast_in_dim3A_697 : vector<1x80x256xf32> to vector<8x80x256xf32>
    %add3A_700 = arith.addf %add3A_698, %add3A_699 : vector<8x80x256xf32>
    %max3A_701 = arith.constant 0.000000e+00 : f32
    %max3A_702 = vector.broadcast %max3A_701 : f32 to vector<8x80x256xf32>
    %max3A_703 = arith.maximumf %add3A_700, %max3A_702 : vector<8x80x256xf32>
    %reshape3A_704 = vector.shape_cast %max3A_703 : vector<8x80x256xf32> to vector<640x256xf32>
    %dot_general3A_705 = arith.constant dense<0.000000e+00> : vector<640x128xf32>
    %dot_general3A_706 = tpu.matmul %reshape3A_704, %get3A_29, %dot_general3A_705 {dimension_numbers = #tpu.dot_dimension_numbers<[1], [0], [0], [1], [0, 0, 1, 1], [], []>, transpose_lhs_hint = false} : vector<640x256xf32>, vector<256x128xf32>, vector<640x128xf32> -> vector<640x128xf32>
    %add3A_707 = vector.broadcast %get3A_26 : vector<1x128xf32> to vector<640x128xf32>
    %add3A_708 = arith.addf %dot_general3A_706, %add3A_707 : vector<640x128xf32>
    %max3A_709 = arith.constant 0.000000e+00 : f32
    %max3A_710 = vector.broadcast %max3A_709 : f32 to vector<640x128xf32>
    %max3A_711 = arith.maximumf %add3A_708, %max3A_710 : vector<640x128xf32>
    %slice3A_712 = vector.extract_strided_slice %select_n3A {offsets = [0, 72], sizes = [80, 1], strides = [1, 1]} : vector<128x128xf32> to vector<80x1xf32>
    %slice3A_713 = vector.extract_strided_slice %max3A_711 {offsets = [0, 0], sizes = [80, 128], strides = [1, 1]} : vector<640x128xf32> to vector<80x128xf32>
    %mul3A_714 = vector.broadcast %slice3A_712 : vector<80x1xf32> to vector<80x128xf32>
    %mul3A_715 = arith.mulf %mul3A_714, %slice3A_713 : vector<80x128xf32>
    %swap3A_716 = arith.constant 0 : index
    %swap3A_717 = arith.constant 9216 : index
    %swap3A_718 = vector.load %arg8[%swap3A_716, %swap3A_717] : memref<128x16384xf32, #tpu.memory_space<vmem>>, vector<80x128xf32>
    tpu.vector_store %arg8[%swap3A_716, %swap3A_717], %mul3A_715 {strides = array<i32>} : memref<128x16384xf32, #tpu.memory_space<vmem>>, vector<80x128xf32>,
    %slice3A_719 = vector.extract_strided_slice %select_n3A {offsets = [0, 73], sizes = [80, 1], strides = [1, 1]} : vector<128x128xf32> to vector<80x1xf32>
    %slice3A_720 = vector.extract_strided_slice %max3A_711 {offsets = [80, 0], sizes = [80, 128], strides = [1, 1]} : vector<640x128xf32> to vector<80x128xf32>
    %mul3A_721 = vector.broadcast %slice3A_719 : vector<80x1xf32> to vector<80x128xf32>
    %mul3A_722 = arith.mulf %mul3A_721, %slice3A_720 : vector<80x128xf32>
    %swap3A_723 = arith.constant 0 : index
    %swap3A_724 = arith.constant 9344 : index
    %swap3A_725 = vector.load %arg8[%swap3A_723, %swap3A_724] : memref<128x16384xf32, #tpu.memory_space<vmem>>, vector<80x128xf32>
    tpu.vector_store %arg8[%swap3A_723, %swap3A_724], %mul3A_722 {strides = array<i32>} : memref<128x16384xf32, #tpu.memory_space<vmem>>, vector<80x128xf32>,
    %slice3A_726 = vector.extract_strided_slice %select_n3A {offsets = [0, 74], sizes = [80, 1], strides = [1, 1]} : vector<128x128xf32> to vector<80x1xf32>
    %slice3A_727 = vector.extract_strided_slice %max3A_711 {offsets = [160, 0], sizes = [80, 128], strides = [1, 1]} : vector<640x128xf32> to vector<80x128xf32>
    %mul3A_728 = vector.broadcast %slice3A_726 : vector<80x1xf32> to vector<80x128xf32>
    %mul3A_729 = arith.mulf %mul3A_728, %slice3A_727 : vector<80x128xf32>
    %swap3A_730 = arith.constant 0 : index
    %swap3A_731 = arith.constant 9472 : index
    %swap3A_732 = vector.load %arg8[%swap3A_730, %swap3A_731] : memref<128x16384xf32, #tpu.memory_space<vmem>>, vector<80x128xf32>
    tpu.vector_store %arg8[%swap3A_730, %swap3A_731], %mul3A_729 {strides = array<i32>} : memref<128x16384xf32, #tpu.memory_space<vmem>>, vector<80x128xf32>,
    %slice3A_733 = vector.extract_strided_slice %select_n3A {offsets = [0, 75], sizes = [80, 1], strides = [1, 1]} : vector<128x128xf32> to vector<80x1xf32>
    %slice3A_734 = vector.extract_strided_slice %max3A_711 {offsets = [240, 0], sizes = [80, 128], strides = [1, 1]} : vector<640x128xf32> to vector<80x128xf32>
    %mul3A_735 = vector.broadcast %slice3A_733 : vector<80x1xf32> to vector<80x128xf32>
    %mul3A_736 = arith.mulf %mul3A_735, %slice3A_734 : vector<80x128xf32>
    %swap3A_737 = arith.constant 0 : index
    %swap3A_738 = arith.constant 9600 : index
    %swap3A_739 = vector.load %arg8[%swap3A_737, %swap3A_738] : memref<128x16384xf32, #tpu.memory_space<vmem>>, vector<80x128xf32>
    tpu.vector_store %arg8[%swap3A_737, %swap3A_738], %mul3A_736 {strides = array<i32>} : memref<128x16384xf32, #tpu.memory_space<vmem>>, vector<80x128xf32>,
    %slice3A_740 = vector.extract_strided_slice %select_n3A {offsets = [0, 76], sizes = [80, 1], strides = [1, 1]} : vector<128x128xf32> to vector<80x1xf32>
    %slice3A_741 = vector.extract_strided_slice %max3A_711 {offsets = [320, 0], sizes = [80, 128], strides = [1, 1]} : vector<640x128xf32> to vector<80x128xf32>
    %mul3A_742 = vector.broadcast %slice3A_740 : vector<80x1xf32> to vector<80x128xf32>
    %mul3A_743 = arith.mulf %mul3A_742, %slice3A_741 : vector<80x128xf32>
    %swap3A_744 = arith.constant 0 : index
    %swap3A_745 = arith.constant 9728 : index
    %swap3A_746 = vector.load %arg8[%swap3A_744, %swap3A_745] : memref<128x16384xf32, #tpu.memory_space<vmem>>, vector<80x128xf32>
    tpu.vector_store %arg8[%swap3A_744, %swap3A_745], %mul3A_743 {strides = array<i32>} : memref<128x16384xf32, #tpu.memory_space<vmem>>, vector<80x128xf32>,
    %slice3A_747 = vector.extract_strided_slice %select_n3A {offsets = [0, 77], sizes = [80, 1], strides = [1, 1]} : vector<128x128xf32> to vector<80x1xf32>
    %slice3A_748 = vector.extract_strided_slice %max3A_711 {offsets = [400, 0], sizes = [80, 128], strides = [1, 1]} : vector<640x128xf32> to vector<80x128xf32>
    %mul3A_749 = vector.broadcast %slice3A_747 : vector<80x1xf32> to vector<80x128xf32>
    %mul3A_750 = arith.mulf %mul3A_749, %slice3A_748 : vector<80x128xf32>
    %swap3A_751 = arith.constant 0 : index
    %swap3A_752 = arith.constant 9856 : index
    %swap3A_753 = vector.load %arg8[%swap3A_751, %swap3A_752] : memref<128x16384xf32, #tpu.memory_space<vmem>>, vector<80x128xf32>
    tpu.vector_store %arg8[%swap3A_751, %swap3A_752], %mul3A_750 {strides = array<i32>} : memref<128x16384xf32, #tpu.memory_space<vmem>>, vector<80x128xf32>,
    %slice3A_754 = vector.extract_strided_slice %select_n3A {offsets = [0, 78], sizes = [80, 1], strides = [1, 1]} : vector<128x128xf32> to vector<80x1xf32>
    %slice3A_755 = vector.extract_strided_slice %max3A_711 {offsets = [480, 0], sizes = [80, 128], strides = [1, 1]} : vector<640x128xf32> to vector<80x128xf32>
    %mul3A_756 = vector.broadcast %slice3A_754 : vector<80x1xf32> to vector<80x128xf32>
    %mul3A_757 = arith.mulf %mul3A_756, %slice3A_755 : vector<80x128xf32>
    %swap3A_758 = arith.constant 0 : index
    %swap3A_759 = arith.constant 9984 : index
    %swap3A_760 = vector.load %arg8[%swap3A_758, %swap3A_759] : memref<128x16384xf32, #tpu.memory_space<vmem>>, vector<80x128xf32>
    tpu.vector_store %arg8[%swap3A_758, %swap3A_759], %mul3A_757 {strides = array<i32>} : memref<128x16384xf32, #tpu.memory_space<vmem>>, vector<80x128xf32>,
    %slice3A_761 = vector.extract_strided_slice %select_n3A {offsets = [0, 79], sizes = [80, 1], strides = [1, 1]} : vector<128x128xf32> to vector<80x1xf32>
    %slice3A_762 = vector.extract_strided_slice %max3A_711 {offsets = [560, 0], sizes = [80, 128], strides = [1, 1]} : vector<640x128xf32> to vector<80x128xf32>
    %mul3A_763 = vector.broadcast %slice3A_761 : vector<80x1xf32> to vector<80x128xf32>
    %mul3A_764 = arith.mulf %mul3A_763, %slice3A_762 : vector<80x128xf32>
    %swap3A_765 = arith.constant 0 : index
    %swap3A_766 = arith.constant 10112 : index
    %swap3A_767 = vector.load %arg8[%swap3A_765, %swap3A_766] : memref<128x16384xf32, #tpu.memory_space<vmem>>, vector<80x128xf32>
    tpu.vector_store %arg8[%swap3A_765, %swap3A_766], %mul3A_764 {strides = array<i32>} : memref<128x16384xf32, #tpu.memory_space<vmem>>, vector<80x128xf32>,
    %slice3A_768 = vector.extract_strided_slice %get3A_23 {offsets = [80, 0], sizes = [8, 256], strides = [1, 1]} : vector<128x256xf32> to vector<8x256xf32>
    %broadcast_in_dim3A_769 = vector.shape_cast %slice3A_768 : vector<8x256xf32> to vector<8x1x256xf32>
    %slice3A_770 = vector.extract_strided_slice %get3A_23 {offsets = [0, 0], sizes = [88, 256], strides = [1, 1]} : vector<128x256xf32> to vector<88x256xf32>
    %broadcast_in_dim3A_771 = vector.shape_cast %slice3A_770 : vector<88x256xf32> to vector<1x88x256xf32>
    %add3A_772 = vector.broadcast %broadcast_in_dim3A_769 : vector<8x1x256xf32> to vector<8x88x256xf32>
    %add3A_773 = vector.broadcast %broadcast_in_dim3A_771 : vector<1x88x256xf32> to vector<8x88x256xf32>
    %add3A_774 = arith.addf %add3A_772, %add3A_773 : vector<8x88x256xf32>
    %max3A_775 = arith.constant 0.000000e+00 : f32
    %max3A_776 = vector.broadcast %max3A_775 : f32 to vector<8x88x256xf32>
    %max3A_777 = arith.maximumf %add3A_774, %max3A_776 : vector<8x88x256xf32>
    %reshape3A_778 = vector.shape_cast %max3A_777 : vector<8x88x256xf32> to vector<704x256xf32>
    %dot_general3A_779 = arith.constant dense<0.000000e+00> : vector<704x128xf32>
    %dot_general3A_780 = tpu.matmul %reshape3A_778, %get3A_29, %dot_general3A_779 {dimension_numbers = #tpu.dot_dimension_numbers<[1], [0], [0], [1], [0, 0, 1, 1], [], []>, transpose_lhs_hint = false} : vector<704x256xf32>, vector<256x128xf32>, vector<704x128xf32> -> vector<704x128xf32>
    %add3A_781 = vector.broadcast %get3A_26 : vector<1x128xf32> to vector<704x128xf32>
    %add3A_782 = arith.addf %dot_general3A_780, %add3A_781 : vector<704x128xf32>
    %max3A_783 = arith.constant 0.000000e+00 : f32
    %max3A_784 = vector.broadcast %max3A_783 : f32 to vector<704x128xf32>
    %max3A_785 = arith.maximumf %add3A_782, %max3A_784 : vector<704x128xf32>
    %slice3A_786 = vector.extract_strided_slice %select_n3A {offsets = [0, 80], sizes = [88, 1], strides = [1, 1]} : vector<128x128xf32> to vector<88x1xf32>
    %slice3A_787 = vector.extract_strided_slice %max3A_785 {offsets = [0, 0], sizes = [88, 128], strides = [1, 1]} : vector<704x128xf32> to vector<88x128xf32>
    %mul3A_788 = vector.broadcast %slice3A_786 : vector<88x1xf32> to vector<88x128xf32>
    %mul3A_789 = arith.mulf %mul3A_788, %slice3A_787 : vector<88x128xf32>
    %swap3A_790 = arith.constant 0 : index
    %swap3A_791 = arith.constant 10240 : index
    %swap3A_792 = vector.load %arg8[%swap3A_790, %swap3A_791] : memref<128x16384xf32, #tpu.memory_space<vmem>>, vector<88x128xf32>
    tpu.vector_store %arg8[%swap3A_790, %swap3A_791], %mul3A_789 {strides = array<i32>} : memref<128x16384xf32, #tpu.memory_space<vmem>>, vector<88x128xf32>,
    %slice3A_793 = vector.extract_strided_slice %select_n3A {offsets = [0, 81], sizes = [88, 1], strides = [1, 1]} : vector<128x128xf32> to vector<88x1xf32>
    %slice3A_794 = vector.extract_strided_slice %max3A_785 {offsets = [88, 0], sizes = [88, 128], strides = [1, 1]} : vector<704x128xf32> to vector<88x128xf32>
    %mul3A_795 = vector.broadcast %slice3A_793 : vector<88x1xf32> to vector<88x128xf32>
    %mul3A_796 = arith.mulf %mul3A_795, %slice3A_794 : vector<88x128xf32>
    %swap3A_797 = arith.constant 0 : index
    %swap3A_798 = arith.constant 10368 : index
    %swap3A_799 = vector.load %arg8[%swap3A_797, %swap3A_798] : memref<128x16384xf32, #tpu.memory_space<vmem>>, vector<88x128xf32>
    tpu.vector_store %arg8[%swap3A_797, %swap3A_798], %mul3A_796 {strides = array<i32>} : memref<128x16384xf32, #tpu.memory_space<vmem>>, vector<88x128xf32>,
    %slice3A_800 = vector.extract_strided_slice %select_n3A {offsets = [0, 82], sizes = [88, 1], strides = [1, 1]} : vector<128x128xf32> to vector<88x1xf32>
    %slice3A_801 = vector.extract_strided_slice %max3A_785 {offsets = [176, 0], sizes = [88, 128], strides = [1, 1]} : vector<704x128xf32> to vector<88x128xf32>
    %mul3A_802 = vector.broadcast %slice3A_800 : vector<88x1xf32> to vector<88x128xf32>
    %mul3A_803 = arith.mulf %mul3A_802, %slice3A_801 : vector<88x128xf32>
    %swap3A_804 = arith.constant 0 : index
    %swap3A_805 = arith.constant 10496 : index
    %swap3A_806 = vector.load %arg8[%swap3A_804, %swap3A_805] : memref<128x16384xf32, #tpu.memory_space<vmem>>, vector<88x128xf32>
    tpu.vector_store %arg8[%swap3A_804, %swap3A_805], %mul3A_803 {strides = array<i32>} : memref<128x16384xf32, #tpu.memory_space<vmem>>, vector<88x128xf32>,
    %slice3A_807 = vector.extract_strided_slice %select_n3A {offsets = [0, 83], sizes = [88, 1], strides = [1, 1]} : vector<128x128xf32> to vector<88x1xf32>
    %slice3A_808 = vector.extract_strided_slice %max3A_785 {offsets = [264, 0], sizes = [88, 128], strides = [1, 1]} : vector<704x128xf32> to vector<88x128xf32>
    %mul3A_809 = vector.broadcast %slice3A_807 : vector<88x1xf32> to vector<88x128xf32>
    %mul3A_810 = arith.mulf %mul3A_809, %slice3A_808 : vector<88x128xf32>
    %swap3A_811 = arith.constant 0 : index
    %swap3A_812 = arith.constant 10624 : index
    %swap3A_813 = vector.load %arg8[%swap3A_811, %swap3A_812] : memref<128x16384xf32, #tpu.memory_space<vmem>>, vector<88x128xf32>
    tpu.vector_store %arg8[%swap3A_811, %swap3A_812], %mul3A_810 {strides = array<i32>} : memref<128x16384xf32, #tpu.memory_space<vmem>>, vector<88x128xf32>,
    %slice3A_814 = vector.extract_strided_slice %select_n3A {offsets = [0, 84], sizes = [88, 1], strides = [1, 1]} : vector<128x128xf32> to vector<88x1xf32>
    %slice3A_815 = vector.extract_strided_slice %max3A_785 {offsets = [352, 0], sizes = [88, 128], strides = [1, 1]} : vector<704x128xf32> to vector<88x128xf32>
    %mul3A_816 = vector.broadcast %slice3A_814 : vector<88x1xf32> to vector<88x128xf32>
    %mul3A_817 = arith.mulf %mul3A_816, %slice3A_815 : vector<88x128xf32>
    %swap3A_818 = arith.constant 0 : index
    %swap3A_819 = arith.constant 10752 : index
    %swap3A_820 = vector.load %arg8[%swap3A_818, %swap3A_819] : memref<128x16384xf32, #tpu.memory_space<vmem>>, vector<88x128xf32>
    tpu.vector_store %arg8[%swap3A_818, %swap3A_819], %mul3A_817 {strides = array<i32>} : memref<128x16384xf32, #tpu.memory_space<vmem>>, vector<88x128xf32>,
    %slice3A_821 = vector.extract_strided_slice %select_n3A {offsets = [0, 85], sizes = [88, 1], strides = [1, 1]} : vector<128x128xf32> to vector<88x1xf32>
    %slice3A_822 = vector.extract_strided_slice %max3A_785 {offsets = [440, 0], sizes = [88, 128], strides = [1, 1]} : vector<704x128xf32> to vector<88x128xf32>
    %mul3A_823 = vector.broadcast %slice3A_821 : vector<88x1xf32> to vector<88x128xf32>
    %mul3A_824 = arith.mulf %mul3A_823, %slice3A_822 : vector<88x128xf32>
    %swap3A_825 = arith.constant 0 : index
    %swap3A_826 = arith.constant 10880 : index
    %swap3A_827 = vector.load %arg8[%swap3A_825, %swap3A_826] : memref<128x16384xf32, #tpu.memory_space<vmem>>, vector<88x128xf32>
    tpu.vector_store %arg8[%swap3A_825, %swap3A_826], %mul3A_824 {strides = array<i32>} : memref<128x16384xf32, #tpu.memory_space<vmem>>, vector<88x128xf32>,
    %slice3A_828 = vector.extract_strided_slice %select_n3A {offsets = [0, 86], sizes = [88, 1], strides = [1, 1]} : vector<128x128xf32> to vector<88x1xf32>
    %slice3A_829 = vector.extract_strided_slice %max3A_785 {offsets = [528, 0], sizes = [88, 128], strides = [1, 1]} : vector<704x128xf32> to vector<88x128xf32>
    %mul3A_830 = vector.broadcast %slice3A_828 : vector<88x1xf32> to vector<88x128xf32>
    %mul3A_831 = arith.mulf %mul3A_830, %slice3A_829 : vector<88x128xf32>
    %swap3A_832 = arith.constant 0 : index
    %swap3A_833 = arith.constant 11008 : index
    %swap3A_834 = vector.load %arg8[%swap3A_832, %swap3A_833] : memref<128x16384xf32, #tpu.memory_space<vmem>>, vector<88x128xf32>
    tpu.vector_store %arg8[%swap3A_832, %swap3A_833], %mul3A_831 {strides = array<i32>} : memref<128x16384xf32, #tpu.memory_space<vmem>>, vector<88x128xf32>,
    %slice3A_835 = vector.extract_strided_slice %select_n3A {offsets = [0, 87], sizes = [88, 1], strides = [1, 1]} : vector<128x128xf32> to vector<88x1xf32>
    %slice3A_836 = vector.extract_strided_slice %max3A_785 {offsets = [616, 0], sizes = [88, 128], strides = [1, 1]} : vector<704x128xf32> to vector<88x128xf32>
    %mul3A_837 = vector.broadcast %slice3A_835 : vector<88x1xf32> to vector<88x128xf32>
    %mul3A_838 = arith.mulf %mul3A_837, %slice3A_836 : vector<88x128xf32>
    %swap3A_839 = arith.constant 0 : index
    %swap3A_840 = arith.constant 11136 : index
    %swap3A_841 = vector.load %arg8[%swap3A_839, %swap3A_840] : memref<128x16384xf32, #tpu.memory_space<vmem>>, vector<88x128xf32>
    tpu.vector_store %arg8[%swap3A_839, %swap3A_840], %mul3A_838 {strides = array<i32>} : memref<128x16384xf32, #tpu.memory_space<vmem>>, vector<88x128xf32>,
    %slice3A_842 = vector.extract_strided_slice %get3A_23 {offsets = [88, 0], sizes = [8, 256], strides = [1, 1]} : vector<128x256xf32> to vector<8x256xf32>
    %broadcast_in_dim3A_843 = vector.shape_cast %slice3A_842 : vector<8x256xf32> to vector<8x1x256xf32>
    %slice3A_844 = vector.extract_strided_slice %get3A_23 {offsets = [0, 0], sizes = [96, 256], strides = [1, 1]} : vector<128x256xf32> to vector<96x256xf32>
    %broadcast_in_dim3A_845 = vector.shape_cast %slice3A_844 : vector<96x256xf32> to vector<1x96x256xf32>
    %add3A_846 = vector.broadcast %broadcast_in_dim3A_843 : vector<8x1x256xf32> to vector<8x96x256xf32>
    %add3A_847 = vector.broadcast %broadcast_in_dim3A_845 : vector<1x96x256xf32> to vector<8x96x256xf32>
    %add3A_848 = arith.addf %add3A_846, %add3A_847 : vector<8x96x256xf32>
    %max3A_849 = arith.constant 0.000000e+00 : f32
    %max3A_850 = vector.broadcast %max3A_849 : f32 to vector<8x96x256xf32>
    %max3A_851 = arith.maximumf %add3A_848, %max3A_850 : vector<8x96x256xf32>
    %reshape3A_852 = vector.shape_cast %max3A_851 : vector<8x96x256xf32> to vector<768x256xf32>
    %dot_general3A_853 = arith.constant dense<0.000000e+00> : vector<768x128xf32>
    %dot_general3A_854 = tpu.matmul %reshape3A_852, %get3A_29, %dot_general3A_853 {dimension_numbers = #tpu.dot_dimension_numbers<[1], [0], [0], [1], [0, 0, 1, 1], [], []>, transpose_lhs_hint = false} : vector<768x256xf32>, vector<256x128xf32>, vector<768x128xf32> -> vector<768x128xf32>
    %add3A_855 = vector.broadcast %get3A_26 : vector<1x128xf32> to vector<768x128xf32>
    %add3A_856 = arith.addf %dot_general3A_854, %add3A_855 : vector<768x128xf32>
    %max3A_857 = arith.constant 0.000000e+00 : f32
    %max3A_858 = vector.broadcast %max3A_857 : f32 to vector<768x128xf32>
    %max3A_859 = arith.maximumf %add3A_856, %max3A_858 : vector<768x128xf32>
    %slice3A_860 = vector.extract_strided_slice %select_n3A {offsets = [0, 88], sizes = [96, 1], strides = [1, 1]} : vector<128x128xf32> to vector<96x1xf32>
    %slice3A_861 = vector.extract_strided_slice %max3A_859 {offsets = [0, 0], sizes = [96, 128], strides = [1, 1]} : vector<768x128xf32> to vector<96x128xf32>
    %mul3A_862 = vector.broadcast %slice3A_860 : vector<96x1xf32> to vector<96x128xf32>
    %mul3A_863 = arith.mulf %mul3A_862, %slice3A_861 : vector<96x128xf32>
    %swap3A_864 = arith.constant 0 : index
    %swap3A_865 = arith.constant 11264 : index
    %swap3A_866 = vector.load %arg8[%swap3A_864, %swap3A_865] : memref<128x16384xf32, #tpu.memory_space<vmem>>, vector<96x128xf32>
    tpu.vector_store %arg8[%swap3A_864, %swap3A_865], %mul3A_863 {strides = array<i32>} : memref<128x16384xf32, #tpu.memory_space<vmem>>, vector<96x128xf32>,
    %slice3A_867 = vector.extract_strided_slice %select_n3A {offsets = [0, 89], sizes = [96, 1], strides = [1, 1]} : vector<128x128xf32> to vector<96x1xf32>
    %slice3A_868 = vector.extract_strided_slice %max3A_859 {offsets = [96, 0], sizes = [96, 128], strides = [1, 1]} : vector<768x128xf32> to vector<96x128xf32>
    %mul3A_869 = vector.broadcast %slice3A_867 : vector<96x1xf32> to vector<96x128xf32>
    %mul3A_870 = arith.mulf %mul3A_869, %slice3A_868 : vector<96x128xf32>
    %swap3A_871 = arith.constant 0 : index
    %swap3A_872 = arith.constant 11392 : index
    %swap3A_873 = vector.load %arg8[%swap3A_871, %swap3A_872] : memref<128x16384xf32, #tpu.memory_space<vmem>>, vector<96x128xf32>
    tpu.vector_store %arg8[%swap3A_871, %swap3A_872], %mul3A_870 {strides = array<i32>} : memref<128x16384xf32, #tpu.memory_space<vmem>>, vector<96x128xf32>,
    %slice3A_874 = vector.extract_strided_slice %select_n3A {offsets = [0, 90], sizes = [96, 1], strides = [1, 1]} : vector<128x128xf32> to vector<96x1xf32>
    %slice3A_875 = vector.extract_strided_slice %max3A_859 {offsets = [192, 0], sizes = [96, 128], strides = [1, 1]} : vector<768x128xf32> to vector<96x128xf32>
    %mul3A_876 = vector.broadcast %slice3A_874 : vector<96x1xf32> to vector<96x128xf32>
    %mul3A_877 = arith.mulf %mul3A_876, %slice3A_875 : vector<96x128xf32>
    %swap3A_878 = arith.constant 0 : index
    %swap3A_879 = arith.constant 11520 : index
    %swap3A_880 = vector.load %arg8[%swap3A_878, %swap3A_879] : memref<128x16384xf32, #tpu.memory_space<vmem>>, vector<96x128xf32>
    tpu.vector_store %arg8[%swap3A_878, %swap3A_879], %mul3A_877 {strides = array<i32>} : memref<128x16384xf32, #tpu.memory_space<vmem>>, vector<96x128xf32>,
    %slice3A_881 = vector.extract_strided_slice %select_n3A {offsets = [0, 91], sizes = [96, 1], strides = [1, 1]} : vector<128x128xf32> to vector<96x1xf32>
    %slice3A_882 = vector.extract_strided_slice %max3A_859 {offsets = [288, 0], sizes = [96, 128], strides = [1, 1]} : vector<768x128xf32> to vector<96x128xf32>
    %mul3A_883 = vector.broadcast %slice3A_881 : vector<96x1xf32> to vector<96x128xf32>
    %mul3A_884 = arith.mulf %mul3A_883, %slice3A_882 : vector<96x128xf32>
    %swap3A_885 = arith.constant 0 : index
    %swap3A_886 = arith.constant 11648 : index
    %swap3A_887 = vector.load %arg8[%swap3A_885, %swap3A_886] : memref<128x16384xf32, #tpu.memory_space<vmem>>, vector<96x128xf32>
    tpu.vector_store %arg8[%swap3A_885, %swap3A_886], %mul3A_884 {strides = array<i32>} : memref<128x16384xf32, #tpu.memory_space<vmem>>, vector<96x128xf32>,
    %slice3A_888 = vector.extract_strided_slice %select_n3A {offsets = [0, 92], sizes = [96, 1], strides = [1, 1]} : vector<128x128xf32> to vector<96x1xf32>
    %slice3A_889 = vector.extract_strided_slice %max3A_859 {offsets = [384, 0], sizes = [96, 128], strides = [1, 1]} : vector<768x128xf32> to vector<96x128xf32>
    %mul3A_890 = vector.broadcast %slice3A_888 : vector<96x1xf32> to vector<96x128xf32>
    %mul3A_891 = arith.mulf %mul3A_890, %slice3A_889 : vector<96x128xf32>
    %swap3A_892 = arith.constant 0 : index
    %swap3A_893 = arith.constant 11776 : index
    %swap3A_894 = vector.load %arg8[%swap3A_892, %swap3A_893] : memref<128x16384xf32, #tpu.memory_space<vmem>>, vector<96x128xf32>
    tpu.vector_store %arg8[%swap3A_892, %swap3A_893], %mul3A_891 {strides = array<i32>} : memref<128x16384xf32, #tpu.memory_space<vmem>>, vector<96x128xf32>,
    %slice3A_895 = vector.extract_strided_slice %select_n3A {offsets = [0, 93], sizes = [96, 1], strides = [1, 1]} : vector<128x128xf32> to vector<96x1xf32>
    %slice3A_896 = vector.extract_strided_slice %max3A_859 {offsets = [480, 0], sizes = [96, 128], strides = [1, 1]} : vector<768x128xf32> to vector<96x128xf32>
    %mul3A_897 = vector.broadcast %slice3A_895 : vector<96x1xf32> to vector<96x128xf32>
    %mul3A_898 = arith.mulf %mul3A_897, %slice3A_896 : vector<96x128xf32>
    %swap3A_899 = arith.constant 0 : index
    %swap3A_900 = arith.constant 11904 : index
    %swap3A_901 = vector.load %arg8[%swap3A_899, %swap3A_900] : memref<128x16384xf32, #tpu.memory_space<vmem>>, vector<96x128xf32>
    tpu.vector_store %arg8[%swap3A_899, %swap3A_900], %mul3A_898 {strides = array<i32>} : memref<128x16384xf32, #tpu.memory_space<vmem>>, vector<96x128xf32>,
    %slice3A_902 = vector.extract_strided_slice %select_n3A {offsets = [0, 94], sizes = [96, 1], strides = [1, 1]} : vector<128x128xf32> to vector<96x1xf32>
    %slice3A_903 = vector.extract_strided_slice %max3A_859 {offsets = [576, 0], sizes = [96, 128], strides = [1, 1]} : vector<768x128xf32> to vector<96x128xf32>
    %mul3A_904 = vector.broadcast %slice3A_902 : vector<96x1xf32> to vector<96x128xf32>
    %mul3A_905 = arith.mulf %mul3A_904, %slice3A_903 : vector<96x128xf32>
    %swap3A_906 = arith.constant 0 : index
    %swap3A_907 = arith.constant 12032 : index
    %swap3A_908 = vector.load %arg8[%swap3A_906, %swap3A_907] : memref<128x16384xf32, #tpu.memory_space<vmem>>, vector<96x128xf32>
    tpu.vector_store %arg8[%swap3A_906, %swap3A_907], %mul3A_905 {strides = array<i32>} : memref<128x16384xf32, #tpu.memory_space<vmem>>, vector<96x128xf32>,
    %slice3A_909 = vector.extract_strided_slice %select_n3A {offsets = [0, 95], sizes = [96, 1], strides = [1, 1]} : vector<128x128xf32> to vector<96x1xf32>
    %slice3A_910 = vector.extract_strided_slice %max3A_859 {offsets = [672, 0], sizes = [96, 128], strides = [1, 1]} : vector<768x128xf32> to vector<96x128xf32>
    %mul3A_911 = vector.broadcast %slice3A_909 : vector<96x1xf32> to vector<96x128xf32>
    %mul3A_912 = arith.mulf %mul3A_911, %slice3A_910 : vector<96x128xf32>
    %swap3A_913 = arith.constant 0 : index
    %swap3A_914 = arith.constant 12160 : index
    %swap3A_915 = vector.load %arg8[%swap3A_913, %swap3A_914] : memref<128x16384xf32, #tpu.memory_space<vmem>>, vector<96x128xf32>
    tpu.vector_store %arg8[%swap3A_913, %swap3A_914], %mul3A_912 {strides = array<i32>} : memref<128x16384xf32, #tpu.memory_space<vmem>>, vector<96x128xf32>,
    %slice3A_916 = vector.extract_strided_slice %get3A_23 {offsets = [96, 0], sizes = [8, 256], strides = [1, 1]} : vector<128x256xf32> to vector<8x256xf32>
    %broadcast_in_dim3A_917 = vector.shape_cast %slice3A_916 : vector<8x256xf32> to vector<8x1x256xf32>
    %slice3A_918 = vector.extract_strided_slice %get3A_23 {offsets = [0, 0], sizes = [104, 256], strides = [1, 1]} : vector<128x256xf32> to vector<104x256xf32>
    %broadcast_in_dim3A_919 = vector.shape_cast %slice3A_918 : vector<104x256xf32> to vector<1x104x256xf32>
    %add3A_920 = vector.broadcast %broadcast_in_dim3A_917 : vector<8x1x256xf32> to vector<8x104x256xf32>
    %add3A_921 = vector.broadcast %broadcast_in_dim3A_919 : vector<1x104x256xf32> to vector<8x104x256xf32>
    %add3A_922 = arith.addf %add3A_920, %add3A_921 : vector<8x104x256xf32>
    %max3A_923 = arith.constant 0.000000e+00 : f32
    %max3A_924 = vector.broadcast %max3A_923 : f32 to vector<8x104x256xf32>
    %max3A_925 = arith.maximumf %add3A_922, %max3A_924 : vector<8x104x256xf32>
    %reshape3A_926 = vector.shape_cast %max3A_925 : vector<8x104x256xf32> to vector<832x256xf32>
    %dot_general3A_927 = arith.constant dense<0.000000e+00> : vector<832x128xf32>
    %dot_general3A_928 = tpu.matmul %reshape3A_926, %get3A_29, %dot_general3A_927 {dimension_numbers = #tpu.dot_dimension_numbers<[1], [0], [0], [1], [0, 0, 1, 1], [], []>, transpose_lhs_hint = false} : vector<832x256xf32>, vector<256x128xf32>, vector<832x128xf32> -> vector<832x128xf32>
    %add3A_929 = vector.broadcast %get3A_26 : vector<1x128xf32> to vector<832x128xf32>
    %add3A_930 = arith.addf %dot_general3A_928, %add3A_929 : vector<832x128xf32>
    %max3A_931 = arith.constant 0.000000e+00 : f32
    %max3A_932 = vector.broadcast %max3A_931 : f32 to vector<832x128xf32>
    %max3A_933 = arith.maximumf %add3A_930, %max3A_932 : vector<832x128xf32>
    %slice3A_934 = vector.extract_strided_slice %select_n3A {offsets = [0, 96], sizes = [104, 1], strides = [1, 1]} : vector<128x128xf32> to vector<104x1xf32>
    %slice3A_935 = vector.extract_strided_slice %max3A_933 {offsets = [0, 0], sizes = [104, 128], strides = [1, 1]} : vector<832x128xf32> to vector<104x128xf32>
    %mul3A_936 = vector.broadcast %slice3A_934 : vector<104x1xf32> to vector<104x128xf32>
    %mul3A_937 = arith.mulf %mul3A_936, %slice3A_935 : vector<104x128xf32>
    %swap3A_938 = arith.constant 0 : index
    %swap3A_939 = arith.constant 12288 : index
    %swap3A_940 = vector.load %arg8[%swap3A_938, %swap3A_939] : memref<128x16384xf32, #tpu.memory_space<vmem>>, vector<104x128xf32>
    tpu.vector_store %arg8[%swap3A_938, %swap3A_939], %mul3A_937 {strides = array<i32>} : memref<128x16384xf32, #tpu.memory_space<vmem>>, vector<104x128xf32>,
    %slice3A_941 = vector.extract_strided_slice %select_n3A {offsets = [0, 97], sizes = [104, 1], strides = [1, 1]} : vector<128x128xf32> to vector<104x1xf32>
    %slice3A_942 = vector.extract_strided_slice %max3A_933 {offsets = [104, 0], sizes = [104, 128], strides = [1, 1]} : vector<832x128xf32> to vector<104x128xf32>
    %mul3A_943 = vector.broadcast %slice3A_941 : vector<104x1xf32> to vector<104x128xf32>
    %mul3A_944 = arith.mulf %mul3A_943, %slice3A_942 : vector<104x128xf32>
    %swap3A_945 = arith.constant 0 : index
    %swap3A_946 = arith.constant 12416 : index
    %swap3A_947 = vector.load %arg8[%swap3A_945, %swap3A_946] : memref<128x16384xf32, #tpu.memory_space<vmem>>, vector<104x128xf32>
    tpu.vector_store %arg8[%swap3A_945, %swap3A_946], %mul3A_944 {strides = array<i32>} : memref<128x16384xf32, #tpu.memory_space<vmem>>, vector<104x128xf32>,
    %slice3A_948 = vector.extract_strided_slice %select_n3A {offsets = [0, 98], sizes = [104, 1], strides = [1, 1]} : vector<128x128xf32> to vector<104x1xf32>
    %slice3A_949 = vector.extract_strided_slice %max3A_933 {offsets = [208, 0], sizes = [104, 128], strides = [1, 1]} : vector<832x128xf32> to vector<104x128xf32>
    %mul3A_950 = vector.broadcast %slice3A_948 : vector<104x1xf32> to vector<104x128xf32>
    %mul3A_951 = arith.mulf %mul3A_950, %slice3A_949 : vector<104x128xf32>
    %swap3A_952 = arith.constant 0 : index
    %swap3A_953 = arith.constant 12544 : index
    %swap3A_954 = vector.load %arg8[%swap3A_952, %swap3A_953] : memref<128x16384xf32, #tpu.memory_space<vmem>>, vector<104x128xf32>
    tpu.vector_store %arg8[%swap3A_952, %swap3A_953], %mul3A_951 {strides = array<i32>} : memref<128x16384xf32, #tpu.memory_space<vmem>>, vector<104x128xf32>,
    %slice3A_955 = vector.extract_strided_slice %select_n3A {offsets = [0, 99], sizes = [104, 1], strides = [1, 1]} : vector<128x128xf32> to vector<104x1xf32>
    %slice3A_956 = vector.extract_strided_slice %max3A_933 {offsets = [312, 0], sizes = [104, 128], strides = [1, 1]} : vector<832x128xf32> to vector<104x128xf32>
    %mul3A_957 = vector.broadcast %slice3A_955 : vector<104x1xf32> to vector<104x128xf32>
    %mul3A_958 = arith.mulf %mul3A_957, %slice3A_956 : vector<104x128xf32>
    %swap3A_959 = arith.constant 0 : index
    %swap3A_960 = arith.constant 12672 : index
    %swap3A_961 = vector.load %arg8[%swap3A_959, %swap3A_960] : memref<128x16384xf32, #tpu.memory_space<vmem>>, vector<104x128xf32>
    tpu.vector_store %arg8[%swap3A_959, %swap3A_960], %mul3A_958 {strides = array<i32>} : memref<128x16384xf32, #tpu.memory_space<vmem>>, vector<104x128xf32>,
    %slice3A_962 = vector.extract_strided_slice %select_n3A {offsets = [0, 100], sizes = [104, 1], strides = [1, 1]} : vector<128x128xf32> to vector<104x1xf32>
    %slice3A_963 = vector.extract_strided_slice %max3A_933 {offsets = [416, 0], sizes = [104, 128], strides = [1, 1]} : vector<832x128xf32> to vector<104x128xf32>
    %mul3A_964 = vector.broadcast %slice3A_962 : vector<104x1xf32> to vector<104x128xf32>
    %mul3A_965 = arith.mulf %mul3A_964, %slice3A_963 : vector<104x128xf32>
    %swap3A_966 = arith.constant 0 : index
    %swap3A_967 = arith.constant 12800 : index
    %swap3A_968 = vector.load %arg8[%swap3A_966, %swap3A_967] : memref<128x16384xf32, #tpu.memory_space<vmem>>, vector<104x128xf32>
    tpu.vector_store %arg8[%swap3A_966, %swap3A_967], %mul3A_965 {strides = array<i32>} : memref<128x16384xf32, #tpu.memory_space<vmem>>, vector<104x128xf32>,
    %slice3A_969 = vector.extract_strided_slice %select_n3A {offsets = [0, 101], sizes = [104, 1], strides = [1, 1]} : vector<128x128xf32> to vector<104x1xf32>
    %slice3A_970 = vector.extract_strided_slice %max3A_933 {offsets = [520, 0], sizes = [104, 128], strides = [1, 1]} : vector<832x128xf32> to vector<104x128xf32>
    %mul3A_971 = vector.broadcast %slice3A_969 : vector<104x1xf32> to vector<104x128xf32>
    %mul3A_972 = arith.mulf %mul3A_971, %slice3A_970 : vector<104x128xf32>
    %swap3A_973 = arith.constant 0 : index
    %swap3A_974 = arith.constant 12928 : index
    %swap3A_975 = vector.load %arg8[%swap3A_973, %swap3A_974] : memref<128x16384xf32, #tpu.memory_space<vmem>>, vector<104x128xf32>
    tpu.vector_store %arg8[%swap3A_973, %swap3A_974], %mul3A_972 {strides = array<i32>} : memref<128x16384xf32, #tpu.memory_space<vmem>>, vector<104x128xf32>,
    %slice3A_976 = vector.extract_strided_slice %select_n3A {offsets = [0, 102], sizes = [104, 1], strides = [1, 1]} : vector<128x128xf32> to vector<104x1xf32>
    %slice3A_977 = vector.extract_strided_slice %max3A_933 {offsets = [624, 0], sizes = [104, 128], strides = [1, 1]} : vector<832x128xf32> to vector<104x128xf32>
    %mul3A_978 = vector.broadcast %slice3A_976 : vector<104x1xf32> to vector<104x128xf32>
    %mul3A_979 = arith.mulf %mul3A_978, %slice3A_977 : vector<104x128xf32>
    %swap3A_980 = arith.constant 0 : index
    %swap3A_981 = arith.constant 13056 : index
    %swap3A_982 = vector.load %arg8[%swap3A_980, %swap3A_981] : memref<128x16384xf32, #tpu.memory_space<vmem>>, vector<104x128xf32>
    tpu.vector_store %arg8[%swap3A_980, %swap3A_981], %mul3A_979 {strides = array<i32>} : memref<128x16384xf32, #tpu.memory_space<vmem>>, vector<104x128xf32>,
    %slice3A_983 = vector.extract_strided_slice %select_n3A {offsets = [0, 103], sizes = [104, 1], strides = [1, 1]} : vector<128x128xf32> to vector<104x1xf32>
    %slice3A_984 = vector.extract_strided_slice %max3A_933 {offsets = [728, 0], sizes = [104, 128], strides = [1, 1]} : vector<832x128xf32> to vector<104x128xf32>
    %mul3A_985 = vector.broadcast %slice3A_983 : vector<104x1xf32> to vector<104x128xf32>
    %mul3A_986 = arith.mulf %mul3A_985, %slice3A_984 : vector<104x128xf32>
    %swap3A_987 = arith.constant 0 : index
    %swap3A_988 = arith.constant 13184 : index
    %swap3A_989 = vector.load %arg8[%swap3A_987, %swap3A_988] : memref<128x16384xf32, #tpu.memory_space<vmem>>, vector<104x128xf32>
    tpu.vector_store %arg8[%swap3A_987, %swap3A_988], %mul3A_986 {strides = array<i32>} : memref<128x16384xf32, #tpu.memory_space<vmem>>, vector<104x128xf32>,
    %slice3A_990 = vector.extract_strided_slice %get3A_23 {offsets = [104, 0], sizes = [8, 256], strides = [1, 1]} : vector<128x256xf32> to vector<8x256xf32>
    %broadcast_in_dim3A_991 = vector.shape_cast %slice3A_990 : vector<8x256xf32> to vector<8x1x256xf32>
    %slice3A_992 = vector.extract_strided_slice %get3A_23 {offsets = [0, 0], sizes = [112, 256], strides = [1, 1]} : vector<128x256xf32> to vector<112x256xf32>
    %broadcast_in_dim3A_993 = vector.shape_cast %slice3A_992 : vector<112x256xf32> to vector<1x112x256xf32>
    %add3A_994 = vector.broadcast %broadcast_in_dim3A_991 : vector<8x1x256xf32> to vector<8x112x256xf32>
    %add3A_995 = vector.broadcast %broadcast_in_dim3A_993 : vector<1x112x256xf32> to vector<8x112x256xf32>
    %add3A_996 = arith.addf %add3A_994, %add3A_995 : vector<8x112x256xf32>
    %max3A_997 = arith.constant 0.000000e+00 : f32
    %max3A_998 = vector.broadcast %max3A_997 : f32 to vector<8x112x256xf32>
    %max3A_999 = arith.maximumf %add3A_996, %max3A_998 : vector<8x112x256xf32>
    %reshape3A_1000 = vector.shape_cast %max3A_999 : vector<8x112x256xf32> to vector<896x256xf32>
    %dot_general3A_1001 = arith.constant dense<0.000000e+00> : vector<896x128xf32>
    %dot_general3A_1002 = tpu.matmul %reshape3A_1000, %get3A_29, %dot_general3A_1001 {dimension_numbers = #tpu.dot_dimension_numbers<[1], [0], [0], [1], [0, 0, 1, 1], [], []>, transpose_lhs_hint = false} : vector<896x256xf32>, vector<256x128xf32>, vector<896x128xf32> -> vector<896x128xf32>
    %add3A_1003 = vector.broadcast %get3A_26 : vector<1x128xf32> to vector<896x128xf32>
    %add3A_1004 = arith.addf %dot_general3A_1002, %add3A_1003 : vector<896x128xf32>
    %max3A_1005 = arith.constant 0.000000e+00 : f32
    %max3A_1006 = vector.broadcast %max3A_1005 : f32 to vector<896x128xf32>
    %max3A_1007 = arith.maximumf %add3A_1004, %max3A_1006 : vector<896x128xf32>
    %slice3A_1008 = vector.extract_strided_slice %select_n3A {offsets = [0, 104], sizes = [112, 1], strides = [1, 1]} : vector<128x128xf32> to vector<112x1xf32>
    %slice3A_1009 = vector.extract_strided_slice %max3A_1007 {offsets = [0, 0], sizes = [112, 128], strides = [1, 1]} : vector<896x128xf32> to vector<112x128xf32>
    %mul3A_1010 = vector.broadcast %slice3A_1008 : vector<112x1xf32> to vector<112x128xf32>
    %mul3A_1011 = arith.mulf %mul3A_1010, %slice3A_1009 : vector<112x128xf32>
    %swap3A_1012 = arith.constant 0 : index
    %swap3A_1013 = arith.constant 13312 : index
    %swap3A_1014 = vector.load %arg8[%swap3A_1012, %swap3A_1013] : memref<128x16384xf32, #tpu.memory_space<vmem>>, vector<112x128xf32>
    tpu.vector_store %arg8[%swap3A_1012, %swap3A_1013], %mul3A_1011 {strides = array<i32>} : memref<128x16384xf32, #tpu.memory_space<vmem>>, vector<112x128xf32>,
    %slice3A_1015 = vector.extract_strided_slice %select_n3A {offsets = [0, 105], sizes = [112, 1], strides = [1, 1]} : vector<128x128xf32> to vector<112x1xf32>
    %slice3A_1016 = vector.extract_strided_slice %max3A_1007 {offsets = [112, 0], sizes = [112, 128], strides = [1, 1]} : vector<896x128xf32> to vector<112x128xf32>
    %mul3A_1017 = vector.broadcast %slice3A_1015 : vector<112x1xf32> to vector<112x128xf32>
    %mul3A_1018 = arith.mulf %mul3A_1017, %slice3A_1016 : vector<112x128xf32>
    %swap3A_1019 = arith.constant 0 : index
    %swap3A_1020 = arith.constant 13440 : index
    %swap3A_1021 = vector.load %arg8[%swap3A_1019, %swap3A_1020] : memref<128x16384xf32, #tpu.memory_space<vmem>>, vector<112x128xf32>
    tpu.vector_store %arg8[%swap3A_1019, %swap3A_1020], %mul3A_1018 {strides = array<i32>} : memref<128x16384xf32, #tpu.memory_space<vmem>>, vector<112x128xf32>,
    %slice3A_1022 = vector.extract_strided_slice %select_n3A {offsets = [0, 106], sizes = [112, 1], strides = [1, 1]} : vector<128x128xf32> to vector<112x1xf32>
    %slice3A_1023 = vector.extract_strided_slice %max3A_1007 {offsets = [224, 0], sizes = [112, 128], strides = [1, 1]} : vector<896x128xf32> to vector<112x128xf32>
    %mul3A_1024 = vector.broadcast %slice3A_1022 : vector<112x1xf32> to vector<112x128xf32>
    %mul3A_1025 = arith.mulf %mul3A_1024, %slice3A_1023 : vector<112x128xf32>
    %swap3A_1026 = arith.constant 0 : index
    %swap3A_1027 = arith.constant 13568 : index
    %swap3A_1028 = vector.load %arg8[%swap3A_1026, %swap3A_1027] : memref<128x16384xf32, #tpu.memory_space<vmem>>, vector<112x128xf32>
    tpu.vector_store %arg8[%swap3A_1026, %swap3A_1027], %mul3A_1025 {strides = array<i32>} : memref<128x16384xf32, #tpu.memory_space<vmem>>, vector<112x128xf32>,
    %slice3A_1029 = vector.extract_strided_slice %select_n3A {offsets = [0, 107], sizes = [112, 1], strides = [1, 1]} : vector<128x128xf32> to vector<112x1xf32>
    %slice3A_1030 = vector.extract_strided_slice %max3A_1007 {offsets = [336, 0], sizes = [112, 128], strides = [1, 1]} : vector<896x128xf32> to vector<112x128xf32>
    %mul3A_1031 = vector.broadcast %slice3A_1029 : vector<112x1xf32> to vector<112x128xf32>
    %mul3A_1032 = arith.mulf %mul3A_1031, %slice3A_1030 : vector<112x128xf32>
    %swap3A_1033 = arith.constant 0 : index
    %swap3A_1034 = arith.constant 13696 : index
    %swap3A_1035 = vector.load %arg8[%swap3A_1033, %swap3A_1034] : memref<128x16384xf32, #tpu.memory_space<vmem>>, vector<112x128xf32>
    tpu.vector_store %arg8[%swap3A_1033, %swap3A_1034], %mul3A_1032 {strides = array<i32>} : memref<128x16384xf32, #tpu.memory_space<vmem>>, vector<112x128xf32>,
    %slice3A_1036 = vector.extract_strided_slice %select_n3A {offsets = [0, 108], sizes = [112, 1], strides = [1, 1]} : vector<128x128xf32> to vector<112x1xf32>
    %slice3A_1037 = vector.extract_strided_slice %max3A_1007 {offsets = [448, 0], sizes = [112, 128], strides = [1, 1]} : vector<896x128xf32> to vector<112x128xf32>
    %mul3A_1038 = vector.broadcast %slice3A_1036 : vector<112x1xf32> to vector<112x128xf32>
    %mul3A_1039 = arith.mulf %mul3A_1038, %slice3A_1037 : vector<112x128xf32>
    %swap3A_1040 = arith.constant 0 : index
    %swap3A_1041 = arith.constant 13824 : index
    %swap3A_1042 = vector.load %arg8[%swap3A_1040, %swap3A_1041] : memref<128x16384xf32, #tpu.memory_space<vmem>>, vector<112x128xf32>
    tpu.vector_store %arg8[%swap3A_1040, %swap3A_1041], %mul3A_1039 {strides = array<i32>} : memref<128x16384xf32, #tpu.memory_space<vmem>>, vector<112x128xf32>,
    %slice3A_1043 = vector.extract_strided_slice %select_n3A {offsets = [0, 109], sizes = [112, 1], strides = [1, 1]} : vector<128x128xf32> to vector<112x1xf32>
    %slice3A_1044 = vector.extract_strided_slice %max3A_1007 {offsets = [560, 0], sizes = [112, 128], strides = [1, 1]} : vector<896x128xf32> to vector<112x128xf32>
    %mul3A_1045 = vector.broadcast %slice3A_1043 : vector<112x1xf32> to vector<112x128xf32>
    %mul3A_1046 = arith.mulf %mul3A_1045, %slice3A_1044 : vector<112x128xf32>
    %swap3A_1047 = arith.constant 0 : index
    %swap3A_1048 = arith.constant 13952 : index
    %swap3A_1049 = vector.load %arg8[%swap3A_1047, %swap3A_1048] : memref<128x16384xf32, #tpu.memory_space<vmem>>, vector<112x128xf32>
    tpu.vector_store %arg8[%swap3A_1047, %swap3A_1048], %mul3A_1046 {strides = array<i32>} : memref<128x16384xf32, #tpu.memory_space<vmem>>, vector<112x128xf32>,
    %slice3A_1050 = vector.extract_strided_slice %select_n3A {offsets = [0, 110], sizes = [112, 1], strides = [1, 1]} : vector<128x128xf32> to vector<112x1xf32>
    %slice3A_1051 = vector.extract_strided_slice %max3A_1007 {offsets = [672, 0], sizes = [112, 128], strides = [1, 1]} : vector<896x128xf32> to vector<112x128xf32>
    %mul3A_1052 = vector.broadcast %slice3A_1050 : vector<112x1xf32> to vector<112x128xf32>
    %mul3A_1053 = arith.mulf %mul3A_1052, %slice3A_1051 : vector<112x128xf32>
    %swap3A_1054 = arith.constant 0 : index
    %swap3A_1055 = arith.constant 14080 : index
    %swap3A_1056 = vector.load %arg8[%swap3A_1054, %swap3A_1055] : memref<128x16384xf32, #tpu.memory_space<vmem>>, vector<112x128xf32>
    tpu.vector_store %arg8[%swap3A_1054, %swap3A_1055], %mul3A_1053 {strides = array<i32>} : memref<128x16384xf32, #tpu.memory_space<vmem>>, vector<112x128xf32>,
    %slice3A_1057 = vector.extract_strided_slice %select_n3A {offsets = [0, 111], sizes = [112, 1], strides = [1, 1]} : vector<128x128xf32> to vector<112x1xf32>
    %slice3A_1058 = vector.extract_strided_slice %max3A_1007 {offsets = [784, 0], sizes = [112, 128], strides = [1, 1]} : vector<896x128xf32> to vector<112x128xf32>
    %mul3A_1059 = vector.broadcast %slice3A_1057 : vector<112x1xf32> to vector<112x128xf32>
    %mul3A_1060 = arith.mulf %mul3A_1059, %slice3A_1058 : vector<112x128xf32>
    %swap3A_1061 = arith.constant 0 : index
    %swap3A_1062 = arith.constant 14208 : index
    %swap3A_1063 = vector.load %arg8[%swap3A_1061, %swap3A_1062] : memref<128x16384xf32, #tpu.memory_space<vmem>>, vector<112x128xf32>
    tpu.vector_store %arg8[%swap3A_1061, %swap3A_1062], %mul3A_1060 {strides = array<i32>} : memref<128x16384xf32, #tpu.memory_space<vmem>>, vector<112x128xf32>,
    %slice3A_1064 = vector.extract_strided_slice %get3A_23 {offsets = [112, 0], sizes = [8, 256], strides = [1, 1]} : vector<128x256xf32> to vector<8x256xf32>
    %broadcast_in_dim3A_1065 = vector.shape_cast %slice3A_1064 : vector<8x256xf32> to vector<8x1x256xf32>
    %slice3A_1066 = vector.extract_strided_slice %get3A_23 {offsets = [0, 0], sizes = [120, 256], strides = [1, 1]} : vector<128x256xf32> to vector<120x256xf32>
    %broadcast_in_dim3A_1067 = vector.shape_cast %slice3A_1066 : vector<120x256xf32> to vector<1x120x256xf32>
    %add3A_1068 = vector.broadcast %broadcast_in_dim3A_1065 : vector<8x1x256xf32> to vector<8x120x256xf32>
    %add3A_1069 = vector.broadcast %broadcast_in_dim3A_1067 : vector<1x120x256xf32> to vector<8x120x256xf32>
    %add3A_1070 = arith.addf %add3A_1068, %add3A_1069 : vector<8x120x256xf32>
    %max3A_1071 = arith.constant 0.000000e+00 : f32
    %max3A_1072 = vector.broadcast %max3A_1071 : f32 to vector<8x120x256xf32>
    %max3A_1073 = arith.maximumf %add3A_1070, %max3A_1072 : vector<8x120x256xf32>
    %reshape3A_1074 = vector.shape_cast %max3A_1073 : vector<8x120x256xf32> to vector<960x256xf32>
    %dot_general3A_1075 = arith.constant dense<0.000000e+00> : vector<960x128xf32>
    %dot_general3A_1076 = tpu.matmul %reshape3A_1074, %get3A_29, %dot_general3A_1075 {dimension_numbers = #tpu.dot_dimension_numbers<[1], [0], [0], [1], [0, 0, 1, 1], [], []>, transpose_lhs_hint = false} : vector<960x256xf32>, vector<256x128xf32>, vector<960x128xf32> -> vector<960x128xf32>
    %add3A_1077 = vector.broadcast %get3A_26 : vector<1x128xf32> to vector<960x128xf32>
    %add3A_1078 = arith.addf %dot_general3A_1076, %add3A_1077 : vector<960x128xf32>
    %max3A_1079 = arith.constant 0.000000e+00 : f32
    %max3A_1080 = vector.broadcast %max3A_1079 : f32 to vector<960x128xf32>
    %max3A_1081 = arith.maximumf %add3A_1078, %max3A_1080 : vector<960x128xf32>
    %slice3A_1082 = vector.extract_strided_slice %select_n3A {offsets = [0, 112], sizes = [120, 1], strides = [1, 1]} : vector<128x128xf32> to vector<120x1xf32>
    %slice3A_1083 = vector.extract_strided_slice %max3A_1081 {offsets = [0, 0], sizes = [120, 128], strides = [1, 1]} : vector<960x128xf32> to vector<120x128xf32>
    %mul3A_1084 = vector.broadcast %slice3A_1082 : vector<120x1xf32> to vector<120x128xf32>
    %mul3A_1085 = arith.mulf %mul3A_1084, %slice3A_1083 : vector<120x128xf32>
    %swap3A_1086 = arith.constant 0 : index
    %swap3A_1087 = arith.constant 14336 : index
    %swap3A_1088 = vector.load %arg8[%swap3A_1086, %swap3A_1087] : memref<128x16384xf32, #tpu.memory_space<vmem>>, vector<120x128xf32>
    tpu.vector_store %arg8[%swap3A_1086, %swap3A_1087], %mul3A_1085 {strides = array<i32>} : memref<128x16384xf32, #tpu.memory_space<vmem>>, vector<120x128xf32>,
    %slice3A_1089 = vector.extract_strided_slice %select_n3A {offsets = [0, 113], sizes = [120, 1], strides = [1, 1]} : vector<128x128xf32> to vector<120x1xf32>
    %slice3A_1090 = vector.extract_strided_slice %max3A_1081 {offsets = [120, 0], sizes = [120, 128], strides = [1, 1]} : vector<960x128xf32> to vector<120x128xf32>
    %mul3A_1091 = vector.broadcast %slice3A_1089 : vector<120x1xf32> to vector<120x128xf32>
    %mul3A_1092 = arith.mulf %mul3A_1091, %slice3A_1090 : vector<120x128xf32>
    %swap3A_1093 = arith.constant 0 : index
    %swap3A_1094 = arith.constant 14464 : index
    %swap3A_1095 = vector.load %arg8[%swap3A_1093, %swap3A_1094] : memref<128x16384xf32, #tpu.memory_space<vmem>>, vector<120x128xf32>
    tpu.vector_store %arg8[%swap3A_1093, %swap3A_1094], %mul3A_1092 {strides = array<i32>} : memref<128x16384xf32, #tpu.memory_space<vmem>>, vector<120x128xf32>,
    %slice3A_1096 = vector.extract_strided_slice %select_n3A {offsets = [0, 114], sizes = [120, 1], strides = [1, 1]} : vector<128x128xf32> to vector<120x1xf32>
    %slice3A_1097 = vector.extract_strided_slice %max3A_1081 {offsets = [240, 0], sizes = [120, 128], strides = [1, 1]} : vector<960x128xf32> to vector<120x128xf32>
    %mul3A_1098 = vector.broadcast %slice3A_1096 : vector<120x1xf32> to vector<120x128xf32>
    %mul3A_1099 = arith.mulf %mul3A_1098, %slice3A_1097 : vector<120x128xf32>
    %swap3A_1100 = arith.constant 0 : index
    %swap3A_1101 = arith.constant 14592 : index
    %swap3A_1102 = vector.load %arg8[%swap3A_1100, %swap3A_1101] : memref<128x16384xf32, #tpu.memory_space<vmem>>, vector<120x128xf32>
    tpu.vector_store %arg8[%swap3A_1100, %swap3A_1101], %mul3A_1099 {strides = array<i32>} : memref<128x16384xf32, #tpu.memory_space<vmem>>, vector<120x128xf32>,
    %slice3A_1103 = vector.extract_strided_slice %select_n3A {offsets = [0, 115], sizes = [120, 1], strides = [1, 1]} : vector<128x128xf32> to vector<120x1xf32>
    %slice3A_1104 = vector.extract_strided_slice %max3A_1081 {offsets = [360, 0], sizes = [120, 128], strides = [1, 1]} : vector<960x128xf32> to vector<120x128xf32>
    %mul3A_1105 = vector.broadcast %slice3A_1103 : vector<120x1xf32> to vector<120x128xf32>
    %mul3A_1106 = arith.mulf %mul3A_1105, %slice3A_1104 : vector<120x128xf32>
    %swap3A_1107 = arith.constant 0 : index
    %swap3A_1108 = arith.constant 14720 : index
    %swap3A_1109 = vector.load %arg8[%swap3A_1107, %swap3A_1108] : memref<128x16384xf32, #tpu.memory_space<vmem>>, vector<120x128xf32>
    tpu.vector_store %arg8[%swap3A_1107, %swap3A_1108], %mul3A_1106 {strides = array<i32>} : memref<128x16384xf32, #tpu.memory_space<vmem>>, vector<120x128xf32>,
    %slice3A_1110 = vector.extract_strided_slice %select_n3A {offsets = [0, 116], sizes = [120, 1], strides = [1, 1]} : vector<128x128xf32> to vector<120x1xf32>
    %slice3A_1111 = vector.extract_strided_slice %max3A_1081 {offsets = [480, 0], sizes = [120, 128], strides = [1, 1]} : vector<960x128xf32> to vector<120x128xf32>
    %mul3A_1112 = vector.broadcast %slice3A_1110 : vector<120x1xf32> to vector<120x128xf32>
    %mul3A_1113 = arith.mulf %mul3A_1112, %slice3A_1111 : vector<120x128xf32>
    %swap3A_1114 = arith.constant 0 : index
    %swap3A_1115 = arith.constant 14848 : index
    %swap3A_1116 = vector.load %arg8[%swap3A_1114, %swap3A_1115] : memref<128x16384xf32, #tpu.memory_space<vmem>>, vector<120x128xf32>
    tpu.vector_store %arg8[%swap3A_1114, %swap3A_1115], %mul3A_1113 {strides = array<i32>} : memref<128x16384xf32, #tpu.memory_space<vmem>>, vector<120x128xf32>,
    %slice3A_1117 = vector.extract_strided_slice %select_n3A {offsets = [0, 117], sizes = [120, 1], strides = [1, 1]} : vector<128x128xf32> to vector<120x1xf32>
    %slice3A_1118 = vector.extract_strided_slice %max3A_1081 {offsets = [600, 0], sizes = [120, 128], strides = [1, 1]} : vector<960x128xf32> to vector<120x128xf32>
    %mul3A_1119 = vector.broadcast %slice3A_1117 : vector<120x1xf32> to vector<120x128xf32>
    %mul3A_1120 = arith.mulf %mul3A_1119, %slice3A_1118 : vector<120x128xf32>
    %swap3A_1121 = arith.constant 0 : index
    %swap3A_1122 = arith.constant 14976 : index
    %swap3A_1123 = vector.load %arg8[%swap3A_1121, %swap3A_1122] : memref<128x16384xf32, #tpu.memory_space<vmem>>, vector<120x128xf32>
    tpu.vector_store %arg8[%swap3A_1121, %swap3A_1122], %mul3A_1120 {strides = array<i32>} : memref<128x16384xf32, #tpu.memory_space<vmem>>, vector<120x128xf32>,
    %slice3A_1124 = vector.extract_strided_slice %select_n3A {offsets = [0, 118], sizes = [120, 1], strides = [1, 1]} : vector<128x128xf32> to vector<120x1xf32>
    %slice3A_1125 = vector.extract_strided_slice %max3A_1081 {offsets = [720, 0], sizes = [120, 128], strides = [1, 1]} : vector<960x128xf32> to vector<120x128xf32>
    %mul3A_1126 = vector.broadcast %slice3A_1124 : vector<120x1xf32> to vector<120x128xf32>
    %mul3A_1127 = arith.mulf %mul3A_1126, %slice3A_1125 : vector<120x128xf32>
    %swap3A_1128 = arith.constant 0 : index
    %swap3A_1129 = arith.constant 15104 : index
    %swap3A_1130 = vector.load %arg8[%swap3A_1128, %swap3A_1129] : memref<128x16384xf32, #tpu.memory_space<vmem>>, vector<120x128xf32>
    tpu.vector_store %arg8[%swap3A_1128, %swap3A_1129], %mul3A_1127 {strides = array<i32>} : memref<128x16384xf32, #tpu.memory_space<vmem>>, vector<120x128xf32>,
    %slice3A_1131 = vector.extract_strided_slice %select_n3A {offsets = [0, 119], sizes = [120, 1], strides = [1, 1]} : vector<128x128xf32> to vector<120x1xf32>
    %slice3A_1132 = vector.extract_strided_slice %max3A_1081 {offsets = [840, 0], sizes = [120, 128], strides = [1, 1]} : vector<960x128xf32> to vector<120x128xf32>
    %mul3A_1133 = vector.broadcast %slice3A_1131 : vector<120x1xf32> to vector<120x128xf32>
    %mul3A_1134 = arith.mulf %mul3A_1133, %slice3A_1132 : vector<120x128xf32>
    %swap3A_1135 = arith.constant 0 : index
    %swap3A_1136 = arith.constant 15232 : index
    %swap3A_1137 = vector.load %arg8[%swap3A_1135, %swap3A_1136] : memref<128x16384xf32, #tpu.memory_space<vmem>>, vector<120x128xf32>
    tpu.vector_store %arg8[%swap3A_1135, %swap3A_1136], %mul3A_1134 {strides = array<i32>} : memref<128x16384xf32, #tpu.memory_space<vmem>>, vector<120x128xf32>,
    %slice3A_1138 = vector.extract_strided_slice %get3A_23 {offsets = [120, 0], sizes = [8, 256], strides = [1, 1]} : vector<128x256xf32> to vector<8x256xf32>
    %broadcast_in_dim3A_1139 = vector.shape_cast %slice3A_1138 : vector<8x256xf32> to vector<8x1x256xf32>
    %broadcast_in_dim3A_1140 = vector.shape_cast %get3A_23 : vector<128x256xf32> to vector<1x128x256xf32>
    %add3A_1141 = vector.broadcast %broadcast_in_dim3A_1139 : vector<8x1x256xf32> to vector<8x128x256xf32>
    %add3A_1142 = vector.broadcast %broadcast_in_dim3A_1140 : vector<1x128x256xf32> to vector<8x128x256xf32>
    %add3A_1143 = arith.addf %add3A_1141, %add3A_1142 : vector<8x128x256xf32>
    %max3A_1144 = arith.constant 0.000000e+00 : f32
    %max3A_1145 = vector.broadcast %max3A_1144 : f32 to vector<8x128x256xf32>
    %max3A_1146 = arith.maximumf %add3A_1143, %max3A_1145 : vector<8x128x256xf32>
    %reshape3A_1147 = vector.shape_cast %max3A_1146 : vector<8x128x256xf32> to vector<1024x256xf32>
    %dot_general3A_1148 = arith.constant dense<0.000000e+00> : vector<1024x128xf32>
    %dot_general3A_1149 = tpu.matmul %reshape3A_1147, %get3A_29, %dot_general3A_1148 {dimension_numbers = #tpu.dot_dimension_numbers<[1], [0], [0], [1], [0, 0, 1, 1], [], []>, transpose_lhs_hint = false} : vector<1024x256xf32>, vector<256x128xf32>, vector<1024x128xf32> -> vector<1024x128xf32>
    %add3A_1150 = vector.broadcast %get3A_26 : vector<1x128xf32> to vector<1024x128xf32>
    %add3A_1151 = arith.addf %dot_general3A_1149, %add3A_1150 : vector<1024x128xf32>
    %max3A_1152 = arith.constant 0.000000e+00 : f32
    %max3A_1153 = vector.broadcast %max3A_1152 : f32 to vector<1024x128xf32>
    %max3A_1154 = arith.maximumf %add3A_1151, %max3A_1153 : vector<1024x128xf32>
    %slice3A_1155 = vector.extract_strided_slice %select_n3A {offsets = [0, 120], sizes = [128, 1], strides = [1, 1]} : vector<128x128xf32> to vector<128x1xf32>
    %slice3A_1156 = vector.extract_strided_slice %max3A_1154 {offsets = [0, 0], sizes = [128, 128], strides = [1, 1]} : vector<1024x128xf32> to vector<128x128xf32>
    %mul3A_1157 = vector.broadcast %slice3A_1155 : vector<128x1xf32> to vector<128x128xf32>
    %mul3A_1158 = arith.mulf %mul3A_1157, %slice3A_1156 : vector<128x128xf32>
    %swap3A_1159 = arith.constant 0 : index
    %swap3A_1160 = arith.constant 15360 : index
    %swap3A_1161 = vector.load %arg8[%swap3A_1159, %swap3A_1160] : memref<128x16384xf32, #tpu.memory_space<vmem>>, vector<128x128xf32>
    tpu.vector_store %arg8[%swap3A_1159, %swap3A_1160], %mul3A_1158 {strides = array<i32>} : memref<128x16384xf32, #tpu.memory_space<vmem>>, vector<128x128xf32>,
    %slice3A_1162 = vector.extract_strided_slice %select_n3A {offsets = [0, 121], sizes = [128, 1], strides = [1, 1]} : vector<128x128xf32> to vector<128x1xf32>
    %slice3A_1163 = vector.extract_strided_slice %max3A_1154 {offsets = [128, 0], sizes = [128, 128], strides = [1, 1]} : vector<1024x128xf32> to vector<128x128xf32>
    %mul3A_1164 = vector.broadcast %slice3A_1162 : vector<128x1xf32> to vector<128x128xf32>
    %mul3A_1165 = arith.mulf %mul3A_1164, %slice3A_1163 : vector<128x128xf32>
    %swap3A_1166 = arith.constant 0 : index
    %swap3A_1167 = arith.constant 15488 : index
    %swap3A_1168 = vector.load %arg8[%swap3A_1166, %swap3A_1167] : memref<128x16384xf32, #tpu.memory_space<vmem>>, vector<128x128xf32>
    tpu.vector_store %arg8[%swap3A_1166, %swap3A_1167], %mul3A_1165 {strides = array<i32>} : memref<128x16384xf32, #tpu.memory_space<vmem>>, vector<128x128xf32>,
    %slice3A_1169 = vector.extract_strided_slice %select_n3A {offsets = [0, 122], sizes = [128, 1], strides = [1, 1]} : vector<128x128xf32> to vector<128x1xf32>
    %slice3A_1170 = vector.extract_strided_slice %max3A_1154 {offsets = [256, 0], sizes = [128, 128], strides = [1, 1]} : vector<1024x128xf32> to vector<128x128xf32>
    %mul3A_1171 = vector.broadcast %slice3A_1169 : vector<128x1xf32> to vector<128x128xf32>
    %mul3A_1172 = arith.mulf %mul3A_1171, %slice3A_1170 : vector<128x128xf32>
    %swap3A_1173 = arith.constant 0 : index
    %swap3A_1174 = arith.constant 15616 : index
    %swap3A_1175 = vector.load %arg8[%swap3A_1173, %swap3A_1174] : memref<128x16384xf32, #tpu.memory_space<vmem>>, vector<128x128xf32>
    tpu.vector_store %arg8[%swap3A_1173, %swap3A_1174], %mul3A_1172 {strides = array<i32>} : memref<128x16384xf32, #tpu.memory_space<vmem>>, vector<128x128xf32>,
    %slice3A_1176 = vector.extract_strided_slice %select_n3A {offsets = [0, 123], sizes = [128, 1], strides = [1, 1]} : vector<128x128xf32> to vector<128x1xf32>
    %slice3A_1177 = vector.extract_strided_slice %max3A_1154 {offsets = [384, 0], sizes = [128, 128], strides = [1, 1]} : vector<1024x128xf32> to vector<128x128xf32>
    %mul3A_1178 = vector.broadcast %slice3A_1176 : vector<128x1xf32> to vector<128x128xf32>
    %mul3A_1179 = arith.mulf %mul3A_1178, %slice3A_1177 : vector<128x128xf32>
    %swap3A_1180 = arith.constant 0 : index
    %swap3A_1181 = arith.constant 15744 : index
    %swap3A_1182 = vector.load %arg8[%swap3A_1180, %swap3A_1181] : memref<128x16384xf32, #tpu.memory_space<vmem>>, vector<128x128xf32>
    tpu.vector_store %arg8[%swap3A_1180, %swap3A_1181], %mul3A_1179 {strides = array<i32>} : memref<128x16384xf32, #tpu.memory_space<vmem>>, vector<128x128xf32>,
    %slice3A_1183 = vector.extract_strided_slice %select_n3A {offsets = [0, 124], sizes = [128, 1], strides = [1, 1]} : vector<128x128xf32> to vector<128x1xf32>
    %slice3A_1184 = vector.extract_strided_slice %max3A_1154 {offsets = [512, 0], sizes = [128, 128], strides = [1, 1]} : vector<1024x128xf32> to vector<128x128xf32>
    %mul3A_1185 = vector.broadcast %slice3A_1183 : vector<128x1xf32> to vector<128x128xf32>
    %mul3A_1186 = arith.mulf %mul3A_1185, %slice3A_1184 : vector<128x128xf32>
    %swap3A_1187 = arith.constant 0 : index
    %swap3A_1188 = arith.constant 15872 : index
    %swap3A_1189 = vector.load %arg8[%swap3A_1187, %swap3A_1188] : memref<128x16384xf32, #tpu.memory_space<vmem>>, vector<128x128xf32>
    tpu.vector_store %arg8[%swap3A_1187, %swap3A_1188], %mul3A_1186 {strides = array<i32>} : memref<128x16384xf32, #tpu.memory_space<vmem>>, vector<128x128xf32>,
    %slice3A_1190 = vector.extract_strided_slice %select_n3A {offsets = [0, 125], sizes = [128, 1], strides = [1, 1]} : vector<128x128xf32> to vector<128x1xf32>
    %slice3A_1191 = vector.extract_strided_slice %max3A_1154 {offsets = [640, 0], sizes = [128, 128], strides = [1, 1]} : vector<1024x128xf32> to vector<128x128xf32>
    %mul3A_1192 = vector.broadcast %slice3A_1190 : vector<128x1xf32> to vector<128x128xf32>
    %mul3A_1193 = arith.mulf %mul3A_1192, %slice3A_1191 : vector<128x128xf32>
    %swap3A_1194 = arith.constant 0 : index
    %swap3A_1195 = arith.constant 16000 : index
    %swap3A_1196 = vector.load %arg8[%swap3A_1194, %swap3A_1195] : memref<128x16384xf32, #tpu.memory_space<vmem>>, vector<128x128xf32>
    tpu.vector_store %arg8[%swap3A_1194, %swap3A_1195], %mul3A_1193 {strides = array<i32>} : memref<128x16384xf32, #tpu.memory_space<vmem>>, vector<128x128xf32>,
    %slice3A_1197 = vector.extract_strided_slice %select_n3A {offsets = [0, 126], sizes = [128, 1], strides = [1, 1]} : vector<128x128xf32> to vector<128x1xf32>
    %slice3A_1198 = vector.extract_strided_slice %max3A_1154 {offsets = [768, 0], sizes = [128, 128], strides = [1, 1]} : vector<1024x128xf32> to vector<128x128xf32>
    %mul3A_1199 = vector.broadcast %slice3A_1197 : vector<128x1xf32> to vector<128x128xf32>
    %mul3A_1200 = arith.mulf %mul3A_1199, %slice3A_1198 : vector<128x128xf32>
    %swap3A_1201 = arith.constant 0 : index
    %swap3A_1202 = arith.constant 16128 : index
    %swap3A_1203 = vector.load %arg8[%swap3A_1201, %swap3A_1202] : memref<128x16384xf32, #tpu.memory_space<vmem>>, vector<128x128xf32>
    tpu.vector_store %arg8[%swap3A_1201, %swap3A_1202], %mul3A_1200 {strides = array<i32>} : memref<128x16384xf32, #tpu.memory_space<vmem>>, vector<128x128xf32>,
    %slice3A_1204 = vector.extract_strided_slice %select_n3A {offsets = [0, 127], sizes = [128, 1], strides = [1, 1]} : vector<128x128xf32> to vector<128x1xf32>
    %slice3A_1205 = vector.extract_strided_slice %max3A_1154 {offsets = [896, 0], sizes = [128, 128], strides = [1, 1]} : vector<1024x128xf32> to vector<128x128xf32>
    %mul3A_1206 = vector.broadcast %slice3A_1204 : vector<128x1xf32> to vector<128x128xf32>
    %mul3A_1207 = arith.mulf %mul3A_1206, %slice3A_1205 : vector<128x128xf32>
    %swap3A_1208 = arith.constant 0 : index
    %swap3A_1209 = arith.constant 16256 : index
    %swap3A_1210 = vector.load %arg8[%swap3A_1208, %swap3A_1209] : memref<128x16384xf32, #tpu.memory_space<vmem>>, vector<128x128xf32>
    tpu.vector_store %arg8[%swap3A_1208, %swap3A_1209], %mul3A_1207 {strides = array<i32>} : memref<128x16384xf32, #tpu.memory_space<vmem>>, vector<128x128xf32>,
    %broadcast_in_dim3A_1211 = arith.constant 0.000000e+00 : f32
    %broadcast_in_dim3A_1212 = vector.broadcast %broadcast_in_dim3A_1211 : f32 to vector<128x128xf32>
    %slice3A_1213 = vector.extract_strided_slice %get3A_3 {offsets = [0, 0], sizes = [128, 8], strides = [1, 1]} : vector<128x128xf32> to vector<128x8xf32>
    %get3A_1214 = arith.constant 0 : index
    %get3A_1215 = arith.constant 0 : index
    %get3A_1216 = vector.load %arg8[%get3A_1214, %get3A_1215] : memref<128x16384xf32, #tpu.memory_space<vmem>>, vector<8x1024xf32>
    %dot_general3A_1217 = arith.constant dense<0.000000e+00> : vector<128x1024xf32>
    %dot_general3A_1218 = tpu.matmul %slice3A_1213, %get3A_1216, %dot_general3A_1217 {dimension_numbers = #tpu.dot_dimension_numbers<[1], [0], [0], [1], [0, 0, 1, 1], [], []>, transpose_lhs_hint = false} : vector<128x8xf32>, vector<8x1024xf32>, vector<128x1024xf32> -> vector<128x1024xf32>
    %slice3A_1219 = vector.extract_strided_slice %get3A_3 {offsets = [0, 0], sizes = [128, 1], strides = [1, 1]} : vector<128x128xf32> to vector<128x1xf32>
    %slice3A_1220 = vector.extract_strided_slice %dot_general3A_1218 {offsets = [0, 0], sizes = [128, 128], strides = [1, 1]} : vector<128x1024xf32> to vector<128x128xf32>
    %mul3A_1221 = vector.broadcast %slice3A_1219 : vector<128x1xf32> to vector<128x128xf32>
    %mul3A_1222 = arith.mulf %mul3A_1221, %slice3A_1220 : vector<128x128xf32>
    %add3A_1223 = arith.addf %broadcast_in_dim3A_1212, %mul3A_1222 : vector<128x128xf32>
    %slice3A_1224 = vector.extract_strided_slice %get3A_3 {offsets = [0, 1], sizes = [128, 1], strides = [1, 1]} : vector<128x128xf32> to vector<128x1xf32>
    %slice3A_1225 = vector.extract_strided_slice %dot_general3A_1218 {offsets = [0, 128], sizes = [128, 128], strides = [1, 1]} : vector<128x1024xf32> to vector<128x128xf32>
    %mul3A_1226 = vector.broadcast %slice3A_1224 : vector<128x1xf32> to vector<128x128xf32>
    %mul3A_1227 = arith.mulf %mul3A_1226, %slice3A_1225 : vector<128x128xf32>
    %add3A_1228 = arith.addf %add3A_1223, %mul3A_1227 : vector<128x128xf32>
    %slice3A_1229 = vector.extract_strided_slice %get3A_3 {offsets = [0, 2], sizes = [128, 1], strides = [1, 1]} : vector<128x128xf32> to vector<128x1xf32>
    %slice3A_1230 = vector.extract_strided_slice %dot_general3A_1218 {offsets = [0, 256], sizes = [128, 128], strides = [1, 1]} : vector<128x1024xf32> to vector<128x128xf32>
    %mul3A_1231 = vector.broadcast %slice3A_1229 : vector<128x1xf32> to vector<128x128xf32>
    %mul3A_1232 = arith.mulf %mul3A_1231, %slice3A_1230 : vector<128x128xf32>
    %add3A_1233 = arith.addf %add3A_1228, %mul3A_1232 : vector<128x128xf32>
    %slice3A_1234 = vector.extract_strided_slice %get3A_3 {offsets = [0, 3], sizes = [128, 1], strides = [1, 1]} : vector<128x128xf32> to vector<128x1xf32>
    %slice3A_1235 = vector.extract_strided_slice %dot_general3A_1218 {offsets = [0, 384], sizes = [128, 128], strides = [1, 1]} : vector<128x1024xf32> to vector<128x128xf32>
    %mul3A_1236 = vector.broadcast %slice3A_1234 : vector<128x1xf32> to vector<128x128xf32>
    %mul3A_1237 = arith.mulf %mul3A_1236, %slice3A_1235 : vector<128x128xf32>
    %add3A_1238 = arith.addf %add3A_1233, %mul3A_1237 : vector<128x128xf32>
    %slice3A_1239 = vector.extract_strided_slice %get3A_3 {offsets = [0, 4], sizes = [128, 1], strides = [1, 1]} : vector<128x128xf32> to vector<128x1xf32>
    %slice3A_1240 = vector.extract_strided_slice %dot_general3A_1218 {offsets = [0, 512], sizes = [128, 128], strides = [1, 1]} : vector<128x1024xf32> to vector<128x128xf32>
    %mul3A_1241 = vector.broadcast %slice3A_1239 : vector<128x1xf32> to vector<128x128xf32>
    %mul3A_1242 = arith.mulf %mul3A_1241, %slice3A_1240 : vector<128x128xf32>
    %add3A_1243 = arith.addf %add3A_1238, %mul3A_1242 : vector<128x128xf32>
    %slice3A_1244 = vector.extract_strided_slice %get3A_3 {offsets = [0, 5], sizes = [128, 1], strides = [1, 1]} : vector<128x128xf32> to vector<128x1xf32>
    %slice3A_1245 = vector.extract_strided_slice %dot_general3A_1218 {offsets = [0, 640], sizes = [128, 128], strides = [1, 1]} : vector<128x1024xf32> to vector<128x128xf32>
    %mul3A_1246 = vector.broadcast %slice3A_1244 : vector<128x1xf32> to vector<128x128xf32>
    %mul3A_1247 = arith.mulf %mul3A_1246, %slice3A_1245 : vector<128x128xf32>
    %add3A_1248 = arith.addf %add3A_1243, %mul3A_1247 : vector<128x128xf32>
    %slice3A_1249 = vector.extract_strided_slice %get3A_3 {offsets = [0, 6], sizes = [128, 1], strides = [1, 1]} : vector<128x128xf32> to vector<128x1xf32>
    %slice3A_1250 = vector.extract_strided_slice %dot_general3A_1218 {offsets = [0, 768], sizes = [128, 128], strides = [1, 1]} : vector<128x1024xf32> to vector<128x128xf32>
    %mul3A_1251 = vector.broadcast %slice3A_1249 : vector<128x1xf32> to vector<128x128xf32>
    %mul3A_1252 = arith.mulf %mul3A_1251, %slice3A_1250 : vector<128x128xf32>
    %add3A_1253 = arith.addf %add3A_1248, %mul3A_1252 : vector<128x128xf32>
    %slice3A_1254 = vector.extract_strided_slice %get3A_3 {offsets = [0, 7], sizes = [128, 1], strides = [1, 1]} : vector<128x128xf32> to vector<128x1xf32>
    %slice3A_1255 = vector.extract_strided_slice %dot_general3A_1218 {offsets = [0, 896], sizes = [128, 128], strides = [1, 1]} : vector<128x1024xf32> to vector<128x128xf32>
    %mul3A_1256 = vector.broadcast %slice3A_1254 : vector<128x1xf32> to vector<128x128xf32>
    %mul3A_1257 = arith.mulf %mul3A_1256, %slice3A_1255 : vector<128x128xf32>
    %add3A_1258 = arith.addf %add3A_1253, %mul3A_1257 : vector<128x128xf32>
    %slice3A_1259 = vector.extract_strided_slice %get3A_3 {offsets = [0, 0], sizes = [128, 16], strides = [1, 1]} : vector<128x128xf32> to vector<128x16xf32>
    %get3A_1260 = arith.constant 0 : index
    %get3A_1261 = arith.constant 1024 : index
    %get3A_1262 = vector.load %arg8[%get3A_1260, %get3A_1261] : memref<128x16384xf32, #tpu.memory_space<vmem>>, vector<16x1024xf32>
    %dot_general3A_1263 = arith.constant dense<0.000000e+00> : vector<128x1024xf32>
    %dot_general3A_1264 = tpu.matmul %slice3A_1259, %get3A_1262, %dot_general3A_1263 {dimension_numbers = #tpu.dot_dimension_numbers<[1], [0], [0], [1], [0, 0, 1, 1], [], []>, transpose_lhs_hint = false} : vector<128x16xf32>, vector<16x1024xf32>, vector<128x1024xf32> -> vector<128x1024xf32>
    %slice3A_1265 = vector.extract_strided_slice %get3A_3 {offsets = [0, 8], sizes = [128, 1], strides = [1, 1]} : vector<128x128xf32> to vector<128x1xf32>
    %slice3A_1266 = vector.extract_strided_slice %dot_general3A_1264 {offsets = [0, 0], sizes = [128, 128], strides = [1, 1]} : vector<128x1024xf32> to vector<128x128xf32>
    %mul3A_1267 = vector.broadcast %slice3A_1265 : vector<128x1xf32> to vector<128x128xf32>
    %mul3A_1268 = arith.mulf %mul3A_1267, %slice3A_1266 : vector<128x128xf32>
    %add3A_1269 = arith.addf %add3A_1258, %mul3A_1268 : vector<128x128xf32>
    %slice3A_1270 = vector.extract_strided_slice %get3A_3 {offsets = [0, 9], sizes = [128, 1], strides = [1, 1]} : vector<128x128xf32> to vector<128x1xf32>
    %slice3A_1271 = vector.extract_strided_slice %dot_general3A_1264 {offsets = [0, 128], sizes = [128, 128], strides = [1, 1]} : vector<128x1024xf32> to vector<128x128xf32>
    %mul3A_1272 = vector.broadcast %slice3A_1270 : vector<128x1xf32> to vector<128x128xf32>
    %mul3A_1273 = arith.mulf %mul3A_1272, %slice3A_1271 : vector<128x128xf32>
    %add3A_1274 = arith.addf %add3A_1269, %mul3A_1273 : vector<128x128xf32>
    %slice3A_1275 = vector.extract_strided_slice %get3A_3 {offsets = [0, 10], sizes = [128, 1], strides = [1, 1]} : vector<128x128xf32> to vector<128x1xf32>
    %slice3A_1276 = vector.extract_strided_slice %dot_general3A_1264 {offsets = [0, 256], sizes = [128, 128], strides = [1, 1]} : vector<128x1024xf32> to vector<128x128xf32>
    %mul3A_1277 = vector.broadcast %slice3A_1275 : vector<128x1xf32> to vector<128x128xf32>
    %mul3A_1278 = arith.mulf %mul3A_1277, %slice3A_1276 : vector<128x128xf32>
    %add3A_1279 = arith.addf %add3A_1274, %mul3A_1278 : vector<128x128xf32>
    %slice3A_1280 = vector.extract_strided_slice %get3A_3 {offsets = [0, 11], sizes = [128, 1], strides = [1, 1]} : vector<128x128xf32> to vector<128x1xf32>
    %slice3A_1281 = vector.extract_strided_slice %dot_general3A_1264 {offsets = [0, 384], sizes = [128, 128], strides = [1, 1]} : vector<128x1024xf32> to vector<128x128xf32>
    %mul3A_1282 = vector.broadcast %slice3A_1280 : vector<128x1xf32> to vector<128x128xf32>
    %mul3A_1283 = arith.mulf %mul3A_1282, %slice3A_1281 : vector<128x128xf32>
    %add3A_1284 = arith.addf %add3A_1279, %mul3A_1283 : vector<128x128xf32>
    %slice3A_1285 = vector.extract_strided_slice %get3A_3 {offsets = [0, 12], sizes = [128, 1], strides = [1, 1]} : vector<128x128xf32> to vector<128x1xf32>
    %slice3A_1286 = vector.extract_strided_slice %dot_general3A_1264 {offsets = [0, 512], sizes = [128, 128], strides = [1, 1]} : vector<128x1024xf32> to vector<128x128xf32>
    %mul3A_1287 = vector.broadcast %slice3A_1285 : vector<128x1xf32> to vector<128x128xf32>
    %mul3A_1288 = arith.mulf %mul3A_1287, %slice3A_1286 : vector<128x128xf32>
    %add3A_1289 = arith.addf %add3A_1284, %mul3A_1288 : vector<128x128xf32>
    %slice3A_1290 = vector.extract_strided_slice %get3A_3 {offsets = [0, 13], sizes = [128, 1], strides = [1, 1]} : vector<128x128xf32> to vector<128x1xf32>
    %slice3A_1291 = vector.extract_strided_slice %dot_general3A_1264 {offsets = [0, 640], sizes = [128, 128], strides = [1, 1]} : vector<128x1024xf32> to vector<128x128xf32>
    %mul3A_1292 = vector.broadcast %slice3A_1290 : vector<128x1xf32> to vector<128x128xf32>
    %mul3A_1293 = arith.mulf %mul3A_1292, %slice3A_1291 : vector<128x128xf32>
    %add3A_1294 = arith.addf %add3A_1289, %mul3A_1293 : vector<128x128xf32>
    %slice3A_1295 = vector.extract_strided_slice %get3A_3 {offsets = [0, 14], sizes = [128, 1], strides = [1, 1]} : vector<128x128xf32> to vector<128x1xf32>
    %slice3A_1296 = vector.extract_strided_slice %dot_general3A_1264 {offsets = [0, 768], sizes = [128, 128], strides = [1, 1]} : vector<128x1024xf32> to vector<128x128xf32>
    %mul3A_1297 = vector.broadcast %slice3A_1295 : vector<128x1xf32> to vector<128x128xf32>
    %mul3A_1298 = arith.mulf %mul3A_1297, %slice3A_1296 : vector<128x128xf32>
    %add3A_1299 = arith.addf %add3A_1294, %mul3A_1298 : vector<128x128xf32>
    %slice3A_1300 = vector.extract_strided_slice %get3A_3 {offsets = [0, 15], sizes = [128, 1], strides = [1, 1]} : vector<128x128xf32> to vector<128x1xf32>
    %slice3A_1301 = vector.extract_strided_slice %dot_general3A_1264 {offsets = [0, 896], sizes = [128, 128], strides = [1, 1]} : vector<128x1024xf32> to vector<128x128xf32>
    %mul3A_1302 = vector.broadcast %slice3A_1300 : vector<128x1xf32> to vector<128x128xf32>
    %mul3A_1303 = arith.mulf %mul3A_1302, %slice3A_1301 : vector<128x128xf32>
    %add3A_1304 = arith.addf %add3A_1299, %mul3A_1303 : vector<128x128xf32>
    %slice3A_1305 = vector.extract_strided_slice %get3A_3 {offsets = [0, 0], sizes = [128, 24], strides = [1, 1]} : vector<128x128xf32> to vector<128x24xf32>
    %get3A_1306 = arith.constant 0 : index
    %get3A_1307 = arith.constant 2048 : index
    %get3A_1308 = vector.load %arg8[%get3A_1306, %get3A_1307] : memref<128x16384xf32, #tpu.memory_space<vmem>>, vector<24x1024xf32>
    %dot_general3A_1309 = arith.constant dense<0.000000e+00> : vector<128x1024xf32>
    %dot_general3A_1310 = tpu.matmul %slice3A_1305, %get3A_1308, %dot_general3A_1309 {dimension_numbers = #tpu.dot_dimension_numbers<[1], [0], [0], [1], [0, 0, 1, 1], [], []>, transpose_lhs_hint = false} : vector<128x24xf32>, vector<24x1024xf32>, vector<128x1024xf32> -> vector<128x1024xf32>
    %slice3A_1311 = vector.extract_strided_slice %get3A_3 {offsets = [0, 16], sizes = [128, 1], strides = [1, 1]} : vector<128x128xf32> to vector<128x1xf32>
    %slice3A_1312 = vector.extract_strided_slice %dot_general3A_1310 {offsets = [0, 0], sizes = [128, 128], strides = [1, 1]} : vector<128x1024xf32> to vector<128x128xf32>
    %mul3A_1313 = vector.broadcast %slice3A_1311 : vector<128x1xf32> to vector<128x128xf32>
    %mul3A_1314 = arith.mulf %mul3A_1313, %slice3A_1312 : vector<128x128xf32>
    %add3A_1315 = arith.addf %add3A_1304, %mul3A_1314 : vector<128x128xf32>
    %slice3A_1316 = vector.extract_strided_slice %get3A_3 {offsets = [0, 17], sizes = [128, 1], strides = [1, 1]} : vector<128x128xf32> to vector<128x1xf32>
    %slice3A_1317 = vector.extract_strided_slice %dot_general3A_1310 {offsets = [0, 128], sizes = [128, 128], strides = [1, 1]} : vector<128x1024xf32> to vector<128x128xf32>
    %mul3A_1318 = vector.broadcast %slice3A_1316 : vector<128x1xf32> to vector<128x128xf32>
    %mul3A_1319 = arith.mulf %mul3A_1318, %slice3A_1317 : vector<128x128xf32>
    %add3A_1320 = arith.addf %add3A_1315, %mul3A_1319 : vector<128x128xf32>
    %slice3A_1321 = vector.extract_strided_slice %get3A_3 {offsets = [0, 18], sizes = [128, 1], strides = [1, 1]} : vector<128x128xf32> to vector<128x1xf32>
    %slice3A_1322 = vector.extract_strided_slice %dot_general3A_1310 {offsets = [0, 256], sizes = [128, 128], strides = [1, 1]} : vector<128x1024xf32> to vector<128x128xf32>
    %mul3A_1323 = vector.broadcast %slice3A_1321 : vector<128x1xf32> to vector<128x128xf32>
    %mul3A_1324 = arith.mulf %mul3A_1323, %slice3A_1322 : vector<128x128xf32>
    %add3A_1325 = arith.addf %add3A_1320, %mul3A_1324 : vector<128x128xf32>
    %slice3A_1326 = vector.extract_strided_slice %get3A_3 {offsets = [0, 19], sizes = [128, 1], strides = [1, 1]} : vector<128x128xf32> to vector<128x1xf32>
    %slice3A_1327 = vector.extract_strided_slice %dot_general3A_1310 {offsets = [0, 384], sizes = [128, 128], strides = [1, 1]} : vector<128x1024xf32> to vector<128x128xf32>
    %mul3A_1328 = vector.broadcast %slice3A_1326 : vector<128x1xf32> to vector<128x128xf32>
    %mul3A_1329 = arith.mulf %mul3A_1328, %slice3A_1327 : vector<128x128xf32>
    %add3A_1330 = arith.addf %add3A_1325, %mul3A_1329 : vector<128x128xf32>
    %slice3A_1331 = vector.extract_strided_slice %get3A_3 {offsets = [0, 20], sizes = [128, 1], strides = [1, 1]} : vector<128x128xf32> to vector<128x1xf32>
    %slice3A_1332 = vector.extract_strided_slice %dot_general3A_1310 {offsets = [0, 512], sizes = [128, 128], strides = [1, 1]} : vector<128x1024xf32> to vector<128x128xf32>
    %mul3A_1333 = vector.broadcast %slice3A_1331 : vector<128x1xf32> to vector<128x128xf32>
    %mul3A_1334 = arith.mulf %mul3A_1333, %slice3A_1332 : vector<128x128xf32>
    %add3A_1335 = arith.addf %add3A_1330, %mul3A_1334 : vector<128x128xf32>
    %slice3A_1336 = vector.extract_strided_slice %get3A_3 {offsets = [0, 21], sizes = [128, 1], strides = [1, 1]} : vector<128x128xf32> to vector<128x1xf32>
    %slice3A_1337 = vector.extract_strided_slice %dot_general3A_1310 {offsets = [0, 640], sizes = [128, 128], strides = [1, 1]} : vector<128x1024xf32> to vector<128x128xf32>
    %mul3A_1338 = vector.broadcast %slice3A_1336 : vector<128x1xf32> to vector<128x128xf32>
    %mul3A_1339 = arith.mulf %mul3A_1338, %slice3A_1337 : vector<128x128xf32>
    %add3A_1340 = arith.addf %add3A_1335, %mul3A_1339 : vector<128x128xf32>
    %slice3A_1341 = vector.extract_strided_slice %get3A_3 {offsets = [0, 22], sizes = [128, 1], strides = [1, 1]} : vector<128x128xf32> to vector<128x1xf32>
    %slice3A_1342 = vector.extract_strided_slice %dot_general3A_1310 {offsets = [0, 768], sizes = [128, 128], strides = [1, 1]} : vector<128x1024xf32> to vector<128x128xf32>
    %mul3A_1343 = vector.broadcast %slice3A_1341 : vector<128x1xf32> to vector<128x128xf32>
    %mul3A_1344 = arith.mulf %mul3A_1343, %slice3A_1342 : vector<128x128xf32>
    %add3A_1345 = arith.addf %add3A_1340, %mul3A_1344 : vector<128x128xf32>
    %slice3A_1346 = vector.extract_strided_slice %get3A_3 {offsets = [0, 23], sizes = [128, 1], strides = [1, 1]} : vector<128x128xf32> to vector<128x1xf32>
    %slice3A_1347 = vector.extract_strided_slice %dot_general3A_1310 {offsets = [0, 896], sizes = [128, 128], strides = [1, 1]} : vector<128x1024xf32> to vector<128x128xf32>
    %mul3A_1348 = vector.broadcast %slice3A_1346 : vector<128x1xf32> to vector<128x128xf32>
    %mul3A_1349 = arith.mulf %mul3A_1348, %slice3A_1347 : vector<128x128xf32>
    %add3A_1350 = arith.addf %add3A_1345, %mul3A_1349 : vector<128x128xf32>
    %slice3A_1351 = vector.extract_strided_slice %get3A_3 {offsets = [0, 0], sizes = [128, 32], strides = [1, 1]} : vector<128x128xf32> to vector<128x32xf32>
    %get3A_1352 = arith.constant 0 : index
    %get3A_1353 = arith.constant 3072 : index
    %get3A_1354 = vector.load %arg8[%get3A_1352, %get3A_1353] : memref<128x16384xf32, #tpu.memory_space<vmem>>, vector<32x1024xf32>
    %dot_general3A_1355 = arith.constant dense<0.000000e+00> : vector<128x1024xf32>
    %dot_general3A_1356 = tpu.matmul %slice3A_1351, %get3A_1354, %dot_general3A_1355 {dimension_numbers = #tpu.dot_dimension_numbers<[1], [0], [0], [1], [0, 0, 1, 1], [], []>, transpose_lhs_hint = false} : vector<128x32xf32>, vector<32x1024xf32>, vector<128x1024xf32> -> vector<128x1024xf32>
    %slice3A_1357 = vector.extract_strided_slice %get3A_3 {offsets = [0, 24], sizes = [128, 1], strides = [1, 1]} : vector<128x128xf32> to vector<128x1xf32>
    %slice3A_1358 = vector.extract_strided_slice %dot_general3A_1356 {offsets = [0, 0], sizes = [128, 128], strides = [1, 1]} : vector<128x1024xf32> to vector<128x128xf32>
    %mul3A_1359 = vector.broadcast %slice3A_1357 : vector<128x1xf32> to vector<128x128xf32>
    %mul3A_1360 = arith.mulf %mul3A_1359, %slice3A_1358 : vector<128x128xf32>
    %add3A_1361 = arith.addf %add3A_1350, %mul3A_1360 : vector<128x128xf32>
    %slice3A_1362 = vector.extract_strided_slice %get3A_3 {offsets = [0, 25], sizes = [128, 1], strides = [1, 1]} : vector<128x128xf32> to vector<128x1xf32>
    %slice3A_1363 = vector.extract_strided_slice %dot_general3A_1356 {offsets = [0, 128], sizes = [128, 128], strides = [1, 1]} : vector<128x1024xf32> to vector<128x128xf32>
    %mul3A_1364 = vector.broadcast %slice3A_1362 : vector<128x1xf32> to vector<128x128xf32>
    %mul3A_1365 = arith.mulf %mul3A_1364, %slice3A_1363 : vector<128x128xf32>
    %add3A_1366 = arith.addf %add3A_1361, %mul3A_1365 : vector<128x128xf32>
    %slice3A_1367 = vector.extract_strided_slice %get3A_3 {offsets = [0, 26], sizes = [128, 1], strides = [1, 1]} : vector<128x128xf32> to vector<128x1xf32>
    %slice3A_1368 = vector.extract_strided_slice %dot_general3A_1356 {offsets = [0, 256], sizes = [128, 128], strides = [1, 1]} : vector<128x1024xf32> to vector<128x128xf32>
    %mul3A_1369 = vector.broadcast %slice3A_1367 : vector<128x1xf32> to vector<128x128xf32>
    %mul3A_1370 = arith.mulf %mul3A_1369, %slice3A_1368 : vector<128x128xf32>
    %add3A_1371 = arith.addf %add3A_1366, %mul3A_1370 : vector<128x128xf32>
    %slice3A_1372 = vector.extract_strided_slice %get3A_3 {offsets = [0, 27], sizes = [128, 1], strides = [1, 1]} : vector<128x128xf32> to vector<128x1xf32>
    %slice3A_1373 = vector.extract_strided_slice %dot_general3A_1356 {offsets = [0, 384], sizes = [128, 128], strides = [1, 1]} : vector<128x1024xf32> to vector<128x128xf32>
    %mul3A_1374 = vector.broadcast %slice3A_1372 : vector<128x1xf32> to vector<128x128xf32>
    %mul3A_1375 = arith.mulf %mul3A_1374, %slice3A_1373 : vector<128x128xf32>
    %add3A_1376 = arith.addf %add3A_1371, %mul3A_1375 : vector<128x128xf32>
    %slice3A_1377 = vector.extract_strided_slice %get3A_3 {offsets = [0, 28], sizes = [128, 1], strides = [1, 1]} : vector<128x128xf32> to vector<128x1xf32>
    %slice3A_1378 = vector.extract_strided_slice %dot_general3A_1356 {offsets = [0, 512], sizes = [128, 128], strides = [1, 1]} : vector<128x1024xf32> to vector<128x128xf32>
    %mul3A_1379 = vector.broadcast %slice3A_1377 : vector<128x1xf32> to vector<128x128xf32>
    %mul3A_1380 = arith.mulf %mul3A_1379, %slice3A_1378 : vector<128x128xf32>
    %add3A_1381 = arith.addf %add3A_1376, %mul3A_1380 : vector<128x128xf32>
    %slice3A_1382 = vector.extract_strided_slice %get3A_3 {offsets = [0, 29], sizes = [128, 1], strides = [1, 1]} : vector<128x128xf32> to vector<128x1xf32>
    %slice3A_1383 = vector.extract_strided_slice %dot_general3A_1356 {offsets = [0, 640], sizes = [128, 128], strides = [1, 1]} : vector<128x1024xf32> to vector<128x128xf32>
    %mul3A_1384 = vector.broadcast %slice3A_1382 : vector<128x1xf32> to vector<128x128xf32>
    %mul3A_1385 = arith.mulf %mul3A_1384, %slice3A_1383 : vector<128x128xf32>
    %add3A_1386 = arith.addf %add3A_1381, %mul3A_1385 : vector<128x128xf32>
    %slice3A_1387 = vector.extract_strided_slice %get3A_3 {offsets = [0, 30], sizes = [128, 1], strides = [1, 1]} : vector<128x128xf32> to vector<128x1xf32>
    %slice3A_1388 = vector.extract_strided_slice %dot_general3A_1356 {offsets = [0, 768], sizes = [128, 128], strides = [1, 1]} : vector<128x1024xf32> to vector<128x128xf32>
    %mul3A_1389 = vector.broadcast %slice3A_1387 : vector<128x1xf32> to vector<128x128xf32>
    %mul3A_1390 = arith.mulf %mul3A_1389, %slice3A_1388 : vector<128x128xf32>
    %add3A_1391 = arith.addf %add3A_1386, %mul3A_1390 : vector<128x128xf32>
    %slice3A_1392 = vector.extract_strided_slice %get3A_3 {offsets = [0, 31], sizes = [128, 1], strides = [1, 1]} : vector<128x128xf32> to vector<128x1xf32>
    %slice3A_1393 = vector.extract_strided_slice %dot_general3A_1356 {offsets = [0, 896], sizes = [128, 128], strides = [1, 1]} : vector<128x1024xf32> to vector<128x128xf32>
    %mul3A_1394 = vector.broadcast %slice3A_1392 : vector<128x1xf32> to vector<128x128xf32>
    %mul3A_1395 = arith.mulf %mul3A_1394, %slice3A_1393 : vector<128x128xf32>
    %add3A_1396 = arith.addf %add3A_1391, %mul3A_1395 : vector<128x128xf32>
    %slice3A_1397 = vector.extract_strided_slice %get3A_3 {offsets = [0, 0], sizes = [128, 40], strides = [1, 1]} : vector<128x128xf32> to vector<128x40xf32>
    %get3A_1398 = arith.constant 0 : index
    %get3A_1399 = arith.constant 4096 : index
    %get3A_1400 = vector.load %arg8[%get3A_1398, %get3A_1399] : memref<128x16384xf32, #tpu.memory_space<vmem>>, vector<40x1024xf32>
    %dot_general3A_1401 = arith.constant dense<0.000000e+00> : vector<128x1024xf32>
    %dot_general3A_1402 = tpu.matmul %slice3A_1397, %get3A_1400, %dot_general3A_1401 {dimension_numbers = #tpu.dot_dimension_numbers<[1], [0], [0], [1], [0, 0, 1, 1], [], []>, transpose_lhs_hint = false} : vector<128x40xf32>, vector<40x1024xf32>, vector<128x1024xf32> -> vector<128x1024xf32>
    %slice3A_1403 = vector.extract_strided_slice %get3A_3 {offsets = [0, 32], sizes = [128, 1], strides = [1, 1]} : vector<128x128xf32> to vector<128x1xf32>
    %slice3A_1404 = vector.extract_strided_slice %dot_general3A_1402 {offsets = [0, 0], sizes = [128, 128], strides = [1, 1]} : vector<128x1024xf32> to vector<128x128xf32>
    %mul3A_1405 = vector.broadcast %slice3A_1403 : vector<128x1xf32> to vector<128x128xf32>
    %mul3A_1406 = arith.mulf %mul3A_1405, %slice3A_1404 : vector<128x128xf32>
    %add3A_1407 = arith.addf %add3A_1396, %mul3A_1406 : vector<128x128xf32>
    %slice3A_1408 = vector.extract_strided_slice %get3A_3 {offsets = [0, 33], sizes = [128, 1], strides = [1, 1]} : vector<128x128xf32> to vector<128x1xf32>
    %slice3A_1409 = vector.extract_strided_slice %dot_general3A_1402 {offsets = [0, 128], sizes = [128, 128], strides = [1, 1]} : vector<128x1024xf32> to vector<128x128xf32>
    %mul3A_1410 = vector.broadcast %slice3A_1408 : vector<128x1xf32> to vector<128x128xf32>
    %mul3A_1411 = arith.mulf %mul3A_1410, %slice3A_1409 : vector<128x128xf32>
    %add3A_1412 = arith.addf %add3A_1407, %mul3A_1411 : vector<128x128xf32>
    %slice3A_1413 = vector.extract_strided_slice %get3A_3 {offsets = [0, 34], sizes = [128, 1], strides = [1, 1]} : vector<128x128xf32> to vector<128x1xf32>
    %slice3A_1414 = vector.extract_strided_slice %dot_general3A_1402 {offsets = [0, 256], sizes = [128, 128], strides = [1, 1]} : vector<128x1024xf32> to vector<128x128xf32>
    %mul3A_1415 = vector.broadcast %slice3A_1413 : vector<128x1xf32> to vector<128x128xf32>
    %mul3A_1416 = arith.mulf %mul3A_1415, %slice3A_1414 : vector<128x128xf32>
    %add3A_1417 = arith.addf %add3A_1412, %mul3A_1416 : vector<128x128xf32>
    %slice3A_1418 = vector.extract_strided_slice %get3A_3 {offsets = [0, 35], sizes = [128, 1], strides = [1, 1]} : vector<128x128xf32> to vector<128x1xf32>
    %slice3A_1419 = vector.extract_strided_slice %dot_general3A_1402 {offsets = [0, 384], sizes = [128, 128], strides = [1, 1]} : vector<128x1024xf32> to vector<128x128xf32>
    %mul3A_1420 = vector.broadcast %slice3A_1418 : vector<128x1xf32> to vector<128x128xf32>
    %mul3A_1421 = arith.mulf %mul3A_1420, %slice3A_1419 : vector<128x128xf32>
    %add3A_1422 = arith.addf %add3A_1417, %mul3A_1421 : vector<128x128xf32>
    %slice3A_1423 = vector.extract_strided_slice %get3A_3 {offsets = [0, 36], sizes = [128, 1], strides = [1, 1]} : vector<128x128xf32> to vector<128x1xf32>
    %slice3A_1424 = vector.extract_strided_slice %dot_general3A_1402 {offsets = [0, 512], sizes = [128, 128], strides = [1, 1]} : vector<128x1024xf32> to vector<128x128xf32>
    %mul3A_1425 = vector.broadcast %slice3A_1423 : vector<128x1xf32> to vector<128x128xf32>
    %mul3A_1426 = arith.mulf %mul3A_1425, %slice3A_1424 : vector<128x128xf32>
    %add3A_1427 = arith.addf %add3A_1422, %mul3A_1426 : vector<128x128xf32>
    %slice3A_1428 = vector.extract_strided_slice %get3A_3 {offsets = [0, 37], sizes = [128, 1], strides = [1, 1]} : vector<128x128xf32> to vector<128x1xf32>
    %slice3A_1429 = vector.extract_strided_slice %dot_general3A_1402 {offsets = [0, 640], sizes = [128, 128], strides = [1, 1]} : vector<128x1024xf32> to vector<128x128xf32>
    %mul3A_1430 = vector.broadcast %slice3A_1428 : vector<128x1xf32> to vector<128x128xf32>
    %mul3A_1431 = arith.mulf %mul3A_1430, %slice3A_1429 : vector<128x128xf32>
    %add3A_1432 = arith.addf %add3A_1427, %mul3A_1431 : vector<128x128xf32>
    %slice3A_1433 = vector.extract_strided_slice %get3A_3 {offsets = [0, 38], sizes = [128, 1], strides = [1, 1]} : vector<128x128xf32> to vector<128x1xf32>
    %slice3A_1434 = vector.extract_strided_slice %dot_general3A_1402 {offsets = [0, 768], sizes = [128, 128], strides = [1, 1]} : vector<128x1024xf32> to vector<128x128xf32>
    %mul3A_1435 = vector.broadcast %slice3A_1433 : vector<128x1xf32> to vector<128x128xf32>
    %mul3A_1436 = arith.mulf %mul3A_1435, %slice3A_1434 : vector<128x128xf32>
    %add3A_1437 = arith.addf %add3A_1432, %mul3A_1436 : vector<128x128xf32>
    %slice3A_1438 = vector.extract_strided_slice %get3A_3 {offsets = [0, 39], sizes = [128, 1], strides = [1, 1]} : vector<128x128xf32> to vector<128x1xf32>
    %slice3A_1439 = vector.extract_strided_slice %dot_general3A_1402 {offsets = [0, 896], sizes = [128, 128], strides = [1, 1]} : vector<128x1024xf32> to vector<128x128xf32>
    %mul3A_1440 = vector.broadcast %slice3A_1438 : vector<128x1xf32> to vector<128x128xf32>
    %mul3A_1441 = arith.mulf %mul3A_1440, %slice3A_1439 : vector<128x128xf32>
    %add3A_1442 = arith.addf %add3A_1437, %mul3A_1441 : vector<128x128xf32>
    %slice3A_1443 = vector.extract_strided_slice %get3A_3 {offsets = [0, 0], sizes = [128, 48], strides = [1, 1]} : vector<128x128xf32> to vector<128x48xf32>
    %get3A_1444 = arith.constant 0 : index
    %get3A_1445 = arith.constant 5120 : index
    %get3A_1446 = vector.load %arg8[%get3A_1444, %get3A_1445] : memref<128x16384xf32, #tpu.memory_space<vmem>>, vector<48x1024xf32>
    %dot_general3A_1447 = arith.constant dense<0.000000e+00> : vector<128x1024xf32>
    %dot_general3A_1448 = tpu.matmul %slice3A_1443, %get3A_1446, %dot_general3A_1447 {dimension_numbers = #tpu.dot_dimension_numbers<[1], [0], [0], [1], [0, 0, 1, 1], [], []>, transpose_lhs_hint = false} : vector<128x48xf32>, vector<48x1024xf32>, vector<128x1024xf32> -> vector<128x1024xf32>
    %slice3A_1449 = vector.extract_strided_slice %get3A_3 {offsets = [0, 40], sizes = [128, 1], strides = [1, 1]} : vector<128x128xf32> to vector<128x1xf32>
    %slice3A_1450 = vector.extract_strided_slice %dot_general3A_1448 {offsets = [0, 0], sizes = [128, 128], strides = [1, 1]} : vector<128x1024xf32> to vector<128x128xf32>
    %mul3A_1451 = vector.broadcast %slice3A_1449 : vector<128x1xf32> to vector<128x128xf32>
    %mul3A_1452 = arith.mulf %mul3A_1451, %slice3A_1450 : vector<128x128xf32>
    %add3A_1453 = arith.addf %add3A_1442, %mul3A_1452 : vector<128x128xf32>
    %slice3A_1454 = vector.extract_strided_slice %get3A_3 {offsets = [0, 41], sizes = [128, 1], strides = [1, 1]} : vector<128x128xf32> to vector<128x1xf32>
    %slice3A_1455 = vector.extract_strided_slice %dot_general3A_1448 {offsets = [0, 128], sizes = [128, 128], strides = [1, 1]} : vector<128x1024xf32> to vector<128x128xf32>
    %mul3A_1456 = vector.broadcast %slice3A_1454 : vector<128x1xf32> to vector<128x128xf32>
    %mul3A_1457 = arith.mulf %mul3A_1456, %slice3A_1455 : vector<128x128xf32>
    %add3A_1458 = arith.addf %add3A_1453, %mul3A_1457 : vector<128x128xf32>
    %slice3A_1459 = vector.extract_strided_slice %get3A_3 {offsets = [0, 42], sizes = [128, 1], strides = [1, 1]} : vector<128x128xf32> to vector<128x1xf32>
    %slice3A_1460 = vector.extract_strided_slice %dot_general3A_1448 {offsets = [0, 256], sizes = [128, 128], strides = [1, 1]} : vector<128x1024xf32> to vector<128x128xf32>
    %mul3A_1461 = vector.broadcast %slice3A_1459 : vector<128x1xf32> to vector<128x128xf32>
    %mul3A_1462 = arith.mulf %mul3A_1461, %slice3A_1460 : vector<128x128xf32>
    %add3A_1463 = arith.addf %add3A_1458, %mul3A_1462 : vector<128x128xf32>
    %slice3A_1464 = vector.extract_strided_slice %get3A_3 {offsets = [0, 43], sizes = [128, 1], strides = [1, 1]} : vector<128x128xf32> to vector<128x1xf32>
    %slice3A_1465 = vector.extract_strided_slice %dot_general3A_1448 {offsets = [0, 384], sizes = [128, 128], strides = [1, 1]} : vector<128x1024xf32> to vector<128x128xf32>
    %mul3A_1466 = vector.broadcast %slice3A_1464 : vector<128x1xf32> to vector<128x128xf32>
    %mul3A_1467 = arith.mulf %mul3A_1466, %slice3A_1465 : vector<128x128xf32>
    %add3A_1468 = arith.addf %add3A_1463, %mul3A_1467 : vector<128x128xf32>
    %slice3A_1469 = vector.extract_strided_slice %get3A_3 {offsets = [0, 44], sizes = [128, 1], strides = [1, 1]} : vector<128x128xf32> to vector<128x1xf32>
    %slice3A_1470 = vector.extract_strided_slice %dot_general3A_1448 {offsets = [0, 512], sizes = [128, 128], strides = [1, 1]} : vector<128x1024xf32> to vector<128x128xf32>
    %mul3A_1471 = vector.broadcast %slice3A_1469 : vector<128x1xf32> to vector<128x128xf32>
    %mul3A_1472 = arith.mulf %mul3A_1471, %slice3A_1470 : vector<128x128xf32>
    %add3A_1473 = arith.addf %add3A_1468, %mul3A_1472 : vector<128x128xf32>
    %slice3A_1474 = vector.extract_strided_slice %get3A_3 {offsets = [0, 45], sizes = [128, 1], strides = [1, 1]} : vector<128x128xf32> to vector<128x1xf32>
    %slice3A_1475 = vector.extract_strided_slice %dot_general3A_1448 {offsets = [0, 640], sizes = [128, 128], strides = [1, 1]} : vector<128x1024xf32> to vector<128x128xf32>
    %mul3A_1476 = vector.broadcast %slice3A_1474 : vector<128x1xf32> to vector<128x128xf32>
    %mul3A_1477 = arith.mulf %mul3A_1476, %slice3A_1475 : vector<128x128xf32>
    %add3A_1478 = arith.addf %add3A_1473, %mul3A_1477 : vector<128x128xf32>
    %slice3A_1479 = vector.extract_strided_slice %get3A_3 {offsets = [0, 46], sizes = [128, 1], strides = [1, 1]} : vector<128x128xf32> to vector<128x1xf32>
    %slice3A_1480 = vector.extract_strided_slice %dot_general3A_1448 {offsets = [0, 768], sizes = [128, 128], strides = [1, 1]} : vector<128x1024xf32> to vector<128x128xf32>
    %mul3A_1481 = vector.broadcast %slice3A_1479 : vector<128x1xf32> to vector<128x128xf32>
    %mul3A_1482 = arith.mulf %mul3A_1481, %slice3A_1480 : vector<128x128xf32>
    %add3A_1483 = arith.addf %add3A_1478, %mul3A_1482 : vector<128x128xf32>
    %slice3A_1484 = vector.extract_strided_slice %get3A_3 {offsets = [0, 47], sizes = [128, 1], strides = [1, 1]} : vector<128x128xf32> to vector<128x1xf32>
    %slice3A_1485 = vector.extract_strided_slice %dot_general3A_1448 {offsets = [0, 896], sizes = [128, 128], strides = [1, 1]} : vector<128x1024xf32> to vector<128x128xf32>
    %mul3A_1486 = vector.broadcast %slice3A_1484 : vector<128x1xf32> to vector<128x128xf32>
    %mul3A_1487 = arith.mulf %mul3A_1486, %slice3A_1485 : vector<128x128xf32>
    %add3A_1488 = arith.addf %add3A_1483, %mul3A_1487 : vector<128x128xf32>
    %slice3A_1489 = vector.extract_strided_slice %get3A_3 {offsets = [0, 0], sizes = [128, 56], strides = [1, 1]} : vector<128x128xf32> to vector<128x56xf32>
    %get3A_1490 = arith.constant 0 : index
    %get3A_1491 = arith.constant 6144 : index
    %get3A_1492 = vector.load %arg8[%get3A_1490, %get3A_1491] : memref<128x16384xf32, #tpu.memory_space<vmem>>, vector<56x1024xf32>
    %dot_general3A_1493 = arith.constant dense<0.000000e+00> : vector<128x1024xf32>
    %dot_general3A_1494 = tpu.matmul %slice3A_1489, %get3A_1492, %dot_general3A_1493 {dimension_numbers = #tpu.dot_dimension_numbers<[1], [0], [0], [1], [0, 0, 1, 1], [], []>, transpose_lhs_hint = false} : vector<128x56xf32>, vector<56x1024xf32>, vector<128x1024xf32> -> vector<128x1024xf32>
    %slice3A_1495 = vector.extract_strided_slice %get3A_3 {offsets = [0, 48], sizes = [128, 1], strides = [1, 1]} : vector<128x128xf32> to vector<128x1xf32>
    %slice3A_1496 = vector.extract_strided_slice %dot_general3A_1494 {offsets = [0, 0], sizes = [128, 128], strides = [1, 1]} : vector<128x1024xf32> to vector<128x128xf32>
    %mul3A_1497 = vector.broadcast %slice3A_1495 : vector<128x1xf32> to vector<128x128xf32>
    %mul3A_1498 = arith.mulf %mul3A_1497, %slice3A_1496 : vector<128x128xf32>
    %add3A_1499 = arith.addf %add3A_1488, %mul3A_1498 : vector<128x128xf32>
    %slice3A_1500 = vector.extract_strided_slice %get3A_3 {offsets = [0, 49], sizes = [128, 1], strides = [1, 1]} : vector<128x128xf32> to vector<128x1xf32>
    %slice3A_1501 = vector.extract_strided_slice %dot_general3A_1494 {offsets = [0, 128], sizes = [128, 128], strides = [1, 1]} : vector<128x1024xf32> to vector<128x128xf32>
    %mul3A_1502 = vector.broadcast %slice3A_1500 : vector<128x1xf32> to vector<128x128xf32>
    %mul3A_1503 = arith.mulf %mul3A_1502, %slice3A_1501 : vector<128x128xf32>
    %add3A_1504 = arith.addf %add3A_1499, %mul3A_1503 : vector<128x128xf32>
    %slice3A_1505 = vector.extract_strided_slice %get3A_3 {offsets = [0, 50], sizes = [128, 1], strides = [1, 1]} : vector<128x128xf32> to vector<128x1xf32>
    %slice3A_1506 = vector.extract_strided_slice %dot_general3A_1494 {offsets = [0, 256], sizes = [128, 128], strides = [1, 1]} : vector<128x1024xf32> to vector<128x128xf32>
    %mul3A_1507 = vector.broadcast %slice3A_1505 : vector<128x1xf32> to vector<128x128xf32>
    %mul3A_1508 = arith.mulf %mul3A_1507, %slice3A_1506 : vector<128x128xf32>
    %add3A_1509 = arith.addf %add3A_1504, %mul3A_1508 : vector<128x128xf32>
    %slice3A_1510 = vector.extract_strided_slice %get3A_3 {offsets = [0, 51], sizes = [128, 1], strides = [1, 1]} : vector<128x128xf32> to vector<128x1xf32>
    %slice3A_1511 = vector.extract_strided_slice %dot_general3A_1494 {offsets = [0, 384], sizes = [128, 128], strides = [1, 1]} : vector<128x1024xf32> to vector<128x128xf32>
    %mul3A_1512 = vector.broadcast %slice3A_1510 : vector<128x1xf32> to vector<128x128xf32>
    %mul3A_1513 = arith.mulf %mul3A_1512, %slice3A_1511 : vector<128x128xf32>
    %add3A_1514 = arith.addf %add3A_1509, %mul3A_1513 : vector<128x128xf32>
    %slice3A_1515 = vector.extract_strided_slice %get3A_3 {offsets = [0, 52], sizes = [128, 1], strides = [1, 1]} : vector<128x128xf32> to vector<128x1xf32>
    %slice3A_1516 = vector.extract_strided_slice %dot_general3A_1494 {offsets = [0, 512], sizes = [128, 128], strides = [1, 1]} : vector<128x1024xf32> to vector<128x128xf32>
    %mul3A_1517 = vector.broadcast %slice3A_1515 : vector<128x1xf32> to vector<128x128xf32>
    %mul3A_1518 = arith.mulf %mul3A_1517, %slice3A_1516 : vector<128x128xf32>
    %add3A_1519 = arith.addf %add3A_1514, %mul3A_1518 : vector<128x128xf32>
    %slice3A_1520 = vector.extract_strided_slice %get3A_3 {offsets = [0, 53], sizes = [128, 1], strides = [1, 1]} : vector<128x128xf32> to vector<128x1xf32>
    %slice3A_1521 = vector.extract_strided_slice %dot_general3A_1494 {offsets = [0, 640], sizes = [128, 128], strides = [1, 1]} : vector<128x1024xf32> to vector<128x128xf32>
    %mul3A_1522 = vector.broadcast %slice3A_1520 : vector<128x1xf32> to vector<128x128xf32>
    %mul3A_1523 = arith.mulf %mul3A_1522, %slice3A_1521 : vector<128x128xf32>
    %add3A_1524 = arith.addf %add3A_1519, %mul3A_1523 : vector<128x128xf32>
    %slice3A_1525 = vector.extract_strided_slice %get3A_3 {offsets = [0, 54], sizes = [128, 1], strides = [1, 1]} : vector<128x128xf32> to vector<128x1xf32>
    %slice3A_1526 = vector.extract_strided_slice %dot_general3A_1494 {offsets = [0, 768], sizes = [128, 128], strides = [1, 1]} : vector<128x1024xf32> to vector<128x128xf32>
    %mul3A_1527 = vector.broadcast %slice3A_1525 : vector<128x1xf32> to vector<128x128xf32>
    %mul3A_1528 = arith.mulf %mul3A_1527, %slice3A_1526 : vector<128x128xf32>
    %add3A_1529 = arith.addf %add3A_1524, %mul3A_1528 : vector<128x128xf32>
    %slice3A_1530 = vector.extract_strided_slice %get3A_3 {offsets = [0, 55], sizes = [128, 1], strides = [1, 1]} : vector<128x128xf32> to vector<128x1xf32>
    %slice3A_1531 = vector.extract_strided_slice %dot_general3A_1494 {offsets = [0, 896], sizes = [128, 128], strides = [1, 1]} : vector<128x1024xf32> to vector<128x128xf32>
    %mul3A_1532 = vector.broadcast %slice3A_1530 : vector<128x1xf32> to vector<128x128xf32>
    %mul3A_1533 = arith.mulf %mul3A_1532, %slice3A_1531 : vector<128x128xf32>
    %add3A_1534 = arith.addf %add3A_1529, %mul3A_1533 : vector<128x128xf32>
    %slice3A_1535 = vector.extract_strided_slice %get3A_3 {offsets = [0, 0], sizes = [128, 64], strides = [1, 1]} : vector<128x128xf32> to vector<128x64xf32>
    %get3A_1536 = arith.constant 0 : index
    %get3A_1537 = arith.constant 7168 : index
    %get3A_1538 = vector.load %arg8[%get3A_1536, %get3A_1537] : memref<128x16384xf32, #tpu.memory_space<vmem>>, vector<64x1024xf32>
    %dot_general3A_1539 = arith.constant dense<0.000000e+00> : vector<128x1024xf32>
    %dot_general3A_1540 = tpu.matmul %slice3A_1535, %get3A_1538, %dot_general3A_1539 {dimension_numbers = #tpu.dot_dimension_numbers<[1], [0], [0], [1], [0, 0, 1, 1], [], []>, transpose_lhs_hint = false} : vector<128x64xf32>, vector<64x1024xf32>, vector<128x1024xf32> -> vector<128x1024xf32>
    %slice3A_1541 = vector.extract_strided_slice %get3A_3 {offsets = [0, 56], sizes = [128, 1], strides = [1, 1]} : vector<128x128xf32> to vector<128x1xf32>
    %slice3A_1542 = vector.extract_strided_slice %dot_general3A_1540 {offsets = [0, 0], sizes = [128, 128], strides = [1, 1]} : vector<128x1024xf32> to vector<128x128xf32>
    %mul3A_1543 = vector.broadcast %slice3A_1541 : vector<128x1xf32> to vector<128x128xf32>
    %mul3A_1544 = arith.mulf %mul3A_1543, %slice3A_1542 : vector<128x128xf32>
    %add3A_1545 = arith.addf %add3A_1534, %mul3A_1544 : vector<128x128xf32>
    %slice3A_1546 = vector.extract_strided_slice %get3A_3 {offsets = [0, 57], sizes = [128, 1], strides = [1, 1]} : vector<128x128xf32> to vector<128x1xf32>
    %slice3A_1547 = vector.extract_strided_slice %dot_general3A_1540 {offsets = [0, 128], sizes = [128, 128], strides = [1, 1]} : vector<128x1024xf32> to vector<128x128xf32>
    %mul3A_1548 = vector.broadcast %slice3A_1546 : vector<128x1xf32> to vector<128x128xf32>
    %mul3A_1549 = arith.mulf %mul3A_1548, %slice3A_1547 : vector<128x128xf32>
    %add3A_1550 = arith.addf %add3A_1545, %mul3A_1549 : vector<128x128xf32>
    %slice3A_1551 = vector.extract_strided_slice %get3A_3 {offsets = [0, 58], sizes = [128, 1], strides = [1, 1]} : vector<128x128xf32> to vector<128x1xf32>
    %slice3A_1552 = vector.extract_strided_slice %dot_general3A_1540 {offsets = [0, 256], sizes = [128, 128], strides = [1, 1]} : vector<128x1024xf32> to vector<128x128xf32>
    %mul3A_1553 = vector.broadcast %slice3A_1551 : vector<128x1xf32> to vector<128x128xf32>
    %mul3A_1554 = arith.mulf %mul3A_1553, %slice3A_1552 : vector<128x128xf32>
    %add3A_1555 = arith.addf %add3A_1550, %mul3A_1554 : vector<128x128xf32>
    %slice3A_1556 = vector.extract_strided_slice %get3A_3 {offsets = [0, 59], sizes = [128, 1], strides = [1, 1]} : vector<128x128xf32> to vector<128x1xf32>
    %slice3A_1557 = vector.extract_strided_slice %dot_general3A_1540 {offsets = [0, 384], sizes = [128, 128], strides = [1, 1]} : vector<128x1024xf32> to vector<128x128xf32>
    %mul3A_1558 = vector.broadcast %slice3A_1556 : vector<128x1xf32> to vector<128x128xf32>
    %mul3A_1559 = arith.mulf %mul3A_1558, %slice3A_1557 : vector<128x128xf32>
    %add3A_1560 = arith.addf %add3A_1555, %mul3A_1559 : vector<128x128xf32>
    %slice3A_1561 = vector.extract_strided_slice %get3A_3 {offsets = [0, 60], sizes = [128, 1], strides = [1, 1]} : vector<128x128xf32> to vector<128x1xf32>
    %slice3A_1562 = vector.extract_strided_slice %dot_general3A_1540 {offsets = [0, 512], sizes = [128, 128], strides = [1, 1]} : vector<128x1024xf32> to vector<128x128xf32>
    %mul3A_1563 = vector.broadcast %slice3A_1561 : vector<128x1xf32> to vector<128x128xf32>
    %mul3A_1564 = arith.mulf %mul3A_1563, %slice3A_1562 : vector<128x128xf32>
    %add3A_1565 = arith.addf %add3A_1560, %mul3A_1564 : vector<128x128xf32>
    %slice3A_1566 = vector.extract_strided_slice %get3A_3 {offsets = [0, 61], sizes = [128, 1], strides = [1, 1]} : vector<128x128xf32> to vector<128x1xf32>
    %slice3A_1567 = vector.extract_strided_slice %dot_general3A_1540 {offsets = [0, 640], sizes = [128, 128], strides = [1, 1]} : vector<128x1024xf32> to vector<128x128xf32>
    %mul3A_1568 = vector.broadcast %slice3A_1566 : vector<128x1xf32> to vector<128x128xf32>
    %mul3A_1569 = arith.mulf %mul3A_1568, %slice3A_1567 : vector<128x128xf32>
    %add3A_1570 = arith.addf %add3A_1565, %mul3A_1569 : vector<128x128xf32>
    %slice3A_1571 = vector.extract_strided_slice %get3A_3 {offsets = [0, 62], sizes = [128, 1], strides = [1, 1]} : vector<128x128xf32> to vector<128x1xf32>
    %slice3A_1572 = vector.extract_strided_slice %dot_general3A_1540 {offsets = [0, 768], sizes = [128, 128], strides = [1, 1]} : vector<128x1024xf32> to vector<128x128xf32>
    %mul3A_1573 = vector.broadcast %slice3A_1571 : vector<128x1xf32> to vector<128x128xf32>
    %mul3A_1574 = arith.mulf %mul3A_1573, %slice3A_1572 : vector<128x128xf32>
    %add3A_1575 = arith.addf %add3A_1570, %mul3A_1574 : vector<128x128xf32>
    %slice3A_1576 = vector.extract_strided_slice %get3A_3 {offsets = [0, 63], sizes = [128, 1], strides = [1, 1]} : vector<128x128xf32> to vector<128x1xf32>
    %slice3A_1577 = vector.extract_strided_slice %dot_general3A_1540 {offsets = [0, 896], sizes = [128, 128], strides = [1, 1]} : vector<128x1024xf32> to vector<128x128xf32>
    %mul3A_1578 = vector.broadcast %slice3A_1576 : vector<128x1xf32> to vector<128x128xf32>
    %mul3A_1579 = arith.mulf %mul3A_1578, %slice3A_1577 : vector<128x128xf32>
    %add3A_1580 = arith.addf %add3A_1575, %mul3A_1579 : vector<128x128xf32>
    %slice3A_1581 = vector.extract_strided_slice %get3A_3 {offsets = [0, 0], sizes = [128, 72], strides = [1, 1]} : vector<128x128xf32> to vector<128x72xf32>
    %get3A_1582 = arith.constant 0 : index
    %get3A_1583 = arith.constant 8192 : index
    %get3A_1584 = vector.load %arg8[%get3A_1582, %get3A_1583] : memref<128x16384xf32, #tpu.memory_space<vmem>>, vector<72x1024xf32>
    %dot_general3A_1585 = arith.constant dense<0.000000e+00> : vector<128x1024xf32>
    %dot_general3A_1586 = tpu.matmul %slice3A_1581, %get3A_1584, %dot_general3A_1585 {dimension_numbers = #tpu.dot_dimension_numbers<[1], [0], [0], [1], [0, 0, 1, 1], [], []>, transpose_lhs_hint = false} : vector<128x72xf32>, vector<72x1024xf32>, vector<128x1024xf32> -> vector<128x1024xf32>
    %slice3A_1587 = vector.extract_strided_slice %get3A_3 {offsets = [0, 64], sizes = [128, 1], strides = [1, 1]} : vector<128x128xf32> to vector<128x1xf32>
    %slice3A_1588 = vector.extract_strided_slice %dot_general3A_1586 {offsets = [0, 0], sizes = [128, 128], strides = [1, 1]} : vector<128x1024xf32> to vector<128x128xf32>
    %mul3A_1589 = vector.broadcast %slice3A_1587 : vector<128x1xf32> to vector<128x128xf32>
    %mul3A_1590 = arith.mulf %mul3A_1589, %slice3A_1588 : vector<128x128xf32>
    %add3A_1591 = arith.addf %add3A_1580, %mul3A_1590 : vector<128x128xf32>
    %slice3A_1592 = vector.extract_strided_slice %get3A_3 {offsets = [0, 65], sizes = [128, 1], strides = [1, 1]} : vector<128x128xf32> to vector<128x1xf32>
    %slice3A_1593 = vector.extract_strided_slice %dot_general3A_1586 {offsets = [0, 128], sizes = [128, 128], strides = [1, 1]} : vector<128x1024xf32> to vector<128x128xf32>
    %mul3A_1594 = vector.broadcast %slice3A_1592 : vector<128x1xf32> to vector<128x128xf32>
    %mul3A_1595 = arith.mulf %mul3A_1594, %slice3A_1593 : vector<128x128xf32>
    %add3A_1596 = arith.addf %add3A_1591, %mul3A_1595 : vector<128x128xf32>
    %slice3A_1597 = vector.extract_strided_slice %get3A_3 {offsets = [0, 66], sizes = [128, 1], strides = [1, 1]} : vector<128x128xf32> to vector<128x1xf32>
    %slice3A_1598 = vector.extract_strided_slice %dot_general3A_1586 {offsets = [0, 256], sizes = [128, 128], strides = [1, 1]} : vector<128x1024xf32> to vector<128x128xf32>
    %mul3A_1599 = vector.broadcast %slice3A_1597 : vector<128x1xf32> to vector<128x128xf32>
    %mul3A_1600 = arith.mulf %mul3A_1599, %slice3A_1598 : vector<128x128xf32>
    %add3A_1601 = arith.addf %add3A_1596, %mul3A_1600 : vector<128x128xf32>
    %slice3A_1602 = vector.extract_strided_slice %get3A_3 {offsets = [0, 67], sizes = [128, 1], strides = [1, 1]} : vector<128x128xf32> to vector<128x1xf32>
    %slice3A_1603 = vector.extract_strided_slice %dot_general3A_1586 {offsets = [0, 384], sizes = [128, 128], strides = [1, 1]} : vector<128x1024xf32> to vector<128x128xf32>
    %mul3A_1604 = vector.broadcast %slice3A_1602 : vector<128x1xf32> to vector<128x128xf32>
    %mul3A_1605 = arith.mulf %mul3A_1604, %slice3A_1603 : vector<128x128xf32>
    %add3A_1606 = arith.addf %add3A_1601, %mul3A_1605 : vector<128x128xf32>
    %slice3A_1607 = vector.extract_strided_slice %get3A_3 {offsets = [0, 68], sizes = [128, 1], strides = [1, 1]} : vector<128x128xf32> to vector<128x1xf32>
    %slice3A_1608 = vector.extract_strided_slice %dot_general3A_1586 {offsets = [0, 512], sizes = [128, 128], strides = [1, 1]} : vector<128x1024xf32> to vector<128x128xf32>
    %mul3A_1609 = vector.broadcast %slice3A_1607 : vector<128x1xf32> to vector<128x128xf32>
    %mul3A_1610 = arith.mulf %mul3A_1609, %slice3A_1608 : vector<128x128xf32>
    %add3A_1611 = arith.addf %add3A_1606, %mul3A_1610 : vector<128x128xf32>
    %slice3A_1612 = vector.extract_strided_slice %get3A_3 {offsets = [0, 69], sizes = [128, 1], strides = [1, 1]} : vector<128x128xf32> to vector<128x1xf32>
    %slice3A_1613 = vector.extract_strided_slice %dot_general3A_1586 {offsets = [0, 640], sizes = [128, 128], strides = [1, 1]} : vector<128x1024xf32> to vector<128x128xf32>
    %mul3A_1614 = vector.broadcast %slice3A_1612 : vector<128x1xf32> to vector<128x128xf32>
    %mul3A_1615 = arith.mulf %mul3A_1614, %slice3A_1613 : vector<128x128xf32>
    %add3A_1616 = arith.addf %add3A_1611, %mul3A_1615 : vector<128x128xf32>
    %slice3A_1617 = vector.extract_strided_slice %get3A_3 {offsets = [0, 70], sizes = [128, 1], strides = [1, 1]} : vector<128x128xf32> to vector<128x1xf32>
    %slice3A_1618 = vector.extract_strided_slice %dot_general3A_1586 {offsets = [0, 768], sizes = [128, 128], strides = [1, 1]} : vector<128x1024xf32> to vector<128x128xf32>
    %mul3A_1619 = vector.broadcast %slice3A_1617 : vector<128x1xf32> to vector<128x128xf32>
    %mul3A_1620 = arith.mulf %mul3A_1619, %slice3A_1618 : vector<128x128xf32>
    %add3A_1621 = arith.addf %add3A_1616, %mul3A_1620 : vector<128x128xf32>
    %slice3A_1622 = vector.extract_strided_slice %get3A_3 {offsets = [0, 71], sizes = [128, 1], strides = [1, 1]} : vector<128x128xf32> to vector<128x1xf32>
    %slice3A_1623 = vector.extract_strided_slice %dot_general3A_1586 {offsets = [0, 896], sizes = [128, 128], strides = [1, 1]} : vector<128x1024xf32> to vector<128x128xf32>
    %mul3A_1624 = vector.broadcast %slice3A_1622 : vector<128x1xf32> to vector<128x128xf32>
    %mul3A_1625 = arith.mulf %mul3A_1624, %slice3A_1623 : vector<128x128xf32>
    %add3A_1626 = arith.addf %add3A_1621, %mul3A_1625 : vector<128x128xf32>
    %slice3A_1627 = vector.extract_strided_slice %get3A_3 {offsets = [0, 0], sizes = [128, 80], strides = [1, 1]} : vector<128x128xf32> to vector<128x80xf32>
    %get3A_1628 = arith.constant 0 : index
    %get3A_1629 = arith.constant 9216 : index
    %get3A_1630 = vector.load %arg8[%get3A_1628, %get3A_1629] : memref<128x16384xf32, #tpu.memory_space<vmem>>, vector<80x1024xf32>
    %dot_general3A_1631 = arith.constant dense<0.000000e+00> : vector<128x1024xf32>
    %dot_general3A_1632 = tpu.matmul %slice3A_1627, %get3A_1630, %dot_general3A_1631 {dimension_numbers = #tpu.dot_dimension_numbers<[1], [0], [0], [1], [0, 0, 1, 1], [], []>, transpose_lhs_hint = false} : vector<128x80xf32>, vector<80x1024xf32>, vector<128x1024xf32> -> vector<128x1024xf32>
    %slice3A_1633 = vector.extract_strided_slice %get3A_3 {offsets = [0, 72], sizes = [128, 1], strides = [1, 1]} : vector<128x128xf32> to vector<128x1xf32>
    %slice3A_1634 = vector.extract_strided_slice %dot_general3A_1632 {offsets = [0, 0], sizes = [128, 128], strides = [1, 1]} : vector<128x1024xf32> to vector<128x128xf32>
    %mul3A_1635 = vector.broadcast %slice3A_1633 : vector<128x1xf32> to vector<128x128xf32>
    %mul3A_1636 = arith.mulf %mul3A_1635, %slice3A_1634 : vector<128x128xf32>
    %add3A_1637 = arith.addf %add3A_1626, %mul3A_1636 : vector<128x128xf32>
    %slice3A_1638 = vector.extract_strided_slice %get3A_3 {offsets = [0, 73], sizes = [128, 1], strides = [1, 1]} : vector<128x128xf32> to vector<128x1xf32>
    %slice3A_1639 = vector.extract_strided_slice %dot_general3A_1632 {offsets = [0, 128], sizes = [128, 128], strides = [1, 1]} : vector<128x1024xf32> to vector<128x128xf32>
    %mul3A_1640 = vector.broadcast %slice3A_1638 : vector<128x1xf32> to vector<128x128xf32>
    %mul3A_1641 = arith.mulf %mul3A_1640, %slice3A_1639 : vector<128x128xf32>
    %add3A_1642 = arith.addf %add3A_1637, %mul3A_1641 : vector<128x128xf32>
    %slice3A_1643 = vector.extract_strided_slice %get3A_3 {offsets = [0, 74], sizes = [128, 1], strides = [1, 1]} : vector<128x128xf32> to vector<128x1xf32>
    %slice3A_1644 = vector.extract_strided_slice %dot_general3A_1632 {offsets = [0, 256], sizes = [128, 128], strides = [1, 1]} : vector<128x1024xf32> to vector<128x128xf32>
    %mul3A_1645 = vector.broadcast %slice3A_1643 : vector<128x1xf32> to vector<128x128xf32>
    %mul3A_1646 = arith.mulf %mul3A_1645, %slice3A_1644 : vector<128x128xf32>
    %add3A_1647 = arith.addf %add3A_1642, %mul3A_1646 : vector<128x128xf32>
    %slice3A_1648 = vector.extract_strided_slice %get3A_3 {offsets = [0, 75], sizes = [128, 1], strides = [1, 1]} : vector<128x128xf32> to vector<128x1xf32>
    %slice3A_1649 = vector.extract_strided_slice %dot_general3A_1632 {offsets = [0, 384], sizes = [128, 128], strides = [1, 1]} : vector<128x1024xf32> to vector<128x128xf32>
    %mul3A_1650 = vector.broadcast %slice3A_1648 : vector<128x1xf32> to vector<128x128xf32>
    %mul3A_1651 = arith.mulf %mul3A_1650, %slice3A_1649 : vector<128x128xf32>
    %add3A_1652 = arith.addf %add3A_1647, %mul3A_1651 : vector<128x128xf32>
    %slice3A_1653 = vector.extract_strided_slice %get3A_3 {offsets = [0, 76], sizes = [128, 1], strides = [1, 1]} : vector<128x128xf32> to vector<128x1xf32>
    %slice3A_1654 = vector.extract_strided_slice %dot_general3A_1632 {offsets = [0, 512], sizes = [128, 128], strides = [1, 1]} : vector<128x1024xf32> to vector<128x128xf32>
    %mul3A_1655 = vector.broadcast %slice3A_1653 : vector<128x1xf32> to vector<128x128xf32>
    %mul3A_1656 = arith.mulf %mul3A_1655, %slice3A_1654 : vector<128x128xf32>
    %add3A_1657 = arith.addf %add3A_1652, %mul3A_1656 : vector<128x128xf32>
    %slice3A_1658 = vector.extract_strided_slice %get3A_3 {offsets = [0, 77], sizes = [128, 1], strides = [1, 1]} : vector<128x128xf32> to vector<128x1xf32>
    %slice3A_1659 = vector.extract_strided_slice %dot_general3A_1632 {offsets = [0, 640], sizes = [128, 128], strides = [1, 1]} : vector<128x1024xf32> to vector<128x128xf32>
    %mul3A_1660 = vector.broadcast %slice3A_1658 : vector<128x1xf32> to vector<128x128xf32>
    %mul3A_1661 = arith.mulf %mul3A_1660, %slice3A_1659 : vector<128x128xf32>
    %add3A_1662 = arith.addf %add3A_1657, %mul3A_1661 : vector<128x128xf32>
    %slice3A_1663 = vector.extract_strided_slice %get3A_3 {offsets = [0, 78], sizes = [128, 1], strides = [1, 1]} : vector<128x128xf32> to vector<128x1xf32>
    %slice3A_1664 = vector.extract_strided_slice %dot_general3A_1632 {offsets = [0, 768], sizes = [128, 128], strides = [1, 1]} : vector<128x1024xf32> to vector<128x128xf32>
    %mul3A_1665 = vector.broadcast %slice3A_1663 : vector<128x1xf32> to vector<128x128xf32>
    %mul3A_1666 = arith.mulf %mul3A_1665, %slice3A_1664 : vector<128x128xf32>
    %add3A_1667 = arith.addf %add3A_1662, %mul3A_1666 : vector<128x128xf32>
    %slice3A_1668 = vector.extract_strided_slice %get3A_3 {offsets = [0, 79], sizes = [128, 1], strides = [1, 1]} : vector<128x128xf32> to vector<128x1xf32>
    %slice3A_1669 = vector.extract_strided_slice %dot_general3A_1632 {offsets = [0, 896], sizes = [128, 128], strides = [1, 1]} : vector<128x1024xf32> to vector<128x128xf32>
    %mul3A_1670 = vector.broadcast %slice3A_1668 : vector<128x1xf32> to vector<128x128xf32>
    %mul3A_1671 = arith.mulf %mul3A_1670, %slice3A_1669 : vector<128x128xf32>
    %add3A_1672 = arith.addf %add3A_1667, %mul3A_1671 : vector<128x128xf32>
    %slice3A_1673 = vector.extract_strided_slice %get3A_3 {offsets = [0, 0], sizes = [128, 88], strides = [1, 1]} : vector<128x128xf32> to vector<128x88xf32>
    %get3A_1674 = arith.constant 0 : index
    %get3A_1675 = arith.constant 10240 : index
    %get3A_1676 = vector.load %arg8[%get3A_1674, %get3A_1675] : memref<128x16384xf32, #tpu.memory_space<vmem>>, vector<88x1024xf32>
    %dot_general3A_1677 = arith.constant dense<0.000000e+00> : vector<128x1024xf32>
    %dot_general3A_1678 = tpu.matmul %slice3A_1673, %get3A_1676, %dot_general3A_1677 {dimension_numbers = #tpu.dot_dimension_numbers<[1], [0], [0], [1], [0, 0, 1, 1], [], []>, transpose_lhs_hint = false} : vector<128x88xf32>, vector<88x1024xf32>, vector<128x1024xf32> -> vector<128x1024xf32>
    %slice3A_1679 = vector.extract_strided_slice %get3A_3 {offsets = [0, 80], sizes = [128, 1], strides = [1, 1]} : vector<128x128xf32> to vector<128x1xf32>
    %slice3A_1680 = vector.extract_strided_slice %dot_general3A_1678 {offsets = [0, 0], sizes = [128, 128], strides = [1, 1]} : vector<128x1024xf32> to vector<128x128xf32>
    %mul3A_1681 = vector.broadcast %slice3A_1679 : vector<128x1xf32> to vector<128x128xf32>
    %mul3A_1682 = arith.mulf %mul3A_1681, %slice3A_1680 : vector<128x128xf32>
    %add3A_1683 = arith.addf %add3A_1672, %mul3A_1682 : vector<128x128xf32>
    %slice3A_1684 = vector.extract_strided_slice %get3A_3 {offsets = [0, 81], sizes = [128, 1], strides = [1, 1]} : vector<128x128xf32> to vector<128x1xf32>
    %slice3A_1685 = vector.extract_strided_slice %dot_general3A_1678 {offsets = [0, 128], sizes = [128, 128], strides = [1, 1]} : vector<128x1024xf32> to vector<128x128xf32>
    %mul3A_1686 = vector.broadcast %slice3A_1684 : vector<128x1xf32> to vector<128x128xf32>
    %mul3A_1687 = arith.mulf %mul3A_1686, %slice3A_1685 : vector<128x128xf32>
    %add3A_1688 = arith.addf %add3A_1683, %mul3A_1687 : vector<128x128xf32>
    %slice3A_1689 = vector.extract_strided_slice %get3A_3 {offsets = [0, 82], sizes = [128, 1], strides = [1, 1]} : vector<128x128xf32> to vector<128x1xf32>
    %slice3A_1690 = vector.extract_strided_slice %dot_general3A_1678 {offsets = [0, 256], sizes = [128, 128], strides = [1, 1]} : vector<128x1024xf32> to vector<128x128xf32>
    %mul3A_1691 = vector.broadcast %slice3A_1689 : vector<128x1xf32> to vector<128x128xf32>
    %mul3A_1692 = arith.mulf %mul3A_1691, %slice3A_1690 : vector<128x128xf32>
    %add3A_1693 = arith.addf %add3A_1688, %mul3A_1692 : vector<128x128xf32>
    %slice3A_1694 = vector.extract_strided_slice %get3A_3 {offsets = [0, 83], sizes = [128, 1], strides = [1, 1]} : vector<128x128xf32> to vector<128x1xf32>
    %slice3A_1695 = vector.extract_strided_slice %dot_general3A_1678 {offsets = [0, 384], sizes = [128, 128], strides = [1, 1]} : vector<128x1024xf32> to vector<128x128xf32>
    %mul3A_1696 = vector.broadcast %slice3A_1694 : vector<128x1xf32> to vector<128x128xf32>
    %mul3A_1697 = arith.mulf %mul3A_1696, %slice3A_1695 : vector<128x128xf32>
    %add3A_1698 = arith.addf %add3A_1693, %mul3A_1697 : vector<128x128xf32>
    %slice3A_1699 = vector.extract_strided_slice %get3A_3 {offsets = [0, 84], sizes = [128, 1], strides = [1, 1]} : vector<128x128xf32> to vector<128x1xf32>
    %slice3A_1700 = vector.extract_strided_slice %dot_general3A_1678 {offsets = [0, 512], sizes = [128, 128], strides = [1, 1]} : vector<128x1024xf32> to vector<128x128xf32>
    %mul3A_1701 = vector.broadcast %slice3A_1699 : vector<128x1xf32> to vector<128x128xf32>
    %mul3A_1702 = arith.mulf %mul3A_1701, %slice3A_1700 : vector<128x128xf32>
    %add3A_1703 = arith.addf %add3A_1698, %mul3A_1702 : vector<128x128xf32>
    %slice3A_1704 = vector.extract_strided_slice %get3A_3 {offsets = [0, 85], sizes = [128, 1], strides = [1, 1]} : vector<128x128xf32> to vector<128x1xf32>
    %slice3A_1705 = vector.extract_strided_slice %dot_general3A_1678 {offsets = [0, 640], sizes = [128, 128], strides = [1, 1]} : vector<128x1024xf32> to vector<128x128xf32>
    %mul3A_1706 = vector.broadcast %slice3A_1704 : vector<128x1xf32> to vector<128x128xf32>
    %mul3A_1707 = arith.mulf %mul3A_1706, %slice3A_1705 : vector<128x128xf32>
    %add3A_1708 = arith.addf %add3A_1703, %mul3A_1707 : vector<128x128xf32>
    %slice3A_1709 = vector.extract_strided_slice %get3A_3 {offsets = [0, 86], sizes = [128, 1], strides = [1, 1]} : vector<128x128xf32> to vector<128x1xf32>
    %slice3A_1710 = vector.extract_strided_slice %dot_general3A_1678 {offsets = [0, 768], sizes = [128, 128], strides = [1, 1]} : vector<128x1024xf32> to vector<128x128xf32>
    %mul3A_1711 = vector.broadcast %slice3A_1709 : vector<128x1xf32> to vector<128x128xf32>
    %mul3A_1712 = arith.mulf %mul3A_1711, %slice3A_1710 : vector<128x128xf32>
    %add3A_1713 = arith.addf %add3A_1708, %mul3A_1712 : vector<128x128xf32>
    %slice3A_1714 = vector.extract_strided_slice %get3A_3 {offsets = [0, 87], sizes = [128, 1], strides = [1, 1]} : vector<128x128xf32> to vector<128x1xf32>
    %slice3A_1715 = vector.extract_strided_slice %dot_general3A_1678 {offsets = [0, 896], sizes = [128, 128], strides = [1, 1]} : vector<128x1024xf32> to vector<128x128xf32>
    %mul3A_1716 = vector.broadcast %slice3A_1714 : vector<128x1xf32> to vector<128x128xf32>
    %mul3A_1717 = arith.mulf %mul3A_1716, %slice3A_1715 : vector<128x128xf32>
    %add3A_1718 = arith.addf %add3A_1713, %mul3A_1717 : vector<128x128xf32>
    %slice3A_1719 = vector.extract_strided_slice %get3A_3 {offsets = [0, 0], sizes = [128, 96], strides = [1, 1]} : vector<128x128xf32> to vector<128x96xf32>
    %get3A_1720 = arith.constant 0 : index
    %get3A_1721 = arith.constant 11264 : index
    %get3A_1722 = vector.load %arg8[%get3A_1720, %get3A_1721] : memref<128x16384xf32, #tpu.memory_space<vmem>>, vector<96x1024xf32>
    %dot_general3A_1723 = arith.constant dense<0.000000e+00> : vector<128x1024xf32>
    %dot_general3A_1724 = tpu.matmul %slice3A_1719, %get3A_1722, %dot_general3A_1723 {dimension_numbers = #tpu.dot_dimension_numbers<[1], [0], [0], [1], [0, 0, 1, 1], [], []>, transpose_lhs_hint = false} : vector<128x96xf32>, vector<96x1024xf32>, vector<128x1024xf32> -> vector<128x1024xf32>
    %slice3A_1725 = vector.extract_strided_slice %get3A_3 {offsets = [0, 88], sizes = [128, 1], strides = [1, 1]} : vector<128x128xf32> to vector<128x1xf32>
    %slice3A_1726 = vector.extract_strided_slice %dot_general3A_1724 {offsets = [0, 0], sizes = [128, 128], strides = [1, 1]} : vector<128x1024xf32> to vector<128x128xf32>
    %mul3A_1727 = vector.broadcast %slice3A_1725 : vector<128x1xf32> to vector<128x128xf32>
    %mul3A_1728 = arith.mulf %mul3A_1727, %slice3A_1726 : vector<128x128xf32>
    %add3A_1729 = arith.addf %add3A_1718, %mul3A_1728 : vector<128x128xf32>
    %slice3A_1730 = vector.extract_strided_slice %get3A_3 {offsets = [0, 89], sizes = [128, 1], strides = [1, 1]} : vector<128x128xf32> to vector<128x1xf32>
    %slice3A_1731 = vector.extract_strided_slice %dot_general3A_1724 {offsets = [0, 128], sizes = [128, 128], strides = [1, 1]} : vector<128x1024xf32> to vector<128x128xf32>
    %mul3A_1732 = vector.broadcast %slice3A_1730 : vector<128x1xf32> to vector<128x128xf32>
    %mul3A_1733 = arith.mulf %mul3A_1732, %slice3A_1731 : vector<128x128xf32>
    %add3A_1734 = arith.addf %add3A_1729, %mul3A_1733 : vector<128x128xf32>
    %slice3A_1735 = vector.extract_strided_slice %get3A_3 {offsets = [0, 90], sizes = [128, 1], strides = [1, 1]} : vector<128x128xf32> to vector<128x1xf32>
    %slice3A_1736 = vector.extract_strided_slice %dot_general3A_1724 {offsets = [0, 256], sizes = [128, 128], strides = [1, 1]} : vector<128x1024xf32> to vector<128x128xf32>
    %mul3A_1737 = vector.broadcast %slice3A_1735 : vector<128x1xf32> to vector<128x128xf32>
    %mul3A_1738 = arith.mulf %mul3A_1737, %slice3A_1736 : vector<128x128xf32>
    %add3A_1739 = arith.addf %add3A_1734, %mul3A_1738 : vector<128x128xf32>
    %slice3A_1740 = vector.extract_strided_slice %get3A_3 {offsets = [0, 91], sizes = [128, 1], strides = [1, 1]} : vector<128x128xf32> to vector<128x1xf32>
    %slice3A_1741 = vector.extract_strided_slice %dot_general3A_1724 {offsets = [0, 384], sizes = [128, 128], strides = [1, 1]} : vector<128x1024xf32> to vector<128x128xf32>
    %mul3A_1742 = vector.broadcast %slice3A_1740 : vector<128x1xf32> to vector<128x128xf32>
    %mul3A_1743 = arith.mulf %mul3A_1742, %slice3A_1741 : vector<128x128xf32>
    %add3A_1744 = arith.addf %add3A_1739, %mul3A_1743 : vector<128x128xf32>
    %slice3A_1745 = vector.extract_strided_slice %get3A_3 {offsets = [0, 92], sizes = [128, 1], strides = [1, 1]} : vector<128x128xf32> to vector<128x1xf32>
    %slice3A_1746 = vector.extract_strided_slice %dot_general3A_1724 {offsets = [0, 512], sizes = [128, 128], strides = [1, 1]} : vector<128x1024xf32> to vector<128x128xf32>
    %mul3A_1747 = vector.broadcast %slice3A_1745 : vector<128x1xf32> to vector<128x128xf32>
    %mul3A_1748 = arith.mulf %mul3A_1747, %slice3A_1746 : vector<128x128xf32>
    %add3A_1749 = arith.addf %add3A_1744, %mul3A_1748 : vector<128x128xf32>
    %slice3A_1750 = vector.extract_strided_slice %get3A_3 {offsets = [0, 93], sizes = [128, 1], strides = [1, 1]} : vector<128x128xf32> to vector<128x1xf32>
    %slice3A_1751 = vector.extract_strided_slice %dot_general3A_1724 {offsets = [0, 640], sizes = [128, 128], strides = [1, 1]} : vector<128x1024xf32> to vector<128x128xf32>
    %mul3A_1752 = vector.broadcast %slice3A_1750 : vector<128x1xf32> to vector<128x128xf32>
    %mul3A_1753 = arith.mulf %mul3A_1752, %slice3A_1751 : vector<128x128xf32>
    %add3A_1754 = arith.addf %add3A_1749, %mul3A_1753 : vector<128x128xf32>
    %slice3A_1755 = vector.extract_strided_slice %get3A_3 {offsets = [0, 94], sizes = [128, 1], strides = [1, 1]} : vector<128x128xf32> to vector<128x1xf32>
    %slice3A_1756 = vector.extract_strided_slice %dot_general3A_1724 {offsets = [0, 768], sizes = [128, 128], strides = [1, 1]} : vector<128x1024xf32> to vector<128x128xf32>
    %mul3A_1757 = vector.broadcast %slice3A_1755 : vector<128x1xf32> to vector<128x128xf32>
    %mul3A_1758 = arith.mulf %mul3A_1757, %slice3A_1756 : vector<128x128xf32>
    %add3A_1759 = arith.addf %add3A_1754, %mul3A_1758 : vector<128x128xf32>
    %slice3A_1760 = vector.extract_strided_slice %get3A_3 {offsets = [0, 95], sizes = [128, 1], strides = [1, 1]} : vector<128x128xf32> to vector<128x1xf32>
    %slice3A_1761 = vector.extract_strided_slice %dot_general3A_1724 {offsets = [0, 896], sizes = [128, 128], strides = [1, 1]} : vector<128x1024xf32> to vector<128x128xf32>
    %mul3A_1762 = vector.broadcast %slice3A_1760 : vector<128x1xf32> to vector<128x128xf32>
    %mul3A_1763 = arith.mulf %mul3A_1762, %slice3A_1761 : vector<128x128xf32>
    %add3A_1764 = arith.addf %add3A_1759, %mul3A_1763 : vector<128x128xf32>
    %slice3A_1765 = vector.extract_strided_slice %get3A_3 {offsets = [0, 0], sizes = [128, 104], strides = [1, 1]} : vector<128x128xf32> to vector<128x104xf32>
    %get3A_1766 = arith.constant 0 : index
    %get3A_1767 = arith.constant 12288 : index
    %get3A_1768 = vector.load %arg8[%get3A_1766, %get3A_1767] : memref<128x16384xf32, #tpu.memory_space<vmem>>, vector<104x1024xf32>
    %dot_general3A_1769 = arith.constant dense<0.000000e+00> : vector<128x1024xf32>
    %dot_general3A_1770 = tpu.matmul %slice3A_1765, %get3A_1768, %dot_general3A_1769 {dimension_numbers = #tpu.dot_dimension_numbers<[1], [0], [0], [1], [0, 0, 1, 1], [], []>, transpose_lhs_hint = false} : vector<128x104xf32>, vector<104x1024xf32>, vector<128x1024xf32> -> vector<128x1024xf32>
    %slice3A_1771 = vector.extract_strided_slice %get3A_3 {offsets = [0, 96], sizes = [128, 1], strides = [1, 1]} : vector<128x128xf32> to vector<128x1xf32>
    %slice3A_1772 = vector.extract_strided_slice %dot_general3A_1770 {offsets = [0, 0], sizes = [128, 128], strides = [1, 1]} : vector<128x1024xf32> to vector<128x128xf32>
    %mul3A_1773 = vector.broadcast %slice3A_1771 : vector<128x1xf32> to vector<128x128xf32>
    %mul3A_1774 = arith.mulf %mul3A_1773, %slice3A_1772 : vector<128x128xf32>
    %add3A_1775 = arith.addf %add3A_1764, %mul3A_1774 : vector<128x128xf32>
    %slice3A_1776 = vector.extract_strided_slice %get3A_3 {offsets = [0, 97], sizes = [128, 1], strides = [1, 1]} : vector<128x128xf32> to vector<128x1xf32>
    %slice3A_1777 = vector.extract_strided_slice %dot_general3A_1770 {offsets = [0, 128], sizes = [128, 128], strides = [1, 1]} : vector<128x1024xf32> to vector<128x128xf32>
    %mul3A_1778 = vector.broadcast %slice3A_1776 : vector<128x1xf32> to vector<128x128xf32>
    %mul3A_1779 = arith.mulf %mul3A_1778, %slice3A_1777 : vector<128x128xf32>
    %add3A_1780 = arith.addf %add3A_1775, %mul3A_1779 : vector<128x128xf32>
    %slice3A_1781 = vector.extract_strided_slice %get3A_3 {offsets = [0, 98], sizes = [128, 1], strides = [1, 1]} : vector<128x128xf32> to vector<128x1xf32>
    %slice3A_1782 = vector.extract_strided_slice %dot_general3A_1770 {offsets = [0, 256], sizes = [128, 128], strides = [1, 1]} : vector<128x1024xf32> to vector<128x128xf32>
    %mul3A_1783 = vector.broadcast %slice3A_1781 : vector<128x1xf32> to vector<128x128xf32>
    %mul3A_1784 = arith.mulf %mul3A_1783, %slice3A_1782 : vector<128x128xf32>
    %add3A_1785 = arith.addf %add3A_1780, %mul3A_1784 : vector<128x128xf32>
    %slice3A_1786 = vector.extract_strided_slice %get3A_3 {offsets = [0, 99], sizes = [128, 1], strides = [1, 1]} : vector<128x128xf32> to vector<128x1xf32>
    %slice3A_1787 = vector.extract_strided_slice %dot_general3A_1770 {offsets = [0, 384], sizes = [128, 128], strides = [1, 1]} : vector<128x1024xf32> to vector<128x128xf32>
    %mul3A_1788 = vector.broadcast %slice3A_1786 : vector<128x1xf32> to vector<128x128xf32>
    %mul3A_1789 = arith.mulf %mul3A_1788, %slice3A_1787 : vector<128x128xf32>
    %add3A_1790 = arith.addf %add3A_1785, %mul3A_1789 : vector<128x128xf32>
    %slice3A_1791 = vector.extract_strided_slice %get3A_3 {offsets = [0, 100], sizes = [128, 1], strides = [1, 1]} : vector<128x128xf32> to vector<128x1xf32>
    %slice3A_1792 = vector.extract_strided_slice %dot_general3A_1770 {offsets = [0, 512], sizes = [128, 128], strides = [1, 1]} : vector<128x1024xf32> to vector<128x128xf32>
    %mul3A_1793 = vector.broadcast %slice3A_1791 : vector<128x1xf32> to vector<128x128xf32>
    %mul3A_1794 = arith.mulf %mul3A_1793, %slice3A_1792 : vector<128x128xf32>
    %add3A_1795 = arith.addf %add3A_1790, %mul3A_1794 : vector<128x128xf32>
    %slice3A_1796 = vector.extract_strided_slice %get3A_3 {offsets = [0, 101], sizes = [128, 1], strides = [1, 1]} : vector<128x128xf32> to vector<128x1xf32>
    %slice3A_1797 = vector.extract_strided_slice %dot_general3A_1770 {offsets = [0, 640], sizes = [128, 128], strides = [1, 1]} : vector<128x1024xf32> to vector<128x128xf32>
    %mul3A_1798 = vector.broadcast %slice3A_1796 : vector<128x1xf32> to vector<128x128xf32>
    %mul3A_1799 = arith.mulf %mul3A_1798, %slice3A_1797 : vector<128x128xf32>
    %add3A_1800 = arith.addf %add3A_1795, %mul3A_1799 : vector<128x128xf32>
    %slice3A_1801 = vector.extract_strided_slice %get3A_3 {offsets = [0, 102], sizes = [128, 1], strides = [1, 1]} : vector<128x128xf32> to vector<128x1xf32>
    %slice3A_1802 = vector.extract_strided_slice %dot_general3A_1770 {offsets = [0, 768], sizes = [128, 128], strides = [1, 1]} : vector<128x1024xf32> to vector<128x128xf32>
    %mul3A_1803 = vector.broadcast %slice3A_1801 : vector<128x1xf32> to vector<128x128xf32>
    %mul3A_1804 = arith.mulf %mul3A_1803, %slice3A_1802 : vector<128x128xf32>
    %add3A_1805 = arith.addf %add3A_1800, %mul3A_1804 : vector<128x128xf32>
    %slice3A_1806 = vector.extract_strided_slice %get3A_3 {offsets = [0, 103], sizes = [128, 1], strides = [1, 1]} : vector<128x128xf32> to vector<128x1xf32>
    %slice3A_1807 = vector.extract_strided_slice %dot_general3A_1770 {offsets = [0, 896], sizes = [128, 128], strides = [1, 1]} : vector<128x1024xf32> to vector<128x128xf32>
    %mul3A_1808 = vector.broadcast %slice3A_1806 : vector<128x1xf32> to vector<128x128xf32>
    %mul3A_1809 = arith.mulf %mul3A_1808, %slice3A_1807 : vector<128x128xf32>
    %add3A_1810 = arith.addf %add3A_1805, %mul3A_1809 : vector<128x128xf32>
    %slice3A_1811 = vector.extract_strided_slice %get3A_3 {offsets = [0, 0], sizes = [128, 112], strides = [1, 1]} : vector<128x128xf32> to vector<128x112xf32>
    %get3A_1812 = arith.constant 0 : index
    %get3A_1813 = arith.constant 13312 : index
    %get3A_1814 = vector.load %arg8[%get3A_1812, %get3A_1813] : memref<128x16384xf32, #tpu.memory_space<vmem>>, vector<112x1024xf32>
    %dot_general3A_1815 = arith.constant dense<0.000000e+00> : vector<128x1024xf32>
    %dot_general3A_1816 = tpu.matmul %slice3A_1811, %get3A_1814, %dot_general3A_1815 {dimension_numbers = #tpu.dot_dimension_numbers<[1], [0], [0], [1], [0, 0, 1, 1], [], []>, transpose_lhs_hint = false} : vector<128x112xf32>, vector<112x1024xf32>, vector<128x1024xf32> -> vector<128x1024xf32>
    %slice3A_1817 = vector.extract_strided_slice %get3A_3 {offsets = [0, 104], sizes = [128, 1], strides = [1, 1]} : vector<128x128xf32> to vector<128x1xf32>
    %slice3A_1818 = vector.extract_strided_slice %dot_general3A_1816 {offsets = [0, 0], sizes = [128, 128], strides = [1, 1]} : vector<128x1024xf32> to vector<128x128xf32>
    %mul3A_1819 = vector.broadcast %slice3A_1817 : vector<128x1xf32> to vector<128x128xf32>
    %mul3A_1820 = arith.mulf %mul3A_1819, %slice3A_1818 : vector<128x128xf32>
    %add3A_1821 = arith.addf %add3A_1810, %mul3A_1820 : vector<128x128xf32>
    %slice3A_1822 = vector.extract_strided_slice %get3A_3 {offsets = [0, 105], sizes = [128, 1], strides = [1, 1]} : vector<128x128xf32> to vector<128x1xf32>
    %slice3A_1823 = vector.extract_strided_slice %dot_general3A_1816 {offsets = [0, 128], sizes = [128, 128], strides = [1, 1]} : vector<128x1024xf32> to vector<128x128xf32>
    %mul3A_1824 = vector.broadcast %slice3A_1822 : vector<128x1xf32> to vector<128x128xf32>
    %mul3A_1825 = arith.mulf %mul3A_1824, %slice3A_1823 : vector<128x128xf32>
    %add3A_1826 = arith.addf %add3A_1821, %mul3A_1825 : vector<128x128xf32>
    %slice3A_1827 = vector.extract_strided_slice %get3A_3 {offsets = [0, 106], sizes = [128, 1], strides = [1, 1]} : vector<128x128xf32> to vector<128x1xf32>
    %slice3A_1828 = vector.extract_strided_slice %dot_general3A_1816 {offsets = [0, 256], sizes = [128, 128], strides = [1, 1]} : vector<128x1024xf32> to vector<128x128xf32>
    %mul3A_1829 = vector.broadcast %slice3A_1827 : vector<128x1xf32> to vector<128x128xf32>
    %mul3A_1830 = arith.mulf %mul3A_1829, %slice3A_1828 : vector<128x128xf32>
    %add3A_1831 = arith.addf %add3A_1826, %mul3A_1830 : vector<128x128xf32>
    %slice3A_1832 = vector.extract_strided_slice %get3A_3 {offsets = [0, 107], sizes = [128, 1], strides = [1, 1]} : vector<128x128xf32> to vector<128x1xf32>
    %slice3A_1833 = vector.extract_strided_slice %dot_general3A_1816 {offsets = [0, 384], sizes = [128, 128], strides = [1, 1]} : vector<128x1024xf32> to vector<128x128xf32>
    %mul3A_1834 = vector.broadcast %slice3A_1832 : vector<128x1xf32> to vector<128x128xf32>
    %mul3A_1835 = arith.mulf %mul3A_1834, %slice3A_1833 : vector<128x128xf32>
    %add3A_1836 = arith.addf %add3A_1831, %mul3A_1835 : vector<128x128xf32>
    %slice3A_1837 = vector.extract_strided_slice %get3A_3 {offsets = [0, 108], sizes = [128, 1], strides = [1, 1]} : vector<128x128xf32> to vector<128x1xf32>
    %slice3A_1838 = vector.extract_strided_slice %dot_general3A_1816 {offsets = [0, 512], sizes = [128, 128], strides = [1, 1]} : vector<128x1024xf32> to vector<128x128xf32>
    %mul3A_1839 = vector.broadcast %slice3A_1837 : vector<128x1xf32> to vector<128x128xf32>
    %mul3A_1840 = arith.mulf %mul3A_1839, %slice3A_1838 : vector<128x128xf32>
    %add3A_1841 = arith.addf %add3A_1836, %mul3A_1840 : vector<128x128xf32>
    %slice3A_1842 = vector.extract_strided_slice %get3A_3 {offsets = [0, 109], sizes = [128, 1], strides = [1, 1]} : vector<128x128xf32> to vector<128x1xf32>
    %slice3A_1843 = vector.extract_strided_slice %dot_general3A_1816 {offsets = [0, 640], sizes = [128, 128], strides = [1, 1]} : vector<128x1024xf32> to vector<128x128xf32>
    %mul3A_1844 = vector.broadcast %slice3A_1842 : vector<128x1xf32> to vector<128x128xf32>
    %mul3A_1845 = arith.mulf %mul3A_1844, %slice3A_1843 : vector<128x128xf32>
    %add3A_1846 = arith.addf %add3A_1841, %mul3A_1845 : vector<128x128xf32>
    %slice3A_1847 = vector.extract_strided_slice %get3A_3 {offsets = [0, 110], sizes = [128, 1], strides = [1, 1]} : vector<128x128xf32> to vector<128x1xf32>
    %slice3A_1848 = vector.extract_strided_slice %dot_general3A_1816 {offsets = [0, 768], sizes = [128, 128], strides = [1, 1]} : vector<128x1024xf32> to vector<128x128xf32>
    %mul3A_1849 = vector.broadcast %slice3A_1847 : vector<128x1xf32> to vector<128x128xf32>
    %mul3A_1850 = arith.mulf %mul3A_1849, %slice3A_1848 : vector<128x128xf32>
    %add3A_1851 = arith.addf %add3A_1846, %mul3A_1850 : vector<128x128xf32>
    %slice3A_1852 = vector.extract_strided_slice %get3A_3 {offsets = [0, 111], sizes = [128, 1], strides = [1, 1]} : vector<128x128xf32> to vector<128x1xf32>
    %slice3A_1853 = vector.extract_strided_slice %dot_general3A_1816 {offsets = [0, 896], sizes = [128, 128], strides = [1, 1]} : vector<128x1024xf32> to vector<128x128xf32>
    %mul3A_1854 = vector.broadcast %slice3A_1852 : vector<128x1xf32> to vector<128x128xf32>
    %mul3A_1855 = arith.mulf %mul3A_1854, %slice3A_1853 : vector<128x128xf32>
    %add3A_1856 = arith.addf %add3A_1851, %mul3A_1855 : vector<128x128xf32>
    %slice3A_1857 = vector.extract_strided_slice %get3A_3 {offsets = [0, 0], sizes = [128, 120], strides = [1, 1]} : vector<128x128xf32> to vector<128x120xf32>
    %get3A_1858 = arith.constant 0 : index
    %get3A_1859 = arith.constant 14336 : index
    %get3A_1860 = vector.load %arg8[%get3A_1858, %get3A_1859] : memref<128x16384xf32, #tpu.memory_space<vmem>>, vector<120x1024xf32>
    %dot_general3A_1861 = arith.constant dense<0.000000e+00> : vector<128x1024xf32>
    %dot_general3A_1862 = tpu.matmul %slice3A_1857, %get3A_1860, %dot_general3A_1861 {dimension_numbers = #tpu.dot_dimension_numbers<[1], [0], [0], [1], [0, 0, 1, 1], [], []>, transpose_lhs_hint = false} : vector<128x120xf32>, vector<120x1024xf32>, vector<128x1024xf32> -> vector<128x1024xf32>
    %slice3A_1863 = vector.extract_strided_slice %get3A_3 {offsets = [0, 112], sizes = [128, 1], strides = [1, 1]} : vector<128x128xf32> to vector<128x1xf32>
    %slice3A_1864 = vector.extract_strided_slice %dot_general3A_1862 {offsets = [0, 0], sizes = [128, 128], strides = [1, 1]} : vector<128x1024xf32> to vector<128x128xf32>
    %mul3A_1865 = vector.broadcast %slice3A_1863 : vector<128x1xf32> to vector<128x128xf32>
    %mul3A_1866 = arith.mulf %mul3A_1865, %slice3A_1864 : vector<128x128xf32>
    %add3A_1867 = arith.addf %add3A_1856, %mul3A_1866 : vector<128x128xf32>
    %slice3A_1868 = vector.extract_strided_slice %get3A_3 {offsets = [0, 113], sizes = [128, 1], strides = [1, 1]} : vector<128x128xf32> to vector<128x1xf32>
    %slice3A_1869 = vector.extract_strided_slice %dot_general3A_1862 {offsets = [0, 128], sizes = [128, 128], strides = [1, 1]} : vector<128x1024xf32> to vector<128x128xf32>
    %mul3A_1870 = vector.broadcast %slice3A_1868 : vector<128x1xf32> to vector<128x128xf32>
    %mul3A_1871 = arith.mulf %mul3A_1870, %slice3A_1869 : vector<128x128xf32>
    %add3A_1872 = arith.addf %add3A_1867, %mul3A_1871 : vector<128x128xf32>
    %slice3A_1873 = vector.extract_strided_slice %get3A_3 {offsets = [0, 114], sizes = [128, 1], strides = [1, 1]} : vector<128x128xf32> to vector<128x1xf32>
    %slice3A_1874 = vector.extract_strided_slice %dot_general3A_1862 {offsets = [0, 256], sizes = [128, 128], strides = [1, 1]} : vector<128x1024xf32> to vector<128x128xf32>
    %mul3A_1875 = vector.broadcast %slice3A_1873 : vector<128x1xf32> to vector<128x128xf32>
    %mul3A_1876 = arith.mulf %mul3A_1875, %slice3A_1874 : vector<128x128xf32>
    %add3A_1877 = arith.addf %add3A_1872, %mul3A_1876 : vector<128x128xf32>
    %slice3A_1878 = vector.extract_strided_slice %get3A_3 {offsets = [0, 115], sizes = [128, 1], strides = [1, 1]} : vector<128x128xf32> to vector<128x1xf32>
    %slice3A_1879 = vector.extract_strided_slice %dot_general3A_1862 {offsets = [0, 384], sizes = [128, 128], strides = [1, 1]} : vector<128x1024xf32> to vector<128x128xf32>
    %mul3A_1880 = vector.broadcast %slice3A_1878 : vector<128x1xf32> to vector<128x128xf32>
    %mul3A_1881 = arith.mulf %mul3A_1880, %slice3A_1879 : vector<128x128xf32>
    %add3A_1882 = arith.addf %add3A_1877, %mul3A_1881 : vector<128x128xf32>
    %slice3A_1883 = vector.extract_strided_slice %get3A_3 {offsets = [0, 116], sizes = [128, 1], strides = [1, 1]} : vector<128x128xf32> to vector<128x1xf32>
    %slice3A_1884 = vector.extract_strided_slice %dot_general3A_1862 {offsets = [0, 512], sizes = [128, 128], strides = [1, 1]} : vector<128x1024xf32> to vector<128x128xf32>
    %mul3A_1885 = vector.broadcast %slice3A_1883 : vector<128x1xf32> to vector<128x128xf32>
    %mul3A_1886 = arith.mulf %mul3A_1885, %slice3A_1884 : vector<128x128xf32>
    %add3A_1887 = arith.addf %add3A_1882, %mul3A_1886 : vector<128x128xf32>
    %slice3A_1888 = vector.extract_strided_slice %get3A_3 {offsets = [0, 117], sizes = [128, 1], strides = [1, 1]} : vector<128x128xf32> to vector<128x1xf32>
    %slice3A_1889 = vector.extract_strided_slice %dot_general3A_1862 {offsets = [0, 640], sizes = [128, 128], strides = [1, 1]} : vector<128x1024xf32> to vector<128x128xf32>
    %mul3A_1890 = vector.broadcast %slice3A_1888 : vector<128x1xf32> to vector<128x128xf32>
    %mul3A_1891 = arith.mulf %mul3A_1890, %slice3A_1889 : vector<128x128xf32>
    %add3A_1892 = arith.addf %add3A_1887, %mul3A_1891 : vector<128x128xf32>
    %slice3A_1893 = vector.extract_strided_slice %get3A_3 {offsets = [0, 118], sizes = [128, 1], strides = [1, 1]} : vector<128x128xf32> to vector<128x1xf32>
    %slice3A_1894 = vector.extract_strided_slice %dot_general3A_1862 {offsets = [0, 768], sizes = [128, 128], strides = [1, 1]} : vector<128x1024xf32> to vector<128x128xf32>
    %mul3A_1895 = vector.broadcast %slice3A_1893 : vector<128x1xf32> to vector<128x128xf32>
    %mul3A_1896 = arith.mulf %mul3A_1895, %slice3A_1894 : vector<128x128xf32>
    %add3A_1897 = arith.addf %add3A_1892, %mul3A_1896 : vector<128x128xf32>
    %slice3A_1898 = vector.extract_strided_slice %get3A_3 {offsets = [0, 119], sizes = [128, 1], strides = [1, 1]} : vector<128x128xf32> to vector<128x1xf32>
    %slice3A_1899 = vector.extract_strided_slice %dot_general3A_1862 {offsets = [0, 896], sizes = [128, 128], strides = [1, 1]} : vector<128x1024xf32> to vector<128x128xf32>
    %mul3A_1900 = vector.broadcast %slice3A_1898 : vector<128x1xf32> to vector<128x128xf32>
    %mul3A_1901 = arith.mulf %mul3A_1900, %slice3A_1899 : vector<128x128xf32>
    %add3A_1902 = arith.addf %add3A_1897, %mul3A_1901 : vector<128x128xf32>
    %get3A_1903 = arith.constant 0 : index
    %get3A_1904 = arith.constant 15360 : index
    %get3A_1905 = vector.load %arg8[%get3A_1903, %get3A_1904] : memref<128x16384xf32, #tpu.memory_space<vmem>>, vector<128x1024xf32>
    %dot_general3A_1906 = arith.constant dense<0.000000e+00> : vector<128x1024xf32>
    %dot_general3A_1907 = tpu.matmul %get3A_3, %get3A_1905, %dot_general3A_1906 {dimension_numbers = #tpu.dot_dimension_numbers<[1], [0], [0], [1], [0, 0, 1, 1], [], []>, transpose_lhs_hint = false} : vector<128x128xf32>, vector<128x1024xf32>, vector<128x1024xf32> -> vector<128x1024xf32>
    %slice3A_1908 = vector.extract_strided_slice %get3A_3 {offsets = [0, 120], sizes = [128, 1], strides = [1, 1]} : vector<128x128xf32> to vector<128x1xf32>
    %slice3A_1909 = vector.extract_strided_slice %dot_general3A_1907 {offsets = [0, 0], sizes = [128, 128], strides = [1, 1]} : vector<128x1024xf32> to vector<128x128xf32>
    %mul3A_1910 = vector.broadcast %slice3A_1908 : vector<128x1xf32> to vector<128x128xf32>
    %mul3A_1911 = arith.mulf %mul3A_1910, %slice3A_1909 : vector<128x128xf32>
    %add3A_1912 = arith.addf %add3A_1902, %mul3A_1911 : vector<128x128xf32>
    %slice3A_1913 = vector.extract_strided_slice %get3A_3 {offsets = [0, 121], sizes = [128, 1], strides = [1, 1]} : vector<128x128xf32> to vector<128x1xf32>
    %slice3A_1914 = vector.extract_strided_slice %dot_general3A_1907 {offsets = [0, 128], sizes = [128, 128], strides = [1, 1]} : vector<128x1024xf32> to vector<128x128xf32>
    %mul3A_1915 = vector.broadcast %slice3A_1913 : vector<128x1xf32> to vector<128x128xf32>
    %mul3A_1916 = arith.mulf %mul3A_1915, %slice3A_1914 : vector<128x128xf32>
    %add3A_1917 = arith.addf %add3A_1912, %mul3A_1916 : vector<128x128xf32>
    %slice3A_1918 = vector.extract_strided_slice %get3A_3 {offsets = [0, 122], sizes = [128, 1], strides = [1, 1]} : vector<128x128xf32> to vector<128x1xf32>
    %slice3A_1919 = vector.extract_strided_slice %dot_general3A_1907 {offsets = [0, 256], sizes = [128, 128], strides = [1, 1]} : vector<128x1024xf32> to vector<128x128xf32>
    %mul3A_1920 = vector.broadcast %slice3A_1918 : vector<128x1xf32> to vector<128x128xf32>
    %mul3A_1921 = arith.mulf %mul3A_1920, %slice3A_1919 : vector<128x128xf32>
    %add3A_1922 = arith.addf %add3A_1917, %mul3A_1921 : vector<128x128xf32>
    %slice3A_1923 = vector.extract_strided_slice %get3A_3 {offsets = [0, 123], sizes = [128, 1], strides = [1, 1]} : vector<128x128xf32> to vector<128x1xf32>
    %slice3A_1924 = vector.extract_strided_slice %dot_general3A_1907 {offsets = [0, 384], sizes = [128, 128], strides = [1, 1]} : vector<128x1024xf32> to vector<128x128xf32>
    %mul3A_1925 = vector.broadcast %slice3A_1923 : vector<128x1xf32> to vector<128x128xf32>
    %mul3A_1926 = arith.mulf %mul3A_1925, %slice3A_1924 : vector<128x128xf32>
    %add3A_1927 = arith.addf %add3A_1922, %mul3A_1926 : vector<128x128xf32>
    %slice3A_1928 = vector.extract_strided_slice %get3A_3 {offsets = [0, 124], sizes = [128, 1], strides = [1, 1]} : vector<128x128xf32> to vector<128x1xf32>
    %slice3A_1929 = vector.extract_strided_slice %dot_general3A_1907 {offsets = [0, 512], sizes = [128, 128], strides = [1, 1]} : vector<128x1024xf32> to vector<128x128xf32>
    %mul3A_1930 = vector.broadcast %slice3A_1928 : vector<128x1xf32> to vector<128x128xf32>
    %mul3A_1931 = arith.mulf %mul3A_1930, %slice3A_1929 : vector<128x128xf32>
    %add3A_1932 = arith.addf %add3A_1927, %mul3A_1931 : vector<128x128xf32>
    %slice3A_1933 = vector.extract_strided_slice %get3A_3 {offsets = [0, 125], sizes = [128, 1], strides = [1, 1]} : vector<128x128xf32> to vector<128x1xf32>
    %slice3A_1934 = vector.extract_strided_slice %dot_general3A_1907 {offsets = [0, 640], sizes = [128, 128], strides = [1, 1]} : vector<128x1024xf32> to vector<128x128xf32>
    %mul3A_1935 = vector.broadcast %slice3A_1933 : vector<128x1xf32> to vector<128x128xf32>
    %mul3A_1936 = arith.mulf %mul3A_1935, %slice3A_1934 : vector<128x128xf32>
    %add3A_1937 = arith.addf %add3A_1932, %mul3A_1936 : vector<128x128xf32>
    %slice3A_1938 = vector.extract_strided_slice %get3A_3 {offsets = [0, 126], sizes = [128, 1], strides = [1, 1]} : vector<128x128xf32> to vector<128x1xf32>
    %slice3A_1939 = vector.extract_strided_slice %dot_general3A_1907 {offsets = [0, 768], sizes = [128, 128], strides = [1, 1]} : vector<128x1024xf32> to vector<128x128xf32>
    %mul3A_1940 = vector.broadcast %slice3A_1938 : vector<128x1xf32> to vector<128x128xf32>
    %mul3A_1941 = arith.mulf %mul3A_1940, %slice3A_1939 : vector<128x128xf32>
    %add3A_1942 = arith.addf %add3A_1937, %mul3A_1941 : vector<128x128xf32>
    %slice3A_1943 = vector.extract_strided_slice %get3A_3 {offsets = [0, 127], sizes = [128, 1], strides = [1, 1]} : vector<128x128xf32> to vector<128x1xf32>
    %slice3A_1944 = vector.extract_strided_slice %dot_general3A_1907 {offsets = [0, 896], sizes = [128, 128], strides = [1, 1]} : vector<128x1024xf32> to vector<128x128xf32>
    %mul3A_1945 = vector.broadcast %slice3A_1943 : vector<128x1xf32> to vector<128x128xf32>
    %mul3A_1946 = arith.mulf %mul3A_1945, %slice3A_1944 : vector<128x128xf32>
    %add3A_1947 = arith.addf %add3A_1942, %mul3A_1946 : vector<128x128xf32>
    %swap3A_1948 = arith.constant 0 : index
    %swap3A_1949 = arith.constant 0 : index
    %swap3A_1950 = arith.constant 0 : index
    %swap3A_1951 = vector.load %arg7[%swap3A_1948, %swap3A_1949, %swap3A_1950] : memref<1x128x128xf32, #tpu.memory_space<vmem>>, vector<1x128x128xf32>
    %swap3A_1952 = vector.shape_cast %swap3A_1951 : vector<1x128x128xf32> to vector<128x128xf32>
    %swap3A_1953 = vector.shape_cast %add3A_1947 : vector<128x128xf32> to vector<1x128x128xf32>
    tpu.vector_store %arg7[%swap3A_1948, %swap3A_1949, %swap3A_1950], %swap3A_1953 {strides = array<i32>} : memref<1x128x128xf32, #tpu.memory_space<vmem>>, vector<1x128x128xf32>,
    return
  }
  func.func @transform_0(%arg0: i32) -> (i32, i32, i32) {
    %c0_i32 = arith.constant 0 : i32
    %c0_i32_0 = arith.constant 0 : i32
    %c0_i32_1 = arith.constant 0 : i32
    return %arg0, %c0_i32, %c0_i32_0 : i32, i32, i32
  }
  func.func @transform_1(%arg0: i32) -> (i32, i32, i32) {
    %c0_i32 = arith.constant 0 : i32
    %c0_i32_0 = arith.constant 0 : i32
    %c0_i32_1 = arith.constant 0 : i32
    return %arg0, %c0_i32, %c0_i32_0 : i32, i32, i32
  }
  func.func @transform_2(%arg0: i32) -> (i32, i32) {
    %c0_i32 = arith.constant 0 : i32
    %c0_i32_0 = arith.constant 0 : i32
    %c0_i32_1 = arith.constant 0 : i32
    return %c0_i32, %c0_i32_0 : i32, i32
  }
  func.func @transform_3(%arg0: i32) -> (i32, i32) {
    %c0_i32 = arith.constant 0 : i32
    %c0_i32_0 = arith.constant 0 : i32
    %c0_i32_1 = arith.constant 0 : i32
    return %c0_i32, %c0_i32_0 : i32, i32
  }
  func.func @transform_4(%arg0: i32) -> (i32, i32) {
    %c0_i32 = arith.constant 0 : i32
    %c0_i32_0 = arith.constant 0 : i32
    %c0_i32_1 = arith.constant 0 : i32
    return %c0_i32, %c0_i32_0 : i32, i32
  }
  func.func @transform_5(%arg0: i32) -> (i32, i32) {
    %c0_i32 = arith.constant 0 : i32
    %c0_i32_0 = arith.constant 0 : i32
    %c0_i32_1 = arith.constant 0 : i32
    return %c0_i32, %c0_i32_0 : i32, i32
  }
  func.func @transform_6(%arg0: i32) -> (i32, i32, i32) {
    %c0_i32 = arith.constant 0 : i32
    %c0_i32_0 = arith.constant 0 : i32
    %c0_i32_1 = arith.constant 0 : i32
    return %arg0, %c0_i32, %c0_i32_0 : i32, i32, i32
  }
}

</mosaic_0001>

<sc_bundles>
// kernel: kernel.5.cloned.1.call-start
scs
__scs_entry_jumppad:
0x0: {  	(pc) =	sbr.rel $0x88, $3  }
0x1: {  	(tag) =	ssettag $0x0;
	lr =	simm.s32 $0x1  }
0x2: {  	[smem:$0x3F92] =	sst lr;
	_ =	strace $0xD0000000  }
0x3: {  	_ = 	snop  }
0x4: {  	_ = 	snop  }
0x5: {  	_ = 	snop  }
0x6: {  	_ = 	snop  }
0x7: {  	_ = 	snop  }
__scs_overlays_trampoline_lowered:
0x8: {  	[smem:$0x3FA1] =	sst s0  }
0x9: {  	[smem:$0x3FA2] =	sst s1  }
0xa: {  	[smem:$0x3FA3] =	sst s2  }
0xb: {  	[smem:$0x3FA4] =	sst s3  }
0xc: {  	[smem:$0x3FA5] =	sst s4  }
0xd: {  	[smem:$0x3FA6] =	sst s5  }
0xe: {  	[smem:$0x3FA7] =	sst s6  }
0xf: {  	[smem:$0x3FA8] =	sst s7  }
0x10: {  	[smem:$0x3FA9] =	sst s8  }
0x11: {  	[smem:$0x3FAA] =	sst s9;
	s0 =	simm.s32 @!p0 $0x0  }
0x12: {  	s1 =	sld [smem:$0x3F90];
	s0 =	simm.s32 @p0 $0x1  }
0x13: {  	[smem:$0x3FAB] =	sst s0;
	s0 =	simm.s32 @!p1 $0x0  }
0x14: {  	s2 =	sld [smem:$0x3F8F];
	s0 =	simm.s32 @p1 $0x1  }
0x15: {  	[smem:$0x3FAC] =	sst s0;
	s0 =	simm.s32 @!p2 $0x0  }
0x16: {  	s3 =	sld [smem:$0x3FDB];
	s0 =	simm.s32 @p2 $0x1  }
0x17: {  	s4 =	simm.s32 $0x1BF5;
	[smem:$0x3FAE] =	sst s0  }
0x18: {  	s0 =	sld [smem:$0x3F91];
	_ =	swait.ge [sflag:s4], $0x0  }
0x19: {  	s7 =	sld [smem:$0x3F92]  }
0x1a: {  	s8 =	sadd.s32 $0xFFFFE003, lr  }
0x1b: {  	s9 =	sadd.s32 $0xFFFFFEF7, lr;
	s5 =	simm.s32 $0xFFFFFFFF;
	p2 =	slt.u32 s8, $0xFFFFF086  }
0x1c: {  	p1 =	slt.u32 s9, $0xF7A;
	s5 =	simm.s32 @!p2 $0x0  }
0x1d: {  	s5 =	simm.s32 @p1 $0x1;
	p0 =	seq.s32 s7, s2  }
0x1e: {  	s7 =	smul.u32 @!p0 $0xF7A, s2;
	p2 =	seq.s32 @!p0 s5, $0x0  }
0x1f: {  	s9 =	smul.u32 $0xF7A, s1;
	s8 =	simm.s32 @!p0 $0x1BF5;
	p2 =	por !p2, p0  }
0x20: {  	[sflag:s8] =	ssyncset.s32 @!p0 $0xFFFFF086;
	s6 =	sadd.s32 @!p0 s3, s7;
	s7 =	simm.s32 @!p0 $0x108  }
0x21: {  	s3 =	sadd.s32 s3, s9;
	s6 =	sadd.s32 @!p0 $0x88, s6;
	s7 =	simm.s32 @p2 $0x1082  }
0x22: {  	[simem:s7], [sflag:s8] =	dma.local @!p0 [hbm:s6], $0xF7A  }
0x23: {  	s9 =	sor.u32 $0xD0000000, s2;
	s6 =	simm.s32 $0x108;
	_ =	swait.ge @!p0 [sflag:s8], $0x0  }
0x24: {  	s3 =	sadd.s32 $0x88, s3;
	s6 =	simm.s32 @!p1 $0x1082;
	[sflag:s4] =	ssyncset.s32 $0xFFFFF086  }
0x25: {  	[simem:s6], [sflag:s4] =	dma.local [hbm:s3], $0xF7A  }
0x26: {  	[smem:$0x3F92] =	sst s1;
	(tag) =	ssettag s2;
	_ =	strace s9  }
0x27: {  	s1 =	sld [smem:$0x3FA2]  }
0x28: {  	s2 =	sld [smem:$0x3FA3]  }
0x29: {  	s4 =	sld [smem:$0x3FA5]  }
0x2a: {  	p0 =	seq.s32 s5, $0x0;
	s5 =	sld [smem:$0x3FA6]  }
0x2b: {  	s6 =	sld [smem:$0x3FA7]  }
0x2c: {  	s7 =	sld [smem:$0x3FA8]  }
0x2d: {  	s3 =	simm.s32 $0x108;
	s8 =	sld [smem:$0x3FA9]  }
0x2e: {  	s3 =	simm.s32 @!p0 $0x1082;
	s9 =	sld [smem:$0x3FAA]  }
0x2f: {  	lr =	sadd.s32 s0, s3;
	s0 =	sld [smem:$0x3FA1]  }
0x30: {  	s3 =	sld [smem:$0x3FA4]  }
0x31: {  	[smem:$0x3FAD] =	sst s10  }
0x32: {  	s10 =	sld [smem:$0x3FAB];
	_ =	sdelay $0x3  }
0x33: {  	p0 =	seq.s32 s10, $0x1;
	s10 =	sld [smem:$0x3FAD];
	_ =	sdelay $0x3  }
0x34: {  	[smem:$0x3FAD] =	sst s10  }
0x35: {  	s10 =	sld [smem:$0x3FAC];
	_ =	sdelay $0x3  }
0x36: {  	p1 =	seq.s32 s10, $0x1;
	s10 =	sld [smem:$0x3FAD];
	_ =	sdelay $0x3  }
0x37: {  	[smem:$0x3FAD] =	sst s10  }
0x38: {  	s10 =	sld [smem:$0x3FAE]  }
0x39: {  	_ = 	snop;
	(pc) =	sbr.ind lr, $3  }
0x3a: {  	_ = 	snop  }
0x3b: {  	_ = 	snop  }
0x3c: {  	p2 =	seq.s32 s10, $0x1;
	s10 =	sld [smem:$0x3FAD]  }
0x3d: {  	_ =	shalt  }
0x3e: {  	_ =	shalt  }
0x3f: {  	_ =	shalt  }
0x40: {  	_ =	shalt  }
0x41: {  	_ =	shalt  }
0x42: {  	_ =	shalt  }
0x43: {  	_ =	shalt  }
0x44: {  	_ =	shalt  }
0x45: {  	_ =	shalt  }
0x46: {  	_ =	shalt  }
0x47: {  	_ =	shalt  }
0x48: {  	_ =	shalt  }
0x49: {  	_ =	shalt  }
0x4a: {  	_ =	shalt  }
0x4b: {  	_ =	shalt  }
0x4c: {  	_ =	shalt  }
0x4d: {  	_ =	shalt  }
0x4e: {  	_ =	shalt  }
0x4f: {  	_ =	shalt  }
0x50: {  	_ =	shalt  }
0x51: {  	_ =	shalt  }
0x52: {  	_ =	shalt  }
0x53: {  	_ =	shalt  }
0x54: {  	_ =	shalt  }
0x55: {  	_ =	shalt  }
0x56: {  	_ =	shalt  }
0x57: {  	_ =	shalt  }
0x58: {  	_ =	shalt  }
0x59: {  	_ =	shalt  }
0x5a: {  	_ =	shalt  }
0x5b: {  	_ =	shalt  }
0x5c: {  	_ =	shalt  }
0x5d: {  	_ =	shalt  }
0x5e: {  	_ =	shalt  }
0x5f: {  	_ =	shalt  }
0x60: {  	_ =	shalt  }
0x61: {  	_ =	shalt  }
0x62: {  	_ =	shalt  }
0x63: {  	_ =	shalt  }
0x64: {  	_ =	shalt  }
0x65: {  	_ =	shalt  }
0x66: {  	_ =	shalt  }
0x67: {  	_ =	shalt  }
0x68: {  	_ =	shalt  }
0x69: {  	_ =	shalt  }
0x6a: {  	_ =	shalt  }
0x6b: {  	_ =	shalt  }
0x6c: {  	_ =	shalt  }
0x6d: {  	_ =	shalt  }
0x6e: {  	_ =	shalt  }
0x6f: {  	_ =	shalt  }
0x70: {  	_ =	shalt  }
0x71: {  	_ =	shalt  }
0x72: {  	_ =	shalt  }
0x73: {  	_ =	shalt  }
0x74: {  	_ =	shalt  }
0x75: {  	_ =	shalt  }
0x76: {  	_ =	shalt  }
0x77: {  	_ =	shalt  }
0x78: {  	_ =	shalt  }
0x79: {  	_ =	shalt  }
0x7a: {  	_ =	shalt  }
0x7b: {  	_ =	shalt  }
0x7c: {  	_ =	shalt  }
0x7d: {  	_ =	shalt  }
0x7e: {  	_ =	shalt  }
0x7f: {  	_ =	shalt  }
0x80: {  	_ =	shalt  }
0x81: {  	_ =	shalt  }
0x82: {  	_ =	shalt  }
0x83: {  	_ =	shalt  }
0x84: {  	_ =	shalt  }
0x85: {  	_ =	shalt  }
0x86: {  	_ =	shalt  }
0x87: {  	_ =	shalt  }
.Lfunc_end0:
.L_simem_size_0:
called_computation_lowered:
.L_overlay_start_0:
0x88: {  	s2 =	sld [smem:$0x3FD9]  }
0x89: {  	s3 =	sld [smem:$0x3FFE];
	_ =	sdelay $0x1  }
0x8a: {  	s1 =	srdreg.scid  }
0x8b: {  	s0 =	sand.u32 $0x1, s1  }
0x8c: {  	s17 =	sshll.u32 s0, $0xA;
	s2 =	sadd.s32 s3, s2  }
0x8d: {  	s2 =	sadd.s32 s2, s17  }
0x8e: {  	[smem:$0x3FB9] =	sst s2  }
0x8f: {  	_ = 	snop  }
0x90: {  	s2 =	sld [smem:$0x3FC9]  }
0x91: {  	s18 =	sld [smem:$0x3FC8]  }
0x92: {  	s4 =	sld [smem:$0x3FD0];
	(tm) =	ssettm $0x1  }
0x93: {  	s5 =	sld [smem:$0x3FFB];
	_ =	sdelay $0x3  }
0x94: {  	_ =	strace s5  }
0x95: {  	s5 =	sld [smem:$0x3FFC];
	_ =	sdelay $0x3  }
0x96: {  	_ =	strace s5  }
0x97: {  	s5 =	sld [smem:$0x3FFD];
	_ =	sdelay $0x3  }
0x98: {  	_ =	strace s5  }
0x99: {  	_ =	strace $0x8FFFFFFF  }
0x9a: {  	s19 =	sld [smem:$0x3FDB];
	_ =	sdelay $0x1  }
0x9b: {  	s6 =	simm.s32 $_scs_section_size  }
0x9c: {  	s7 =	simm.s32 $_size__tile_overlayer_lowered;
	s8 =	simm.s32 $_tile_overlayer_lowered  }
0x9d: {  	s22 =	simm.s32 $0x1BFF;
	s21 =	sshll.u32 s8, $0x1;
	s5 =	sadd.s32 s6, s19  }
0x9e: {  	s9 =	simm.s32 $0x0;
	s20 =	sshll.u32 s7, $0x1;
	s7 =	sadd.s32 s21, s5  }
0x9f: {  	[timem:s9], [sflag:s22] =	dma.local [hbm:s7], s20  }
0xa0: {  	_ =	swait.ge [sflag:s22], s20  }
0xa1: {  	s6 =	ssub.s32 $0x0, s20;
	[sflag:s22] =	ssyncset.done $0x0  }
0xa2: {  	[sflag:s22] =	ssyncadd.s32 s6;
	_ =	sdelay $0x1  }
0xa3: {  	s23 =	simm.s32 $0x1B8B  }
0xa4: {  	_ =	swait.ge [sflag:s23], $0x1  }
0xa5: {  	[sflag:s23] =	ssyncset.done $0x0  }
0xa6: {  	s25 =	simm.s32 $0x1B8E;
	s24 =	sld [smem:$0x3FFE];
	[sflag:s23] =	ssyncadd.s32 $0xFFFFFFFF  }
0xa7: {  	s26 =	simm.s32 $execute0_lowered;
	[smem:$0x3FD2] =	sst s25  }
0xa8: {  	s7 =	sshll.u32 s26, $0x1;
	_ =	strace $0x80000046;
	[dreg:$0x1] =	wrdreg $0xFFFFFFFF  }
0xa9: {  	s28 =	simm.s32 $_size_execute0_lowered;
	s5 =	sadd.s32 s5, s7;
	[dreg:$0x0] =	wrdreg $0x0  }
0xaa: {  	s7 =	sshll.u32 s28, $0x1;
	[dreg:$0x2] =	wrdreg s5  }
0xab: {  	[dreg:$0x3] =	wrdreg s7  }
0xac: {  	[dreg:$0x4] =	wrdreg $0xC0  }
0xad: {  	_ =	task [dreg:s9], $0x5FFFF  }
0xae: {  	[dreg:$0x1] =	wrdreg $0xFFFFFFFF  }
0xaf: {  	[dreg:$0x0] =	wrdreg $0x60  }
0xb0: {  	[dreg:$0x2] =	wrdreg s2  }
0xb1: {  	[dreg:$0x3] =	wrdreg s18  }
0xb2: {  	[dreg:$0x4] =	wrdreg s24  }
0xb3: {  	[dreg:$0x5] =	wrdreg s4  }
0xb4: {  	[dreg:$0x6] =	wrdreg $0x9  }
0xb5: {  	_ =	task.clear_ibuf [dreg:s9], $0x7FFFF;
	_ =	strace $0x90000046  }
0xb6: {  	s29 =	simm.s32 $0x9;
	_ =	strace $0x80000048  }
0xb7: {  	_ =	swait.ge [sflag:s29], $0x1  }
0xb8: {  	[sflag:s29] =	ssyncadd.s32 $0xFFFFFFFF  }
0xb9: {  	_ =	strace $0x90000048  }
0xba: {  	_ =	sfence  }
0xbb: {  	s30 =	sld [smem:$0x0];
	_ =	sdelay $0x2  }
0xbc: {  	s31 =	sshll.u32 s1, $0xD;
	s1 =	sshrl.u32 s1, $0x2  }
0xbd: {  	s3 =	sand.u32 $0x4000, s31;
	s1 =	sadd.s32 s1, s30  }
0xbe: {  	s0 =	sor.u32 s3, s0;
	s1 =	sshll.u32 s1, $0x11  }
0xbf: {  	s0 =	sor.u32 s1, s0  }
0xc0: {  	s0 =	sadd.s32 $0x8F2B, s0  }
0xc1: {  	[sflag:s0] =	ssyncadd.remote.s32 $0x1  }
0xc2: {  	_ =	sfence.sel $0xFFFF  }
0xc3: {  	[dreg:$0x0] =	wrdreg $0xFFFFFFFF;
	(pc) =	sbr.abs _section_cstart, $3  }
0xc4: {  	[dreg:$0x1] =	wrdreg $0xFFFFFFFF  }
0xc5: {  	_ =	task.clear_ibuf [dreg:s9], $0x2FFFF;
	_ =	strace $0x9FFFFFFF  }
0xc6: {  	(tm) =	ssettm $0x7FFFFFFF  }
0xc7: {  	_ =	shalt  }
tec
execute0_lowered:
.L_overlay_start_1:
0x0: {  	(tag) =	ssettag $0x1  }
0x1: {  	s0 =	rddreg [dreg:$0x0]  }
0x2: {  	s1 =	rddreg [dreg:$0x1]  }
0x3: {  	s2 =	srdreg.scid;
	s3 =	rddreg [dreg:$0x2]  }
0x4: {  	s6 =	stileid.u32;
	s8 =	rddreg [dreg:$0x3]  }
0x5: {  	s12 =	simm.s32 $0x4C80;
	s13 =	simm.s32 $0x0;
	s4 =	sand.u32 $0x1, s2  }
0x6: {  	s5 =	sshll.u32 s6, $0x4;
	s6 =	sand.u32 $0x7, s6;
	s2 =	sshll.u32 s4, $0x8  }
0x7: {  	s3 =	sadd.s32 $0x2200, s3;
	p1 =	sne.s32 s6, $0x0;
	s5 =	sor.u32 s5, s2  }
0x8: {  	s6 =	simm.s32 $0x1;
	s4 =	ssub.s32 $0x2, s4;
	p0 =	seq.s32 s5, $0x0  }
0x9: {  	s2 =	simm.s32 $0x0;
	s9 =	sshrl.u32 s4, $0x1;
	p0 =	por !p1, !p0  }
0xa: {  	[smem:$0x7FF] =	sst s2;
	s7 =	sshrl.u32 s5, $0x7;
	p0 =	por !p0, !p0  }
.Ltmp0:
0xb: {  	s9 =	ssub.s32 s4, s9;
	s6 =	simm.s32 @!p0 $0x0;
	(pc) =	sbr.rel .LBB2_1-.Ltmp0, $4  }
0xc: {  	s4 =	simm.s32 $0x1;
	s10 =	sshll.u32 s5, $0x4;
	s6 =	ssub.s32 s7, s6  }
0xd: {  	_ =	strace $0x80000047;
	s8 =	sadd.s32 s8, s10;
	s7 =	sshll.u32 s6, $0xB  }
0xe: {  	s9 =	smax.u32 s9, $0x1;
	s6 =	sshll.u32 s6, $0x7;
	s7 =	sand.u32 $0x1FFFF800, s7  }
0xf: {  	v8 =	vlaneseq.u32;
	s5 =	ssub.s32 s5, s6;
	s6 =	sadd.s32 s0, s10;
	s7 =	sadd.s32 s1, s7  }
.LBB2_9:
0x10: {  	s13 =	sadd.s32 $0x1, s13  }
0x11: {  	p0 =	sne.s32 s13, s9  }
.Ltmp1:
0x12: {  	_ = 	snop;
	(pc) =	sbr.rel @!p0 .LBB2_10-.Ltmp1, $4  }
0x13: {  	[hbm4b:s8+s2] =	stream.linear.scatter [tilespmem:s12], [sflag:$0x1], $0x800, $0x38;
	[tilespmem:$0x5580] =	vst v63  }
0x14: {  	_ =	swait.ge [sflag:s4], $0x800  }
0x15: {  	[sflag:s4] =	ssyncset.done $0x0  }
0x16: {  	[sflag:s4] =	ssyncadd.s32 $0xFFFFF800  }
.LBB2_1:
0x17: {  	s0 =	simm.s32 $0x4C00  }
0x18: {  	[tilespmem:s0], [sflag:$0x1] =	stream.linear.gather [hbm4b:s3+s2], $0x80, $0x38;
	[tilespmem:$0x5580] =	vst v63  }
0x19: {  	_ =	swait.ge [sflag:s4], $0x80  }
0x1a: {  	[sflag:s4] =	ssyncset.done $0x0  }
0x1b: {  	[sflag:s4] =	ssyncadd.s32 $0xFFFFFF80  }
0x1c: {  	[tilespmem:s2], [sflag:$0x1] =	stream.linear.gather [hbm4b:s6+s2], $0x800, $0x38;
	[tilespmem:$0x5580] =	vst v63  }
0x1d: {  	_ =	swait.ge [sflag:s4], $0x800  }
0x1e: {  	[sflag:s4] =	ssyncset.done $0x0  }
0x1f: {  	s31 =	simm.s32 $0x800;
	[sflag:s4] =	ssyncadd.s32 $0xFFFFF800  }
0x20: {  	[tilespmem:s31], [sflag:$0x1] =	stream.linear.gather [hbm4b:s7+s2], $0x4000, $0x38;
	[tilespmem:$0x5580] =	vst v63  }
0x21: {  	_ =	swait.ge [sflag:s4], $0x4000  }
0x22: {  	[sflag:s4] =	ssyncset.done $0x0  }
0x23: {  	v1 =	vimm.f32 $0.0e+00;
	[sflag:s4] =	ssyncadd.s32 $0xFFFFC000  }
0x24: {  	[tilespmem:$0x4800] =	vst v1  }
0x25: {  	[tilespmem:$0x4810] =	vst v1;
	v0 =	vld [tilespmem:$0x4C00]  }
0x26: {  	[tilespmem:$0x4820] =	vst v1  }
0x27: {  	[tilespmem:$0x4830] =	vst v1  }
.Ltmp2:
0x28: {  	[tilespmem:$0x4840] =	vst v1;
	(pc) =	sbr.rel .LBB2_2-.Ltmp2, $4  }
0x29: {  	[tilespmem:$0x4850] =	vst v1  }
0x2a: {  	[tilespmem:$0x4860] =	vst v1;
	v0 =	vadd.f32 $1.000000000e+00, v0  }
0x2b: {  	[tilespmem:$0x4870] =	vst v1  }
0x2c: {  	s14 =	simm.s32 $0x0;
	s15 =	simm.s32 $0x0;
	[tilespmem:$0x1FFF0] =	vst v0  }
.LBB2_7:
0x2d: {  	v4 =	vadd.f32 v4, v7;
	v5 =	vadd.f32 v5, v8;
	v7 =	vld [tilespmem:s30+$0x830]  }
0x2e: {  	v8 =	vadd.f32 v44, v9;
	v9 =	vadd.f32 v47, v10  }
0x2f: {  	v44 =	vld [tilespmem:s29+$0x830];
	v2 =	vadd.f32 v2, v5  }
0x30: {  	v6 =	vadd.f32 v6, v9  }
0x31: {  	v1 =	vadd.f32 v1, v2;
	v2 =	vld [tilespmem:s28+$0x830]  }
0x32: {  	v10 =	vld [tilespmem:s29+$0x820];
	v47 =	vadd.f32 v7, v6  }
0x33: {  	v3 =	vadd.f32 v3, v4;
	v45 =	vadd.f32 v45, v8  }
0x34: {  	v8 =	vld [tilespmem:s28+$0x820];
	v4 =	vadd.f32 v44, v47  }
0x35: {  	v0 =	vadd.f32 v0, v3;
	v3 =	vadd.f32 v46, v45  }
0x36: {  	v2 =	vadd.f32 v2, v4  }
0x37: {  	v1 =	vadd.f32 v63, v1;
	v3 =	vadd.f32 v10, v3  }
0x38: {  	v2 =	vadd.f32 v59, v2  }
0x39: {  	v11 =	vld [tilespmem:s31+$0x850];
	v1 =	vadd.f32 v61, v1;
	v3 =	vadd.f32 v8, v3  }
0x3a: {  	v12 =	vld [tilespmem:s1+$0x840];
	v2 =	vadd.f32 v55, v2  }
0x3b: {  	v13 =	vld [tilespmem:s1+$0x850];
	v1 =	vadd.f32 v58, v1;
	v3 =	vadd.f32 v57, v3  }
0x3c: {  	v14 =	vld [tilespmem:s0+$0x840];
	v0 =	vadd.f32 v62, v0;
	v2 =	vadd.f32 v51, v2  }
0x3d: {  	v15 =	vld [tilespmem:s0+$0x850];
	v1 =	vadd.f32 v54, v1;
	v3 =	vadd.f32 v53, v3  }
0x3e: {  	v16 =	vld [tilespmem:s10+$0x840];
	v0 =	vadd.f32 v60, v0;
	v2 =	vadd.f32 v43, v2  }
0x3f: {  	v17 =	vld [tilespmem:s10+$0x850];
	v1 =	vadd.f32 v50, v1;
	v3 =	vadd.f32 v48, v3  }
0x40: {  	v9 =	vld [tilespmem:s29+$0x850];
	v0 =	vadd.f32 v56, v0;
	v2 =	vadd.f32 v39, v2  }
0x41: {  	v1 =	vadd.f32 v42, v1;
	v3 =	vadd.f32 v40, v3;
	v42 =	vld [tilespmem:s11+$0x840]  }
0x42: {  	v45 =	vld [tilespmem:s11+$0x870];
	v0 =	vadd.f32 v52, v0;
	v2 =	vadd.f32 v35, v2  }
0x43: {  	v46 =	vld [tilespmem:s10+$0x860];
	v1 =	vadd.f32 v38, v1;
	v3 =	vadd.f32 v36, v3  }
0x44: {  	v44 =	vld [tilespmem:s11+$0x860];
	v0 =	vadd.f32 v49, v0;
	v2 =	vadd.f32 v29, v2  }
0x45: {  	v43 =	vld [tilespmem:s11+$0x850];
	v1 =	vadd.f32 v34, v1;
	v3 =	vadd.f32 v32, v3  }
0x46: {  	v50 =	vadd.f32 v23, v2;
	v2 =	vadd.f32 v42, v18;
	v18 =	vld [tilespmem:$0x1FF20]  }
0x47: {  	v6 =	vld [tilespmem:s28+$0x840];
	v0 =	vadd.f32 v41, v0  }
0x48: {  	v62 =	vld [tilespmem:s29+$0x840];
	v1 =	vadd.f32 v28, v1;
	v3 =	vadd.f32 v26, v3  }
0x49: {  	v63 =	vld [tilespmem:s30+$0x840];
	v0 =	vadd.f32 v37, v0  }
0x4a: {  	v48 =	vadd.f32 v22, v1;
	v49 =	vadd.f32 v20, v3;
	v1 =	vld [tilespmem:s0+$0x860]  }
0x4b: {  	v10 =	vld [tilespmem:s31+$0x840];
	v3 =	vadd.f32 v43, v19;
	v51 =	vadd.f32 v44, v18  }
0x4c: {  	v53 =	vld [tilespmem:s1+$0x860];
	v0 =	vadd.f32 v33, v0  }
0x4d: {  	v8 =	vld [tilespmem:s30+$0x850];
	v3 =	vadd.f32 v17, v3;
	v17 =	vadd.f32 v46, v51  }
0x4e: {  	v54 =	vld [tilespmem:s31+$0x860];
	v0 =	vadd.f32 v27, v0  }
0x4f: {  	v2 =	vadd.f32 v16, v2;
	v18 =	vld [tilespmem:$0x1FF10];
	v1 =	vadd.f32 v1, v17  }
0x50: {  	v47 =	vadd.f32 v21, v0;
	v3 =	vadd.f32 v15, v3;
	v15 =	vld [tilespmem:s30+$0x860]  }
0x51: {  	v0 =	vld [tilespmem:s10+$0x870];
	v2 =	vadd.f32 v14, v2;
	v1 =	vadd.f32 v53, v1  }
0x52: {  	v3 =	vadd.f32 v13, v3;
	v13 =	vld [tilespmem:s29+$0x860]  }
0x53: {  	v20 =	vld [tilespmem:s0+$0x870];
	v2 =	vadd.f32 v12, v2;
	v1 =	vadd.f32 v54, v1  }
0x54: {  	v3 =	vadd.f32 v11, v3;
	v11 =	vld [tilespmem:s28+$0x860];
	v52 =	vadd.f32 v45, v18  }
0x55: {  	v16 =	vld [tilespmem:s1+$0x870];
	v2 =	vadd.f32 v10, v2;
	v1 =	vadd.f32 v15, v1  }
0x56: {  	v3 =	vadd.f32 v8, v3;
	v8 =	vld [tilespmem:s26+$0x860];
	v0 =	vadd.f32 v0, v52  }
0x57: {  	v14 =	vld [tilespmem:s31+$0x870];
	v2 =	vadd.f32 v63, v2;
	v1 =	vadd.f32 v13, v1  }
0x58: {  	v3 =	vadd.f32 v9, v3;
	v9 =	vld [tilespmem:s24+$0x860];
	v0 =	vadd.f32 v20, v0  }
0x59: {  	v12 =	vld [tilespmem:s30+$0x870];
	v1 =	vadd.f32 v11, v1  }
0x5a: {  	v7 =	vld [tilespmem:s28+$0x850];
	v2 =	vadd.f32 v62, v2;
	v0 =	vadd.f32 v16, v0  }
0x5b: {  	v10 =	vld [tilespmem:s29+$0x870];
	v1 =	vadd.f32 v8, v1  }
0x5c: {  	v55 =	vld [tilespmem:s28+$0x870];
	v2 =	vadd.f32 v6, v2;
	v0 =	vadd.f32 v14, v0  }
0x5d: {  	v1 =	vadd.f32 v9, v1;
	v9 =	vld [tilespmem:$0x1FFD0]  }
0x5e: {  	v60 =	vld [tilespmem:s18+$0x860];
	v2 =	vadd.f32 v30, v2;
	v0 =	vadd.f32 v12, v0  }
0x5f: {  	v56 =	vld [tilespmem:s26+$0x870]  }
0x60: {  	v61 =	vld [tilespmem:$0x1FF50];
	v2 =	vadd.f32 v24, v2;
	v0 =	vadd.f32 v10, v0  }
0x61: {  	v3 =	vadd.f32 v7, v3;
	v6 =	vld [tilespmem:s24+$0x870]  }
0x62: {  	v0 =	vadd.f32 v55, v0;
	v2 =	vadd.f32 v9, v2;
	v9 =	vld [tilespmem:$0x1FFE0]  }
0x63: {  	v7 =	vld [tilespmem:s23+$0x870];
	v3 =	vadd.f32 v31, v3  }
0x64: {  	v57 =	vld [tilespmem:s23+$0x860];
	v0 =	vadd.f32 v56, v0  }
0x65: {  	v3 =	vadd.f32 v25, v3;
	v8 =	vld [tilespmem:s22+$0x870]  }
0x66: {  	v58 =	vld [tilespmem:s22+$0x860];
	v0 =	vadd.f32 v6, v0  }
0x67: {  	v3 =	vadd.f32 v9, v3;
	v9 =	vld [tilespmem:s20+$0x870]  }
0x68: {  	v0 =	vadd.f32 v7, v0;
	v7 =	vld [tilespmem:$0x1FFB0]  }
0x69: {  	v59 =	vld [tilespmem:s19+$0x860]  }
0x6a: {  	v0 =	vadd.f32 v8, v0;
	v8 =	vld [tilespmem:$0x1FF90]  }
0x6b: {  	v63 =	vld [tilespmem:$0x1FF30]  }
0x6c: {  	v0 =	vadd.f32 v9, v0;
	v9 =	vld [tilespmem:$0x1FF70]  }
0x6d: {  	v2 =	vadd.f32 v7, v2;
	v7 =	vld [tilespmem:$0x1FFC0]  }
0x6e: {  	v6 =	vld [tilespmem:s20+$0x860]  }
0x6f: {  	v1 =	vadd.f32 v57, v1;
	v2 =	vadd.f32 v8, v2;
	v8 =	vld [tilespmem:$0x1FFA0]  }
0x70: {  	v62 =	vld [tilespmem:$0x1FF60]  }
0x71: {  	v1 =	vadd.f32 v58, v1;
	v2 =	vadd.f32 v9, v2;
	v9 =	vld [tilespmem:$0x1FF80]  }
0x72: {  	v3 =	vadd.f32 v7, v3;
	v7 =	vld [tilespmem:s19+$0x870]  }
0x73: {  	v1 =	vadd.f32 v6, v1;
	v6 =	vld [tilespmem:s17+$0x860];
	v2 =	vadd.f32 v61, v2  }
0x74: {  	v3 =	vadd.f32 v8, v3;
	v8 =	vld [tilespmem:s18+$0x870]  }
0x75: {  	v18 =	vadd.f32 v63, v2;
	v2 =	vld [tilespmem:$0x1FF40]  }
0x76: {  	v1 =	vadd.f32 v59, v1;
	v3 =	vadd.f32 v9, v3;
	v9 =	vld [tilespmem:s17+$0x870]  }
0x77: {  	v0 =	vadd.f32 v7, v0  }
0x78: {  	v1 =	vadd.f32 v60, v1  }
0x79: {  	v0 =	vadd.f32 v8, v0;
	v3 =	vadd.f32 v62, v3  }
0x7a: {  	v13 =	vmov v49;
	v14 =	vmov v50;
	v1 =	vadd.f32 v6, v1  }
0x7b: {  	v11 =	vmovc v47;
	v12 =	vmovc v48;
	v8 =	vlaneseq.u32;
	v19 =	vadd.f32 v2, v3;
	v0 =	vadd.f32 v9, v0  }
.LBB2_8:
0x7c: {  	s0 =	sshrl.u32 s16, $0x2  }
0x7d: {  	[tilespmem:s0+$0x4C80] =	vst v11  }
0x7e: {  	s15 =	sadd.s32 $0x1, s15;
	[tilespmem:s0+$0x4C90] =	vst v12  }
0x7f: {  	[tilespmem:s0+$0x4CA0] =	vst v13;
	p0 =	sne.s32 s15, $0x10  }
.Ltmp3:
0x80: {  	[tilespmem:s0+$0x4CB0] =	vst v14;
	(pc) =	sbr.rel @!p0 .LBB2_9-.Ltmp3, $4  }
0x81: {  	[tilespmem:s0+$0x4CC0] =	vst v18  }
0x82: {  	[tilespmem:s0+$0x4CD0] =	vst v19  }
0x83: {  	[tilespmem:s0+$0x4CE0] =	vst v1  }
0x84: {  	s14 =	sadd.s32 $0x80, s14;
	[tilespmem:s0+$0x4CF0] =	vst v0  }
.LBB2_2:
0x85: {  	v0 =	vimm.s32 $0x80  }
0x86: {  	[tilespmem:$0x5480] =	vst v0  }
0x87: {  	[tilespmem:$0x5490] =	vst v0  }
0x88: {  	[tilespmem:$0x54A0] =	vst v0  }
0x89: {  	[tilespmem:$0x54B0] =	vst v0  }
0x8a: {  	[tilespmem:$0x54C0] =	vst v0  }
0x8b: {  	[tilespmem:$0x54D0] =	vst v0  }
0x8c: {  	[tilespmem:$0x54E0] =	vst v0  }
0x8d: {  	[tilespmem:$0x54F0] =	vst v0  }
0x8e: {  	[tilespmem:$0x5500] =	vst v0  }
0x8f: {  	v0 =	vld [tilespmem:s14+$0x0];
	_ =	sdelay $0x4  }
0x90: {  	vm0 =	vlt.f32 v0, $0.0e+00;
	vm1 =	vgt.f32 v0, $0.0e+00  }
0x91: {  	vm0 =	vmor vm1, vm0  }
0x92: {  	v0 =	vmpcnt.ones.xlane vm0;
	_ =	sdelay $0x1  }
0x93: {  	(v2sf) =	vpush v0, $0x0;
	_ =	sdelay $0x3  }
0x94: {  	s0 =	simm.s32 $0x0  }
0x95: {  	v1 =	vor.u32 s0, v8  }
0x96: {  	s10 =	sadd.s32 $0x10, s14;
	[tilespmem:s0+$0x5480] =	vst.msk vm0, v1  }
0x97: {  	s16 =	sshll.u32 s15, $0x9;
	s1 =	simm.s32 $0x10;
	s11 =	simm.s32 $0x20;
	v0 =	vld [tilespmem:s10+$0x0]  }
.LBB2_3:
0x98: {  	p0 =	sne.s32 s11, $0x70;
	_ =	sdelay $0x3  }
0x99: {  	vm0 =	vlt.f32 v0, $0.0e+00;
	vm1 =	vgt.f32 v0, $0.0e+00  }
0x9a: {  	vm0 =	vmor vm1, vm0  }
0x9b: {  	v0 =	vmpcnt.ones.xlane vm0  }
0x9c: {  	s17 =	spop (v2sf)  }
0x9d: {  	v1 =	vor.u32 s1, v8;
	s1 =	smov.u32 s11;
	(v2sf) =	vpush v0, $0x0;
	s0 =	sadd.s32 s0, s17  }
0x9e: {  	[tilespmem:s0+$0x5480] =	vst.msk vm0, v1;
	_ =	sdelay $0x1  }
.Ltmp4:
0x9f: {  	(pc) =	sbr.rel @p0 .LBB2_3-.Ltmp4, $3  }
0xa0: {  	_ =	sdelay $0x1  }
0xa1: {  	s10 =	sadd.s32 $0x10, s10  }
0xa2: {  	s11 =	sadd.s32 $0x10, s11;
	v0 =	vld [tilespmem:s10+$0x0]  }
0xa3: {  	_ =	sdelay $0x3  }
0xa4: {  	vm0 =	vlt.f32 v0, $0.0e+00;
	vm1 =	vgt.f32 v0, $0.0e+00  }
0xa5: {  	vm0 =	vmor vm1, vm0  }
0xa6: {  	v0 =	vmpcnt.ones.xlane vm0;
	_ =	sdelay $0x1  }
0xa7: {  	(v2sf) =	vpush v0, $0x0;
	_ =	sdelay $0xa  }
0xa8: {  	s11 =	sadd.s32 s5, s15;
	s10 =	spop (v2sf)  }
0xa9: {  	s26 =	sshll.u32 s11, $0x9;
	v0 =	vor.u32 s1, v8;
	s0 =	sadd.s32 s0, s10  }
0xaa: {  	v9 =	vld [tilespmem:$0x1FFF0];
	s1 =	sshra.s32 s26, $0x2;
	[tilespmem:s0+$0x5480] =	vst.msk vm0, v0  }
0xab: {  	v0 =	vld [tilespmem:s1+$0x800]  }
0xac: {  	v1 =	vld [tilespmem:s1+$0x810];
	s28 =	spop (v2sf)  }
0xad: {  	v2 =	vld [tilespmem:s1+$0x820];
	s0 =	sadd.s32 s0, s28  }
0xae: {  	v3 =	vld [tilespmem:s1+$0x830];
	s0 =	sadd.s32 $0xF, s0  }
0xaf: {  	v4 =	vld [tilespmem:s1+$0x840];
	s29 =	sand.u32 $0xF, s0  }
0xb0: {  	v5 =	vld [tilespmem:s1+$0x850];
	s30 =	sshra.s32 s0, $0x1F;
	p1 =	slt.s32 s0, $0x1;
	p0 =	sne.s32 s29, $0x0  }
0xb1: {  	v6 =	vld [tilespmem:s1+$0x860];
	s31 =	sshrl.u32 s30, $0x1C;
	p0 =	por !p1, !p0  }
0xb2: {  	v7 =	vld [tilespmem:s1+$0x870];
	s1 =	simm.s32 $0x1;
	s0 =	sadd.s32 s31, s0;
	p0 =	por !p0, !p0  }
0xb3: {  	s0 =	sshra.s32 s0, $0x4;
	s1 =	simm.s32 @!p0 $0x0  }
0xb4: {  	s25 =	ssub.s32 s0, s1  }
0xb5: {  	p0 =	slt.s32 s25, $0x1  }
.Ltmp5:
0xb6: {  	_ = 	snop;
	(pc) =	sbr.rel @p0 .LBB2_8-.Ltmp5, $4  }
0xb7: {  	v11 =	vmul.f32 v0, v9;
	v12 =	vmul.f32 v1, v9  }
0xb8: {  	v13 =	vmul.f32 v2, v9;
	v14 =	vmul.f32 v3, v9  }
0xb9: {  	v18 =	vmul.f32 v4, v9;
	v19 =	vmul.f32 v5, v9  }
0xba: {  	s21 =	simm.s32 $0x5480;
	v1 =	vmul.f32 v6, v9;
	v0 =	vmul.f32 v7, v9  }
0xbb: {  	_ = 	snop  }
0xbc: {  	[tilespmem:$0x1FF10] =	vst v0;
	v0 =	vld [tilespmem:s21+$0x0];
	_ =	sdelay $0x4  }
0xbd: {  	v0 =	vshll.u32 v0, $0x9  }
0xbe: {  	v0 =	vshra.s32 v0, $0x2  }
0xbf: {  	(v2sf) =	vpush v0, $0xF;
	_ =	sdelay $0x4  }
0xc0: {  	(v2sf) =	vpush v0, $0xE;
	_ =	sdelay $0x3  }
0xc1: {  	(v2sf) =	vpush v0, $0xD;
	_ =	sdelay $0x3  }
0xc2: {  	(v2sf) =	vpush v0, $0xC;
	_ =	sdelay $0x1  }
0xc3: {  	s17 =	spop (v2sf)  }
0xc4: {  	v21 =	vld [tilespmem:s17+$0x800]  }
0xc5: {  	(v2sf) =	vpush v0, $0xB;
	v22 =	vld [tilespmem:s17+$0x810]  }
0xc6: {  	v20 =	vld [tilespmem:s17+$0x820]  }
0xc7: {  	v23 =	vld [tilespmem:s17+$0x830]  }
0xc8: {  	[tilespmem:$0x1FF20] =	vst v1;
	v1 =	vld [tilespmem:s17+$0x840];
	s18 =	spop (v2sf)  }
0xc9: {  	v27 =	vld [tilespmem:s18+$0x800]  }
0xca: {  	(v2sf) =	vpush v0, $0xA;
	v28 =	vld [tilespmem:s18+$0x810]  }
0xcb: {  	v26 =	vld [tilespmem:s18+$0x820]  }
0xcc: {  	v29 =	vld [tilespmem:s18+$0x830];
	s19 =	spop (v2sf)  }
0xcd: {  	v33 =	vld [tilespmem:s19+$0x800]  }
0xce: {  	v34 =	vld [tilespmem:s19+$0x810]  }
0xcf: {  	(v2sf) =	vpush v0, $0x9;
	v32 =	vld [tilespmem:s19+$0x820]  }
0xd0: {  	v35 =	vld [tilespmem:s19+$0x830];
	s20 =	spop (v2sf)  }
0xd1: {  	v37 =	vld [tilespmem:s20+$0x800]  }
0xd2: {  	v38 =	vld [tilespmem:s20+$0x810]  }
0xd3: {  	v36 =	vld [tilespmem:s20+$0x820]  }
0xd4: {  	v39 =	vld [tilespmem:s20+$0x830];
	s22 =	spop (v2sf)  }
0xd5: {  	v41 =	vld [tilespmem:s22+$0x800]  }
0xd6: {  	v42 =	vld [tilespmem:s22+$0x810]  }
0xd7: {  	(v2sf) =	vpush v0, $0x8;
	[tilespmem:$0x1FF30] =	vst v1;
	v1 =	vld [tilespmem:s17+$0x850]  }
0xd8: {  	v40 =	vld [tilespmem:s22+$0x820]  }
0xd9: {  	v43 =	vld [tilespmem:s22+$0x830];
	s23 =	spop (v2sf)  }
0xda: {  	v49 =	vld [tilespmem:s23+$0x800]  }
0xdb: {  	v50 =	vld [tilespmem:s23+$0x810]  }
0xdc: {  	[tilespmem:$0x1FF40] =	vst v1;
	v1 =	vld [tilespmem:s18+$0x840]  }
0xdd: {  	v48 =	vld [tilespmem:s23+$0x820]  }
0xde: {  	(v2sf) =	vpush v0, $0x7;
	v51 =	vld [tilespmem:s23+$0x830];
	s24 =	spop (v2sf)  }
0xdf: {  	v52 =	vld [tilespmem:s24+$0x800]  }
0xe0: {  	v54 =	vld [tilespmem:s24+$0x810]  }
0xe1: {  	(v2sf) =	vpush v0, $0x6;
	[tilespmem:$0x1FF50] =	vst v1;
	v1 =	vld [tilespmem:s18+$0x850]  }
0xe2: {  	v53 =	vld [tilespmem:s24+$0x820]  }
0xe3: {  	(v2sf) =	vpush v0, $0x5;
	v55 =	vld [tilespmem:s24+$0x830]  }
0xe4: {  	(v2sf) =	vpush v0, $0x4;
	v24 =	vld [tilespmem:s24+$0x840]  }
0xe5: {  	v25 =	vld [tilespmem:s24+$0x850]  }
0xe6: {  	s26 =	spop (v2sf);
	[tilespmem:$0x1FF60] =	vst v1;
	v1 =	vld [tilespmem:s19+$0x840]  }
0xe7: {  	(v2sf) =	vpush v0, $0x3;
	v56 =	vld [tilespmem:s26+$0x800]  }
0xe8: {  	v58 =	vld [tilespmem:s26+$0x810]  }
0xe9: {  	(v2sf) =	vpush v0, $0x2;
	v57 =	vld [tilespmem:s26+$0x820]  }
0xea: {  	v59 =	vld [tilespmem:s26+$0x830]  }
0xeb: {  	[tilespmem:$0x1FF70] =	vst v1;
	v1 =	vld [tilespmem:s19+$0x850]  }
0xec: {  	v30 =	vld [tilespmem:s26+$0x840]  }
0xed: {  	(v2sf) =	vpush v0, $0x1;
	v31 =	vld [tilespmem:s26+$0x850];
	s28 =	spop (v2sf)  }
0xee: {  	v60 =	vld [tilespmem:s28+$0x800]  }
0xef: {  	v61 =	vld [tilespmem:s28+$0x810]  }
0xf0: {  	(v2sf) =	vpush v0, $0x0;
	s29 =	spop (v2sf);
	[tilespmem:$0x1FF80] =	vst v1;
	v1 =	vld [tilespmem:s20+$0x840]  }
0xf1: {  	v62 =	vld [tilespmem:s29+$0x800]  }
0xf2: {  	v63 =	vld [tilespmem:s29+$0x810];
	s30 =	spop (v2sf)  }
0xf3: {  	v0 =	vld [tilespmem:s30+$0x800];
	s31 =	spop (v2sf)  }
0xf4: {  	v3 =	vld [tilespmem:s31+$0x800]  }
0xf5: {  	[tilespmem:$0x1FF90] =	vst v1;
	v1 =	vld [tilespmem:s20+$0x850]  }
0xf6: {  	v2 =	vld [tilespmem:s31+$0x810];
	s1 =	spop (v2sf)  }
0xf7: {  	v4 =	vld [tilespmem:s1+$0x800]  }
0xf8: {  	v5 =	vld [tilespmem:s1+$0x810];
	s0 =	spop (v2sf)  }
0xf9: {  	v15 =	vld [tilespmem:s0+$0x800]  }
0xfa: {  	[tilespmem:$0x1FFA0] =	vst v1;
	v1 =	vld [tilespmem:s22+$0x840]  }
0xfb: {  	v16 =	vld [tilespmem:s0+$0x810]  }
0xfc: {  	s10 =	spop (v2sf);
	v17 =	vld [tilespmem:s0+$0x820]  }
0xfd: {  	v47 =	vld [tilespmem:s10+$0x800]  }
0xfe: {  	v9 =	vld [tilespmem:s10+$0x810]  }
0xff: {  	s11 =	spop (v2sf);
	[tilespmem:$0x1FFB0] =	vst v1;
	v1 =	vld [tilespmem:s22+$0x850]  }
0x100: {  	v10 =	vld [tilespmem:s11+$0x800]  }
0x101: {  	v44 =	vld [tilespmem:s11+$0x810]  }
0x102: {  	v45 =	vld [tilespmem:s11+$0x820]  }
0x103: {  	v46 =	vld [tilespmem:s11+$0x830]  }
0x104: {  	[tilespmem:$0x1FFC0] =	vst v1;
	v1 =	vld [tilespmem:s23+$0x840]  }
0x105: {  	v8 =	vld [tilespmem:s10+$0x820]  }
0x106: {  	v7 =	vld [tilespmem:s10+$0x830]  }
0x107: {  	v10 =	vadd.f32 v10, v11;
	v11 =	vld [tilespmem:s0+$0x830]  }
0x108: {  	v6 =	vadd.f32 v44, v12;
	v44 =	vld [tilespmem:s1+$0x820]  }
0x109: {  	p0 =	sne.s32 s25, $0x1;
	v45 =	vadd.f32 v45, v13;
	v46 =	vadd.f32 v46, v14;
	[tilespmem:$0x1FFD0] =	vst v1;
	v1 =	vld [tilespmem:s23+$0x850]  }
.Ltmp6:
0x10a: {  	v10 =	vadd.f32 v47, v10;
	v6 =	vadd.f32 v9, v6;
	v47 =	vld [tilespmem:s1+$0x830];
	(pc) =	sbr.rel @!p0 .LBB2_7-.Ltmp6, $4  }
0x10b: {  	v9 =	vadd.f32 v8, v45;
	v46 =	vadd.f32 v7, v46;
	v45 =	vld [tilespmem:s31+$0x820]  }
0x10c: {  	v8 =	vadd.f32 v16, v6;
	v6 =	vld [tilespmem:s31+$0x830]  }
0x10d: {  	v7 =	vadd.f32 v15, v10;
	v10 =	vadd.f32 v11, v46;
	v46 =	vld [tilespmem:s30+$0x820]  }
0x10e: {  	s25 =	sadd.s32 $0xFFFFFFFF, s25;
	v9 =	vadd.f32 v17, v9;
	[tilespmem:$0x1FFE0] =	vst v1;
	v1 =	vld [tilespmem:s30+$0x810]  }
.LBB2_6:
0x10f: {  	v4 =	vadd.f32 v4, v7  }
0x110: {  	v5 =	vadd.f32 v5, v8;
	v7 =	vld [tilespmem:s30+$0x830];
	v8 =	vadd.f32 v44, v9  }
0x111: {  	v9 =	vadd.f32 v47, v10;
	v10 =	vld [tilespmem:s29+$0x820];
	v3 =	vadd.f32 v3, v4  }
0x112: {  	v2 =	vadd.f32 v2, v5;
	v4 =	vld [tilespmem:s29+$0x830];
	v5 =	vadd.f32 v45, v8  }
0x113: {  	v6 =	vadd.f32 v6, v9;
	v8 =	vld [tilespmem:s28+$0x820];
	v3 =	vadd.f32 v0, v3  }
0x114: {  	v1 =	vadd.f32 v1, v2;
	v2 =	vld [tilespmem:s28+$0x830];
	v5 =	vadd.f32 v46, v5  }
0x115: {  	v6 =	vadd.f32 v7, v6;
	v3 =	vadd.f32 v62, v3  }
0x116: {  	v7 =	vadd.f32 v63, v1;
	v5 =	vadd.f32 v10, v5  }
0x117: {  	v11 =	vld [tilespmem:$0x1FF20];
	v4 =	vadd.f32 v4, v6;
	v3 =	vadd.f32 v60, v3  }
0x118: {  	v14 =	vld [tilespmem:s1+$0x860];
	v7 =	vadd.f32 v61, v7;
	v5 =	vadd.f32 v8, v5  }
0x119: {  	v15 =	vld [tilespmem:s1+$0x870];
	v2 =	vadd.f32 v2, v4;
	v3 =	vadd.f32 v56, v3  }
0x11a: {  	v7 =	vadd.f32 v58, v7;
	v5 =	vadd.f32 v57, v5;
	v58 =	vld [tilespmem:s11+$0x860]  }
0x11b: {  	v0 =	vld [tilespmem:s28+$0x840];
	v2 =	vadd.f32 v59, v2;
	v3 =	vadd.f32 v52, v3  }
0x11c: {  	v10 =	vld [tilespmem:s30+$0x840];
	v7 =	vadd.f32 v54, v7;
	v5 =	vadd.f32 v53, v5  }
0x11d: {  	v62 =	vld [tilespmem:s0+$0x840];
	v2 =	vadd.f32 v55, v2;
	v3 =	vadd.f32 v49, v3  }
0x11e: {  	v63 =	vld [tilespmem:s0+$0x850];
	v7 =	vadd.f32 v50, v7;
	v5 =	vadd.f32 v48, v5  }
0x11f: {  	v6 =	vld [tilespmem:s29+$0x840];
	v2 =	vadd.f32 v51, v2;
	v13 =	vadd.f32 v58, v11  }
0x120: {  	v61 =	vld [tilespmem:s1+$0x850];
	v3 =	vadd.f32 v41, v3;
	v7 =	vadd.f32 v42, v7  }
0x121: {  	v57 =	vld [tilespmem:s11+$0x850];
	v5 =	vadd.f32 v40, v5;
	v2 =	vadd.f32 v43, v2  }
0x122: {  	v59 =	vld [tilespmem:s11+$0x870];
	v3 =	vadd.f32 v37, v3;
	v7 =	vadd.f32 v38, v7  }
0x123: {  	v54 =	vld [tilespmem:s10+$0x850];
	v5 =	vadd.f32 v36, v5;
	v2 =	vadd.f32 v39, v2  }
0x124: {  	v55 =	vld [tilespmem:s11+$0x840];
	v3 =	vadd.f32 v33, v3;
	v7 =	vadd.f32 v34, v7  }
0x125: {  	v51 =	vld [tilespmem:s10+$0x840];
	v5 =	vadd.f32 v32, v5;
	v2 =	vadd.f32 v35, v2  }
0x126: {  	v11 =	vld [tilespmem:$0x1FF10];
	v3 =	vadd.f32 v27, v3;
	v7 =	vadd.f32 v28, v7  }
0x127: {  	v27 =	vld [tilespmem:s10+$0x860];
	v5 =	vadd.f32 v26, v5;
	v2 =	vadd.f32 v29, v2  }
0x128: {  	v26 =	vld [tilespmem:s10+$0x870];
	v44 =	vadd.f32 v21, v3;
	v45 =	vadd.f32 v22, v7  }
0x129: {  	v3 =	vld [tilespmem:s0+$0x860];
	v46 =	vadd.f32 v20, v5;
	v5 =	vadd.f32 v57, v19  }
0x12a: {  	v7 =	vld [tilespmem:s0+$0x870];
	v47 =	vadd.f32 v23, v2;
	v2 =	vadd.f32 v55, v18  }
0x12b: {  	v52 =	vld [tilespmem:s1+$0x840];
	v12 =	vadd.f32 v59, v11;
	v5 =	vadd.f32 v54, v5  }
0x12c: {  	v8 =	vld [tilespmem:s31+$0x840];
	v2 =	vadd.f32 v51, v2;
	v13 =	vadd.f32 v27, v13  }
0x12d: {  	v20 =	vld [tilespmem:s31+$0x860];
	v12 =	vadd.f32 v26, v12;
	v5 =	vadd.f32 v63, v5  }
0x12e: {  	v21 =	vld [tilespmem:s31+$0x870];
	v2 =	vadd.f32 v62, v2;
	v3 =	vadd.f32 v3, v13  }
0x12f: {  	v60 =	vld [tilespmem:s30+$0x860];
	v7 =	vadd.f32 v7, v12;
	v5 =	vadd.f32 v61, v5  }
0x130: {  	v61 =	vld [tilespmem:s30+$0x870];
	v2 =	vadd.f32 v52, v2;
	v3 =	vadd.f32 v14, v3  }
0x131: {  	v62 =	vld [tilespmem:s29+$0x860];
	v7 =	vadd.f32 v15, v7  }
0x132: {  	v2 =	vadd.f32 v8, v2;
	v8 =	vld [tilespmem:s29+$0x870];
	v3 =	vadd.f32 v20, v3  }
0x133: {  	v63 =	vld [tilespmem:s28+$0x860];
	v7 =	vadd.f32 v21, v7  }
0x134: {  	v56 =	vld [tilespmem:s31+$0x850];
	v3 =	vadd.f32 v60, v3  }
0x135: {  	v2 =	vadd.f32 v10, v2;
	v7 =	vadd.f32 v61, v7;
	v10 =	vld [tilespmem:s26+$0x860]  }
0x136: {  	v4 =	vld [tilespmem:s30+$0x850];
	v3 =	vadd.f32 v62, v3  }
0x137: {  	v7 =	vadd.f32 v8, v7;
	v8 =	vld [tilespmem:s24+$0x860]  }
0x138: {  	v3 =	vadd.f32 v63, v3  }
0x139: {  	v9 =	vld [tilespmem:s29+$0x850];
	v5 =	vadd.f32 v56, v5;
	v2 =	vadd.f32 v6, v2  }
0x13a: {  	v1 =	vld [tilespmem:s28+$0x850];
	v3 =	vadd.f32 v10, v3  }
0x13b: {  	v4 =	vadd.f32 v4, v5;
	v5 =	vld [tilespmem:s28+$0x870];
	v0 =	vadd.f32 v0, v2  }
0x13c: {  	v3 =	vadd.f32 v8, v3;
	v8 =	vld [tilespmem:$0x1FFD0]  }
0x13d: {  	v0 =	vadd.f32 v30, v0  }
0x13e: {  	v4 =	vadd.f32 v9, v4;
	v6 =	vld [tilespmem:s26+$0x870]  }
0x13f: {  	v2 =	vld [tilespmem:s24+$0x870];
	v0 =	vadd.f32 v24, v0  }
0x140: {  	v1 =	vadd.f32 v1, v4;
	v4 =	vadd.f32 v5, v7;
	v5 =	vld [tilespmem:s23+$0x860]  }
0x141: {  	v0 =	vadd.f32 v8, v0;
	v8 =	vld [tilespmem:$0x1FFE0]  }
0x142: {  	v1 =	vadd.f32 v31, v1;
	v7 =	vld [tilespmem:s23+$0x870]  }
0x143: {  	v9 =	vld [tilespmem:s22+$0x870];
	v4 =	vadd.f32 v6, v4  }
0x144: {  	v6 =	vld [tilespmem:s22+$0x860];
	v1 =	vadd.f32 v25, v1  }
0x145: {  	v2 =	vadd.f32 v2, v4;
	v4 =	vld [tilespmem:s20+$0x860]  }
0x146: {  	v1 =	vadd.f32 v8, v1;
	v8 =	vld [tilespmem:s20+$0x870]  }
0x147: {  	v3 =	vadd.f32 v5, v3;
	v2 =	vadd.f32 v7, v2;
	v7 =	vld [tilespmem:$0x1FFB0]  }
0x148: {  	v5 =	vld [tilespmem:s19+$0x860]  }
0x149: {  	v3 =	vadd.f32 v6, v3;
	v2 =	vadd.f32 v9, v2;
	v9 =	vld [tilespmem:$0x1FF90];
	_ =	sdelay $0x1  }
0x14a: {  	v3 =	vadd.f32 v4, v3;
	v2 =	vadd.f32 v8, v2;
	v8 =	vld [tilespmem:$0x1FF70]  }
0x14b: {  	v0 =	vadd.f32 v7, v0;
	v7 =	vld [tilespmem:$0x1FFC0]  }
0x14c: {  	v3 =	vadd.f32 v5, v3;
	v5 =	vld [tilespmem:$0x1FF50]  }
0x14d: {  	v0 =	vadd.f32 v9, v0;
	v9 =	vld [tilespmem:$0x1FFA0];
	_ =	sdelay $0x1  }
0x14e: {  	v0 =	vadd.f32 v8, v0;
	v8 =	vld [tilespmem:$0x1FF80]  }
0x14f: {  	v1 =	vadd.f32 v7, v1  }
0x150: {  	v0 =	vadd.f32 v5, v0;
	v5 =	vld [tilespmem:$0x1FF60]  }
0x151: {  	v1 =	vadd.f32 v9, v1;
	_ =	sdelay $0x1  }
0x152: {  	v1 =	vadd.f32 v8, v1;
	_ =	sdelay $0x1  }
0x153: {  	v1 =	vadd.f32 v5, v1;
	v5 =	vld [tilespmem:$0x1FF30]  }
0x154: {  	v6 =	vld [tilespmem:s18+$0x860]  }
0x155: {  	v7 =	vld [tilespmem:s19+$0x870]  }
0x156: {  	v4 =	vld [tilespmem:s17+$0x860]  }
0x157: {  	v9 =	vld [tilespmem:s18+$0x870]  }
0x158: {  	v18 =	vadd.f32 v5, v0;
	v0 =	vld [tilespmem:$0x1FF40];
	_ =	sdelay $0x1  }
0x159: {  	v2 =	vadd.f32 v7, v2;
	v8 =	vld [tilespmem:s17+$0x870]  }
0x15a: {  	s21 =	sadd.s32 $0x10, s21;
	v3 =	vadd.f32 v6, v3  }
0x15b: {  	v10 =	vld [tilespmem:s21+$0x0];
	v2 =	vadd.f32 v9, v2  }
0x15c: {  	v19 =	vadd.f32 v0, v1;
	v0 =	vadd.f32 v4, v3;
	_ =	sdelay $0x1  }
0x15d: {  	[tilespmem:$0x1FF20] =	vst v0;
	v0 =	vadd.f32 v8, v2;
	_ =	sdelay $0x1  }
0x15e: {  	[tilespmem:$0x1FF10] =	vst v0;
	v0 =	vshll.u32 v10, $0x9  }
0x15f: {  	v0 =	vshra.s32 v0, $0x2  }
0x160: {  	(v2sf) =	vpush v0, $0xF;
	_ =	sdelay $0x5  }
0x161: {  	(v2sf) =	vpush v0, $0xE;
	_ =	sdelay $0x4  }
0x162: {  	(v2sf) =	vpush v0, $0xD;
	_ =	sdelay $0x3  }
0x163: {  	s17 =	spop (v2sf)  }
0x164: {  	(v2sf) =	vpush v0, $0xC;
	v1 =	vld [tilespmem:s17+$0x840]  }
0x165: {  	v21 =	vld [tilespmem:s17+$0x800]  }
0x166: {  	v22 =	vld [tilespmem:s17+$0x810]  }
0x167: {  	v20 =	vld [tilespmem:s17+$0x820]  }
0x168: {  	v23 =	vld [tilespmem:s17+$0x830]  }
0x169: {  	s18 =	spop (v2sf);
	(v2sf) =	vpush v0, $0xB;
	[tilespmem:$0x1FF30] =	vst v1;
	v1 =	vld [tilespmem:s17+$0x850]  }
0x16a: {  	v27 =	vld [tilespmem:s18+$0x800]  }
0x16b: {  	v28 =	vld [tilespmem:s18+$0x810]  }
0x16c: {  	v26 =	vld [tilespmem:s18+$0x820]  }
0x16d: {  	v29 =	vld [tilespmem:s18+$0x830]  }
0x16e: {  	s19 =	spop (v2sf);
	(v2sf) =	vpush v0, $0xA;
	[tilespmem:$0x1FF40] =	vst v1;
	v1 =	vld [tilespmem:s18+$0x840]  }
0x16f: {  	v33 =	vld [tilespmem:s19+$0x800]  }
0x170: {  	v34 =	vld [tilespmem:s19+$0x810]  }
0x171: {  	v32 =	vld [tilespmem:s19+$0x820]  }
0x172: {  	v35 =	vld [tilespmem:s19+$0x830]  }
0x173: {  	s20 =	spop (v2sf);
	(v2sf) =	vpush v0, $0x9;
	[tilespmem:$0x1FF50] =	vst v1;
	v1 =	vld [tilespmem:s18+$0x850]  }
0x174: {  	v37 =	vld [tilespmem:s20+$0x800]  }
0x175: {  	v38 =	vld [tilespmem:s20+$0x810]  }
0x176: {  	v36 =	vld [tilespmem:s20+$0x820]  }
0x177: {  	v39 =	vld [tilespmem:s20+$0x830]  }
0x178: {  	s22 =	spop (v2sf);
	[tilespmem:$0x1FF60] =	vst v1;
	v1 =	vld [tilespmem:s19+$0x840]  }
0x179: {  	(v2sf) =	vpush v0, $0x8;
	v41 =	vld [tilespmem:s22+$0x800]  }
0x17a: {  	v42 =	vld [tilespmem:s22+$0x810]  }
0x17b: {  	v40 =	vld [tilespmem:s22+$0x820]  }
0x17c: {  	v43 =	vld [tilespmem:s22+$0x830]  }
0x17d: {  	s23 =	spop (v2sf);
	[tilespmem:$0x1FF70] =	vst v1;
	v1 =	vld [tilespmem:s19+$0x850]  }
0x17e: {  	v49 =	vld [tilespmem:s23+$0x800]  }
0x17f: {  	v50 =	vld [tilespmem:s23+$0x810]  }
0x180: {  	v48 =	vld [tilespmem:s23+$0x820]  }
0x181: {  	(v2sf) =	vpush v0, $0x7;
	v51 =	vld [tilespmem:s23+$0x830]  }
0x182: {  	s24 =	spop (v2sf);
	[tilespmem:$0x1FF80] =	vst v1;
	v1 =	vld [tilespmem:s20+$0x840]  }
0x183: {  	(v2sf) =	vpush v0, $0x6;
	v52 =	vld [tilespmem:s24+$0x800]  }
0x184: {  	v54 =	vld [tilespmem:s24+$0x810]  }
0x185: {  	v53 =	vld [tilespmem:s24+$0x820]  }
0x186: {  	(v2sf) =	vpush v0, $0x5;
	v55 =	vld [tilespmem:s24+$0x830]  }
0x187: {  	(v2sf) =	vpush v0, $0x4;
	v24 =	vld [tilespmem:s24+$0x840]  }
0x188: {  	v25 =	vld [tilespmem:s24+$0x850];
	s26 =	spop (v2sf)  }
0x189: {  	(v2sf) =	vpush v0, $0x3;
	v56 =	vld [tilespmem:s26+$0x800]  }
0x18a: {  	v58 =	vld [tilespmem:s26+$0x810]  }
0x18b: {  	(v2sf) =	vpush v0, $0x2;
	[tilespmem:$0x1FF90] =	vst v1;
	v1 =	vld [tilespmem:s20+$0x850]  }
0x18c: {  	v57 =	vld [tilespmem:s26+$0x820]  }
0x18d: {  	v59 =	vld [tilespmem:s26+$0x830]  }
0x18e: {  	v30 =	vld [tilespmem:s26+$0x840]  }
0x18f: {  	v31 =	vld [tilespmem:s26+$0x850];
	(v2sf) =	vpush v0, $0x1  }
0x190: {  	s28 =	spop (v2sf);
	[tilespmem:$0x1FFA0] =	vst v1;
	v1 =	vld [tilespmem:s22+$0x840]  }
0x191: {  	v60 =	vld [tilespmem:s28+$0x800]  }
0x192: {  	v61 =	vld [tilespmem:s28+$0x810];
	s29 =	spop (v2sf);
	(v2sf) =	vpush v0, $0x0  }
0x193: {  	v62 =	vld [tilespmem:s29+$0x800]  }
0x194: {  	v63 =	vld [tilespmem:s29+$0x810]  }
0x195: {  	s30 =	spop (v2sf);
	[tilespmem:$0x1FFB0] =	vst v1;
	v1 =	vld [tilespmem:s22+$0x850]  }
0x196: {  	v0 =	vld [tilespmem:s30+$0x800];
	s31 =	spop (v2sf)  }
0x197: {  	v3 =	vld [tilespmem:s31+$0x800]  }
0x198: {  	v2 =	vld [tilespmem:s31+$0x810];
	s1 =	spop (v2sf)  }
0x199: {  	v4 =	vld [tilespmem:s1+$0x800]  }
0x19a: {  	v5 =	vld [tilespmem:s1+$0x810];
	s0 =	spop (v2sf)  }
0x19b: {  	v6 =	vld [tilespmem:s0+$0x800]  }
0x19c: {  	v8 =	vld [tilespmem:s0+$0x810]  }
0x19d: {  	v16 =	vld [tilespmem:s0+$0x820]  }
0x19e: {  	s10 =	spop (v2sf);
	v17 =	vld [tilespmem:s0+$0x830]  }
0x19f: {  	v7 =	vld [tilespmem:s10+$0x800]  }
0x1a0: {  	v9 =	vld [tilespmem:s10+$0x810]  }
0x1a1: {  	s11 =	spop (v2sf);
	[tilespmem:$0x1FFC0] =	vst v1;
	v1 =	vld [tilespmem:s23+$0x840]  }
0x1a2: {  	v10 =	vld [tilespmem:s11+$0x800]  }
0x1a3: {  	v11 =	vld [tilespmem:s11+$0x810]  }
0x1a4: {  	v12 =	vld [tilespmem:s11+$0x820]  }
0x1a5: {  	v13 =	vld [tilespmem:s11+$0x830]  }
0x1a6: {  	v14 =	vld [tilespmem:s10+$0x820]  }
0x1a7: {  	v15 =	vld [tilespmem:s10+$0x830]  }
0x1a8: {  	[tilespmem:$0x1FFD0] =	vst v1;
	v1 =	vld [tilespmem:s23+$0x850]  }
0x1a9: {  	p0 =	sne.s32 s25, $0x1;
	v10 =	vadd.f32 v10, v44;
	v11 =	vadd.f32 v11, v45;
	v44 =	vld [tilespmem:s1+$0x820]  }
.Ltmp7:
0x1aa: {  	v12 =	vadd.f32 v12, v46;
	v13 =	vadd.f32 v13, v47;
	v47 =	vld [tilespmem:s1+$0x830];
	(pc) =	sbr.rel @p0 .LBB2_6-.Ltmp7, $4  }
0x1ab: {  	v45 =	vld [tilespmem:s31+$0x820];
	v7 =	vadd.f32 v7, v10;
	v9 =	vadd.f32 v9, v11  }
0x1ac: {  	v46 =	vld [tilespmem:s30+$0x820];
	v10 =	vadd.f32 v14, v12;
	v11 =	vadd.f32 v15, v13  }
0x1ad: {  	v7 =	vadd.f32 v6, v7;
	v8 =	vadd.f32 v8, v9;
	v6 =	vld [tilespmem:s31+$0x830]  }
0x1ae: {  	s25 =	sadd.s32 $0xFFFFFFFF, s25;
	v9 =	vadd.f32 v16, v10;
	v10 =	vadd.f32 v17, v11;
	[tilespmem:$0x1FFE0] =	vst v1;
	v1 =	vld [tilespmem:s30+$0x810]  }
.Ltmp8:
0x1af: {  	_ = 	snop;
	(pc) =	sbr.rel .LBB2_7-.Ltmp8, $1  }
0x1b0: {  	_ =	sdelay $0x3  }
.LBB2_10:
0x1b1: {  	_ =	sfence.sel $0x180000  }
0x1b2: {  	[bflag:$0x0] =	sbarrier.arrive $0xFFFF  }
0x1b3: {  	_ =	strace $0x90000047  }
0x1b4: {  	s0 =	stileid.u32;
	[bflag:$0x2] =	sbarrier.arrive $0xFFFF  }
0x1b5: {  	p0 =	sne.s32 s0, $0x0;
	s0 =	rddreg [dreg:$0x4]  }
0x1b6: {  	s0 =	sadd.s32 @!p0 $0x100000, s0  }
0x1b7: {  	[sflag:s0] =	ssyncadd.tile.s32 @!p0 $0x1;
	_ =	shalt  }
.Lfunc_end2:
_tile_overlayer_lowered:
.L_overlay_start_2:
0x1b8: {  	(tag) =	ssettag $0x2  }
0x1b9: {  	s0 =	rddreg [dreg:$0x0];
	s2 =	stileid.u32  }
0x1ba: {  	s1 =	rddreg [dreg:$0x1];
	p0 =	sne.s32 s2, $0x0  }
0x1bb: {  	s3 =	rddreg [dreg:$0x2];
	[bflag:$0x3] =	sbarrier.arrive $0xFFFF;
	s2 =	simm.s32 @!p0 $0x1C02  }
0x1bc: {  	[timem:s3], [sflag:s2] =	dma.local @!p0 [hbm:s0], s1  }
0x1bd: {  	s0 =	simm.s32 @!p0 $0x2  }
0x1be: {  	_ =	swait.ge @!p0 [sflag:s0], s1  }
0x1bf: {  	s1 =	ssub.s32 @!p0 $0x0, s1;
	[sflag:s0] =	ssyncset.done @!p0 $0x0  }
0x1c0: {  	[sflag:s0] =	ssyncadd.s32 @!p0 s1  }
0x1c1: {  	[bflag:$0x3] =	sbarrier.arrive $0xFFFF  }
0x1c2: {  	_ =	shalt  }

</sc_bundles>
